<compile_context>
chip_gen: v7x
topology: tpu7x:2x2x1
jax: 0.10.2.dev20260603
libtpu: 0.0.44.dev20260713+nightly
codegen_flags: <defaults>
</compile_context>

<pallas_src>
import functools

import jax
import jax.numpy as jnp
from jax import lax
from jax.experimental import pallas as pl
from jax.experimental.pallas import tpu as pltpu
from jax.experimental.pallas import tpu_sc as plsc

_B = 4096
_S = 50
_D = 64
_NC = 2
_NS = 16
_NW = _NC * _NS
_L = 128
_LP = _L + 1
_JC = 5
_N_CHUNKS = _S // _JC

_mesh = plsc.VectorSubcoreMesh(core_axis_name="c", subcore_axis_name="s")


@functools.partial(
    pl.kernel,
    mesh=_mesh,
    out_type=jax.ShapeDtypeStruct((_S, _D // 8, _NW, 8, _L), jnp.float32),
    scratch_types=(
        [pltpu.VMEM((_L,), jnp.int32) for _ in range(_JC)]
        + [pltpu.VMEM((_L, _D), jnp.float32) for _ in range(_JC)]
        + [pltpu.VMEM((_D, _LP), jnp.float32)]
        + [pltpu.SemaphoreType.DMA for _ in range(3)]
    ),
    compiler_params=pltpu.CompilerParams(
        use_tc_tiling_on_sc=False, needs_layout_passes=False),
)
def _gather_t(idx_hbm, table_hbm, out_hbm, *refs):
    idx_bufs = refs[:_JC]
    row_bufs = refs[_JC:2 * _JC]
    tj = refs[2 * _JC]
    sem_i, sem_g, sem_s = refs[2 * _JC + 1:]

    wid = lax.axis_index("s") * _NC + lax.axis_index("c")
    s0 = wid * _L

    iota = lax.iota(jnp.int32, 16)
    drow = [iota + d0 for d0 in range(0, _D, 16)]

    def chunk_body(c, carry):
        icopies = [
            pltpu.async_copy(
                idx_hbm.at[c * _JC + jj, pl.ds(s0, _L)], idx_bufs[jj], sem_i)
            for jj in range(_JC)
        ]
        gcopies = []
        for jj in range(_JC):
            icopies[jj].wait()
            gcopies.append(pltpu.async_copy(
                table_hbm.at[idx_bufs[jj]], row_bufs[jj], sem_g))
        for jj in range(_JC):
            gcopies[jj].wait()
            j = c * _JC + jj

            @plsc.parallel_loop(0, _L, unroll=4)
            def sl_body(sl, jj=jj):
                lane = jnp.broadcast_to(sl, (16,))
                for k in range(_D // 16):
                    v = row_bufs[jj][sl, pl.ds(k * 16, 16)]
                    plsc.store_scatter(tj, [drow[k], lane], v)

            scopies = [
                pltpu.async_copy(
                    tj.at[pl.ds(dh * 8, 8), pl.ds(0, _L)],
                    out_hbm.at[j, dh, wid], sem_s)
                for dh in range(8)
            ]
            for sc in scopies:
                sc.wait()
        return carry

    lax.fori_loop(0, _N_CHUNKS, chunk_body, 0)


def kernel(indices, W):
    idx_t = indices.T.astype(jnp.int32)
    out5 = _gather_t(idx_t, W)
    out = out5.transpose(2, 4, 0, 1, 3).reshape(_B, _S, _D)
    return out

# --- scband reference (transcript-rebuilt; emitter-appended) ---
"""Pipeline reference for scband-code-17428977287704 (READ-ONLY COPY).

The authoritative reference and input builder live on the scoring server;
editing this copy changes nothing except your own understanding.
"""

import jax, jax.numpy as jnp
import numpy as np

NUM_CODES = 100000
CODE_DIM = 64


def setup_inputs(seed: int = 0) -> dict:
    key = jax.random.key(seed)
    k1, k2 = jax.random.split(key)
    indices = jax.random.randint(k1, (4096, 50), 0, NUM_CODES)
    # nn.Embedding weight initialized uniform(-1/K, 1/K) as in __init__
    W = jax.random.uniform(k2, (NUM_CODES, CODE_DIM), dtype=jnp.float32,
                           minval=-1.0 / NUM_CODES, maxval=1.0 / NUM_CODES)
    return {"indices": indices, "W": W}


def reference(indices, W):
    # forward: embed = self.embedding(indices) -> pure row gather
    embed = jnp.take(W, indices, axis=0)
    return embed

if __name__ == "__main__":
    import jax
    _d = setup_inputs()
    print(jax.jit(kernel)(*tuple(_d.values())))

</pallas_src>

<mosaic_0001>
#map = affine_map<(d0, d1) -> (0, 0)>
#map1 = affine_map<(d0, d1) -> (0, 0, 0, 0, 0)>
module attributes {stable_mosaic.version = 14 : i64} {
  func.func @_gather_t(%arg0: i32, %arg1: i32, %arg2: memref<50x4096xi32, #tpu.memory_space<hbm>>, %arg3: memref<100000x64xf32, #tpu.memory_space<hbm>>, %arg4: memref<50x8x32x8x128xf32, #tpu.memory_space<hbm>>, %arg5: memref<128xi32, #tpu.memory_space<vmem>>, %arg6: memref<128xi32, #tpu.memory_space<vmem>>, %arg7: memref<128xi32, #tpu.memory_space<vmem>>, %arg8: memref<128xi32, #tpu.memory_space<vmem>>, %arg9: memref<128xi32, #tpu.memory_space<vmem>>, %arg10: memref<128x64xf32, #tpu.memory_space<vmem>>, %arg11: memref<128x64xf32, #tpu.memory_space<vmem>>, %arg12: memref<128x64xf32, #tpu.memory_space<vmem>>, %arg13: memref<128x64xf32, #tpu.memory_space<vmem>>, %arg14: memref<128x64xf32, #tpu.memory_space<vmem>>, %arg15: memref<64x129xf32, #tpu.memory_space<vmem>>, %arg16: memref<!tpu.dma_semaphore, #tpu.memory_space<semaphore_mem>>, %arg17: memref<!tpu.dma_semaphore, #tpu.memory_space<semaphore_mem>>, %arg18: memref<!tpu.dma_semaphore, #tpu.memory_space<semaphore_mem>>) attributes {dimension_semantics = [#tpu.dimension_semantics<core_parallel>, #tpu.dimension_semantics<subcore_parallel>], iteration_bounds = array<i64: 2, 16>, scalar_prefetch = 0 : i64, scratch_operands = 14 : i64, tpu.core_type = #tpu.core_type<sc_vector_subcore>, window_params = [{transform_indices = #map}, {transform_indices = #map}, {transform_indices = #map1}]} {
    %mul3A = arith.constant 2 : i32
    %mul3A_0 = arith.muli %arg1, %mul3A : i32
    %add3A = arith.addi %mul3A_0, %arg0 : i32
    %mul3A_1 = arith.constant 128 : i32
    %mul3A_2 = arith.muli %add3A, %mul3A_1 : i32
    %iota3A = tpu.iota {dimensions = array<i32: 0>} : vector<16xi32>
    %add3A_3 = arith.constant 0 : i32
    %add3A_4 = vector.broadcast %add3A_3 : i32 to vector<16xi32>
    %add3A_5 = arith.addi %iota3A, %add3A_4 : vector<16xi32>
    %add3A_6 = arith.constant 16 : i32
    %add3A_7 = vector.broadcast %add3A_6 : i32 to vector<16xi32>
    %add3A_8 = arith.addi %iota3A, %add3A_7 : vector<16xi32>
    %add3A_9 = arith.constant 32 : i32
    %add3A_10 = vector.broadcast %add3A_9 : i32 to vector<16xi32>
    %add3A_11 = arith.addi %iota3A, %add3A_10 : vector<16xi32>
    %add3A_12 = arith.constant 48 : i32
    %add3A_13 = vector.broadcast %add3A_12 : i32 to vector<16xi32>
    %add3A_14 = arith.addi %iota3A, %add3A_13 : vector<16xi32>
    %scan3A = arith.constant 0 : i32
    %scan3A_15 = arith.constant 0 : i32
    %scan3A_16 = arith.constant 10 : i32
    %scan3A_17 = arith.addi %scan3A_15, %scan3A_16 : i32
    %scan3A_18 = arith.constant 1 : i32
    scf.for %scan3A_20 = %scan3A_15 to %scan3A_17 step %scan3A_18  : i32 {
      %mul3A_21 = arith.constant 5 : i32
      %mul3A_22 = arith.muli %scan3A_20, %mul3A_21 : i32
      %add3A_23 = arith.constant 0 : i32
      %add3A_24 = arith.addi %mul3A_22, %add3A_23 : i32
      %dma_start3A = tpu.memref_slice %arg2[%add3A_24, %mul3A_2] : memref<50x4096xi32, #tpu.memory_space<hbm>> -> memref<1x128xi32, #tpu.memory_space<hbm>>
      %dma_start3A_25 = tpu.memref_squeeze %dma_start3A : memref<1x128xi32, #tpu.memory_space<hbm>> -> memref<128xi32, #tpu.memory_space<hbm>>
      %dma_start3A_26 = tpu.memref_slice %arg2[%add3A_24, %mul3A_2] : memref<50x4096xi32, #tpu.memory_space<hbm>> -> memref<1x128xi32, #tpu.memory_space<hbm>>
      %dma_start3A_27 = tpu.memref_squeeze %dma_start3A_26 : memref<1x128xi32, #tpu.memory_space<hbm>> -> memref<128xi32, #tpu.memory_space<hbm>>
      tpu.enqueue_dma source(%dma_start3A_27 : memref<128xi32, #tpu.memory_space<hbm>>) target(%arg5 : memref<128xi32, #tpu.memory_space<vmem>>) target_semaphore(%arg16 : memref<!tpu.dma_semaphore, #tpu.memory_space<semaphore_mem>>)
      %mul3A_28 = arith.constant 5 : i32
      %mul3A_29 = arith.muli %scan3A_20, %mul3A_28 : i32
      %add3A_30 = arith.constant 1 : i32
      %add3A_31 = arith.addi %mul3A_29, %add3A_30 : i32
      %dma_start3A_32 = tpu.memref_slice %arg2[%add3A_31, %mul3A_2] : memref<50x4096xi32, #tpu.memory_space<hbm>> -> memref<1x128xi32, #tpu.memory_space<hbm>>
      %dma_start3A_33 = tpu.memref_squeeze %dma_start3A_32 : memref<1x128xi32, #tpu.memory_space<hbm>> -> memref<128xi32, #tpu.memory_space<hbm>>
      %dma_start3A_34 = tpu.memref_slice %arg2[%add3A_31, %mul3A_2] : memref<50x4096xi32, #tpu.memory_space<hbm>> -> memref<1x128xi32, #tpu.memory_space<hbm>>
      %dma_start3A_35 = tpu.memref_squeeze %dma_start3A_34 : memref<1x128xi32, #tpu.memory_space<hbm>> -> memref<128xi32, #tpu.memory_space<hbm>>
      tpu.enqueue_dma source(%dma_start3A_35 : memref<128xi32, #tpu.memory_space<hbm>>) target(%arg6 : memref<128xi32, #tpu.memory_space<vmem>>) target_semaphore(%arg16 : memref<!tpu.dma_semaphore, #tpu.memory_space<semaphore_mem>>)
      %mul3A_36 = arith.constant 5 : i32
      %mul3A_37 = arith.muli %scan3A_20, %mul3A_36 : i32
      %add3A_38 = arith.constant 2 : i32
      %add3A_39 = arith.addi %mul3A_37, %add3A_38 : i32
      %dma_start3A_40 = tpu.memref_slice %arg2[%add3A_39, %mul3A_2] : memref<50x4096xi32, #tpu.memory_space<hbm>> -> memref<1x128xi32, #tpu.memory_space<hbm>>
      %dma_start3A_41 = tpu.memref_squeeze %dma_start3A_40 : memref<1x128xi32, #tpu.memory_space<hbm>> -> memref<128xi32, #tpu.memory_space<hbm>>
      %dma_start3A_42 = tpu.memref_slice %arg2[%add3A_39, %mul3A_2] : memref<50x4096xi32, #tpu.memory_space<hbm>> -> memref<1x128xi32, #tpu.memory_space<hbm>>
      %dma_start3A_43 = tpu.memref_squeeze %dma_start3A_42 : memref<1x128xi32, #tpu.memory_space<hbm>> -> memref<128xi32, #tpu.memory_space<hbm>>
      tpu.enqueue_dma source(%dma_start3A_43 : memref<128xi32, #tpu.memory_space<hbm>>) target(%arg7 : memref<128xi32, #tpu.memory_space<vmem>>) target_semaphore(%arg16 : memref<!tpu.dma_semaphore, #tpu.memory_space<semaphore_mem>>)
      %mul3A_44 = arith.constant 5 : i32
      %mul3A_45 = arith.muli %scan3A_20, %mul3A_44 : i32
      %add3A_46 = arith.constant 3 : i32
      %add3A_47 = arith.addi %mul3A_45, %add3A_46 : i32
      %dma_start3A_48 = tpu.memref_slice %arg2[%add3A_47, %mul3A_2] : memref<50x4096xi32, #tpu.memory_space<hbm>> -> memref<1x128xi32, #tpu.memory_space<hbm>>
      %dma_start3A_49 = tpu.memref_squeeze %dma_start3A_48 : memref<1x128xi32, #tpu.memory_space<hbm>> -> memref<128xi32, #tpu.memory_space<hbm>>
      %dma_start3A_50 = tpu.memref_slice %arg2[%add3A_47, %mul3A_2] : memref<50x4096xi32, #tpu.memory_space<hbm>> -> memref<1x128xi32, #tpu.memory_space<hbm>>
      %dma_start3A_51 = tpu.memref_squeeze %dma_start3A_50 : memref<1x128xi32, #tpu.memory_space<hbm>> -> memref<128xi32, #tpu.memory_space<hbm>>
      tpu.enqueue_dma source(%dma_start3A_51 : memref<128xi32, #tpu.memory_space<hbm>>) target(%arg8 : memref<128xi32, #tpu.memory_space<vmem>>) target_semaphore(%arg16 : memref<!tpu.dma_semaphore, #tpu.memory_space<semaphore_mem>>)
      %mul3A_52 = arith.constant 5 : i32
      %mul3A_53 = arith.muli %scan3A_20, %mul3A_52 : i32
      %add3A_54 = arith.constant 4 : i32
      %add3A_55 = arith.addi %mul3A_53, %add3A_54 : i32
      %dma_start3A_56 = tpu.memref_slice %arg2[%add3A_55, %mul3A_2] : memref<50x4096xi32, #tpu.memory_space<hbm>> -> memref<1x128xi32, #tpu.memory_space<hbm>>
      %dma_start3A_57 = tpu.memref_squeeze %dma_start3A_56 : memref<1x128xi32, #tpu.memory_space<hbm>> -> memref<128xi32, #tpu.memory_space<hbm>>
      %dma_start3A_58 = tpu.memref_slice %arg2[%add3A_55, %mul3A_2] : memref<50x4096xi32, #tpu.memory_space<hbm>> -> memref<1x128xi32, #tpu.memory_space<hbm>>
      %dma_start3A_59 = tpu.memref_squeeze %dma_start3A_58 : memref<1x128xi32, #tpu.memory_space<hbm>> -> memref<128xi32, #tpu.memory_space<hbm>>
      tpu.enqueue_dma source(%dma_start3A_59 : memref<128xi32, #tpu.memory_space<hbm>>) target(%arg9 : memref<128xi32, #tpu.memory_space<vmem>>) target_semaphore(%arg16 : memref<!tpu.dma_semaphore, #tpu.memory_space<semaphore_mem>>)
      %dma_wait3A = tpu.memref_slice %arg2[%add3A_24, %mul3A_2] : memref<50x4096xi32, #tpu.memory_space<hbm>> -> memref<1x128xi32, #tpu.memory_space<hbm>>
      %dma_wait3A_60 = tpu.memref_squeeze %dma_wait3A : memref<1x128xi32, #tpu.memory_space<hbm>> -> memref<128xi32, #tpu.memory_space<hbm>>
      %dma_wait3A_61 = tpu.memref_slice %arg2[%add3A_24, %mul3A_2] : memref<50x4096xi32, #tpu.memory_space<hbm>> -> memref<1x128xi32, #tpu.memory_space<hbm>>
      %dma_wait3A_62 = tpu.memref_squeeze %dma_wait3A_61 : memref<1x128xi32, #tpu.memory_space<hbm>> -> memref<128xi32, #tpu.memory_space<hbm>>
      tpu.wait_dma2 semaphore(%arg16 : memref<!tpu.dma_semaphore, #tpu.memory_space<semaphore_mem>>) src(%dma_wait3A_62 : memref<128xi32, #tpu.memory_space<hbm>>) dst(%arg5 : memref<128xi32, #tpu.memory_space<vmem>>)
      %dma_start3A_63 = arith.constant 0 : i32
      %dma_start3A_64 = arith.constant 0 : i32
      %dma_start3A_65 = tpu.memref_slice %arg3[%dma_start3A_63, %dma_start3A_64] : memref<100000x64xf32, #tpu.memory_space<hbm>> -> memref<100000x64xf32, #tpu.memory_space<hbm>>
      tpu.enqueue_indirect_dma source(%dma_start3A_65 : memref<100000x64xf32, #tpu.memory_space<hbm>>) target(%arg10 : memref<128x64xf32, #tpu.memory_space<vmem>>) offsets(%arg5 : memref<128xi32, #tpu.memory_space<vmem>>) semaphore(%arg17 : memref<!tpu.dma_semaphore, #tpu.memory_space<semaphore_mem>>)
      %dma_wait3A_66 = tpu.memref_slice %arg2[%add3A_31, %mul3A_2] : memref<50x4096xi32, #tpu.memory_space<hbm>> -> memref<1x128xi32, #tpu.memory_space<hbm>>
      %dma_wait3A_67 = tpu.memref_squeeze %dma_wait3A_66 : memref<1x128xi32, #tpu.memory_space<hbm>> -> memref<128xi32, #tpu.memory_space<hbm>>
      %dma_wait3A_68 = tpu.memref_slice %arg2[%add3A_31, %mul3A_2] : memref<50x4096xi32, #tpu.memory_space<hbm>> -> memref<1x128xi32, #tpu.memory_space<hbm>>
      %dma_wait3A_69 = tpu.memref_squeeze %dma_wait3A_68 : memref<1x128xi32, #tpu.memory_space<hbm>> -> memref<128xi32, #tpu.memory_space<hbm>>
      tpu.wait_dma2 semaphore(%arg16 : memref<!tpu.dma_semaphore, #tpu.memory_space<semaphore_mem>>) src(%dma_wait3A_69 : memref<128xi32, #tpu.memory_space<hbm>>) dst(%arg6 : memref<128xi32, #tpu.memory_space<vmem>>)
      %dma_start3A_70 = arith.constant 0 : i32
      %dma_start3A_71 = arith.constant 0 : i32
      %dma_start3A_72 = tpu.memref_slice %arg3[%dma_start3A_70, %dma_start3A_71] : memref<100000x64xf32, #tpu.memory_space<hbm>> -> memref<100000x64xf32, #tpu.memory_space<hbm>>
      tpu.enqueue_indirect_dma source(%dma_start3A_72 : memref<100000x64xf32, #tpu.memory_space<hbm>>) target(%arg11 : memref<128x64xf32, #tpu.memory_space<vmem>>) offsets(%arg6 : memref<128xi32, #tpu.memory_space<vmem>>) semaphore(%arg17 : memref<!tpu.dma_semaphore, #tpu.memory_space<semaphore_mem>>)
      %dma_wait3A_73 = tpu.memref_slice %arg2[%add3A_39, %mul3A_2] : memref<50x4096xi32, #tpu.memory_space<hbm>> -> memref<1x128xi32, #tpu.memory_space<hbm>>
      %dma_wait3A_74 = tpu.memref_squeeze %dma_wait3A_73 : memref<1x128xi32, #tpu.memory_space<hbm>> -> memref<128xi32, #tpu.memory_space<hbm>>
      %dma_wait3A_75 = tpu.memref_slice %arg2[%add3A_39, %mul3A_2] : memref<50x4096xi32, #tpu.memory_space<hbm>> -> memref<1x128xi32, #tpu.memory_space<hbm>>
      %dma_wait3A_76 = tpu.memref_squeeze %dma_wait3A_75 : memref<1x128xi32, #tpu.memory_space<hbm>> -> memref<128xi32, #tpu.memory_space<hbm>>
      tpu.wait_dma2 semaphore(%arg16 : memref<!tpu.dma_semaphore, #tpu.memory_space<semaphore_mem>>) src(%dma_wait3A_76 : memref<128xi32, #tpu.memory_space<hbm>>) dst(%arg7 : memref<128xi32, #tpu.memory_space<vmem>>)
      %dma_start3A_77 = arith.constant 0 : i32
      %dma_start3A_78 = arith.constant 0 : i32
      %dma_start3A_79 = tpu.memref_slice %arg3[%dma_start3A_77, %dma_start3A_78] : memref<100000x64xf32, #tpu.memory_space<hbm>> -> memref<100000x64xf32, #tpu.memory_space<hbm>>
      tpu.enqueue_indirect_dma source(%dma_start3A_79 : memref<100000x64xf32, #tpu.memory_space<hbm>>) target(%arg12 : memref<128x64xf32, #tpu.memory_space<vmem>>) offsets(%arg7 : memref<128xi32, #tpu.memory_space<vmem>>) semaphore(%arg17 : memref<!tpu.dma_semaphore, #tpu.memory_space<semaphore_mem>>)
      %dma_wait3A_80 = tpu.memref_slice %arg2[%add3A_47, %mul3A_2] : memref<50x4096xi32, #tpu.memory_space<hbm>> -> memref<1x128xi32, #tpu.memory_space<hbm>>
      %dma_wait3A_81 = tpu.memref_squeeze %dma_wait3A_80 : memref<1x128xi32, #tpu.memory_space<hbm>> -> memref<128xi32, #tpu.memory_space<hbm>>
      %dma_wait3A_82 = tpu.memref_slice %arg2[%add3A_47, %mul3A_2] : memref<50x4096xi32, #tpu.memory_space<hbm>> -> memref<1x128xi32, #tpu.memory_space<hbm>>
      %dma_wait3A_83 = tpu.memref_squeeze %dma_wait3A_82 : memref<1x128xi32, #tpu.memory_space<hbm>> -> memref<128xi32, #tpu.memory_space<hbm>>
      tpu.wait_dma2 semaphore(%arg16 : memref<!tpu.dma_semaphore, #tpu.memory_space<semaphore_mem>>) src(%dma_wait3A_83 : memref<128xi32, #tpu.memory_space<hbm>>) dst(%arg8 : memref<128xi32, #tpu.memory_space<vmem>>)
      %dma_start3A_84 = arith.constant 0 : i32
      %dma_start3A_85 = arith.constant 0 : i32
      %dma_start3A_86 = tpu.memref_slice %arg3[%dma_start3A_84, %dma_start3A_85] : memref<100000x64xf32, #tpu.memory_space<hbm>> -> memref<100000x64xf32, #tpu.memory_space<hbm>>
      tpu.enqueue_indirect_dma source(%dma_start3A_86 : memref<100000x64xf32, #tpu.memory_space<hbm>>) target(%arg13 : memref<128x64xf32, #tpu.memory_space<vmem>>) offsets(%arg8 : memref<128xi32, #tpu.memory_space<vmem>>) semaphore(%arg17 : memref<!tpu.dma_semaphore, #tpu.memory_space<semaphore_mem>>)
      %dma_wait3A_87 = tpu.memref_slice %arg2[%add3A_55, %mul3A_2] : memref<50x4096xi32, #tpu.memory_space<hbm>> -> memref<1x128xi32, #tpu.memory_space<hbm>>
      %dma_wait3A_88 = tpu.memref_squeeze %dma_wait3A_87 : memref<1x128xi32, #tpu.memory_space<hbm>> -> memref<128xi32, #tpu.memory_space<hbm>>
      %dma_wait3A_89 = tpu.memref_slice %arg2[%add3A_55, %mul3A_2] : memref<50x4096xi32, #tpu.memory_space<hbm>> -> memref<1x128xi32, #tpu.memory_space<hbm>>
      %dma_wait3A_90 = tpu.memref_squeeze %dma_wait3A_89 : memref<1x128xi32, #tpu.memory_space<hbm>> -> memref<128xi32, #tpu.memory_space<hbm>>
      tpu.wait_dma2 semaphore(%arg16 : memref<!tpu.dma_semaphore, #tpu.memory_space<semaphore_mem>>) src(%dma_wait3A_90 : memref<128xi32, #tpu.memory_space<hbm>>) dst(%arg9 : memref<128xi32, #tpu.memory_space<vmem>>)
      %dma_start3A_91 = arith.constant 0 : i32
      %dma_start3A_92 = arith.constant 0 : i32
      %dma_start3A_93 = tpu.memref_slice %arg3[%dma_start3A_91, %dma_start3A_92] : memref<100000x64xf32, #tpu.memory_space<hbm>> -> memref<100000x64xf32, #tpu.memory_space<hbm>>
      tpu.enqueue_indirect_dma source(%dma_start3A_93 : memref<100000x64xf32, #tpu.memory_space<hbm>>) target(%arg14 : memref<128x64xf32, #tpu.memory_space<vmem>>) offsets(%arg9 : memref<128xi32, #tpu.memory_space<vmem>>) semaphore(%arg17 : memref<!tpu.dma_semaphore, #tpu.memory_space<semaphore_mem>>)
      %dma_wait3A_94 = arith.constant 0 : i32
      %dma_wait3A_95 = arith.constant 0 : i32
      %dma_wait3A_96 = tpu.memref_slice %arg3[%dma_wait3A_94, %dma_wait3A_95] : memref<100000x64xf32, #tpu.memory_space<hbm>> -> memref<100000x64xf32, #tpu.memory_space<hbm>>
      tpu.wait_indirect_dma semaphore(%arg17 : memref<!tpu.dma_semaphore, #tpu.memory_space<semaphore_mem>>) src(%dma_wait3A_96 : memref<100000x64xf32, #tpu.memory_space<hbm>>) dst(%arg10 : memref<128x64xf32, #tpu.memory_space<vmem>>)
      %mul3A_97 = arith.constant 5 : i32
      %mul3A_98 = arith.muli %scan3A_20, %mul3A_97 : i32
      %add3A_99 = arith.constant 0 : i32
      %add3A_100 = arith.addi %mul3A_98, %add3A_99 : i32
      %parallel_loop3A = arith.constant 0 : i32
      %parallel_loop3A_101 = arith.constant 128 : i32
      %parallel_loop3A_102 = arith.constant 1 : i32
      scf.for %parallel_loop3A_1343 = %parallel_loop3A to %parallel_loop3A_101 step %parallel_loop3A_102  : i32 {
        %parallel_loop3A_1344 = vector.broadcast %parallel_loop3A_1343 : i32 to vector<16xi32>
        %parallel_loop3A_1345 = arith.index_cast %parallel_loop3A_1343 : i32 to index
        %parallel_loop3A_1346 = arith.constant 0 : index
        %parallel_loop3A_1347 = tpu.vector_load %arg10[%parallel_loop3A_1345, %parallel_loop3A_1346] {strides = array<i32>} : memref<128x64xf32, #tpu.memory_space<vmem>>, vector<16xf32>,
        tpu.vector_store_idx %arg15[%add3A_5, %parallel_loop3A_1344], %parallel_loop3A_1347 : memref<64x129xf32, #tpu.memory_space<vmem>>[vector<16xi32>, vector<16xi32>], vector<16xf32>,
        %parallel_loop3A_1348 = arith.index_cast %parallel_loop3A_1343 : i32 to index
        %parallel_loop3A_1349 = arith.constant 16 : index
        %parallel_loop3A_1350 = tpu.vector_load %arg10[%parallel_loop3A_1348, %parallel_loop3A_1349] {strides = array<i32>} : memref<128x64xf32, #tpu.memory_space<vmem>>, vector<16xf32>,
        tpu.vector_store_idx %arg15[%add3A_8, %parallel_loop3A_1344], %parallel_loop3A_1350 : memref<64x129xf32, #tpu.memory_space<vmem>>[vector<16xi32>, vector<16xi32>], vector<16xf32>,
        %parallel_loop3A_1351 = arith.index_cast %parallel_loop3A_1343 : i32 to index
        %parallel_loop3A_1352 = arith.constant 32 : index
        %parallel_loop3A_1353 = tpu.vector_load %arg10[%parallel_loop3A_1351, %parallel_loop3A_1352] {strides = array<i32>} : memref<128x64xf32, #tpu.memory_space<vmem>>, vector<16xf32>,
        tpu.vector_store_idx %arg15[%add3A_11, %parallel_loop3A_1344], %parallel_loop3A_1353 : memref<64x129xf32, #tpu.memory_space<vmem>>[vector<16xi32>, vector<16xi32>], vector<16xf32>,
        %parallel_loop3A_1354 = arith.index_cast %parallel_loop3A_1343 : i32 to index
        %parallel_loop3A_1355 = arith.constant 48 : index
        %parallel_loop3A_1356 = tpu.vector_load %arg10[%parallel_loop3A_1354, %parallel_loop3A_1355] {strides = array<i32>} : memref<128x64xf32, #tpu.memory_space<vmem>>, vector<16xf32>,
        tpu.vector_store_idx %arg15[%add3A_14, %parallel_loop3A_1344], %parallel_loop3A_1356 : memref<64x129xf32, #tpu.memory_space<vmem>>[vector<16xi32>, vector<16xi32>], vector<16xf32>,
      } {sc.loop_unroll_factor = 4 : i64, sc.parallel_access}
      %dma_start3A_103 = arith.constant 0 : i32
      %dma_start3A_104 = arith.constant 0 : i32
      %dma_start3A_105 = arith.constant 0 : i32
      %dma_start3A_106 = tpu.memref_slice %arg15[%dma_start3A_104, %dma_start3A_105] : memref<64x129xf32, #tpu.memory_space<vmem>> -> memref<8x128xf32, #tpu.memory_space<vmem>>
      %dma_start3A_107 = arith.constant 0 : i32
      %dma_start3A_108 = arith.constant 0 : i32
      %dma_start3A_109 = tpu.memref_slice %arg4[%add3A_100, %dma_start3A_103, %add3A, %dma_start3A_107, %dma_start3A_108] : memref<50x8x32x8x128xf32, #tpu.memory_space<hbm>> -> memref<1x1x1x8x128xf32, #tpu.memory_space<hbm>>
      %dma_start3A_110 = tpu.memref_squeeze %dma_start3A_109 : memref<1x1x1x8x128xf32, #tpu.memory_space<hbm>> -> memref<8x128xf32, #tpu.memory_space<hbm>>
      %dma_start3A_111 = arith.constant 0 : i32
      %dma_start3A_112 = arith.constant 0 : i32
      %dma_start3A_113 = tpu.memref_slice %arg4[%add3A_100, %dma_start3A_103, %add3A, %dma_start3A_111, %dma_start3A_112] : memref<50x8x32x8x128xf32, #tpu.memory_space<hbm>> -> memref<1x1x1x8x128xf32, #tpu.memory_space<hbm>>
      %dma_start3A_114 = tpu.memref_squeeze %dma_start3A_113 : memref<1x1x1x8x128xf32, #tpu.memory_space<hbm>> -> memref<8x128xf32, #tpu.memory_space<hbm>>
      %dma_start3A_115 = arith.constant 0 : i32
      %dma_start3A_116 = arith.constant 0 : i32
      %dma_start3A_117 = tpu.memref_slice %arg15[%dma_start3A_115, %dma_start3A_116] : memref<64x129xf32, #tpu.memory_space<vmem>> -> memref<8x128xf32, #tpu.memory_space<vmem>>
      tpu.enqueue_dma source(%dma_start3A_117 : memref<8x128xf32, #tpu.memory_space<vmem>>) target(%dma_start3A_114 : memref<8x128xf32, #tpu.memory_space<hbm>>) target_semaphore(%arg18 : memref<!tpu.dma_semaphore, #tpu.memory_space<semaphore_mem>>)
      %dma_start3A_118 = arith.constant 1 : i32
      %dma_start3A_119 = arith.constant 8 : i32
      %dma_start3A_120 = arith.constant 0 : i32
      %dma_start3A_121 = tpu.memref_slice %arg15[%dma_start3A_119, %dma_start3A_120] : memref<64x129xf32, #tpu.memory_space<vmem>> -> memref<8x128xf32, #tpu.memory_space<vmem>>
      %dma_start3A_122 = arith.constant 0 : i32
      %dma_start3A_123 = arith.constant 0 : i32
      %dma_start3A_124 = tpu.memref_slice %arg4[%add3A_100, %dma_start3A_118, %add3A, %dma_start3A_122, %dma_start3A_123] : memref<50x8x32x8x128xf32, #tpu.memory_space<hbm>> -> memref<1x1x1x8x128xf32, #tpu.memory_space<hbm>>
      %dma_start3A_125 = tpu.memref_squeeze %dma_start3A_124 : memref<1x1x1x8x128xf32, #tpu.memory_space<hbm>> -> memref<8x128xf32, #tpu.memory_space<hbm>>
      %dma_start3A_126 = arith.constant 0 : i32
      %dma_start3A_127 = arith.constant 0 : i32
      %dma_start3A_128 = tpu.memref_slice %arg4[%add3A_100, %dma_start3A_118, %add3A, %dma_start3A_126, %dma_start3A_127] : memref<50x8x32x8x128xf32, #tpu.memory_space<hbm>> -> memref<1x1x1x8x128xf32, #tpu.memory_space<hbm>>
      %dma_start3A_129 = tpu.memref_squeeze %dma_start3A_128 : memref<1x1x1x8x128xf32, #tpu.memory_space<hbm>> -> memref<8x128xf32, #tpu.memory_space<hbm>>
      %dma_start3A_130 = arith.constant 8 : i32
      %dma_start3A_131 = arith.constant 0 : i32
      %dma_start3A_132 = tpu.memref_slice %arg15[%dma_start3A_130, %dma_start3A_131] : memref<64x129xf32, #tpu.memory_space<vmem>> -> memref<8x128xf32, #tpu.memory_space<vmem>>
      tpu.enqueue_dma source(%dma_start3A_132 : memref<8x128xf32, #tpu.memory_space<vmem>>) target(%dma_start3A_129 : memref<8x128xf32, #tpu.memory_space<hbm>>) target_semaphore(%arg18 : memref<!tpu.dma_semaphore, #tpu.memory_space<semaphore_mem>>)
      %dma_start3A_133 = arith.constant 2 : i32
      %dma_start3A_134 = arith.constant 16 : i32
      %dma_start3A_135 = arith.constant 0 : i32
      %dma_start3A_136 = tpu.memref_slice %arg15[%dma_start3A_134, %dma_start3A_135] : memref<64x129xf32, #tpu.memory_space<vmem>> -> memref<8x128xf32, #tpu.memory_space<vmem>>
      %dma_start3A_137 = arith.constant 0 : i32
      %dma_start3A_138 = arith.constant 0 : i32
      %dma_start3A_139 = tpu.memref_slice %arg4[%add3A_100, %dma_start3A_133, %add3A, %dma_start3A_137, %dma_start3A_138] : memref<50x8x32x8x128xf32, #tpu.memory_space<hbm>> -> memref<1x1x1x8x128xf32, #tpu.memory_space<hbm>>
      %dma_start3A_140 = tpu.memref_squeeze %dma_start3A_139 : memref<1x1x1x8x128xf32, #tpu.memory_space<hbm>> -> memref<8x128xf32, #tpu.memory_space<hbm>>
      %dma_start3A_141 = arith.constant 0 : i32
      %dma_start3A_142 = arith.constant 0 : i32
      %dma_start3A_143 = tpu.memref_slice %arg4[%add3A_100, %dma_start3A_133, %add3A, %dma_start3A_141, %dma_start3A_142] : memref<50x8x32x8x128xf32, #tpu.memory_space<hbm>> -> memref<1x1x1x8x128xf32, #tpu.memory_space<hbm>>
      %dma_start3A_144 = tpu.memref_squeeze %dma_start3A_143 : memref<1x1x1x8x128xf32, #tpu.memory_space<hbm>> -> memref<8x128xf32, #tpu.memory_space<hbm>>
      %dma_start3A_145 = arith.constant 16 : i32
      %dma_start3A_146 = arith.constant 0 : i32
      %dma_start3A_147 = tpu.memref_slice %arg15[%dma_start3A_145, %dma_start3A_146] : memref<64x129xf32, #tpu.memory_space<vmem>> -> memref<8x128xf32, #tpu.memory_space<vmem>>
      tpu.enqueue_dma source(%dma_start3A_147 : memref<8x128xf32, #tpu.memory_space<vmem>>) target(%dma_start3A_144 : memref<8x128xf32, #tpu.memory_space<hbm>>) target_semaphore(%arg18 : memref<!tpu.dma_semaphore, #tpu.memory_space<semaphore_mem>>)
      %dma_start3A_148 = arith.constant 3 : i32
      %dma_start3A_149 = arith.constant 24 : i32
      %dma_start3A_150 = arith.constant 0 : i32
      %dma_start3A_151 = tpu.memref_slice %arg15[%dma_start3A_149, %dma_start3A_150] : memref<64x129xf32, #tpu.memory_space<vmem>> -> memref<8x128xf32, #tpu.memory_space<vmem>>
      %dma_start3A_152 = arith.constant 0 : i32
      %dma_start3A_153 = arith.constant 0 : i32
      %dma_start3A_154 = tpu.memref_slice %arg4[%add3A_100, %dma_start3A_148, %add3A, %dma_start3A_152, %dma_start3A_153] : memref<50x8x32x8x128xf32, #tpu.memory_space<hbm>> -> memref<1x1x1x8x128xf32, #tpu.memory_space<hbm>>
      %dma_start3A_155 = tpu.memref_squeeze %dma_start3A_154 : memref<1x1x1x8x128xf32, #tpu.memory_space<hbm>> -> memref<8x128xf32, #tpu.memory_space<hbm>>
      %dma_start3A_156 = arith.constant 0 : i32
      %dma_start3A_157 = arith.constant 0 : i32
      %dma_start3A_158 = tpu.memref_slice %arg4[%add3A_100, %dma_start3A_148, %add3A, %dma_start3A_156, %dma_start3A_157] : memref<50x8x32x8x128xf32, #tpu.memory_space<hbm>> -> memref<1x1x1x8x128xf32, #tpu.memory_space<hbm>>
      %dma_start3A_159 = tpu.memref_squeeze %dma_start3A_158 : memref<1x1x1x8x128xf32, #tpu.memory_space<hbm>> -> memref<8x128xf32, #tpu.memory_space<hbm>>
      %dma_start3A_160 = arith.constant 24 : i32
      %dma_start3A_161 = arith.constant 0 : i32
      %dma_start3A_162 = tpu.memref_slice %arg15[%dma_start3A_160, %dma_start3A_161] : memref<64x129xf32, #tpu.memory_space<vmem>> -> memref<8x128xf32, #tpu.memory_space<vmem>>
      tpu.enqueue_dma source(%dma_start3A_162 : memref<8x128xf32, #tpu.memory_space<vmem>>) target(%dma_start3A_159 : memref<8x128xf32, #tpu.memory_space<hbm>>) target_semaphore(%arg18 : memref<!tpu.dma_semaphore, #tpu.memory_space<semaphore_mem>>)
      %dma_start3A_163 = arith.constant 4 : i32
      %dma_start3A_164 = arith.constant 32 : i32
      %dma_start3A_165 = arith.constant 0 : i32
      %dma_start3A_166 = tpu.memref_slice %arg15[%dma_start3A_164, %dma_start3A_165] : memref<64x129xf32, #tpu.memory_space<vmem>> -> memref<8x128xf32, #tpu.memory_space<vmem>>
      %dma_start3A_167 = arith.constant 0 : i32
      %dma_start3A_168 = arith.constant 0 : i32
      %dma_start3A_169 = tpu.memref_slice %arg4[%add3A_100, %dma_start3A_163, %add3A, %dma_start3A_167, %dma_start3A_168] : memref<50x8x32x8x128xf32, #tpu.memory_space<hbm>> -> memref<1x1x1x8x128xf32, #tpu.memory_space<hbm>>
      %dma_start3A_170 = tpu.memref_squeeze %dma_start3A_169 : memref<1x1x1x8x128xf32, #tpu.memory_space<hbm>> -> memref<8x128xf32, #tpu.memory_space<hbm>>
      %dma_start3A_171 = arith.constant 0 : i32
      %dma_start3A_172 = arith.constant 0 : i32
      %dma_start3A_173 = tpu.memref_slice %arg4[%add3A_100, %dma_start3A_163, %add3A, %dma_start3A_171, %dma_start3A_172] : memref<50x8x32x8x128xf32, #tpu.memory_space<hbm>> -> memref<1x1x1x8x128xf32, #tpu.memory_space<hbm>>
      %dma_start3A_174 = tpu.memref_squeeze %dma_start3A_173 : memref<1x1x1x8x128xf32, #tpu.memory_space<hbm>> -> memref<8x128xf32, #tpu.memory_space<hbm>>
      %dma_start3A_175 = arith.constant 32 : i32
      %dma_start3A_176 = arith.constant 0 : i32
      %dma_start3A_177 = tpu.memref_slice %arg15[%dma_start3A_175, %dma_start3A_176] : memref<64x129xf32, #tpu.memory_space<vmem>> -> memref<8x128xf32, #tpu.memory_space<vmem>>
      tpu.enqueue_dma source(%dma_start3A_177 : memref<8x128xf32, #tpu.memory_space<vmem>>) target(%dma_start3A_174 : memref<8x128xf32, #tpu.memory_space<hbm>>) target_semaphore(%arg18 : memref<!tpu.dma_semaphore, #tpu.memory_space<semaphore_mem>>)
      %dma_start3A_178 = arith.constant 5 : i32
      %dma_start3A_179 = arith.constant 40 : i32
      %dma_start3A_180 = arith.constant 0 : i32
      %dma_start3A_181 = tpu.memref_slice %arg15[%dma_start3A_179, %dma_start3A_180] : memref<64x129xf32, #tpu.memory_space<vmem>> -> memref<8x128xf32, #tpu.memory_space<vmem>>
      %dma_start3A_182 = arith.constant 0 : i32
      %dma_start3A_183 = arith.constant 0 : i32
      %dma_start3A_184 = tpu.memref_slice %arg4[%add3A_100, %dma_start3A_178, %add3A, %dma_start3A_182, %dma_start3A_183] : memref<50x8x32x8x128xf32, #tpu.memory_space<hbm>> -> memref<1x1x1x8x128xf32, #tpu.memory_space<hbm>>
      %dma_start3A_185 = tpu.memref_squeeze %dma_start3A_184 : memref<1x1x1x8x128xf32, #tpu.memory_space<hbm>> -> memref<8x128xf32, #tpu.memory_space<hbm>>
      %dma_start3A_186 = arith.constant 0 : i32
      %dma_start3A_187 = arith.constant 0 : i32
      %dma_start3A_188 = tpu.memref_slice %arg4[%add3A_100, %dma_start3A_178, %add3A, %dma_start3A_186, %dma_start3A_187] : memref<50x8x32x8x128xf32, #tpu.memory_space<hbm>> -> memref<1x1x1x8x128xf32, #tpu.memory_space<hbm>>
      %dma_start3A_189 = tpu.memref_squeeze %dma_start3A_188 : memref<1x1x1x8x128xf32, #tpu.memory_space<hbm>> -> memref<8x128xf32, #tpu.memory_space<hbm>>
      %dma_start3A_190 = arith.constant 40 : i32
      %dma_start3A_191 = arith.constant 0 : i32
      %dma_start3A_192 = tpu.memref_slice %arg15[%dma_start3A_190, %dma_start3A_191] : memref<64x129xf32, #tpu.memory_space<vmem>> -> memref<8x128xf32, #tpu.memory_space<vmem>>
      tpu.enqueue_dma source(%dma_start3A_192 : memref<8x128xf32, #tpu.memory_space<vmem>>) target(%dma_start3A_189 : memref<8x128xf32, #tpu.memory_space<hbm>>) target_semaphore(%arg18 : memref<!tpu.dma_semaphore, #tpu.memory_space<semaphore_mem>>)
      %dma_start3A_193 = arith.constant 6 : i32
      %dma_start3A_194 = arith.constant 48 : i32
      %dma_start3A_195 = arith.constant 0 : i32
      %dma_start3A_196 = tpu.memref_slice %arg15[%dma_start3A_194, %dma_start3A_195] : memref<64x129xf32, #tpu.memory_space<vmem>> -> memref<8x128xf32, #tpu.memory_space<vmem>>
      %dma_start3A_197 = arith.constant 0 : i32
      %dma_start3A_198 = arith.constant 0 : i32
      %dma_start3A_199 = tpu.memref_slice %arg4[%add3A_100, %dma_start3A_193, %add3A, %dma_start3A_197, %dma_start3A_198] : memref<50x8x32x8x128xf32, #tpu.memory_space<hbm>> -> memref<1x1x1x8x128xf32, #tpu.memory_space<hbm>>
      %dma_start3A_200 = tpu.memref_squeeze %dma_start3A_199 : memref<1x1x1x8x128xf32, #tpu.memory_space<hbm>> -> memref<8x128xf32, #tpu.memory_space<hbm>>
      %dma_start3A_201 = arith.constant 0 : i32
      %dma_start3A_202 = arith.constant 0 : i32
      %dma_start3A_203 = tpu.memref_slice %arg4[%add3A_100, %dma_start3A_193, %add3A, %dma_start3A_201, %dma_start3A_202] : memref<50x8x32x8x128xf32, #tpu.memory_space<hbm>> -> memref<1x1x1x8x128xf32, #tpu.memory_space<hbm>>
      %dma_start3A_204 = tpu.memref_squeeze %dma_start3A_203 : memref<1x1x1x8x128xf32, #tpu.memory_space<hbm>> -> memref<8x128xf32, #tpu.memory_space<hbm>>
      %dma_start3A_205 = arith.constant 48 : i32
      %dma_start3A_206 = arith.constant 0 : i32
      %dma_start3A_207 = tpu.memref_slice %arg15[%dma_start3A_205, %dma_start3A_206] : memref<64x129xf32, #tpu.memory_space<vmem>> -> memref<8x128xf32, #tpu.memory_space<vmem>>
      tpu.enqueue_dma source(%dma_start3A_207 : memref<8x128xf32, #tpu.memory_space<vmem>>) target(%dma_start3A_204 : memref<8x128xf32, #tpu.memory_space<hbm>>) target_semaphore(%arg18 : memref<!tpu.dma_semaphore, #tpu.memory_space<semaphore_mem>>)
      %dma_start3A_208 = arith.constant 7 : i32
      %dma_start3A_209 = arith.constant 56 : i32
      %dma_start3A_210 = arith.constant 0 : i32
      %dma_start3A_211 = tpu.memref_slice %arg15[%dma_start3A_209, %dma_start3A_210] : memref<64x129xf32, #tpu.memory_space<vmem>> -> memref<8x128xf32, #tpu.memory_space<vmem>>
      %dma_start3A_212 = arith.constant 0 : i32
      %dma_start3A_213 = arith.constant 0 : i32
      %dma_start3A_214 = tpu.memref_slice %arg4[%add3A_100, %dma_start3A_208, %add3A, %dma_start3A_212, %dma_start3A_213] : memref<50x8x32x8x128xf32, #tpu.memory_space<hbm>> -> memref<1x1x1x8x128xf32, #tpu.memory_space<hbm>>
      %dma_start3A_215 = tpu.memref_squeeze %dma_start3A_214 : memref<1x1x1x8x128xf32, #tpu.memory_space<hbm>> -> memref<8x128xf32, #tpu.memory_space<hbm>>
      %dma_start3A_216 = arith.constant 0 : i32
      %dma_start3A_217 = arith.constant 0 : i32
      %dma_start3A_218 = tpu.memref_slice %arg4[%add3A_100, %dma_start3A_208, %add3A, %dma_start3A_216, %dma_start3A_217] : memref<50x8x32x8x128xf32, #tpu.memory_space<hbm>> -> memref<1x1x1x8x128xf32, #tpu.memory_space<hbm>>
      %dma_start3A_219 = tpu.memref_squeeze %dma_start3A_218 : memref<1x1x1x8x128xf32, #tpu.memory_space<hbm>> -> memref<8x128xf32, #tpu.memory_space<hbm>>
      %dma_start3A_220 = arith.constant 56 : i32
      %dma_start3A_221 = arith.constant 0 : i32
      %dma_start3A_222 = tpu.memref_slice %arg15[%dma_start3A_220, %dma_start3A_221] : memref<64x129xf32, #tpu.memory_space<vmem>> -> memref<8x128xf32, #tpu.memory_space<vmem>>
      tpu.enqueue_dma source(%dma_start3A_222 : memref<8x128xf32, #tpu.memory_space<vmem>>) target(%dma_start3A_219 : memref<8x128xf32, #tpu.memory_space<hbm>>) target_semaphore(%arg18 : memref<!tpu.dma_semaphore, #tpu.memory_space<semaphore_mem>>)
      %dma_wait3A_223 = arith.constant 0 : i32
      %dma_wait3A_224 = arith.constant 0 : i32
      %dma_wait3A_225 = arith.constant 0 : i32
      %dma_wait3A_226 = tpu.memref_slice %arg15[%dma_wait3A_224, %dma_wait3A_225] : memref<64x129xf32, #tpu.memory_space<vmem>> -> memref<8x128xf32, #tpu.memory_space<vmem>>
      %dma_wait3A_227 = arith.constant 0 : i32
      %dma_wait3A_228 = arith.constant 0 : i32
      %dma_wait3A_229 = tpu.memref_slice %arg4[%add3A_100, %dma_wait3A_223, %add3A, %dma_wait3A_227, %dma_wait3A_228] : memref<50x8x32x8x128xf32, #tpu.memory_space<hbm>> -> memref<1x1x1x8x128xf32, #tpu.memory_space<hbm>>
      %dma_wait3A_230 = tpu.memref_squeeze %dma_wait3A_229 : memref<1x1x1x8x128xf32, #tpu.memory_space<hbm>> -> memref<8x128xf32, #tpu.memory_space<hbm>>
      %dma_wait3A_231 = arith.constant 0 : i32
      %dma_wait3A_232 = arith.constant 0 : i32
      %dma_wait3A_233 = tpu.memref_slice %arg4[%add3A_100, %dma_wait3A_223, %add3A, %dma_wait3A_231, %dma_wait3A_232] : memref<50x8x32x8x128xf32, #tpu.memory_space<hbm>> -> memref<1x1x1x8x128xf32, #tpu.memory_space<hbm>>
      %dma_wait3A_234 = tpu.memref_squeeze %dma_wait3A_233 : memref<1x1x1x8x128xf32, #tpu.memory_space<hbm>> -> memref<8x128xf32, #tpu.memory_space<hbm>>
      %dma_wait3A_235 = arith.constant 0 : i32
      %dma_wait3A_236 = arith.constant 0 : i32
      %dma_wait3A_237 = tpu.memref_slice %arg15[%dma_wait3A_235, %dma_wait3A_236] : memref<64x129xf32, #tpu.memory_space<vmem>> -> memref<8x128xf32, #tpu.memory_space<vmem>>
      tpu.wait_dma2 semaphore(%arg18 : memref<!tpu.dma_semaphore, #tpu.memory_space<semaphore_mem>>) src(%dma_wait3A_237 : memref<8x128xf32, #tpu.memory_space<vmem>>) dst(%dma_wait3A_234 : memref<8x128xf32, #tpu.memory_space<hbm>>)
      %dma_wait3A_238 = arith.constant 1 : i32
      %dma_wait3A_239 = arith.constant 8 : i32
      %dma_wait3A_240 = arith.constant 0 : i32
      %dma_wait3A_241 = tpu.memref_slice %arg15[%dma_wait3A_239, %dma_wait3A_240] : memref<64x129xf32, #tpu.memory_space<vmem>> -> memref<8x128xf32, #tpu.memory_space<vmem>>
      %dma_wait3A_242 = arith.constant 0 : i32
      %dma_wait3A_243 = arith.constant 0 : i32
      %dma_wait3A_244 = tpu.memref_slice %arg4[%add3A_100, %dma_wait3A_238, %add3A, %dma_wait3A_242, %dma_wait3A_243] : memref<50x8x32x8x128xf32, #tpu.memory_space<hbm>> -> memref<1x1x1x8x128xf32, #tpu.memory_space<hbm>>
      %dma_wait3A_245 = tpu.memref_squeeze %dma_wait3A_244 : memref<1x1x1x8x128xf32, #tpu.memory_space<hbm>> -> memref<8x128xf32, #tpu.memory_space<hbm>>
      %dma_wait3A_246 = arith.constant 0 : i32
      %dma_wait3A_247 = arith.constant 0 : i32
      %dma_wait3A_248 = tpu.memref_slice %arg4[%add3A_100, %dma_wait3A_238, %add3A, %dma_wait3A_246, %dma_wait3A_247] : memref<50x8x32x8x128xf32, #tpu.memory_space<hbm>> -> memref<1x1x1x8x128xf32, #tpu.memory_space<hbm>>
      %dma_wait3A_249 = tpu.memref_squeeze %dma_wait3A_248 : memref<1x1x1x8x128xf32, #tpu.memory_space<hbm>> -> memref<8x128xf32, #tpu.memory_space<hbm>>
      %dma_wait3A_250 = arith.constant 8 : i32
      %dma_wait3A_251 = arith.constant 0 : i32
      %dma_wait3A_252 = tpu.memref_slice %arg15[%dma_wait3A_250, %dma_wait3A_251] : memref<64x129xf32, #tpu.memory_space<vmem>> -> memref<8x128xf32, #tpu.memory_space<vmem>>
      tpu.wait_dma2 semaphore(%arg18 : memref<!tpu.dma_semaphore, #tpu.memory_space<semaphore_mem>>) src(%dma_wait3A_252 : memref<8x128xf32, #tpu.memory_space<vmem>>) dst(%dma_wait3A_249 : memref<8x128xf32, #tpu.memory_space<hbm>>)
      %dma_wait3A_253 = arith.constant 2 : i32
      %dma_wait3A_254 = arith.constant 16 : i32
      %dma_wait3A_255 = arith.constant 0 : i32
      %dma_wait3A_256 = tpu.memref_slice %arg15[%dma_wait3A_254, %dma_wait3A_255] : memref<64x129xf32, #tpu.memory_space<vmem>> -> memref<8x128xf32, #tpu.memory_space<vmem>>
      %dma_wait3A_257 = arith.constant 0 : i32
      %dma_wait3A_258 = arith.constant 0 : i32
      %dma_wait3A_259 = tpu.memref_slice %arg4[%add3A_100, %dma_wait3A_253, %add3A, %dma_wait3A_257, %dma_wait3A_258] : memref<50x8x32x8x128xf32, #tpu.memory_space<hbm>> -> memref<1x1x1x8x128xf32, #tpu.memory_space<hbm>>
      %dma_wait3A_260 = tpu.memref_squeeze %dma_wait3A_259 : memref<1x1x1x8x128xf32, #tpu.memory_space<hbm>> -> memref<8x128xf32, #tpu.memory_space<hbm>>
      %dma_wait3A_261 = arith.constant 0 : i32
      %dma_wait3A_262 = arith.constant 0 : i32
      %dma_wait3A_263 = tpu.memref_slice %arg4[%add3A_100, %dma_wait3A_253, %add3A, %dma_wait3A_261, %dma_wait3A_262] : memref<50x8x32x8x128xf32, #tpu.memory_space<hbm>> -> memref<1x1x1x8x128xf32, #tpu.memory_space<hbm>>
      %dma_wait3A_264 = tpu.memref_squeeze %dma_wait3A_263 : memref<1x1x1x8x128xf32, #tpu.memory_space<hbm>> -> memref<8x128xf32, #tpu.memory_space<hbm>>
      %dma_wait3A_265 = arith.constant 16 : i32
      %dma_wait3A_266 = arith.constant 0 : i32
      %dma_wait3A_267 = tpu.memref_slice %arg15[%dma_wait3A_265, %dma_wait3A_266] : memref<64x129xf32, #tpu.memory_space<vmem>> -> memref<8x128xf32, #tpu.memory_space<vmem>>
      tpu.wait_dma2 semaphore(%arg18 : memref<!tpu.dma_semaphore, #tpu.memory_space<semaphore_mem>>) src(%dma_wait3A_267 : memref<8x128xf32, #tpu.memory_space<vmem>>) dst(%dma_wait3A_264 : memref<8x128xf32, #tpu.memory_space<hbm>>)
      %dma_wait3A_268 = arith.constant 3 : i32
      %dma_wait3A_269 = arith.constant 24 : i32
      %dma_wait3A_270 = arith.constant 0 : i32
      %dma_wait3A_271 = tpu.memref_slice %arg15[%dma_wait3A_269, %dma_wait3A_270] : memref<64x129xf32, #tpu.memory_space<vmem>> -> memref<8x128xf32, #tpu.memory_space<vmem>>
      %dma_wait3A_272 = arith.constant 0 : i32
      %dma_wait3A_273 = arith.constant 0 : i32
      %dma_wait3A_274 = tpu.memref_slice %arg4[%add3A_100, %dma_wait3A_268, %add3A, %dma_wait3A_272, %dma_wait3A_273] : memref<50x8x32x8x128xf32, #tpu.memory_space<hbm>> -> memref<1x1x1x8x128xf32, #tpu.memory_space<hbm>>
      %dma_wait3A_275 = tpu.memref_squeeze %dma_wait3A_274 : memref<1x1x1x8x128xf32, #tpu.memory_space<hbm>> -> memref<8x128xf32, #tpu.memory_space<hbm>>
      %dma_wait3A_276 = arith.constant 0 : i32
      %dma_wait3A_277 = arith.constant 0 : i32
      %dma_wait3A_278 = tpu.memref_slice %arg4[%add3A_100, %dma_wait3A_268, %add3A, %dma_wait3A_276, %dma_wait3A_277] : memref<50x8x32x8x128xf32, #tpu.memory_space<hbm>> -> memref<1x1x1x8x128xf32, #tpu.memory_space<hbm>>
      %dma_wait3A_279 = tpu.memref_squeeze %dma_wait3A_278 : memref<1x1x1x8x128xf32, #tpu.memory_space<hbm>> -> memref<8x128xf32, #tpu.memory_space<hbm>>
      %dma_wait3A_280 = arith.constant 24 : i32
      %dma_wait3A_281 = arith.constant 0 : i32
      %dma_wait3A_282 = tpu.memref_slice %arg15[%dma_wait3A_280, %dma_wait3A_281] : memref<64x129xf32, #tpu.memory_space<vmem>> -> memref<8x128xf32, #tpu.memory_space<vmem>>
      tpu.wait_dma2 semaphore(%arg18 : memref<!tpu.dma_semaphore, #tpu.memory_space<semaphore_mem>>) src(%dma_wait3A_282 : memref<8x128xf32, #tpu.memory_space<vmem>>) dst(%dma_wait3A_279 : memref<8x128xf32, #tpu.memory_space<hbm>>)
      %dma_wait3A_283 = arith.constant 4 : i32
      %dma_wait3A_284 = arith.constant 32 : i32
      %dma_wait3A_285 = arith.constant 0 : i32
      %dma_wait3A_286 = tpu.memref_slice %arg15[%dma_wait3A_284, %dma_wait3A_285] : memref<64x129xf32, #tpu.memory_space<vmem>> -> memref<8x128xf32, #tpu.memory_space<vmem>>
      %dma_wait3A_287 = arith.constant 0 : i32
      %dma_wait3A_288 = arith.constant 0 : i32
      %dma_wait3A_289 = tpu.memref_slice %arg4[%add3A_100, %dma_wait3A_283, %add3A, %dma_wait3A_287, %dma_wait3A_288] : memref<50x8x32x8x128xf32, #tpu.memory_space<hbm>> -> memref<1x1x1x8x128xf32, #tpu.memory_space<hbm>>
      %dma_wait3A_290 = tpu.memref_squeeze %dma_wait3A_289 : memref<1x1x1x8x128xf32, #tpu.memory_space<hbm>> -> memref<8x128xf32, #tpu.memory_space<hbm>>
      %dma_wait3A_291 = arith.constant 0 : i32
      %dma_wait3A_292 = arith.constant 0 : i32
      %dma_wait3A_293 = tpu.memref_slice %arg4[%add3A_100, %dma_wait3A_283, %add3A, %dma_wait3A_291, %dma_wait3A_292] : memref<50x8x32x8x128xf32, #tpu.memory_space<hbm>> -> memref<1x1x1x8x128xf32, #tpu.memory_space<hbm>>
      %dma_wait3A_294 = tpu.memref_squeeze %dma_wait3A_293 : memref<1x1x1x8x128xf32, #tpu.memory_space<hbm>> -> memref<8x128xf32, #tpu.memory_space<hbm>>
      %dma_wait3A_295 = arith.constant 32 : i32
      %dma_wait3A_296 = arith.constant 0 : i32
      %dma_wait3A_297 = tpu.memref_slice %arg15[%dma_wait3A_295, %dma_wait3A_296] : memref<64x129xf32, #tpu.memory_space<vmem>> -> memref<8x128xf32, #tpu.memory_space<vmem>>
      tpu.wait_dma2 semaphore(%arg18 : memref<!tpu.dma_semaphore, #tpu.memory_space<semaphore_mem>>) src(%dma_wait3A_297 : memref<8x128xf32, #tpu.memory_space<vmem>>) dst(%dma_wait3A_294 : memref<8x128xf32, #tpu.memory_space<hbm>>)
      %dma_wait3A_298 = arith.constant 5 : i32
      %dma_wait3A_299 = arith.constant 40 : i32
      %dma_wait3A_300 = arith.constant 0 : i32
      %dma_wait3A_301 = tpu.memref_slice %arg15[%dma_wait3A_299, %dma_wait3A_300] : memref<64x129xf32, #tpu.memory_space<vmem>> -> memref<8x128xf32, #tpu.memory_space<vmem>>
      %dma_wait3A_302 = arith.constant 0 : i32
      %dma_wait3A_303 = arith.constant 0 : i32
      %dma_wait3A_304 = tpu.memref_slice %arg4[%add3A_100, %dma_wait3A_298, %add3A, %dma_wait3A_302, %dma_wait3A_303] : memref<50x8x32x8x128xf32, #tpu.memory_space<hbm>> -> memref<1x1x1x8x128xf32, #tpu.memory_space<hbm>>
      %dma_wait3A_305 = tpu.memref_squeeze %dma_wait3A_304 : memref<1x1x1x8x128xf32, #tpu.memory_space<hbm>> -> memref<8x128xf32, #tpu.memory_space<hbm>>
      %dma_wait3A_306 = arith.constant 0 : i32
      %dma_wait3A_307 = arith.constant 0 : i32
      %dma_wait3A_308 = tpu.memref_slice %arg4[%add3A_100, %dma_wait3A_298, %add3A, %dma_wait3A_306, %dma_wait3A_307] : memref<50x8x32x8x128xf32, #tpu.memory_space<hbm>> -> memref<1x1x1x8x128xf32, #tpu.memory_space<hbm>>
      %dma_wait3A_309 = tpu.memref_squeeze %dma_wait3A_308 : memref<1x1x1x8x128xf32, #tpu.memory_space<hbm>> -> memref<8x128xf32, #tpu.memory_space<hbm>>
      %dma_wait3A_310 = arith.constant 40 : i32
      %dma_wait3A_311 = arith.constant 0 : i32
      %dma_wait3A_312 = tpu.memref_slice %arg15[%dma_wait3A_310, %dma_wait3A_311] : memref<64x129xf32, #tpu.memory_space<vmem>> -> memref<8x128xf32, #tpu.memory_space<vmem>>
      tpu.wait_dma2 semaphore(%arg18 : memref<!tpu.dma_semaphore, #tpu.memory_space<semaphore_mem>>) src(%dma_wait3A_312 : memref<8x128xf32, #tpu.memory_space<vmem>>) dst(%dma_wait3A_309 : memref<8x128xf32, #tpu.memory_space<hbm>>)
      %dma_wait3A_313 = arith.constant 6 : i32
      %dma_wait3A_314 = arith.constant 48 : i32
      %dma_wait3A_315 = arith.constant 0 : i32
      %dma_wait3A_316 = tpu.memref_slice %arg15[%dma_wait3A_314, %dma_wait3A_315] : memref<64x129xf32, #tpu.memory_space<vmem>> -> memref<8x128xf32, #tpu.memory_space<vmem>>
      %dma_wait3A_317 = arith.constant 0 : i32
      %dma_wait3A_318 = arith.constant 0 : i32
      %dma_wait3A_319 = tpu.memref_slice %arg4[%add3A_100, %dma_wait3A_313, %add3A, %dma_wait3A_317, %dma_wait3A_318] : memref<50x8x32x8x128xf32, #tpu.memory_space<hbm>> -> memref<1x1x1x8x128xf32, #tpu.memory_space<hbm>>
      %dma_wait3A_320 = tpu.memref_squeeze %dma_wait3A_319 : memref<1x1x1x8x128xf32, #tpu.memory_space<hbm>> -> memref<8x128xf32, #tpu.memory_space<hbm>>
      %dma_wait3A_321 = arith.constant 0 : i32
      %dma_wait3A_322 = arith.constant 0 : i32
      %dma_wait3A_323 = tpu.memref_slice %arg4[%add3A_100, %dma_wait3A_313, %add3A, %dma_wait3A_321, %dma_wait3A_322] : memref<50x8x32x8x128xf32, #tpu.memory_space<hbm>> -> memref<1x1x1x8x128xf32, #tpu.memory_space<hbm>>
      %dma_wait3A_324 = tpu.memref_squeeze %dma_wait3A_323 : memref<1x1x1x8x128xf32, #tpu.memory_space<hbm>> -> memref<8x128xf32, #tpu.memory_space<hbm>>
      %dma_wait3A_325 = arith.constant 48 : i32
      %dma_wait3A_326 = arith.constant 0 : i32
      %dma_wait3A_327 = tpu.memref_slice %arg15[%dma_wait3A_325, %dma_wait3A_326] : memref<64x129xf32, #tpu.memory_space<vmem>> -> memref<8x128xf32, #tpu.memory_space<vmem>>
      tpu.wait_dma2 semaphore(%arg18 : memref<!tpu.dma_semaphore, #tpu.memory_space<semaphore_mem>>) src(%dma_wait3A_327 : memref<8x128xf32, #tpu.memory_space<vmem>>) dst(%dma_wait3A_324 : memref<8x128xf32, #tpu.memory_space<hbm>>)
      %dma_wait3A_328 = arith.constant 7 : i32
      %dma_wait3A_329 = arith.constant 56 : i32
      %dma_wait3A_330 = arith.constant 0 : i32
      %dma_wait3A_331 = tpu.memref_slice %arg15[%dma_wait3A_329, %dma_wait3A_330] : memref<64x129xf32, #tpu.memory_space<vmem>> -> memref<8x128xf32, #tpu.memory_space<vmem>>
      %dma_wait3A_332 = arith.constant 0 : i32
      %dma_wait3A_333 = arith.constant 0 : i32
      %dma_wait3A_334 = tpu.memref_slice %arg4[%add3A_100, %dma_wait3A_328, %add3A, %dma_wait3A_332, %dma_wait3A_333] : memref<50x8x32x8x128xf32, #tpu.memory_space<hbm>> -> memref<1x1x1x8x128xf32, #tpu.memory_space<hbm>>
      %dma_wait3A_335 = tpu.memref_squeeze %dma_wait3A_334 : memref<1x1x1x8x128xf32, #tpu.memory_space<hbm>> -> memref<8x128xf32, #tpu.memory_space<hbm>>
      %dma_wait3A_336 = arith.constant 0 : i32
      %dma_wait3A_337 = arith.constant 0 : i32
      %dma_wait3A_338 = tpu.memref_slice %arg4[%add3A_100, %dma_wait3A_328, %add3A, %dma_wait3A_336, %dma_wait3A_337] : memref<50x8x32x8x128xf32, #tpu.memory_space<hbm>> -> memref<1x1x1x8x128xf32, #tpu.memory_space<hbm>>
      %dma_wait3A_339 = tpu.memref_squeeze %dma_wait3A_338 : memref<1x1x1x8x128xf32, #tpu.memory_space<hbm>> -> memref<8x128xf32, #tpu.memory_space<hbm>>
      %dma_wait3A_340 = arith.constant 56 : i32
      %dma_wait3A_341 = arith.constant 0 : i32
      %dma_wait3A_342 = tpu.memref_slice %arg15[%dma_wait3A_340, %dma_wait3A_341] : memref<64x129xf32, #tpu.memory_space<vmem>> -> memref<8x128xf32, #tpu.memory_space<vmem>>
      tpu.wait_dma2 semaphore(%arg18 : memref<!tpu.dma_semaphore, #tpu.memory_space<semaphore_mem>>) src(%dma_wait3A_342 : memref<8x128xf32, #tpu.memory_space<vmem>>) dst(%dma_wait3A_339 : memref<8x128xf32, #tpu.memory_space<hbm>>)
      %dma_wait3A_343 = arith.constant 0 : i32
      %dma_wait3A_344 = arith.constant 0 : i32
      %dma_wait3A_345 = tpu.memref_slice %arg3[%dma_wait3A_343, %dma_wait3A_344] : memref<100000x64xf32, #tpu.memory_space<hbm>> -> memref<100000x64xf32, #tpu.memory_space<hbm>>
      tpu.wait_indirect_dma semaphore(%arg17 : memref<!tpu.dma_semaphore, #tpu.memory_space<semaphore_mem>>) src(%dma_wait3A_345 : memref<100000x64xf32, #tpu.memory_space<hbm>>) dst(%arg11 : memref<128x64xf32, #tpu.memory_space<vmem>>)
      %mul3A_346 = arith.constant 5 : i32
      %mul3A_347 = arith.muli %scan3A_20, %mul3A_346 : i32
      %add3A_348 = arith.constant 1 : i32
      %add3A_349 = arith.addi %mul3A_347, %add3A_348 : i32
      %parallel_loop3A_350 = arith.constant 0 : i32
      %parallel_loop3A_351 = arith.constant 128 : i32
      %parallel_loop3A_352 = arith.constant 1 : i32
      scf.for %parallel_loop3A_1343 = %parallel_loop3A_350 to %parallel_loop3A_351 step %parallel_loop3A_352  : i32 {
        %parallel_loop3A_1344 = vector.broadcast %parallel_loop3A_1343 : i32 to vector<16xi32>
        %parallel_loop3A_1345 = arith.index_cast %parallel_loop3A_1343 : i32 to index
        %parallel_loop3A_1346 = arith.constant 0 : index
        %parallel_loop3A_1347 = tpu.vector_load %arg11[%parallel_loop3A_1345, %parallel_loop3A_1346] {strides = array<i32>} : memref<128x64xf32, #tpu.memory_space<vmem>>, vector<16xf32>,
        tpu.vector_store_idx %arg15[%add3A_5, %parallel_loop3A_1344], %parallel_loop3A_1347 : memref<64x129xf32, #tpu.memory_space<vmem>>[vector<16xi32>, vector<16xi32>], vector<16xf32>,
        %parallel_loop3A_1348 = arith.index_cast %parallel_loop3A_1343 : i32 to index
        %parallel_loop3A_1349 = arith.constant 16 : index
        %parallel_loop3A_1350 = tpu.vector_load %arg11[%parallel_loop3A_1348, %parallel_loop3A_1349] {strides = array<i32>} : memref<128x64xf32, #tpu.memory_space<vmem>>, vector<16xf32>,
        tpu.vector_store_idx %arg15[%add3A_8, %parallel_loop3A_1344], %parallel_loop3A_1350 : memref<64x129xf32, #tpu.memory_space<vmem>>[vector<16xi32>, vector<16xi32>], vector<16xf32>,
        %parallel_loop3A_1351 = arith.index_cast %parallel_loop3A_1343 : i32 to index
        %parallel_loop3A_1352 = arith.constant 32 : index
        %parallel_loop3A_1353 = tpu.vector_load %arg11[%parallel_loop3A_1351, %parallel_loop3A_1352] {strides = array<i32>} : memref<128x64xf32, #tpu.memory_space<vmem>>, vector<16xf32>,
        tpu.vector_store_idx %arg15[%add3A_11, %parallel_loop3A_1344], %parallel_loop3A_1353 : memref<64x129xf32, #tpu.memory_space<vmem>>[vector<16xi32>, vector<16xi32>], vector<16xf32>,
        %parallel_loop3A_1354 = arith.index_cast %parallel_loop3A_1343 : i32 to index
        %parallel_loop3A_1355 = arith.constant 48 : index
        %parallel_loop3A_1356 = tpu.vector_load %arg11[%parallel_loop3A_1354, %parallel_loop3A_1355] {strides = array<i32>} : memref<128x64xf32, #tpu.memory_space<vmem>>, vector<16xf32>,
        tpu.vector_store_idx %arg15[%add3A_14, %parallel_loop3A_1344], %parallel_loop3A_1356 : memref<64x129xf32, #tpu.memory_space<vmem>>[vector<16xi32>, vector<16xi32>], vector<16xf32>,
      } {sc.loop_unroll_factor = 4 : i64, sc.parallel_access}
      %dma_start3A_353 = arith.constant 0 : i32
      %dma_start3A_354 = arith.constant 0 : i32
      %dma_start3A_355 = arith.constant 0 : i32
      %dma_start3A_356 = tpu.memref_slice %arg15[%dma_start3A_354, %dma_start3A_355] : memref<64x129xf32, #tpu.memory_space<vmem>> -> memref<8x128xf32, #tpu.memory_space<vmem>>
      %dma_start3A_357 = arith.constant 0 : i32
      %dma_start3A_358 = arith.constant 0 : i32
      %dma_start3A_359 = tpu.memref_slice %arg4[%add3A_349, %dma_start3A_353, %add3A, %dma_start3A_357, %dma_start3A_358] : memref<50x8x32x8x128xf32, #tpu.memory_space<hbm>> -> memref<1x1x1x8x128xf32, #tpu.memory_space<hbm>>
      %dma_start3A_360 = tpu.memref_squeeze %dma_start3A_359 : memref<1x1x1x8x128xf32, #tpu.memory_space<hbm>> -> memref<8x128xf32, #tpu.memory_space<hbm>>
      %dma_start3A_361 = arith.constant 0 : i32
      %dma_start3A_362 = arith.constant 0 : i32
      %dma_start3A_363 = tpu.memref_slice %arg4[%add3A_349, %dma_start3A_353, %add3A, %dma_start3A_361, %dma_start3A_362] : memref<50x8x32x8x128xf32, #tpu.memory_space<hbm>> -> memref<1x1x1x8x128xf32, #tpu.memory_space<hbm>>
      %dma_start3A_364 = tpu.memref_squeeze %dma_start3A_363 : memref<1x1x1x8x128xf32, #tpu.memory_space<hbm>> -> memref<8x128xf32, #tpu.memory_space<hbm>>
      %dma_start3A_365 = arith.constant 0 : i32
      %dma_start3A_366 = arith.constant 0 : i32
      %dma_start3A_367 = tpu.memref_slice %arg15[%dma_start3A_365, %dma_start3A_366] : memref<64x129xf32, #tpu.memory_space<vmem>> -> memref<8x128xf32, #tpu.memory_space<vmem>>
      tpu.enqueue_dma source(%dma_start3A_367 : memref<8x128xf32, #tpu.memory_space<vmem>>) target(%dma_start3A_364 : memref<8x128xf32, #tpu.memory_space<hbm>>) target_semaphore(%arg18 : memref<!tpu.dma_semaphore, #tpu.memory_space<semaphore_mem>>)
      %dma_start3A_368 = arith.constant 1 : i32
      %dma_start3A_369 = arith.constant 8 : i32
      %dma_start3A_370 = arith.constant 0 : i32
      %dma_start3A_371 = tpu.memref_slice %arg15[%dma_start3A_369, %dma_start3A_370] : memref<64x129xf32, #tpu.memory_space<vmem>> -> memref<8x128xf32, #tpu.memory_space<vmem>>
      %dma_start3A_372 = arith.constant 0 : i32
      %dma_start3A_373 = arith.constant 0 : i32
      %dma_start3A_374 = tpu.memref_slice %arg4[%add3A_349, %dma_start3A_368, %add3A, %dma_start3A_372, %dma_start3A_373] : memref<50x8x32x8x128xf32, #tpu.memory_space<hbm>> -> memref<1x1x1x8x128xf32, #tpu.memory_space<hbm>>
      %dma_start3A_375 = tpu.memref_squeeze %dma_start3A_374 : memref<1x1x1x8x128xf32, #tpu.memory_space<hbm>> -> memref<8x128xf32, #tpu.memory_space<hbm>>
      %dma_start3A_376 = arith.constant 0 : i32
      %dma_start3A_377 = arith.constant 0 : i32
      %dma_start3A_378 = tpu.memref_slice %arg4[%add3A_349, %dma_start3A_368, %add3A, %dma_start3A_376, %dma_start3A_377] : memref<50x8x32x8x128xf32, #tpu.memory_space<hbm>> -> memref<1x1x1x8x128xf32, #tpu.memory_space<hbm>>
      %dma_start3A_379 = tpu.memref_squeeze %dma_start3A_378 : memref<1x1x1x8x128xf32, #tpu.memory_space<hbm>> -> memref<8x128xf32, #tpu.memory_space<hbm>>
      %dma_start3A_380 = arith.constant 8 : i32
      %dma_start3A_381 = arith.constant 0 : i32
      %dma_start3A_382 = tpu.memref_slice %arg15[%dma_start3A_380, %dma_start3A_381] : memref<64x129xf32, #tpu.memory_space<vmem>> -> memref<8x128xf32, #tpu.memory_space<vmem>>
      tpu.enqueue_dma source(%dma_start3A_382 : memref<8x128xf32, #tpu.memory_space<vmem>>) target(%dma_start3A_379 : memref<8x128xf32, #tpu.memory_space<hbm>>) target_semaphore(%arg18 : memref<!tpu.dma_semaphore, #tpu.memory_space<semaphore_mem>>)
      %dma_start3A_383 = arith.constant 2 : i32
      %dma_start3A_384 = arith.constant 16 : i32
      %dma_start3A_385 = arith.constant 0 : i32
      %dma_start3A_386 = tpu.memref_slice %arg15[%dma_start3A_384, %dma_start3A_385] : memref<64x129xf32, #tpu.memory_space<vmem>> -> memref<8x128xf32, #tpu.memory_space<vmem>>
      %dma_start3A_387 = arith.constant 0 : i32
      %dma_start3A_388 = arith.constant 0 : i32
      %dma_start3A_389 = tpu.memref_slice %arg4[%add3A_349, %dma_start3A_383, %add3A, %dma_start3A_387, %dma_start3A_388] : memref<50x8x32x8x128xf32, #tpu.memory_space<hbm>> -> memref<1x1x1x8x128xf32, #tpu.memory_space<hbm>>
      %dma_start3A_390 = tpu.memref_squeeze %dma_start3A_389 : memref<1x1x1x8x128xf32, #tpu.memory_space<hbm>> -> memref<8x128xf32, #tpu.memory_space<hbm>>
      %dma_start3A_391 = arith.constant 0 : i32
      %dma_start3A_392 = arith.constant 0 : i32
      %dma_start3A_393 = tpu.memref_slice %arg4[%add3A_349, %dma_start3A_383, %add3A, %dma_start3A_391, %dma_start3A_392] : memref<50x8x32x8x128xf32, #tpu.memory_space<hbm>> -> memref<1x1x1x8x128xf32, #tpu.memory_space<hbm>>
      %dma_start3A_394 = tpu.memref_squeeze %dma_start3A_393 : memref<1x1x1x8x128xf32, #tpu.memory_space<hbm>> -> memref<8x128xf32, #tpu.memory_space<hbm>>
      %dma_start3A_395 = arith.constant 16 : i32
      %dma_start3A_396 = arith.constant 0 : i32
      %dma_start3A_397 = tpu.memref_slice %arg15[%dma_start3A_395, %dma_start3A_396] : memref<64x129xf32, #tpu.memory_space<vmem>> -> memref<8x128xf32, #tpu.memory_space<vmem>>
      tpu.enqueue_dma source(%dma_start3A_397 : memref<8x128xf32, #tpu.memory_space<vmem>>) target(%dma_start3A_394 : memref<8x128xf32, #tpu.memory_space<hbm>>) target_semaphore(%arg18 : memref<!tpu.dma_semaphore, #tpu.memory_space<semaphore_mem>>)
      %dma_start3A_398 = arith.constant 3 : i32
      %dma_start3A_399 = arith.constant 24 : i32
      %dma_start3A_400 = arith.constant 0 : i32
      %dma_start3A_401 = tpu.memref_slice %arg15[%dma_start3A_399, %dma_start3A_400] : memref<64x129xf32, #tpu.memory_space<vmem>> -> memref<8x128xf32, #tpu.memory_space<vmem>>
      %dma_start3A_402 = arith.constant 0 : i32
      %dma_start3A_403 = arith.constant 0 : i32
      %dma_start3A_404 = tpu.memref_slice %arg4[%add3A_349, %dma_start3A_398, %add3A, %dma_start3A_402, %dma_start3A_403] : memref<50x8x32x8x128xf32, #tpu.memory_space<hbm>> -> memref<1x1x1x8x128xf32, #tpu.memory_space<hbm>>
      %dma_start3A_405 = tpu.memref_squeeze %dma_start3A_404 : memref<1x1x1x8x128xf32, #tpu.memory_space<hbm>> -> memref<8x128xf32, #tpu.memory_space<hbm>>
      %dma_start3A_406 = arith.constant 0 : i32
      %dma_start3A_407 = arith.constant 0 : i32
      %dma_start3A_408 = tpu.memref_slice %arg4[%add3A_349, %dma_start3A_398, %add3A, %dma_start3A_406, %dma_start3A_407] : memref<50x8x32x8x128xf32, #tpu.memory_space<hbm>> -> memref<1x1x1x8x128xf32, #tpu.memory_space<hbm>>
      %dma_start3A_409 = tpu.memref_squeeze %dma_start3A_408 : memref<1x1x1x8x128xf32, #tpu.memory_space<hbm>> -> memref<8x128xf32, #tpu.memory_space<hbm>>
      %dma_start3A_410 = arith.constant 24 : i32
      %dma_start3A_411 = arith.constant 0 : i32
      %dma_start3A_412 = tpu.memref_slice %arg15[%dma_start3A_410, %dma_start3A_411] : memref<64x129xf32, #tpu.memory_space<vmem>> -> memref<8x128xf32, #tpu.memory_space<vmem>>
      tpu.enqueue_dma source(%dma_start3A_412 : memref<8x128xf32, #tpu.memory_space<vmem>>) target(%dma_start3A_409 : memref<8x128xf32, #tpu.memory_space<hbm>>) target_semaphore(%arg18 : memref<!tpu.dma_semaphore, #tpu.memory_space<semaphore_mem>>)
      %dma_start3A_413 = arith.constant 4 : i32
      %dma_start3A_414 = arith.constant 32 : i32
      %dma_start3A_415 = arith.constant 0 : i32
      %dma_start3A_416 = tpu.memref_slice %arg15[%dma_start3A_414, %dma_start3A_415] : memref<64x129xf32, #tpu.memory_space<vmem>> -> memref<8x128xf32, #tpu.memory_space<vmem>>
      %dma_start3A_417 = arith.constant 0 : i32
      %dma_start3A_418 = arith.constant 0 : i32
      %dma_start3A_419 = tpu.memref_slice %arg4[%add3A_349, %dma_start3A_413, %add3A, %dma_start3A_417, %dma_start3A_418] : memref<50x8x32x8x128xf32, #tpu.memory_space<hbm>> -> memref<1x1x1x8x128xf32, #tpu.memory_space<hbm>>
      %dma_start3A_420 = tpu.memref_squeeze %dma_start3A_419 : memref<1x1x1x8x128xf32, #tpu.memory_space<hbm>> -> memref<8x128xf32, #tpu.memory_space<hbm>>
      %dma_start3A_421 = arith.constant 0 : i32
      %dma_start3A_422 = arith.constant 0 : i32
      %dma_start3A_423 = tpu.memref_slice %arg4[%add3A_349, %dma_start3A_413, %add3A, %dma_start3A_421, %dma_start3A_422] : memref<50x8x32x8x128xf32, #tpu.memory_space<hbm>> -> memref<1x1x1x8x128xf32, #tpu.memory_space<hbm>>
      %dma_start3A_424 = tpu.memref_squeeze %dma_start3A_423 : memref<1x1x1x8x128xf32, #tpu.memory_space<hbm>> -> memref<8x128xf32, #tpu.memory_space<hbm>>
      %dma_start3A_425 = arith.constant 32 : i32
      %dma_start3A_426 = arith.constant 0 : i32
      %dma_start3A_427 = tpu.memref_slice %arg15[%dma_start3A_425, %dma_start3A_426] : memref<64x129xf32, #tpu.memory_space<vmem>> -> memref<8x128xf32, #tpu.memory_space<vmem>>
      tpu.enqueue_dma source(%dma_start3A_427 : memref<8x128xf32, #tpu.memory_space<vmem>>) target(%dma_start3A_424 : memref<8x128xf32, #tpu.memory_space<hbm>>) target_semaphore(%arg18 : memref<!tpu.dma_semaphore, #tpu.memory_space<semaphore_mem>>)
      %dma_start3A_428 = arith.constant 5 : i32
      %dma_start3A_429 = arith.constant 40 : i32
      %dma_start3A_430 = arith.constant 0 : i32
      %dma_start3A_431 = tpu.memref_slice %arg15[%dma_start3A_429, %dma_start3A_430] : memref<64x129xf32, #tpu.memory_space<vmem>> -> memref<8x128xf32, #tpu.memory_space<vmem>>
      %dma_start3A_432 = arith.constant 0 : i32
      %dma_start3A_433 = arith.constant 0 : i32
      %dma_start3A_434 = tpu.memref_slice %arg4[%add3A_349, %dma_start3A_428, %add3A, %dma_start3A_432, %dma_start3A_433] : memref<50x8x32x8x128xf32, #tpu.memory_space<hbm>> -> memref<1x1x1x8x128xf32, #tpu.memory_space<hbm>>
      %dma_start3A_435 = tpu.memref_squeeze %dma_start3A_434 : memref<1x1x1x8x128xf32, #tpu.memory_space<hbm>> -> memref<8x128xf32, #tpu.memory_space<hbm>>
      %dma_start3A_436 = arith.constant 0 : i32
      %dma_start3A_437 = arith.constant 0 : i32
      %dma_start3A_438 = tpu.memref_slice %arg4[%add3A_349, %dma_start3A_428, %add3A, %dma_start3A_436, %dma_start3A_437] : memref<50x8x32x8x128xf32, #tpu.memory_space<hbm>> -> memref<1x1x1x8x128xf32, #tpu.memory_space<hbm>>
      %dma_start3A_439 = tpu.memref_squeeze %dma_start3A_438 : memref<1x1x1x8x128xf32, #tpu.memory_space<hbm>> -> memref<8x128xf32, #tpu.memory_space<hbm>>
      %dma_start3A_440 = arith.constant 40 : i32
      %dma_start3A_441 = arith.constant 0 : i32
      %dma_start3A_442 = tpu.memref_slice %arg15[%dma_start3A_440, %dma_start3A_441] : memref<64x129xf32, #tpu.memory_space<vmem>> -> memref<8x128xf32, #tpu.memory_space<vmem>>
      tpu.enqueue_dma source(%dma_start3A_442 : memref<8x128xf32, #tpu.memory_space<vmem>>) target(%dma_start3A_439 : memref<8x128xf32, #tpu.memory_space<hbm>>) target_semaphore(%arg18 : memref<!tpu.dma_semaphore, #tpu.memory_space<semaphore_mem>>)
      %dma_start3A_443 = arith.constant 6 : i32
      %dma_start3A_444 = arith.constant 48 : i32
      %dma_start3A_445 = arith.constant 0 : i32
      %dma_start3A_446 = tpu.memref_slice %arg15[%dma_start3A_444, %dma_start3A_445] : memref<64x129xf32, #tpu.memory_space<vmem>> -> memref<8x128xf32, #tpu.memory_space<vmem>>
      %dma_start3A_447 = arith.constant 0 : i32
      %dma_start3A_448 = arith.constant 0 : i32
      %dma_start3A_449 = tpu.memref_slice %arg4[%add3A_349, %dma_start3A_443, %add3A, %dma_start3A_447, %dma_start3A_448] : memref<50x8x32x8x128xf32, #tpu.memory_space<hbm>> -> memref<1x1x1x8x128xf32, #tpu.memory_space<hbm>>
      %dma_start3A_450 = tpu.memref_squeeze %dma_start3A_449 : memref<1x1x1x8x128xf32, #tpu.memory_space<hbm>> -> memref<8x128xf32, #tpu.memory_space<hbm>>
      %dma_start3A_451 = arith.constant 0 : i32
      %dma_start3A_452 = arith.constant 0 : i32
      %dma_start3A_453 = tpu.memref_slice %arg4[%add3A_349, %dma_start3A_443, %add3A, %dma_start3A_451, %dma_start3A_452] : memref<50x8x32x8x128xf32, #tpu.memory_space<hbm>> -> memref<1x1x1x8x128xf32, #tpu.memory_space<hbm>>
      %dma_start3A_454 = tpu.memref_squeeze %dma_start3A_453 : memref<1x1x1x8x128xf32, #tpu.memory_space<hbm>> -> memref<8x128xf32, #tpu.memory_space<hbm>>
      %dma_start3A_455 = arith.constant 48 : i32
      %dma_start3A_456 = arith.constant 0 : i32
      %dma_start3A_457 = tpu.memref_slice %arg15[%dma_start3A_455, %dma_start3A_456] : memref<64x129xf32, #tpu.memory_space<vmem>> -> memref<8x128xf32, #tpu.memory_space<vmem>>
      tpu.enqueue_dma source(%dma_start3A_457 : memref<8x128xf32, #tpu.memory_space<vmem>>) target(%dma_start3A_454 : memref<8x128xf32, #tpu.memory_space<hbm>>) target_semaphore(%arg18 : memref<!tpu.dma_semaphore, #tpu.memory_space<semaphore_mem>>)
      %dma_start3A_458 = arith.constant 7 : i32
      %dma_start3A_459 = arith.constant 56 : i32
      %dma_start3A_460 = arith.constant 0 : i32
      %dma_start3A_461 = tpu.memref_slice %arg15[%dma_start3A_459, %dma_start3A_460] : memref<64x129xf32, #tpu.memory_space<vmem>> -> memref<8x128xf32, #tpu.memory_space<vmem>>
      %dma_start3A_462 = arith.constant 0 : i32
      %dma_start3A_463 = arith.constant 0 : i32
      %dma_start3A_464 = tpu.memref_slice %arg4[%add3A_349, %dma_start3A_458, %add3A, %dma_start3A_462, %dma_start3A_463] : memref<50x8x32x8x128xf32, #tpu.memory_space<hbm>> -> memref<1x1x1x8x128xf32, #tpu.memory_space<hbm>>
      %dma_start3A_465 = tpu.memref_squeeze %dma_start3A_464 : memref<1x1x1x8x128xf32, #tpu.memory_space<hbm>> -> memref<8x128xf32, #tpu.memory_space<hbm>>
      %dma_start3A_466 = arith.constant 0 : i32
      %dma_start3A_467 = arith.constant 0 : i32
      %dma_start3A_468 = tpu.memref_slice %arg4[%add3A_349, %dma_start3A_458, %add3A, %dma_start3A_466, %dma_start3A_467] : memref<50x8x32x8x128xf32, #tpu.memory_space<hbm>> -> memref<1x1x1x8x128xf32, #tpu.memory_space<hbm>>
      %dma_start3A_469 = tpu.memref_squeeze %dma_start3A_468 : memref<1x1x1x8x128xf32, #tpu.memory_space<hbm>> -> memref<8x128xf32, #tpu.memory_space<hbm>>
      %dma_start3A_470 = arith.constant 56 : i32
      %dma_start3A_471 = arith.constant 0 : i32
      %dma_start3A_472 = tpu.memref_slice %arg15[%dma_start3A_470, %dma_start3A_471] : memref<64x129xf32, #tpu.memory_space<vmem>> -> memref<8x128xf32, #tpu.memory_space<vmem>>
      tpu.enqueue_dma source(%dma_start3A_472 : memref<8x128xf32, #tpu.memory_space<vmem>>) target(%dma_start3A_469 : memref<8x128xf32, #tpu.memory_space<hbm>>) target_semaphore(%arg18 : memref<!tpu.dma_semaphore, #tpu.memory_space<semaphore_mem>>)
      %dma_wait3A_473 = arith.constant 0 : i32
      %dma_wait3A_474 = arith.constant 0 : i32
      %dma_wait3A_475 = arith.constant 0 : i32
      %dma_wait3A_476 = tpu.memref_slice %arg15[%dma_wait3A_474, %dma_wait3A_475] : memref<64x129xf32, #tpu.memory_space<vmem>> -> memref<8x128xf32, #tpu.memory_space<vmem>>
      %dma_wait3A_477 = arith.constant 0 : i32
      %dma_wait3A_478 = arith.constant 0 : i32
      %dma_wait3A_479 = tpu.memref_slice %arg4[%add3A_349, %dma_wait3A_473, %add3A, %dma_wait3A_477, %dma_wait3A_478] : memref<50x8x32x8x128xf32, #tpu.memory_space<hbm>> -> memref<1x1x1x8x128xf32, #tpu.memory_space<hbm>>
      %dma_wait3A_480 = tpu.memref_squeeze %dma_wait3A_479 : memref<1x1x1x8x128xf32, #tpu.memory_space<hbm>> -> memref<8x128xf32, #tpu.memory_space<hbm>>
      %dma_wait3A_481 = arith.constant 0 : i32
      %dma_wait3A_482 = arith.constant 0 : i32
      %dma_wait3A_483 = tpu.memref_slice %arg4[%add3A_349, %dma_wait3A_473, %add3A, %dma_wait3A_481, %dma_wait3A_482] : memref<50x8x32x8x128xf32, #tpu.memory_space<hbm>> -> memref<1x1x1x8x128xf32, #tpu.memory_space<hbm>>
      %dma_wait3A_484 = tpu.memref_squeeze %dma_wait3A_483 : memref<1x1x1x8x128xf32, #tpu.memory_space<hbm>> -> memref<8x128xf32, #tpu.memory_space<hbm>>
      %dma_wait3A_485 = arith.constant 0 : i32
      %dma_wait3A_486 = arith.constant 0 : i32
      %dma_wait3A_487 = tpu.memref_slice %arg15[%dma_wait3A_485, %dma_wait3A_486] : memref<64x129xf32, #tpu.memory_space<vmem>> -> memref<8x128xf32, #tpu.memory_space<vmem>>
      tpu.wait_dma2 semaphore(%arg18 : memref<!tpu.dma_semaphore, #tpu.memory_space<semaphore_mem>>) src(%dma_wait3A_487 : memref<8x128xf32, #tpu.memory_space<vmem>>) dst(%dma_wait3A_484 : memref<8x128xf32, #tpu.memory_space<hbm>>)
      %dma_wait3A_488 = arith.constant 1 : i32
      %dma_wait3A_489 = arith.constant 8 : i32
      %dma_wait3A_490 = arith.constant 0 : i32
      %dma_wait3A_491 = tpu.memref_slice %arg15[%dma_wait3A_489, %dma_wait3A_490] : memref<64x129xf32, #tpu.memory_space<vmem>> -> memref<8x128xf32, #tpu.memory_space<vmem>>
      %dma_wait3A_492 = arith.constant 0 : i32
      %dma_wait3A_493 = arith.constant 0 : i32
      %dma_wait3A_494 = tpu.memref_slice %arg4[%add3A_349, %dma_wait3A_488, %add3A, %dma_wait3A_492, %dma_wait3A_493] : memref<50x8x32x8x128xf32, #tpu.memory_space<hbm>> -> memref<1x1x1x8x128xf32, #tpu.memory_space<hbm>>
      %dma_wait3A_495 = tpu.memref_squeeze %dma_wait3A_494 : memref<1x1x1x8x128xf32, #tpu.memory_space<hbm>> -> memref<8x128xf32, #tpu.memory_space<hbm>>
      %dma_wait3A_496 = arith.constant 0 : i32
      %dma_wait3A_497 = arith.constant 0 : i32
      %dma_wait3A_498 = tpu.memref_slice %arg4[%add3A_349, %dma_wait3A_488, %add3A, %dma_wait3A_496, %dma_wait3A_497] : memref<50x8x32x8x128xf32, #tpu.memory_space<hbm>> -> memref<1x1x1x8x128xf32, #tpu.memory_space<hbm>>
      %dma_wait3A_499 = tpu.memref_squeeze %dma_wait3A_498 : memref<1x1x1x8x128xf32, #tpu.memory_space<hbm>> -> memref<8x128xf32, #tpu.memory_space<hbm>>
      %dma_wait3A_500 = arith.constant 8 : i32
      %dma_wait3A_501 = arith.constant 0 : i32
      %dma_wait3A_502 = tpu.memref_slice %arg15[%dma_wait3A_500, %dma_wait3A_501] : memref<64x129xf32, #tpu.memory_space<vmem>> -> memref<8x128xf32, #tpu.memory_space<vmem>>
      tpu.wait_dma2 semaphore(%arg18 : memref<!tpu.dma_semaphore, #tpu.memory_space<semaphore_mem>>) src(%dma_wait3A_502 : memref<8x128xf32, #tpu.memory_space<vmem>>) dst(%dma_wait3A_499 : memref<8x128xf32, #tpu.memory_space<hbm>>)
      %dma_wait3A_503 = arith.constant 2 : i32
      %dma_wait3A_504 = arith.constant 16 : i32
      %dma_wait3A_505 = arith.constant 0 : i32
      %dma_wait3A_506 = tpu.memref_slice %arg15[%dma_wait3A_504, %dma_wait3A_505] : memref<64x129xf32, #tpu.memory_space<vmem>> -> memref<8x128xf32, #tpu.memory_space<vmem>>
      %dma_wait3A_507 = arith.constant 0 : i32
      %dma_wait3A_508 = arith.constant 0 : i32
      %dma_wait3A_509 = tpu.memref_slice %arg4[%add3A_349, %dma_wait3A_503, %add3A, %dma_wait3A_507, %dma_wait3A_508] : memref<50x8x32x8x128xf32, #tpu.memory_space<hbm>> -> memref<1x1x1x8x128xf32, #tpu.memory_space<hbm>>
      %dma_wait3A_510 = tpu.memref_squeeze %dma_wait3A_509 : memref<1x1x1x8x128xf32, #tpu.memory_space<hbm>> -> memref<8x128xf32, #tpu.memory_space<hbm>>
      %dma_wait3A_511 = arith.constant 0 : i32
      %dma_wait3A_512 = arith.constant 0 : i32
      %dma_wait3A_513 = tpu.memref_slice %arg4[%add3A_349, %dma_wait3A_503, %add3A, %dma_wait3A_511, %dma_wait3A_512] : memref<50x8x32x8x128xf32, #tpu.memory_space<hbm>> -> memref<1x1x1x8x128xf32, #tpu.memory_space<hbm>>
      %dma_wait3A_514 = tpu.memref_squeeze %dma_wait3A_513 : memref<1x1x1x8x128xf32, #tpu.memory_space<hbm>> -> memref<8x128xf32, #tpu.memory_space<hbm>>
      %dma_wait3A_515 = arith.constant 16 : i32
      %dma_wait3A_516 = arith.constant 0 : i32
      %dma_wait3A_517 = tpu.memref_slice %arg15[%dma_wait3A_515, %dma_wait3A_516] : memref<64x129xf32, #tpu.memory_space<vmem>> -> memref<8x128xf32, #tpu.memory_space<vmem>>
      tpu.wait_dma2 semaphore(%arg18 : memref<!tpu.dma_semaphore, #tpu.memory_space<semaphore_mem>>) src(%dma_wait3A_517 : memref<8x128xf32, #tpu.memory_space<vmem>>) dst(%dma_wait3A_514 : memref<8x128xf32, #tpu.memory_space<hbm>>)
      %dma_wait3A_518 = arith.constant 3 : i32
      %dma_wait3A_519 = arith.constant 24 : i32
      %dma_wait3A_520 = arith.constant 0 : i32
      %dma_wait3A_521 = tpu.memref_slice %arg15[%dma_wait3A_519, %dma_wait3A_520] : memref<64x129xf32, #tpu.memory_space<vmem>> -> memref<8x128xf32, #tpu.memory_space<vmem>>
      %dma_wait3A_522 = arith.constant 0 : i32
      %dma_wait3A_523 = arith.constant 0 : i32
      %dma_wait3A_524 = tpu.memref_slice %arg4[%add3A_349, %dma_wait3A_518, %add3A, %dma_wait3A_522, %dma_wait3A_523] : memref<50x8x32x8x128xf32, #tpu.memory_space<hbm>> -> memref<1x1x1x8x128xf32, #tpu.memory_space<hbm>>
      %dma_wait3A_525 = tpu.memref_squeeze %dma_wait3A_524 : memref<1x1x1x8x128xf32, #tpu.memory_space<hbm>> -> memref<8x128xf32, #tpu.memory_space<hbm>>
      %dma_wait3A_526 = arith.constant 0 : i32
      %dma_wait3A_527 = arith.constant 0 : i32
      %dma_wait3A_528 = tpu.memref_slice %arg4[%add3A_349, %dma_wait3A_518, %add3A, %dma_wait3A_526, %dma_wait3A_527] : memref<50x8x32x8x128xf32, #tpu.memory_space<hbm>> -> memref<1x1x1x8x128xf32, #tpu.memory_space<hbm>>
      %dma_wait3A_529 = tpu.memref_squeeze %dma_wait3A_528 : memref<1x1x1x8x128xf32, #tpu.memory_space<hbm>> -> memref<8x128xf32, #tpu.memory_space<hbm>>
      %dma_wait3A_530 = arith.constant 24 : i32
      %dma_wait3A_531 = arith.constant 0 : i32
      %dma_wait3A_532 = tpu.memref_slice %arg15[%dma_wait3A_530, %dma_wait3A_531] : memref<64x129xf32, #tpu.memory_space<vmem>> -> memref<8x128xf32, #tpu.memory_space<vmem>>
      tpu.wait_dma2 semaphore(%arg18 : memref<!tpu.dma_semaphore, #tpu.memory_space<semaphore_mem>>) src(%dma_wait3A_532 : memref<8x128xf32, #tpu.memory_space<vmem>>) dst(%dma_wait3A_529 : memref<8x128xf32, #tpu.memory_space<hbm>>)
      %dma_wait3A_533 = arith.constant 4 : i32
      %dma_wait3A_534 = arith.constant 32 : i32
      %dma_wait3A_535 = arith.constant 0 : i32
      %dma_wait3A_536 = tpu.memref_slice %arg15[%dma_wait3A_534, %dma_wait3A_535] : memref<64x129xf32, #tpu.memory_space<vmem>> -> memref<8x128xf32, #tpu.memory_space<vmem>>
      %dma_wait3A_537 = arith.constant 0 : i32
      %dma_wait3A_538 = arith.constant 0 : i32
      %dma_wait3A_539 = tpu.memref_slice %arg4[%add3A_349, %dma_wait3A_533, %add3A, %dma_wait3A_537, %dma_wait3A_538] : memref<50x8x32x8x128xf32, #tpu.memory_space<hbm>> -> memref<1x1x1x8x128xf32, #tpu.memory_space<hbm>>
      %dma_wait3A_540 = tpu.memref_squeeze %dma_wait3A_539 : memref<1x1x1x8x128xf32, #tpu.memory_space<hbm>> -> memref<8x128xf32, #tpu.memory_space<hbm>>
      %dma_wait3A_541 = arith.constant 0 : i32
      %dma_wait3A_542 = arith.constant 0 : i32
      %dma_wait3A_543 = tpu.memref_slice %arg4[%add3A_349, %dma_wait3A_533, %add3A, %dma_wait3A_541, %dma_wait3A_542] : memref<50x8x32x8x128xf32, #tpu.memory_space<hbm>> -> memref<1x1x1x8x128xf32, #tpu.memory_space<hbm>>
      %dma_wait3A_544 = tpu.memref_squeeze %dma_wait3A_543 : memref<1x1x1x8x128xf32, #tpu.memory_space<hbm>> -> memref<8x128xf32, #tpu.memory_space<hbm>>
      %dma_wait3A_545 = arith.constant 32 : i32
      %dma_wait3A_546 = arith.constant 0 : i32
      %dma_wait3A_547 = tpu.memref_slice %arg15[%dma_wait3A_545, %dma_wait3A_546] : memref<64x129xf32, #tpu.memory_space<vmem>> -> memref<8x128xf32, #tpu.memory_space<vmem>>
      tpu.wait_dma2 semaphore(%arg18 : memref<!tpu.dma_semaphore, #tpu.memory_space<semaphore_mem>>) src(%dma_wait3A_547 : memref<8x128xf32, #tpu.memory_space<vmem>>) dst(%dma_wait3A_544 : memref<8x128xf32, #tpu.memory_space<hbm>>)
      %dma_wait3A_548 = arith.constant 5 : i32
      %dma_wait3A_549 = arith.constant 40 : i32
      %dma_wait3A_550 = arith.constant 0 : i32
      %dma_wait3A_551 = tpu.memref_slice %arg15[%dma_wait3A_549, %dma_wait3A_550] : memref<64x129xf32, #tpu.memory_space<vmem>> -> memref<8x128xf32, #tpu.memory_space<vmem>>
      %dma_wait3A_552 = arith.constant 0 : i32
      %dma_wait3A_553 = arith.constant 0 : i32
      %dma_wait3A_554 = tpu.memref_slice %arg4[%add3A_349, %dma_wait3A_548, %add3A, %dma_wait3A_552, %dma_wait3A_553] : memref<50x8x32x8x128xf32, #tpu.memory_space<hbm>> -> memref<1x1x1x8x128xf32, #tpu.memory_space<hbm>>
      %dma_wait3A_555 = tpu.memref_squeeze %dma_wait3A_554 : memref<1x1x1x8x128xf32, #tpu.memory_space<hbm>> -> memref<8x128xf32, #tpu.memory_space<hbm>>
      %dma_wait3A_556 = arith.constant 0 : i32
      %dma_wait3A_557 = arith.constant 0 : i32
      %dma_wait3A_558 = tpu.memref_slice %arg4[%add3A_349, %dma_wait3A_548, %add3A, %dma_wait3A_556, %dma_wait3A_557] : memref<50x8x32x8x128xf32, #tpu.memory_space<hbm>> -> memref<1x1x1x8x128xf32, #tpu.memory_space<hbm>>
      %dma_wait3A_559 = tpu.memref_squeeze %dma_wait3A_558 : memref<1x1x1x8x128xf32, #tpu.memory_space<hbm>> -> memref<8x128xf32, #tpu.memory_space<hbm>>
      %dma_wait3A_560 = arith.constant 40 : i32
      %dma_wait3A_561 = arith.constant 0 : i32
      %dma_wait3A_562 = tpu.memref_slice %arg15[%dma_wait3A_560, %dma_wait3A_561] : memref<64x129xf32, #tpu.memory_space<vmem>> -> memref<8x128xf32, #tpu.memory_space<vmem>>
      tpu.wait_dma2 semaphore(%arg18 : memref<!tpu.dma_semaphore, #tpu.memory_space<semaphore_mem>>) src(%dma_wait3A_562 : memref<8x128xf32, #tpu.memory_space<vmem>>) dst(%dma_wait3A_559 : memref<8x128xf32, #tpu.memory_space<hbm>>)
      %dma_wait3A_563 = arith.constant 6 : i32
      %dma_wait3A_564 = arith.constant 48 : i32
      %dma_wait3A_565 = arith.constant 0 : i32
      %dma_wait3A_566 = tpu.memref_slice %arg15[%dma_wait3A_564, %dma_wait3A_565] : memref<64x129xf32, #tpu.memory_space<vmem>> -> memref<8x128xf32, #tpu.memory_space<vmem>>
      %dma_wait3A_567 = arith.constant 0 : i32
      %dma_wait3A_568 = arith.constant 0 : i32
      %dma_wait3A_569 = tpu.memref_slice %arg4[%add3A_349, %dma_wait3A_563, %add3A, %dma_wait3A_567, %dma_wait3A_568] : memref<50x8x32x8x128xf32, #tpu.memory_space<hbm>> -> memref<1x1x1x8x128xf32, #tpu.memory_space<hbm>>
      %dma_wait3A_570 = tpu.memref_squeeze %dma_wait3A_569 : memref<1x1x1x8x128xf32, #tpu.memory_space<hbm>> -> memref<8x128xf32, #tpu.memory_space<hbm>>
      %dma_wait3A_571 = arith.constant 0 : i32
      %dma_wait3A_572 = arith.constant 0 : i32
      %dma_wait3A_573 = tpu.memref_slice %arg4[%add3A_349, %dma_wait3A_563, %add3A, %dma_wait3A_571, %dma_wait3A_572] : memref<50x8x32x8x128xf32, #tpu.memory_space<hbm>> -> memref<1x1x1x8x128xf32, #tpu.memory_space<hbm>>
      %dma_wait3A_574 = tpu.memref_squeeze %dma_wait3A_573 : memref<1x1x1x8x128xf32, #tpu.memory_space<hbm>> -> memref<8x128xf32, #tpu.memory_space<hbm>>
      %dma_wait3A_575 = arith.constant 48 : i32
      %dma_wait3A_576 = arith.constant 0 : i32
      %dma_wait3A_577 = tpu.memref_slice %arg15[%dma_wait3A_575, %dma_wait3A_576] : memref<64x129xf32, #tpu.memory_space<vmem>> -> memref<8x128xf32, #tpu.memory_space<vmem>>
      tpu.wait_dma2 semaphore(%arg18 : memref<!tpu.dma_semaphore, #tpu.memory_space<semaphore_mem>>) src(%dma_wait3A_577 : memref<8x128xf32, #tpu.memory_space<vmem>>) dst(%dma_wait3A_574 : memref<8x128xf32, #tpu.memory_space<hbm>>)
      %dma_wait3A_578 = arith.constant 7 : i32
      %dma_wait3A_579 = arith.constant 56 : i32
      %dma_wait3A_580 = arith.constant 0 : i32
      %dma_wait3A_581 = tpu.memref_slice %arg15[%dma_wait3A_579, %dma_wait3A_580] : memref<64x129xf32, #tpu.memory_space<vmem>> -> memref<8x128xf32, #tpu.memory_space<vmem>>
      %dma_wait3A_582 = arith.constant 0 : i32
      %dma_wait3A_583 = arith.constant 0 : i32
      %dma_wait3A_584 = tpu.memref_slice %arg4[%add3A_349, %dma_wait3A_578, %add3A, %dma_wait3A_582, %dma_wait3A_583] : memref<50x8x32x8x128xf32, #tpu.memory_space<hbm>> -> memref<1x1x1x8x128xf32, #tpu.memory_space<hbm>>
      %dma_wait3A_585 = tpu.memref_squeeze %dma_wait3A_584 : memref<1x1x1x8x128xf32, #tpu.memory_space<hbm>> -> memref<8x128xf32, #tpu.memory_space<hbm>>
      %dma_wait3A_586 = arith.constant 0 : i32
      %dma_wait3A_587 = arith.constant 0 : i32
      %dma_wait3A_588 = tpu.memref_slice %arg4[%add3A_349, %dma_wait3A_578, %add3A, %dma_wait3A_586, %dma_wait3A_587] : memref<50x8x32x8x128xf32, #tpu.memory_space<hbm>> -> memref<1x1x1x8x128xf32, #tpu.memory_space<hbm>>
      %dma_wait3A_589 = tpu.memref_squeeze %dma_wait3A_588 : memref<1x1x1x8x128xf32, #tpu.memory_space<hbm>> -> memref<8x128xf32, #tpu.memory_space<hbm>>
      %dma_wait3A_590 = arith.constant 56 : i32
      %dma_wait3A_591 = arith.constant 0 : i32
      %dma_wait3A_592 = tpu.memref_slice %arg15[%dma_wait3A_590, %dma_wait3A_591] : memref<64x129xf32, #tpu.memory_space<vmem>> -> memref<8x128xf32, #tpu.memory_space<vmem>>
      tpu.wait_dma2 semaphore(%arg18 : memref<!tpu.dma_semaphore, #tpu.memory_space<semaphore_mem>>) src(%dma_wait3A_592 : memref<8x128xf32, #tpu.memory_space<vmem>>) dst(%dma_wait3A_589 : memref<8x128xf32, #tpu.memory_space<hbm>>)
      %dma_wait3A_593 = arith.constant 0 : i32
      %dma_wait3A_594 = arith.constant 0 : i32
      %dma_wait3A_595 = tpu.memref_slice %arg3[%dma_wait3A_593, %dma_wait3A_594] : memref<100000x64xf32, #tpu.memory_space<hbm>> -> memref<100000x64xf32, #tpu.memory_space<hbm>>
      tpu.wait_indirect_dma semaphore(%arg17 : memref<!tpu.dma_semaphore, #tpu.memory_space<semaphore_mem>>) src(%dma_wait3A_595 : memref<100000x64xf32, #tpu.memory_space<hbm>>) dst(%arg12 : memref<128x64xf32, #tpu.memory_space<vmem>>)
      %mul3A_596 = arith.constant 5 : i32
      %mul3A_597 = arith.muli %scan3A_20, %mul3A_596 : i32
      %add3A_598 = arith.constant 2 : i32
      %add3A_599 = arith.addi %mul3A_597, %add3A_598 : i32
      %parallel_loop3A_600 = arith.constant 0 : i32
      %parallel_loop3A_601 = arith.constant 128 : i32
      %parallel_loop3A_602 = arith.constant 1 : i32
      scf.for %parallel_loop3A_1343 = %parallel_loop3A_600 to %parallel_loop3A_601 step %parallel_loop3A_602  : i32 {
        %parallel_loop3A_1344 = vector.broadcast %parallel_loop3A_1343 : i32 to vector<16xi32>
        %parallel_loop3A_1345 = arith.index_cast %parallel_loop3A_1343 : i32 to index
        %parallel_loop3A_1346 = arith.constant 0 : index
        %parallel_loop3A_1347 = tpu.vector_load %arg12[%parallel_loop3A_1345, %parallel_loop3A_1346] {strides = array<i32>} : memref<128x64xf32, #tpu.memory_space<vmem>>, vector<16xf32>,
        tpu.vector_store_idx %arg15[%add3A_5, %parallel_loop3A_1344], %parallel_loop3A_1347 : memref<64x129xf32, #tpu.memory_space<vmem>>[vector<16xi32>, vector<16xi32>], vector<16xf32>,
        %parallel_loop3A_1348 = arith.index_cast %parallel_loop3A_1343 : i32 to index
        %parallel_loop3A_1349 = arith.constant 16 : index
        %parallel_loop3A_1350 = tpu.vector_load %arg12[%parallel_loop3A_1348, %parallel_loop3A_1349] {strides = array<i32>} : memref<128x64xf32, #tpu.memory_space<vmem>>, vector<16xf32>,
        tpu.vector_store_idx %arg15[%add3A_8, %parallel_loop3A_1344], %parallel_loop3A_1350 : memref<64x129xf32, #tpu.memory_space<vmem>>[vector<16xi32>, vector<16xi32>], vector<16xf32>,
        %parallel_loop3A_1351 = arith.index_cast %parallel_loop3A_1343 : i32 to index
        %parallel_loop3A_1352 = arith.constant 32 : index
        %parallel_loop3A_1353 = tpu.vector_load %arg12[%parallel_loop3A_1351, %parallel_loop3A_1352] {strides = array<i32>} : memref<128x64xf32, #tpu.memory_space<vmem>>, vector<16xf32>,
        tpu.vector_store_idx %arg15[%add3A_11, %parallel_loop3A_1344], %parallel_loop3A_1353 : memref<64x129xf32, #tpu.memory_space<vmem>>[vector<16xi32>, vector<16xi32>], vector<16xf32>,
        %parallel_loop3A_1354 = arith.index_cast %parallel_loop3A_1343 : i32 to index
        %parallel_loop3A_1355 = arith.constant 48 : index
        %parallel_loop3A_1356 = tpu.vector_load %arg12[%parallel_loop3A_1354, %parallel_loop3A_1355] {strides = array<i32>} : memref<128x64xf32, #tpu.memory_space<vmem>>, vector<16xf32>,
        tpu.vector_store_idx %arg15[%add3A_14, %parallel_loop3A_1344], %parallel_loop3A_1356 : memref<64x129xf32, #tpu.memory_space<vmem>>[vector<16xi32>, vector<16xi32>], vector<16xf32>,
      } {sc.loop_unroll_factor = 4 : i64, sc.parallel_access}
      %dma_start3A_603 = arith.constant 0 : i32
      %dma_start3A_604 = arith.constant 0 : i32
      %dma_start3A_605 = arith.constant 0 : i32
      %dma_start3A_606 = tpu.memref_slice %arg15[%dma_start3A_604, %dma_start3A_605] : memref<64x129xf32, #tpu.memory_space<vmem>> -> memref<8x128xf32, #tpu.memory_space<vmem>>
      %dma_start3A_607 = arith.constant 0 : i32
      %dma_start3A_608 = arith.constant 0 : i32
      %dma_start3A_609 = tpu.memref_slice %arg4[%add3A_599, %dma_start3A_603, %add3A, %dma_start3A_607, %dma_start3A_608] : memref<50x8x32x8x128xf32, #tpu.memory_space<hbm>> -> memref<1x1x1x8x128xf32, #tpu.memory_space<hbm>>
      %dma_start3A_610 = tpu.memref_squeeze %dma_start3A_609 : memref<1x1x1x8x128xf32, #tpu.memory_space<hbm>> -> memref<8x128xf32, #tpu.memory_space<hbm>>
      %dma_start3A_611 = arith.constant 0 : i32
      %dma_start3A_612 = arith.constant 0 : i32
      %dma_start3A_613 = tpu.memref_slice %arg4[%add3A_599, %dma_start3A_603, %add3A, %dma_start3A_611, %dma_start3A_612] : memref<50x8x32x8x128xf32, #tpu.memory_space<hbm>> -> memref<1x1x1x8x128xf32, #tpu.memory_space<hbm>>
      %dma_start3A_614 = tpu.memref_squeeze %dma_start3A_613 : memref<1x1x1x8x128xf32, #tpu.memory_space<hbm>> -> memref<8x128xf32, #tpu.memory_space<hbm>>
      %dma_start3A_615 = arith.constant 0 : i32
      %dma_start3A_616 = arith.constant 0 : i32
      %dma_start3A_617 = tpu.memref_slice %arg15[%dma_start3A_615, %dma_start3A_616] : memref<64x129xf32, #tpu.memory_space<vmem>> -> memref<8x128xf32, #tpu.memory_space<vmem>>
      tpu.enqueue_dma source(%dma_start3A_617 : memref<8x128xf32, #tpu.memory_space<vmem>>) target(%dma_start3A_614 : memref<8x128xf32, #tpu.memory_space<hbm>>) target_semaphore(%arg18 : memref<!tpu.dma_semaphore, #tpu.memory_space<semaphore_mem>>)
      %dma_start3A_618 = arith.constant 1 : i32
      %dma_start3A_619 = arith.constant 8 : i32
      %dma_start3A_620 = arith.constant 0 : i32
      %dma_start3A_621 = tpu.memref_slice %arg15[%dma_start3A_619, %dma_start3A_620] : memref<64x129xf32, #tpu.memory_space<vmem>> -> memref<8x128xf32, #tpu.memory_space<vmem>>
      %dma_start3A_622 = arith.constant 0 : i32
      %dma_start3A_623 = arith.constant 0 : i32
      %dma_start3A_624 = tpu.memref_slice %arg4[%add3A_599, %dma_start3A_618, %add3A, %dma_start3A_622, %dma_start3A_623] : memref<50x8x32x8x128xf32, #tpu.memory_space<hbm>> -> memref<1x1x1x8x128xf32, #tpu.memory_space<hbm>>
      %dma_start3A_625 = tpu.memref_squeeze %dma_start3A_624 : memref<1x1x1x8x128xf32, #tpu.memory_space<hbm>> -> memref<8x128xf32, #tpu.memory_space<hbm>>
      %dma_start3A_626 = arith.constant 0 : i32
      %dma_start3A_627 = arith.constant 0 : i32
      %dma_start3A_628 = tpu.memref_slice %arg4[%add3A_599, %dma_start3A_618, %add3A, %dma_start3A_626, %dma_start3A_627] : memref<50x8x32x8x128xf32, #tpu.memory_space<hbm>> -> memref<1x1x1x8x128xf32, #tpu.memory_space<hbm>>
      %dma_start3A_629 = tpu.memref_squeeze %dma_start3A_628 : memref<1x1x1x8x128xf32, #tpu.memory_space<hbm>> -> memref<8x128xf32, #tpu.memory_space<hbm>>
      %dma_start3A_630 = arith.constant 8 : i32
      %dma_start3A_631 = arith.constant 0 : i32
      %dma_start3A_632 = tpu.memref_slice %arg15[%dma_start3A_630, %dma_start3A_631] : memref<64x129xf32, #tpu.memory_space<vmem>> -> memref<8x128xf32, #tpu.memory_space<vmem>>
      tpu.enqueue_dma source(%dma_start3A_632 : memref<8x128xf32, #tpu.memory_space<vmem>>) target(%dma_start3A_629 : memref<8x128xf32, #tpu.memory_space<hbm>>) target_semaphore(%arg18 : memref<!tpu.dma_semaphore, #tpu.memory_space<semaphore_mem>>)
      %dma_start3A_633 = arith.constant 2 : i32
      %dma_start3A_634 = arith.constant 16 : i32
      %dma_start3A_635 = arith.constant 0 : i32
      %dma_start3A_636 = tpu.memref_slice %arg15[%dma_start3A_634, %dma_start3A_635] : memref<64x129xf32, #tpu.memory_space<vmem>> -> memref<8x128xf32, #tpu.memory_space<vmem>>
      %dma_start3A_637 = arith.constant 0 : i32
      %dma_start3A_638 = arith.constant 0 : i32
      %dma_start3A_639 = tpu.memref_slice %arg4[%add3A_599, %dma_start3A_633, %add3A, %dma_start3A_637, %dma_start3A_638] : memref<50x8x32x8x128xf32, #tpu.memory_space<hbm>> -> memref<1x1x1x8x128xf32, #tpu.memory_space<hbm>>
      %dma_start3A_640 = tpu.memref_squeeze %dma_start3A_639 : memref<1x1x1x8x128xf32, #tpu.memory_space<hbm>> -> memref<8x128xf32, #tpu.memory_space<hbm>>
      %dma_start3A_641 = arith.constant 0 : i32
      %dma_start3A_642 = arith.constant 0 : i32
      %dma_start3A_643 = tpu.memref_slice %arg4[%add3A_599, %dma_start3A_633, %add3A, %dma_start3A_641, %dma_start3A_642] : memref<50x8x32x8x128xf32, #tpu.memory_space<hbm>> -> memref<1x1x1x8x128xf32, #tpu.memory_space<hbm>>
      %dma_start3A_644 = tpu.memref_squeeze %dma_start3A_643 : memref<1x1x1x8x128xf32, #tpu.memory_space<hbm>> -> memref<8x128xf32, #tpu.memory_space<hbm>>
      %dma_start3A_645 = arith.constant 16 : i32
      %dma_start3A_646 = arith.constant 0 : i32
      %dma_start3A_647 = tpu.memref_slice %arg15[%dma_start3A_645, %dma_start3A_646] : memref<64x129xf32, #tpu.memory_space<vmem>> -> memref<8x128xf32, #tpu.memory_space<vmem>>
      tpu.enqueue_dma source(%dma_start3A_647 : memref<8x128xf32, #tpu.memory_space<vmem>>) target(%dma_start3A_644 : memref<8x128xf32, #tpu.memory_space<hbm>>) target_semaphore(%arg18 : memref<!tpu.dma_semaphore, #tpu.memory_space<semaphore_mem>>)
      %dma_start3A_648 = arith.constant 3 : i32
      %dma_start3A_649 = arith.constant 24 : i32
      %dma_start3A_650 = arith.constant 0 : i32
      %dma_start3A_651 = tpu.memref_slice %arg15[%dma_start3A_649, %dma_start3A_650] : memref<64x129xf32, #tpu.memory_space<vmem>> -> memref<8x128xf32, #tpu.memory_space<vmem>>
      %dma_start3A_652 = arith.constant 0 : i32
      %dma_start3A_653 = arith.constant 0 : i32
      %dma_start3A_654 = tpu.memref_slice %arg4[%add3A_599, %dma_start3A_648, %add3A, %dma_start3A_652, %dma_start3A_653] : memref<50x8x32x8x128xf32, #tpu.memory_space<hbm>> -> memref<1x1x1x8x128xf32, #tpu.memory_space<hbm>>
      %dma_start3A_655 = tpu.memref_squeeze %dma_start3A_654 : memref<1x1x1x8x128xf32, #tpu.memory_space<hbm>> -> memref<8x128xf32, #tpu.memory_space<hbm>>
      %dma_start3A_656 = arith.constant 0 : i32
      %dma_start3A_657 = arith.constant 0 : i32
      %dma_start3A_658 = tpu.memref_slice %arg4[%add3A_599, %dma_start3A_648, %add3A, %dma_start3A_656, %dma_start3A_657] : memref<50x8x32x8x128xf32, #tpu.memory_space<hbm>> -> memref<1x1x1x8x128xf32, #tpu.memory_space<hbm>>
      %dma_start3A_659 = tpu.memref_squeeze %dma_start3A_658 : memref<1x1x1x8x128xf32, #tpu.memory_space<hbm>> -> memref<8x128xf32, #tpu.memory_space<hbm>>
      %dma_start3A_660 = arith.constant 24 : i32
      %dma_start3A_661 = arith.constant 0 : i32
      %dma_start3A_662 = tpu.memref_slice %arg15[%dma_start3A_660, %dma_start3A_661] : memref<64x129xf32, #tpu.memory_space<vmem>> -> memref<8x128xf32, #tpu.memory_space<vmem>>
      tpu.enqueue_dma source(%dma_start3A_662 : memref<8x128xf32, #tpu.memory_space<vmem>>) target(%dma_start3A_659 : memref<8x128xf32, #tpu.memory_space<hbm>>) target_semaphore(%arg18 : memref<!tpu.dma_semaphore, #tpu.memory_space<semaphore_mem>>)
      %dma_start3A_663 = arith.constant 4 : i32
      %dma_start3A_664 = arith.constant 32 : i32
      %dma_start3A_665 = arith.constant 0 : i32
      %dma_start3A_666 = tpu.memref_slice %arg15[%dma_start3A_664, %dma_start3A_665] : memref<64x129xf32, #tpu.memory_space<vmem>> -> memref<8x128xf32, #tpu.memory_space<vmem>>
      %dma_start3A_667 = arith.constant 0 : i32
      %dma_start3A_668 = arith.constant 0 : i32
      %dma_start3A_669 = tpu.memref_slice %arg4[%add3A_599, %dma_start3A_663, %add3A, %dma_start3A_667, %dma_start3A_668] : memref<50x8x32x8x128xf32, #tpu.memory_space<hbm>> -> memref<1x1x1x8x128xf32, #tpu.memory_space<hbm>>
      %dma_start3A_670 = tpu.memref_squeeze %dma_start3A_669 : memref<1x1x1x8x128xf32, #tpu.memory_space<hbm>> -> memref<8x128xf32, #tpu.memory_space<hbm>>
      %dma_start3A_671 = arith.constant 0 : i32
      %dma_start3A_672 = arith.constant 0 : i32
      %dma_start3A_673 = tpu.memref_slice %arg4[%add3A_599, %dma_start3A_663, %add3A, %dma_start3A_671, %dma_start3A_672] : memref<50x8x32x8x128xf32, #tpu.memory_space<hbm>> -> memref<1x1x1x8x128xf32, #tpu.memory_space<hbm>>
      %dma_start3A_674 = tpu.memref_squeeze %dma_start3A_673 : memref<1x1x1x8x128xf32, #tpu.memory_space<hbm>> -> memref<8x128xf32, #tpu.memory_space<hbm>>
      %dma_start3A_675 = arith.constant 32 : i32
      %dma_start3A_676 = arith.constant 0 : i32
      %dma_start3A_677 = tpu.memref_slice %arg15[%dma_start3A_675, %dma_start3A_676] : memref<64x129xf32, #tpu.memory_space<vmem>> -> memref<8x128xf32, #tpu.memory_space<vmem>>
      tpu.enqueue_dma source(%dma_start3A_677 : memref<8x128xf32, #tpu.memory_space<vmem>>) target(%dma_start3A_674 : memref<8x128xf32, #tpu.memory_space<hbm>>) target_semaphore(%arg18 : memref<!tpu.dma_semaphore, #tpu.memory_space<semaphore_mem>>)
      %dma_start3A_678 = arith.constant 5 : i32
      %dma_start3A_679 = arith.constant 40 : i32
      %dma_start3A_680 = arith.constant 0 : i32
      %dma_start3A_681 = tpu.memref_slice %arg15[%dma_start3A_679, %dma_start3A_680] : memref<64x129xf32, #tpu.memory_space<vmem>> -> memref<8x128xf32, #tpu.memory_space<vmem>>
      %dma_start3A_682 = arith.constant 0 : i32
      %dma_start3A_683 = arith.constant 0 : i32
      %dma_start3A_684 = tpu.memref_slice %arg4[%add3A_599, %dma_start3A_678, %add3A, %dma_start3A_682, %dma_start3A_683] : memref<50x8x32x8x128xf32, #tpu.memory_space<hbm>> -> memref<1x1x1x8x128xf32, #tpu.memory_space<hbm>>
      %dma_start3A_685 = tpu.memref_squeeze %dma_start3A_684 : memref<1x1x1x8x128xf32, #tpu.memory_space<hbm>> -> memref<8x128xf32, #tpu.memory_space<hbm>>
      %dma_start3A_686 = arith.constant 0 : i32
      %dma_start3A_687 = arith.constant 0 : i32
      %dma_start3A_688 = tpu.memref_slice %arg4[%add3A_599, %dma_start3A_678, %add3A, %dma_start3A_686, %dma_start3A_687] : memref<50x8x32x8x128xf32, #tpu.memory_space<hbm>> -> memref<1x1x1x8x128xf32, #tpu.memory_space<hbm>>
      %dma_start3A_689 = tpu.memref_squeeze %dma_start3A_688 : memref<1x1x1x8x128xf32, #tpu.memory_space<hbm>> -> memref<8x128xf32, #tpu.memory_space<hbm>>
      %dma_start3A_690 = arith.constant 40 : i32
      %dma_start3A_691 = arith.constant 0 : i32
      %dma_start3A_692 = tpu.memref_slice %arg15[%dma_start3A_690, %dma_start3A_691] : memref<64x129xf32, #tpu.memory_space<vmem>> -> memref<8x128xf32, #tpu.memory_space<vmem>>
      tpu.enqueue_dma source(%dma_start3A_692 : memref<8x128xf32, #tpu.memory_space<vmem>>) target(%dma_start3A_689 : memref<8x128xf32, #tpu.memory_space<hbm>>) target_semaphore(%arg18 : memref<!tpu.dma_semaphore, #tpu.memory_space<semaphore_mem>>)
      %dma_start3A_693 = arith.constant 6 : i32
      %dma_start3A_694 = arith.constant 48 : i32
      %dma_start3A_695 = arith.constant 0 : i32
      %dma_start3A_696 = tpu.memref_slice %arg15[%dma_start3A_694, %dma_start3A_695] : memref<64x129xf32, #tpu.memory_space<vmem>> -> memref<8x128xf32, #tpu.memory_space<vmem>>
      %dma_start3A_697 = arith.constant 0 : i32
      %dma_start3A_698 = arith.constant 0 : i32
      %dma_start3A_699 = tpu.memref_slice %arg4[%add3A_599, %dma_start3A_693, %add3A, %dma_start3A_697, %dma_start3A_698] : memref<50x8x32x8x128xf32, #tpu.memory_space<hbm>> -> memref<1x1x1x8x128xf32, #tpu.memory_space<hbm>>
      %dma_start3A_700 = tpu.memref_squeeze %dma_start3A_699 : memref<1x1x1x8x128xf32, #tpu.memory_space<hbm>> -> memref<8x128xf32, #tpu.memory_space<hbm>>
      %dma_start3A_701 = arith.constant 0 : i32
      %dma_start3A_702 = arith.constant 0 : i32
      %dma_start3A_703 = tpu.memref_slice %arg4[%add3A_599, %dma_start3A_693, %add3A, %dma_start3A_701, %dma_start3A_702] : memref<50x8x32x8x128xf32, #tpu.memory_space<hbm>> -> memref<1x1x1x8x128xf32, #tpu.memory_space<hbm>>
      %dma_start3A_704 = tpu.memref_squeeze %dma_start3A_703 : memref<1x1x1x8x128xf32, #tpu.memory_space<hbm>> -> memref<8x128xf32, #tpu.memory_space<hbm>>
      %dma_start3A_705 = arith.constant 48 : i32
      %dma_start3A_706 = arith.constant 0 : i32
      %dma_start3A_707 = tpu.memref_slice %arg15[%dma_start3A_705, %dma_start3A_706] : memref<64x129xf32, #tpu.memory_space<vmem>> -> memref<8x128xf32, #tpu.memory_space<vmem>>
      tpu.enqueue_dma source(%dma_start3A_707 : memref<8x128xf32, #tpu.memory_space<vmem>>) target(%dma_start3A_704 : memref<8x128xf32, #tpu.memory_space<hbm>>) target_semaphore(%arg18 : memref<!tpu.dma_semaphore, #tpu.memory_space<semaphore_mem>>)
      %dma_start3A_708 = arith.constant 7 : i32
      %dma_start3A_709 = arith.constant 56 : i32
      %dma_start3A_710 = arith.constant 0 : i32
      %dma_start3A_711 = tpu.memref_slice %arg15[%dma_start3A_709, %dma_start3A_710] : memref<64x129xf32, #tpu.memory_space<vmem>> -> memref<8x128xf32, #tpu.memory_space<vmem>>
      %dma_start3A_712 = arith.constant 0 : i32
      %dma_start3A_713 = arith.constant 0 : i32
      %dma_start3A_714 = tpu.memref_slice %arg4[%add3A_599, %dma_start3A_708, %add3A, %dma_start3A_712, %dma_start3A_713] : memref<50x8x32x8x128xf32, #tpu.memory_space<hbm>> -> memref<1x1x1x8x128xf32, #tpu.memory_space<hbm>>
      %dma_start3A_715 = tpu.memref_squeeze %dma_start3A_714 : memref<1x1x1x8x128xf32, #tpu.memory_space<hbm>> -> memref<8x128xf32, #tpu.memory_space<hbm>>
      %dma_start3A_716 = arith.constant 0 : i32
      %dma_start3A_717 = arith.constant 0 : i32
      %dma_start3A_718 = tpu.memref_slice %arg4[%add3A_599, %dma_start3A_708, %add3A, %dma_start3A_716, %dma_start3A_717] : memref<50x8x32x8x128xf32, #tpu.memory_space<hbm>> -> memref<1x1x1x8x128xf32, #tpu.memory_space<hbm>>
      %dma_start3A_719 = tpu.memref_squeeze %dma_start3A_718 : memref<1x1x1x8x128xf32, #tpu.memory_space<hbm>> -> memref<8x128xf32, #tpu.memory_space<hbm>>
      %dma_start3A_720 = arith.constant 56 : i32
      %dma_start3A_721 = arith.constant 0 : i32
      %dma_start3A_722 = tpu.memref_slice %arg15[%dma_start3A_720, %dma_start3A_721] : memref<64x129xf32, #tpu.memory_space<vmem>> -> memref<8x128xf32, #tpu.memory_space<vmem>>
      tpu.enqueue_dma source(%dma_start3A_722 : memref<8x128xf32, #tpu.memory_space<vmem>>) target(%dma_start3A_719 : memref<8x128xf32, #tpu.memory_space<hbm>>) target_semaphore(%arg18 : memref<!tpu.dma_semaphore, #tpu.memory_space<semaphore_mem>>)
      %dma_wait3A_723 = arith.constant 0 : i32
      %dma_wait3A_724 = arith.constant 0 : i32
      %dma_wait3A_725 = arith.constant 0 : i32
      %dma_wait3A_726 = tpu.memref_slice %arg15[%dma_wait3A_724, %dma_wait3A_725] : memref<64x129xf32, #tpu.memory_space<vmem>> -> memref<8x128xf32, #tpu.memory_space<vmem>>
      %dma_wait3A_727 = arith.constant 0 : i32
      %dma_wait3A_728 = arith.constant 0 : i32
      %dma_wait3A_729 = tpu.memref_slice %arg4[%add3A_599, %dma_wait3A_723, %add3A, %dma_wait3A_727, %dma_wait3A_728] : memref<50x8x32x8x128xf32, #tpu.memory_space<hbm>> -> memref<1x1x1x8x128xf32, #tpu.memory_space<hbm>>
      %dma_wait3A_730 = tpu.memref_squeeze %dma_wait3A_729 : memref<1x1x1x8x128xf32, #tpu.memory_space<hbm>> -> memref<8x128xf32, #tpu.memory_space<hbm>>
      %dma_wait3A_731 = arith.constant 0 : i32
      %dma_wait3A_732 = arith.constant 0 : i32
      %dma_wait3A_733 = tpu.memref_slice %arg4[%add3A_599, %dma_wait3A_723, %add3A, %dma_wait3A_731, %dma_wait3A_732] : memref<50x8x32x8x128xf32, #tpu.memory_space<hbm>> -> memref<1x1x1x8x128xf32, #tpu.memory_space<hbm>>
      %dma_wait3A_734 = tpu.memref_squeeze %dma_wait3A_733 : memref<1x1x1x8x128xf32, #tpu.memory_space<hbm>> -> memref<8x128xf32, #tpu.memory_space<hbm>>
      %dma_wait3A_735 = arith.constant 0 : i32
      %dma_wait3A_736 = arith.constant 0 : i32
      %dma_wait3A_737 = tpu.memref_slice %arg15[%dma_wait3A_735, %dma_wait3A_736] : memref<64x129xf32, #tpu.memory_space<vmem>> -> memref<8x128xf32, #tpu.memory_space<vmem>>
      tpu.wait_dma2 semaphore(%arg18 : memref<!tpu.dma_semaphore, #tpu.memory_space<semaphore_mem>>) src(%dma_wait3A_737 : memref<8x128xf32, #tpu.memory_space<vmem>>) dst(%dma_wait3A_734 : memref<8x128xf32, #tpu.memory_space<hbm>>)
      %dma_wait3A_738 = arith.constant 1 : i32
      %dma_wait3A_739 = arith.constant 8 : i32
      %dma_wait3A_740 = arith.constant 0 : i32
      %dma_wait3A_741 = tpu.memref_slice %arg15[%dma_wait3A_739, %dma_wait3A_740] : memref<64x129xf32, #tpu.memory_space<vmem>> -> memref<8x128xf32, #tpu.memory_space<vmem>>
      %dma_wait3A_742 = arith.constant 0 : i32
      %dma_wait3A_743 = arith.constant 0 : i32
      %dma_wait3A_744 = tpu.memref_slice %arg4[%add3A_599, %dma_wait3A_738, %add3A, %dma_wait3A_742, %dma_wait3A_743] : memref<50x8x32x8x128xf32, #tpu.memory_space<hbm>> -> memref<1x1x1x8x128xf32, #tpu.memory_space<hbm>>
      %dma_wait3A_745 = tpu.memref_squeeze %dma_wait3A_744 : memref<1x1x1x8x128xf32, #tpu.memory_space<hbm>> -> memref<8x128xf32, #tpu.memory_space<hbm>>
      %dma_wait3A_746 = arith.constant 0 : i32
      %dma_wait3A_747 = arith.constant 0 : i32
      %dma_wait3A_748 = tpu.memref_slice %arg4[%add3A_599, %dma_wait3A_738, %add3A, %dma_wait3A_746, %dma_wait3A_747] : memref<50x8x32x8x128xf32, #tpu.memory_space<hbm>> -> memref<1x1x1x8x128xf32, #tpu.memory_space<hbm>>
      %dma_wait3A_749 = tpu.memref_squeeze %dma_wait3A_748 : memref<1x1x1x8x128xf32, #tpu.memory_space<hbm>> -> memref<8x128xf32, #tpu.memory_space<hbm>>
      %dma_wait3A_750 = arith.constant 8 : i32
      %dma_wait3A_751 = arith.constant 0 : i32
      %dma_wait3A_752 = tpu.memref_slice %arg15[%dma_wait3A_750, %dma_wait3A_751] : memref<64x129xf32, #tpu.memory_space<vmem>> -> memref<8x128xf32, #tpu.memory_space<vmem>>
      tpu.wait_dma2 semaphore(%arg18 : memref<!tpu.dma_semaphore, #tpu.memory_space<semaphore_mem>>) src(%dma_wait3A_752 : memref<8x128xf32, #tpu.memory_space<vmem>>) dst(%dma_wait3A_749 : memref<8x128xf32, #tpu.memory_space<hbm>>)
      %dma_wait3A_753 = arith.constant 2 : i32
      %dma_wait3A_754 = arith.constant 16 : i32
      %dma_wait3A_755 = arith.constant 0 : i32
      %dma_wait3A_756 = tpu.memref_slice %arg15[%dma_wait3A_754, %dma_wait3A_755] : memref<64x129xf32, #tpu.memory_space<vmem>> -> memref<8x128xf32, #tpu.memory_space<vmem>>
      %dma_wait3A_757 = arith.constant 0 : i32
      %dma_wait3A_758 = arith.constant 0 : i32
      %dma_wait3A_759 = tpu.memref_slice %arg4[%add3A_599, %dma_wait3A_753, %add3A, %dma_wait3A_757, %dma_wait3A_758] : memref<50x8x32x8x128xf32, #tpu.memory_space<hbm>> -> memref<1x1x1x8x128xf32, #tpu.memory_space<hbm>>
      %dma_wait3A_760 = tpu.memref_squeeze %dma_wait3A_759 : memref<1x1x1x8x128xf32, #tpu.memory_space<hbm>> -> memref<8x128xf32, #tpu.memory_space<hbm>>
      %dma_wait3A_761 = arith.constant 0 : i32
      %dma_wait3A_762 = arith.constant 0 : i32
      %dma_wait3A_763 = tpu.memref_slice %arg4[%add3A_599, %dma_wait3A_753, %add3A, %dma_wait3A_761, %dma_wait3A_762] : memref<50x8x32x8x128xf32, #tpu.memory_space<hbm>> -> memref<1x1x1x8x128xf32, #tpu.memory_space<hbm>>
      %dma_wait3A_764 = tpu.memref_squeeze %dma_wait3A_763 : memref<1x1x1x8x128xf32, #tpu.memory_space<hbm>> -> memref<8x128xf32, #tpu.memory_space<hbm>>
      %dma_wait3A_765 = arith.constant 16 : i32
      %dma_wait3A_766 = arith.constant 0 : i32
      %dma_wait3A_767 = tpu.memref_slice %arg15[%dma_wait3A_765, %dma_wait3A_766] : memref<64x129xf32, #tpu.memory_space<vmem>> -> memref<8x128xf32, #tpu.memory_space<vmem>>
      tpu.wait_dma2 semaphore(%arg18 : memref<!tpu.dma_semaphore, #tpu.memory_space<semaphore_mem>>) src(%dma_wait3A_767 : memref<8x128xf32, #tpu.memory_space<vmem>>) dst(%dma_wait3A_764 : memref<8x128xf32, #tpu.memory_space<hbm>>)
      %dma_wait3A_768 = arith.constant 3 : i32
      %dma_wait3A_769 = arith.constant 24 : i32
      %dma_wait3A_770 = arith.constant 0 : i32
      %dma_wait3A_771 = tpu.memref_slice %arg15[%dma_wait3A_769, %dma_wait3A_770] : memref<64x129xf32, #tpu.memory_space<vmem>> -> memref<8x128xf32, #tpu.memory_space<vmem>>
      %dma_wait3A_772 = arith.constant 0 : i32
      %dma_wait3A_773 = arith.constant 0 : i32
      %dma_wait3A_774 = tpu.memref_slice %arg4[%add3A_599, %dma_wait3A_768, %add3A, %dma_wait3A_772, %dma_wait3A_773] : memref<50x8x32x8x128xf32, #tpu.memory_space<hbm>> -> memref<1x1x1x8x128xf32, #tpu.memory_space<hbm>>
      %dma_wait3A_775 = tpu.memref_squeeze %dma_wait3A_774 : memref<1x1x1x8x128xf32, #tpu.memory_space<hbm>> -> memref<8x128xf32, #tpu.memory_space<hbm>>
      %dma_wait3A_776 = arith.constant 0 : i32
      %dma_wait3A_777 = arith.constant 0 : i32
      %dma_wait3A_778 = tpu.memref_slice %arg4[%add3A_599, %dma_wait3A_768, %add3A, %dma_wait3A_776, %dma_wait3A_777] : memref<50x8x32x8x128xf32, #tpu.memory_space<hbm>> -> memref<1x1x1x8x128xf32, #tpu.memory_space<hbm>>
      %dma_wait3A_779 = tpu.memref_squeeze %dma_wait3A_778 : memref<1x1x1x8x128xf32, #tpu.memory_space<hbm>> -> memref<8x128xf32, #tpu.memory_space<hbm>>
      %dma_wait3A_780 = arith.constant 24 : i32
      %dma_wait3A_781 = arith.constant 0 : i32
      %dma_wait3A_782 = tpu.memref_slice %arg15[%dma_wait3A_780, %dma_wait3A_781] : memref<64x129xf32, #tpu.memory_space<vmem>> -> memref<8x128xf32, #tpu.memory_space<vmem>>
      tpu.wait_dma2 semaphore(%arg18 : memref<!tpu.dma_semaphore, #tpu.memory_space<semaphore_mem>>) src(%dma_wait3A_782 : memref<8x128xf32, #tpu.memory_space<vmem>>) dst(%dma_wait3A_779 : memref<8x128xf32, #tpu.memory_space<hbm>>)
      %dma_wait3A_783 = arith.constant 4 : i32
      %dma_wait3A_784 = arith.constant 32 : i32
      %dma_wait3A_785 = arith.constant 0 : i32
      %dma_wait3A_786 = tpu.memref_slice %arg15[%dma_wait3A_784, %dma_wait3A_785] : memref<64x129xf32, #tpu.memory_space<vmem>> -> memref<8x128xf32, #tpu.memory_space<vmem>>
      %dma_wait3A_787 = arith.constant 0 : i32
      %dma_wait3A_788 = arith.constant 0 : i32
      %dma_wait3A_789 = tpu.memref_slice %arg4[%add3A_599, %dma_wait3A_783, %add3A, %dma_wait3A_787, %dma_wait3A_788] : memref<50x8x32x8x128xf32, #tpu.memory_space<hbm>> -> memref<1x1x1x8x128xf32, #tpu.memory_space<hbm>>
      %dma_wait3A_790 = tpu.memref_squeeze %dma_wait3A_789 : memref<1x1x1x8x128xf32, #tpu.memory_space<hbm>> -> memref<8x128xf32, #tpu.memory_space<hbm>>
      %dma_wait3A_791 = arith.constant 0 : i32
      %dma_wait3A_792 = arith.constant 0 : i32
      %dma_wait3A_793 = tpu.memref_slice %arg4[%add3A_599, %dma_wait3A_783, %add3A, %dma_wait3A_791, %dma_wait3A_792] : memref<50x8x32x8x128xf32, #tpu.memory_space<hbm>> -> memref<1x1x1x8x128xf32, #tpu.memory_space<hbm>>
      %dma_wait3A_794 = tpu.memref_squeeze %dma_wait3A_793 : memref<1x1x1x8x128xf32, #tpu.memory_space<hbm>> -> memref<8x128xf32, #tpu.memory_space<hbm>>
      %dma_wait3A_795 = arith.constant 32 : i32
      %dma_wait3A_796 = arith.constant 0 : i32
      %dma_wait3A_797 = tpu.memref_slice %arg15[%dma_wait3A_795, %dma_wait3A_796] : memref<64x129xf32, #tpu.memory_space<vmem>> -> memref<8x128xf32, #tpu.memory_space<vmem>>
      tpu.wait_dma2 semaphore(%arg18 : memref<!tpu.dma_semaphore, #tpu.memory_space<semaphore_mem>>) src(%dma_wait3A_797 : memref<8x128xf32, #tpu.memory_space<vmem>>) dst(%dma_wait3A_794 : memref<8x128xf32, #tpu.memory_space<hbm>>)
      %dma_wait3A_798 = arith.constant 5 : i32
      %dma_wait3A_799 = arith.constant 40 : i32
      %dma_wait3A_800 = arith.constant 0 : i32
      %dma_wait3A_801 = tpu.memref_slice %arg15[%dma_wait3A_799, %dma_wait3A_800] : memref<64x129xf32, #tpu.memory_space<vmem>> -> memref<8x128xf32, #tpu.memory_space<vmem>>
      %dma_wait3A_802 = arith.constant 0 : i32
      %dma_wait3A_803 = arith.constant 0 : i32
      %dma_wait3A_804 = tpu.memref_slice %arg4[%add3A_599, %dma_wait3A_798, %add3A, %dma_wait3A_802, %dma_wait3A_803] : memref<50x8x32x8x128xf32, #tpu.memory_space<hbm>> -> memref<1x1x1x8x128xf32, #tpu.memory_space<hbm>>
      %dma_wait3A_805 = tpu.memref_squeeze %dma_wait3A_804 : memref<1x1x1x8x128xf32, #tpu.memory_space<hbm>> -> memref<8x128xf32, #tpu.memory_space<hbm>>
      %dma_wait3A_806 = arith.constant 0 : i32
      %dma_wait3A_807 = arith.constant 0 : i32
      %dma_wait3A_808 = tpu.memref_slice %arg4[%add3A_599, %dma_wait3A_798, %add3A, %dma_wait3A_806, %dma_wait3A_807] : memref<50x8x32x8x128xf32, #tpu.memory_space<hbm>> -> memref<1x1x1x8x128xf32, #tpu.memory_space<hbm>>
      %dma_wait3A_809 = tpu.memref_squeeze %dma_wait3A_808 : memref<1x1x1x8x128xf32, #tpu.memory_space<hbm>> -> memref<8x128xf32, #tpu.memory_space<hbm>>
      %dma_wait3A_810 = arith.constant 40 : i32
      %dma_wait3A_811 = arith.constant 0 : i32
      %dma_wait3A_812 = tpu.memref_slice %arg15[%dma_wait3A_810, %dma_wait3A_811] : memref<64x129xf32, #tpu.memory_space<vmem>> -> memref<8x128xf32, #tpu.memory_space<vmem>>
      tpu.wait_dma2 semaphore(%arg18 : memref<!tpu.dma_semaphore, #tpu.memory_space<semaphore_mem>>) src(%dma_wait3A_812 : memref<8x128xf32, #tpu.memory_space<vmem>>) dst(%dma_wait3A_809 : memref<8x128xf32, #tpu.memory_space<hbm>>)
      %dma_wait3A_813 = arith.constant 6 : i32
      %dma_wait3A_814 = arith.constant 48 : i32
      %dma_wait3A_815 = arith.constant 0 : i32
      %dma_wait3A_816 = tpu.memref_slice %arg15[%dma_wait3A_814, %dma_wait3A_815] : memref<64x129xf32, #tpu.memory_space<vmem>> -> memref<8x128xf32, #tpu.memory_space<vmem>>
      %dma_wait3A_817 = arith.constant 0 : i32
      %dma_wait3A_818 = arith.constant 0 : i32
      %dma_wait3A_819 = tpu.memref_slice %arg4[%add3A_599, %dma_wait3A_813, %add3A, %dma_wait3A_817, %dma_wait3A_818] : memref<50x8x32x8x128xf32, #tpu.memory_space<hbm>> -> memref<1x1x1x8x128xf32, #tpu.memory_space<hbm>>
      %dma_wait3A_820 = tpu.memref_squeeze %dma_wait3A_819 : memref<1x1x1x8x128xf32, #tpu.memory_space<hbm>> -> memref<8x128xf32, #tpu.memory_space<hbm>>
      %dma_wait3A_821 = arith.constant 0 : i32
      %dma_wait3A_822 = arith.constant 0 : i32
      %dma_wait3A_823 = tpu.memref_slice %arg4[%add3A_599, %dma_wait3A_813, %add3A, %dma_wait3A_821, %dma_wait3A_822] : memref<50x8x32x8x128xf32, #tpu.memory_space<hbm>> -> memref<1x1x1x8x128xf32, #tpu.memory_space<hbm>>
      %dma_wait3A_824 = tpu.memref_squeeze %dma_wait3A_823 : memref<1x1x1x8x128xf32, #tpu.memory_space<hbm>> -> memref<8x128xf32, #tpu.memory_space<hbm>>
      %dma_wait3A_825 = arith.constant 48 : i32
      %dma_wait3A_826 = arith.constant 0 : i32
      %dma_wait3A_827 = tpu.memref_slice %arg15[%dma_wait3A_825, %dma_wait3A_826] : memref<64x129xf32, #tpu.memory_space<vmem>> -> memref<8x128xf32, #tpu.memory_space<vmem>>
      tpu.wait_dma2 semaphore(%arg18 : memref<!tpu.dma_semaphore, #tpu.memory_space<semaphore_mem>>) src(%dma_wait3A_827 : memref<8x128xf32, #tpu.memory_space<vmem>>) dst(%dma_wait3A_824 : memref<8x128xf32, #tpu.memory_space<hbm>>)
      %dma_wait3A_828 = arith.constant 7 : i32
      %dma_wait3A_829 = arith.constant 56 : i32
      %dma_wait3A_830 = arith.constant 0 : i32
      %dma_wait3A_831 = tpu.memref_slice %arg15[%dma_wait3A_829, %dma_wait3A_830] : memref<64x129xf32, #tpu.memory_space<vmem>> -> memref<8x128xf32, #tpu.memory_space<vmem>>
      %dma_wait3A_832 = arith.constant 0 : i32
      %dma_wait3A_833 = arith.constant 0 : i32
      %dma_wait3A_834 = tpu.memref_slice %arg4[%add3A_599, %dma_wait3A_828, %add3A, %dma_wait3A_832, %dma_wait3A_833] : memref<50x8x32x8x128xf32, #tpu.memory_space<hbm>> -> memref<1x1x1x8x128xf32, #tpu.memory_space<hbm>>
      %dma_wait3A_835 = tpu.memref_squeeze %dma_wait3A_834 : memref<1x1x1x8x128xf32, #tpu.memory_space<hbm>> -> memref<8x128xf32, #tpu.memory_space<hbm>>
      %dma_wait3A_836 = arith.constant 0 : i32
      %dma_wait3A_837 = arith.constant 0 : i32
      %dma_wait3A_838 = tpu.memref_slice %arg4[%add3A_599, %dma_wait3A_828, %add3A, %dma_wait3A_836, %dma_wait3A_837] : memref<50x8x32x8x128xf32, #tpu.memory_space<hbm>> -> memref<1x1x1x8x128xf32, #tpu.memory_space<hbm>>
      %dma_wait3A_839 = tpu.memref_squeeze %dma_wait3A_838 : memref<1x1x1x8x128xf32, #tpu.memory_space<hbm>> -> memref<8x128xf32, #tpu.memory_space<hbm>>
      %dma_wait3A_840 = arith.constant 56 : i32
      %dma_wait3A_841 = arith.constant 0 : i32
      %dma_wait3A_842 = tpu.memref_slice %arg15[%dma_wait3A_840, %dma_wait3A_841] : memref<64x129xf32, #tpu.memory_space<vmem>> -> memref<8x128xf32, #tpu.memory_space<vmem>>
      tpu.wait_dma2 semaphore(%arg18 : memref<!tpu.dma_semaphore, #tpu.memory_space<semaphore_mem>>) src(%dma_wait3A_842 : memref<8x128xf32, #tpu.memory_space<vmem>>) dst(%dma_wait3A_839 : memref<8x128xf32, #tpu.memory_space<hbm>>)
      %dma_wait3A_843 = arith.constant 0 : i32
      %dma_wait3A_844 = arith.constant 0 : i32
      %dma_wait3A_845 = tpu.memref_slice %arg3[%dma_wait3A_843, %dma_wait3A_844] : memref<100000x64xf32, #tpu.memory_space<hbm>> -> memref<100000x64xf32, #tpu.memory_space<hbm>>
      tpu.wait_indirect_dma semaphore(%arg17 : memref<!tpu.dma_semaphore, #tpu.memory_space<semaphore_mem>>) src(%dma_wait3A_845 : memref<100000x64xf32, #tpu.memory_space<hbm>>) dst(%arg13 : memref<128x64xf32, #tpu.memory_space<vmem>>)
      %mul3A_846 = arith.constant 5 : i32
      %mul3A_847 = arith.muli %scan3A_20, %mul3A_846 : i32
      %add3A_848 = arith.constant 3 : i32
      %add3A_849 = arith.addi %mul3A_847, %add3A_848 : i32
      %parallel_loop3A_850 = arith.constant 0 : i32
      %parallel_loop3A_851 = arith.constant 128 : i32
      %parallel_loop3A_852 = arith.constant 1 : i32
      scf.for %parallel_loop3A_1343 = %parallel_loop3A_850 to %parallel_loop3A_851 step %parallel_loop3A_852  : i32 {
        %parallel_loop3A_1344 = vector.broadcast %parallel_loop3A_1343 : i32 to vector<16xi32>
        %parallel_loop3A_1345 = arith.index_cast %parallel_loop3A_1343 : i32 to index
        %parallel_loop3A_1346 = arith.constant 0 : index
        %parallel_loop3A_1347 = tpu.vector_load %arg13[%parallel_loop3A_1345, %parallel_loop3A_1346] {strides = array<i32>} : memref<128x64xf32, #tpu.memory_space<vmem>>, vector<16xf32>,
        tpu.vector_store_idx %arg15[%add3A_5, %parallel_loop3A_1344], %parallel_loop3A_1347 : memref<64x129xf32, #tpu.memory_space<vmem>>[vector<16xi32>, vector<16xi32>], vector<16xf32>,
        %parallel_loop3A_1348 = arith.index_cast %parallel_loop3A_1343 : i32 to index
        %parallel_loop3A_1349 = arith.constant 16 : index
        %parallel_loop3A_1350 = tpu.vector_load %arg13[%parallel_loop3A_1348, %parallel_loop3A_1349] {strides = array<i32>} : memref<128x64xf32, #tpu.memory_space<vmem>>, vector<16xf32>,
        tpu.vector_store_idx %arg15[%add3A_8, %parallel_loop3A_1344], %parallel_loop3A_1350 : memref<64x129xf32, #tpu.memory_space<vmem>>[vector<16xi32>, vector<16xi32>], vector<16xf32>,
        %parallel_loop3A_1351 = arith.index_cast %parallel_loop3A_1343 : i32 to index
        %parallel_loop3A_1352 = arith.constant 32 : index
        %parallel_loop3A_1353 = tpu.vector_load %arg13[%parallel_loop3A_1351, %parallel_loop3A_1352] {strides = array<i32>} : memref<128x64xf32, #tpu.memory_space<vmem>>, vector<16xf32>,
        tpu.vector_store_idx %arg15[%add3A_11, %parallel_loop3A_1344], %parallel_loop3A_1353 : memref<64x129xf32, #tpu.memory_space<vmem>>[vector<16xi32>, vector<16xi32>], vector<16xf32>,
        %parallel_loop3A_1354 = arith.index_cast %parallel_loop3A_1343 : i32 to index
        %parallel_loop3A_1355 = arith.constant 48 : index
        %parallel_loop3A_1356 = tpu.vector_load %arg13[%parallel_loop3A_1354, %parallel_loop3A_1355] {strides = array<i32>} : memref<128x64xf32, #tpu.memory_space<vmem>>, vector<16xf32>,
        tpu.vector_store_idx %arg15[%add3A_14, %parallel_loop3A_1344], %parallel_loop3A_1356 : memref<64x129xf32, #tpu.memory_space<vmem>>[vector<16xi32>, vector<16xi32>], vector<16xf32>,
      } {sc.loop_unroll_factor = 4 : i64, sc.parallel_access}
      %dma_start3A_853 = arith.constant 0 : i32
      %dma_start3A_854 = arith.constant 0 : i32
      %dma_start3A_855 = arith.constant 0 : i32
      %dma_start3A_856 = tpu.memref_slice %arg15[%dma_start3A_854, %dma_start3A_855] : memref<64x129xf32, #tpu.memory_space<vmem>> -> memref<8x128xf32, #tpu.memory_space<vmem>>
      %dma_start3A_857 = arith.constant 0 : i32
      %dma_start3A_858 = arith.constant 0 : i32
      %dma_start3A_859 = tpu.memref_slice %arg4[%add3A_849, %dma_start3A_853, %add3A, %dma_start3A_857, %dma_start3A_858] : memref<50x8x32x8x128xf32, #tpu.memory_space<hbm>> -> memref<1x1x1x8x128xf32, #tpu.memory_space<hbm>>
      %dma_start3A_860 = tpu.memref_squeeze %dma_start3A_859 : memref<1x1x1x8x128xf32, #tpu.memory_space<hbm>> -> memref<8x128xf32, #tpu.memory_space<hbm>>
      %dma_start3A_861 = arith.constant 0 : i32
      %dma_start3A_862 = arith.constant 0 : i32
      %dma_start3A_863 = tpu.memref_slice %arg4[%add3A_849, %dma_start3A_853, %add3A, %dma_start3A_861, %dma_start3A_862] : memref<50x8x32x8x128xf32, #tpu.memory_space<hbm>> -> memref<1x1x1x8x128xf32, #tpu.memory_space<hbm>>
      %dma_start3A_864 = tpu.memref_squeeze %dma_start3A_863 : memref<1x1x1x8x128xf32, #tpu.memory_space<hbm>> -> memref<8x128xf32, #tpu.memory_space<hbm>>
      %dma_start3A_865 = arith.constant 0 : i32
      %dma_start3A_866 = arith.constant 0 : i32
      %dma_start3A_867 = tpu.memref_slice %arg15[%dma_start3A_865, %dma_start3A_866] : memref<64x129xf32, #tpu.memory_space<vmem>> -> memref<8x128xf32, #tpu.memory_space<vmem>>
      tpu.enqueue_dma source(%dma_start3A_867 : memref<8x128xf32, #tpu.memory_space<vmem>>) target(%dma_start3A_864 : memref<8x128xf32, #tpu.memory_space<hbm>>) target_semaphore(%arg18 : memref<!tpu.dma_semaphore, #tpu.memory_space<semaphore_mem>>)
      %dma_start3A_868 = arith.constant 1 : i32
      %dma_start3A_869 = arith.constant 8 : i32
      %dma_start3A_870 = arith.constant 0 : i32
      %dma_start3A_871 = tpu.memref_slice %arg15[%dma_start3A_869, %dma_start3A_870] : memref<64x129xf32, #tpu.memory_space<vmem>> -> memref<8x128xf32, #tpu.memory_space<vmem>>
      %dma_start3A_872 = arith.constant 0 : i32
      %dma_start3A_873 = arith.constant 0 : i32
      %dma_start3A_874 = tpu.memref_slice %arg4[%add3A_849, %dma_start3A_868, %add3A, %dma_start3A_872, %dma_start3A_873] : memref<50x8x32x8x128xf32, #tpu.memory_space<hbm>> -> memref<1x1x1x8x128xf32, #tpu.memory_space<hbm>>
      %dma_start3A_875 = tpu.memref_squeeze %dma_start3A_874 : memref<1x1x1x8x128xf32, #tpu.memory_space<hbm>> -> memref<8x128xf32, #tpu.memory_space<hbm>>
      %dma_start3A_876 = arith.constant 0 : i32
      %dma_start3A_877 = arith.constant 0 : i32
      %dma_start3A_878 = tpu.memref_slice %arg4[%add3A_849, %dma_start3A_868, %add3A, %dma_start3A_876, %dma_start3A_877] : memref<50x8x32x8x128xf32, #tpu.memory_space<hbm>> -> memref<1x1x1x8x128xf32, #tpu.memory_space<hbm>>
      %dma_start3A_879 = tpu.memref_squeeze %dma_start3A_878 : memref<1x1x1x8x128xf32, #tpu.memory_space<hbm>> -> memref<8x128xf32, #tpu.memory_space<hbm>>
      %dma_start3A_880 = arith.constant 8 : i32
      %dma_start3A_881 = arith.constant 0 : i32
      %dma_start3A_882 = tpu.memref_slice %arg15[%dma_start3A_880, %dma_start3A_881] : memref<64x129xf32, #tpu.memory_space<vmem>> -> memref<8x128xf32, #tpu.memory_space<vmem>>
      tpu.enqueue_dma source(%dma_start3A_882 : memref<8x128xf32, #tpu.memory_space<vmem>>) target(%dma_start3A_879 : memref<8x128xf32, #tpu.memory_space<hbm>>) target_semaphore(%arg18 : memref<!tpu.dma_semaphore, #tpu.memory_space<semaphore_mem>>)
      %dma_start3A_883 = arith.constant 2 : i32
      %dma_start3A_884 = arith.constant 16 : i32
      %dma_start3A_885 = arith.constant 0 : i32
      %dma_start3A_886 = tpu.memref_slice %arg15[%dma_start3A_884, %dma_start3A_885] : memref<64x129xf32, #tpu.memory_space<vmem>> -> memref<8x128xf32, #tpu.memory_space<vmem>>
      %dma_start3A_887 = arith.constant 0 : i32
      %dma_start3A_888 = arith.constant 0 : i32
      %dma_start3A_889 = tpu.memref_slice %arg4[%add3A_849, %dma_start3A_883, %add3A, %dma_start3A_887, %dma_start3A_888] : memref<50x8x32x8x128xf32, #tpu.memory_space<hbm>> -> memref<1x1x1x8x128xf32, #tpu.memory_space<hbm>>
      %dma_start3A_890 = tpu.memref_squeeze %dma_start3A_889 : memref<1x1x1x8x128xf32, #tpu.memory_space<hbm>> -> memref<8x128xf32, #tpu.memory_space<hbm>>
      %dma_start3A_891 = arith.constant 0 : i32
      %dma_start3A_892 = arith.constant 0 : i32
      %dma_start3A_893 = tpu.memref_slice %arg4[%add3A_849, %dma_start3A_883, %add3A, %dma_start3A_891, %dma_start3A_892] : memref<50x8x32x8x128xf32, #tpu.memory_space<hbm>> -> memref<1x1x1x8x128xf32, #tpu.memory_space<hbm>>
      %dma_start3A_894 = tpu.memref_squeeze %dma_start3A_893 : memref<1x1x1x8x128xf32, #tpu.memory_space<hbm>> -> memref<8x128xf32, #tpu.memory_space<hbm>>
      %dma_start3A_895 = arith.constant 16 : i32
      %dma_start3A_896 = arith.constant 0 : i32
      %dma_start3A_897 = tpu.memref_slice %arg15[%dma_start3A_895, %dma_start3A_896] : memref<64x129xf32, #tpu.memory_space<vmem>> -> memref<8x128xf32, #tpu.memory_space<vmem>>
      tpu.enqueue_dma source(%dma_start3A_897 : memref<8x128xf32, #tpu.memory_space<vmem>>) target(%dma_start3A_894 : memref<8x128xf32, #tpu.memory_space<hbm>>) target_semaphore(%arg18 : memref<!tpu.dma_semaphore, #tpu.memory_space<semaphore_mem>>)
      %dma_start3A_898 = arith.constant 3 : i32
      %dma_start3A_899 = arith.constant 24 : i32
      %dma_start3A_900 = arith.constant 0 : i32
      %dma_start3A_901 = tpu.memref_slice %arg15[%dma_start3A_899, %dma_start3A_900] : memref<64x129xf32, #tpu.memory_space<vmem>> -> memref<8x128xf32, #tpu.memory_space<vmem>>
      %dma_start3A_902 = arith.constant 0 : i32
      %dma_start3A_903 = arith.constant 0 : i32
      %dma_start3A_904 = tpu.memref_slice %arg4[%add3A_849, %dma_start3A_898, %add3A, %dma_start3A_902, %dma_start3A_903] : memref<50x8x32x8x128xf32, #tpu.memory_space<hbm>> -> memref<1x1x1x8x128xf32, #tpu.memory_space<hbm>>
      %dma_start3A_905 = tpu.memref_squeeze %dma_start3A_904 : memref<1x1x1x8x128xf32, #tpu.memory_space<hbm>> -> memref<8x128xf32, #tpu.memory_space<hbm>>
      %dma_start3A_906 = arith.constant 0 : i32
      %dma_start3A_907 = arith.constant 0 : i32
      %dma_start3A_908 = tpu.memref_slice %arg4[%add3A_849, %dma_start3A_898, %add3A, %dma_start3A_906, %dma_start3A_907] : memref<50x8x32x8x128xf32, #tpu.memory_space<hbm>> -> memref<1x1x1x8x128xf32, #tpu.memory_space<hbm>>
      %dma_start3A_909 = tpu.memref_squeeze %dma_start3A_908 : memref<1x1x1x8x128xf32, #tpu.memory_space<hbm>> -> memref<8x128xf32, #tpu.memory_space<hbm>>
      %dma_start3A_910 = arith.constant 24 : i32
      %dma_start3A_911 = arith.constant 0 : i32
      %dma_start3A_912 = tpu.memref_slice %arg15[%dma_start3A_910, %dma_start3A_911] : memref<64x129xf32, #tpu.memory_space<vmem>> -> memref<8x128xf32, #tpu.memory_space<vmem>>
      tpu.enqueue_dma source(%dma_start3A_912 : memref<8x128xf32, #tpu.memory_space<vmem>>) target(%dma_start3A_909 : memref<8x128xf32, #tpu.memory_space<hbm>>) target_semaphore(%arg18 : memref<!tpu.dma_semaphore, #tpu.memory_space<semaphore_mem>>)
      %dma_start3A_913 = arith.constant 4 : i32
      %dma_start3A_914 = arith.constant 32 : i32
      %dma_start3A_915 = arith.constant 0 : i32
      %dma_start3A_916 = tpu.memref_slice %arg15[%dma_start3A_914, %dma_start3A_915] : memref<64x129xf32, #tpu.memory_space<vmem>> -> memref<8x128xf32, #tpu.memory_space<vmem>>
      %dma_start3A_917 = arith.constant 0 : i32
      %dma_start3A_918 = arith.constant 0 : i32
      %dma_start3A_919 = tpu.memref_slice %arg4[%add3A_849, %dma_start3A_913, %add3A, %dma_start3A_917, %dma_start3A_918] : memref<50x8x32x8x128xf32, #tpu.memory_space<hbm>> -> memref<1x1x1x8x128xf32, #tpu.memory_space<hbm>>
      %dma_start3A_920 = tpu.memref_squeeze %dma_start3A_919 : memref<1x1x1x8x128xf32, #tpu.memory_space<hbm>> -> memref<8x128xf32, #tpu.memory_space<hbm>>
      %dma_start3A_921 = arith.constant 0 : i32
      %dma_start3A_922 = arith.constant 0 : i32
      %dma_start3A_923 = tpu.memref_slice %arg4[%add3A_849, %dma_start3A_913, %add3A, %dma_start3A_921, %dma_start3A_922] : memref<50x8x32x8x128xf32, #tpu.memory_space<hbm>> -> memref<1x1x1x8x128xf32, #tpu.memory_space<hbm>>
      %dma_start3A_924 = tpu.memref_squeeze %dma_start3A_923 : memref<1x1x1x8x128xf32, #tpu.memory_space<hbm>> -> memref<8x128xf32, #tpu.memory_space<hbm>>
      %dma_start3A_925 = arith.constant 32 : i32
      %dma_start3A_926 = arith.constant 0 : i32
      %dma_start3A_927 = tpu.memref_slice %arg15[%dma_start3A_925, %dma_start3A_926] : memref<64x129xf32, #tpu.memory_space<vmem>> -> memref<8x128xf32, #tpu.memory_space<vmem>>
      tpu.enqueue_dma source(%dma_start3A_927 : memref<8x128xf32, #tpu.memory_space<vmem>>) target(%dma_start3A_924 : memref<8x128xf32, #tpu.memory_space<hbm>>) target_semaphore(%arg18 : memref<!tpu.dma_semaphore, #tpu.memory_space<semaphore_mem>>)
      %dma_start3A_928 = arith.constant 5 : i32
      %dma_start3A_929 = arith.constant 40 : i32
      %dma_start3A_930 = arith.constant 0 : i32
      %dma_start3A_931 = tpu.memref_slice %arg15[%dma_start3A_929, %dma_start3A_930] : memref<64x129xf32, #tpu.memory_space<vmem>> -> memref<8x128xf32, #tpu.memory_space<vmem>>
      %dma_start3A_932 = arith.constant 0 : i32
      %dma_start3A_933 = arith.constant 0 : i32
      %dma_start3A_934 = tpu.memref_slice %arg4[%add3A_849, %dma_start3A_928, %add3A, %dma_start3A_932, %dma_start3A_933] : memref<50x8x32x8x128xf32, #tpu.memory_space<hbm>> -> memref<1x1x1x8x128xf32, #tpu.memory_space<hbm>>
      %dma_start3A_935 = tpu.memref_squeeze %dma_start3A_934 : memref<1x1x1x8x128xf32, #tpu.memory_space<hbm>> -> memref<8x128xf32, #tpu.memory_space<hbm>>
      %dma_start3A_936 = arith.constant 0 : i32
      %dma_start3A_937 = arith.constant 0 : i32
      %dma_start3A_938 = tpu.memref_slice %arg4[%add3A_849, %dma_start3A_928, %add3A, %dma_start3A_936, %dma_start3A_937] : memref<50x8x32x8x128xf32, #tpu.memory_space<hbm>> -> memref<1x1x1x8x128xf32, #tpu.memory_space<hbm>>
      %dma_start3A_939 = tpu.memref_squeeze %dma_start3A_938 : memref<1x1x1x8x128xf32, #tpu.memory_space<hbm>> -> memref<8x128xf32, #tpu.memory_space<hbm>>
      %dma_start3A_940 = arith.constant 40 : i32
      %dma_start3A_941 = arith.constant 0 : i32
      %dma_start3A_942 = tpu.memref_slice %arg15[%dma_start3A_940, %dma_start3A_941] : memref<64x129xf32, #tpu.memory_space<vmem>> -> memref<8x128xf32, #tpu.memory_space<vmem>>
      tpu.enqueue_dma source(%dma_start3A_942 : memref<8x128xf32, #tpu.memory_space<vmem>>) target(%dma_start3A_939 : memref<8x128xf32, #tpu.memory_space<hbm>>) target_semaphore(%arg18 : memref<!tpu.dma_semaphore, #tpu.memory_space<semaphore_mem>>)
      %dma_start3A_943 = arith.constant 6 : i32
      %dma_start3A_944 = arith.constant 48 : i32
      %dma_start3A_945 = arith.constant 0 : i32
      %dma_start3A_946 = tpu.memref_slice %arg15[%dma_start3A_944, %dma_start3A_945] : memref<64x129xf32, #tpu.memory_space<vmem>> -> memref<8x128xf32, #tpu.memory_space<vmem>>
      %dma_start3A_947 = arith.constant 0 : i32
      %dma_start3A_948 = arith.constant 0 : i32
      %dma_start3A_949 = tpu.memref_slice %arg4[%add3A_849, %dma_start3A_943, %add3A, %dma_start3A_947, %dma_start3A_948] : memref<50x8x32x8x128xf32, #tpu.memory_space<hbm>> -> memref<1x1x1x8x128xf32, #tpu.memory_space<hbm>>
      %dma_start3A_950 = tpu.memref_squeeze %dma_start3A_949 : memref<1x1x1x8x128xf32, #tpu.memory_space<hbm>> -> memref<8x128xf32, #tpu.memory_space<hbm>>
      %dma_start3A_951 = arith.constant 0 : i32
      %dma_start3A_952 = arith.constant 0 : i32
      %dma_start3A_953 = tpu.memref_slice %arg4[%add3A_849, %dma_start3A_943, %add3A, %dma_start3A_951, %dma_start3A_952] : memref<50x8x32x8x128xf32, #tpu.memory_space<hbm>> -> memref<1x1x1x8x128xf32, #tpu.memory_space<hbm>>
      %dma_start3A_954 = tpu.memref_squeeze %dma_start3A_953 : memref<1x1x1x8x128xf32, #tpu.memory_space<hbm>> -> memref<8x128xf32, #tpu.memory_space<hbm>>
      %dma_start3A_955 = arith.constant 48 : i32
      %dma_start3A_956 = arith.constant 0 : i32
      %dma_start3A_957 = tpu.memref_slice %arg15[%dma_start3A_955, %dma_start3A_956] : memref<64x129xf32, #tpu.memory_space<vmem>> -> memref<8x128xf32, #tpu.memory_space<vmem>>
      tpu.enqueue_dma source(%dma_start3A_957 : memref<8x128xf32, #tpu.memory_space<vmem>>) target(%dma_start3A_954 : memref<8x128xf32, #tpu.memory_space<hbm>>) target_semaphore(%arg18 : memref<!tpu.dma_semaphore, #tpu.memory_space<semaphore_mem>>)
      %dma_start3A_958 = arith.constant 7 : i32
      %dma_start3A_959 = arith.constant 56 : i32
      %dma_start3A_960 = arith.constant 0 : i32
      %dma_start3A_961 = tpu.memref_slice %arg15[%dma_start3A_959, %dma_start3A_960] : memref<64x129xf32, #tpu.memory_space<vmem>> -> memref<8x128xf32, #tpu.memory_space<vmem>>
      %dma_start3A_962 = arith.constant 0 : i32
      %dma_start3A_963 = arith.constant 0 : i32
      %dma_start3A_964 = tpu.memref_slice %arg4[%add3A_849, %dma_start3A_958, %add3A, %dma_start3A_962, %dma_start3A_963] : memref<50x8x32x8x128xf32, #tpu.memory_space<hbm>> -> memref<1x1x1x8x128xf32, #tpu.memory_space<hbm>>
      %dma_start3A_965 = tpu.memref_squeeze %dma_start3A_964 : memref<1x1x1x8x128xf32, #tpu.memory_space<hbm>> -> memref<8x128xf32, #tpu.memory_space<hbm>>
      %dma_start3A_966 = arith.constant 0 : i32
      %dma_start3A_967 = arith.constant 0 : i32
      %dma_start3A_968 = tpu.memref_slice %arg4[%add3A_849, %dma_start3A_958, %add3A, %dma_start3A_966, %dma_start3A_967] : memref<50x8x32x8x128xf32, #tpu.memory_space<hbm>> -> memref<1x1x1x8x128xf32, #tpu.memory_space<hbm>>
      %dma_start3A_969 = tpu.memref_squeeze %dma_start3A_968 : memref<1x1x1x8x128xf32, #tpu.memory_space<hbm>> -> memref<8x128xf32, #tpu.memory_space<hbm>>
      %dma_start3A_970 = arith.constant 56 : i32
      %dma_start3A_971 = arith.constant 0 : i32
      %dma_start3A_972 = tpu.memref_slice %arg15[%dma_start3A_970, %dma_start3A_971] : memref<64x129xf32, #tpu.memory_space<vmem>> -> memref<8x128xf32, #tpu.memory_space<vmem>>
      tpu.enqueue_dma source(%dma_start3A_972 : memref<8x128xf32, #tpu.memory_space<vmem>>) target(%dma_start3A_969 : memref<8x128xf32, #tpu.memory_space<hbm>>) target_semaphore(%arg18 : memref<!tpu.dma_semaphore, #tpu.memory_space<semaphore_mem>>)
      %dma_wait3A_973 = arith.constant 0 : i32
      %dma_wait3A_974 = arith.constant 0 : i32
      %dma_wait3A_975 = arith.constant 0 : i32
      %dma_wait3A_976 = tpu.memref_slice %arg15[%dma_wait3A_974, %dma_wait3A_975] : memref<64x129xf32, #tpu.memory_space<vmem>> -> memref<8x128xf32, #tpu.memory_space<vmem>>
      %dma_wait3A_977 = arith.constant 0 : i32
      %dma_wait3A_978 = arith.constant 0 : i32
      %dma_wait3A_979 = tpu.memref_slice %arg4[%add3A_849, %dma_wait3A_973, %add3A, %dma_wait3A_977, %dma_wait3A_978] : memref<50x8x32x8x128xf32, #tpu.memory_space<hbm>> -> memref<1x1x1x8x128xf32, #tpu.memory_space<hbm>>
      %dma_wait3A_980 = tpu.memref_squeeze %dma_wait3A_979 : memref<1x1x1x8x128xf32, #tpu.memory_space<hbm>> -> memref<8x128xf32, #tpu.memory_space<hbm>>
      %dma_wait3A_981 = arith.constant 0 : i32
      %dma_wait3A_982 = arith.constant 0 : i32
      %dma_wait3A_983 = tpu.memref_slice %arg4[%add3A_849, %dma_wait3A_973, %add3A, %dma_wait3A_981, %dma_wait3A_982] : memref<50x8x32x8x128xf32, #tpu.memory_space<hbm>> -> memref<1x1x1x8x128xf32, #tpu.memory_space<hbm>>
      %dma_wait3A_984 = tpu.memref_squeeze %dma_wait3A_983 : memref<1x1x1x8x128xf32, #tpu.memory_space<hbm>> -> memref<8x128xf32, #tpu.memory_space<hbm>>
      %dma_wait3A_985 = arith.constant 0 : i32
      %dma_wait3A_986 = arith.constant 0 : i32
      %dma_wait3A_987 = tpu.memref_slice %arg15[%dma_wait3A_985, %dma_wait3A_986] : memref<64x129xf32, #tpu.memory_space<vmem>> -> memref<8x128xf32, #tpu.memory_space<vmem>>
      tpu.wait_dma2 semaphore(%arg18 : memref<!tpu.dma_semaphore, #tpu.memory_space<semaphore_mem>>) src(%dma_wait3A_987 : memref<8x128xf32, #tpu.memory_space<vmem>>) dst(%dma_wait3A_984 : memref<8x128xf32, #tpu.memory_space<hbm>>)
      %dma_wait3A_988 = arith.constant 1 : i32
      %dma_wait3A_989 = arith.constant 8 : i32
      %dma_wait3A_990 = arith.constant 0 : i32
      %dma_wait3A_991 = tpu.memref_slice %arg15[%dma_wait3A_989, %dma_wait3A_990] : memref<64x129xf32, #tpu.memory_space<vmem>> -> memref<8x128xf32, #tpu.memory_space<vmem>>
      %dma_wait3A_992 = arith.constant 0 : i32
      %dma_wait3A_993 = arith.constant 0 : i32
      %dma_wait3A_994 = tpu.memref_slice %arg4[%add3A_849, %dma_wait3A_988, %add3A, %dma_wait3A_992, %dma_wait3A_993] : memref<50x8x32x8x128xf32, #tpu.memory_space<hbm>> -> memref<1x1x1x8x128xf32, #tpu.memory_space<hbm>>
      %dma_wait3A_995 = tpu.memref_squeeze %dma_wait3A_994 : memref<1x1x1x8x128xf32, #tpu.memory_space<hbm>> -> memref<8x128xf32, #tpu.memory_space<hbm>>
      %dma_wait3A_996 = arith.constant 0 : i32
      %dma_wait3A_997 = arith.constant 0 : i32
      %dma_wait3A_998 = tpu.memref_slice %arg4[%add3A_849, %dma_wait3A_988, %add3A, %dma_wait3A_996, %dma_wait3A_997] : memref<50x8x32x8x128xf32, #tpu.memory_space<hbm>> -> memref<1x1x1x8x128xf32, #tpu.memory_space<hbm>>
      %dma_wait3A_999 = tpu.memref_squeeze %dma_wait3A_998 : memref<1x1x1x8x128xf32, #tpu.memory_space<hbm>> -> memref<8x128xf32, #tpu.memory_space<hbm>>
      %dma_wait3A_1000 = arith.constant 8 : i32
      %dma_wait3A_1001 = arith.constant 0 : i32
      %dma_wait3A_1002 = tpu.memref_slice %arg15[%dma_wait3A_1000, %dma_wait3A_1001] : memref<64x129xf32, #tpu.memory_space<vmem>> -> memref<8x128xf32, #tpu.memory_space<vmem>>
      tpu.wait_dma2 semaphore(%arg18 : memref<!tpu.dma_semaphore, #tpu.memory_space<semaphore_mem>>) src(%dma_wait3A_1002 : memref<8x128xf32, #tpu.memory_space<vmem>>) dst(%dma_wait3A_999 : memref<8x128xf32, #tpu.memory_space<hbm>>)
      %dma_wait3A_1003 = arith.constant 2 : i32
      %dma_wait3A_1004 = arith.constant 16 : i32
      %dma_wait3A_1005 = arith.constant 0 : i32
      %dma_wait3A_1006 = tpu.memref_slice %arg15[%dma_wait3A_1004, %dma_wait3A_1005] : memref<64x129xf32, #tpu.memory_space<vmem>> -> memref<8x128xf32, #tpu.memory_space<vmem>>
      %dma_wait3A_1007 = arith.constant 0 : i32
      %dma_wait3A_1008 = arith.constant 0 : i32
      %dma_wait3A_1009 = tpu.memref_slice %arg4[%add3A_849, %dma_wait3A_1003, %add3A, %dma_wait3A_1007, %dma_wait3A_1008] : memref<50x8x32x8x128xf32, #tpu.memory_space<hbm>> -> memref<1x1x1x8x128xf32, #tpu.memory_space<hbm>>
      %dma_wait3A_1010 = tpu.memref_squeeze %dma_wait3A_1009 : memref<1x1x1x8x128xf32, #tpu.memory_space<hbm>> -> memref<8x128xf32, #tpu.memory_space<hbm>>
      %dma_wait3A_1011 = arith.constant 0 : i32
      %dma_wait3A_1012 = arith.constant 0 : i32
      %dma_wait3A_1013 = tpu.memref_slice %arg4[%add3A_849, %dma_wait3A_1003, %add3A, %dma_wait3A_1011, %dma_wait3A_1012] : memref<50x8x32x8x128xf32, #tpu.memory_space<hbm>> -> memref<1x1x1x8x128xf32, #tpu.memory_space<hbm>>
      %dma_wait3A_1014 = tpu.memref_squeeze %dma_wait3A_1013 : memref<1x1x1x8x128xf32, #tpu.memory_space<hbm>> -> memref<8x128xf32, #tpu.memory_space<hbm>>
      %dma_wait3A_1015 = arith.constant 16 : i32
      %dma_wait3A_1016 = arith.constant 0 : i32
      %dma_wait3A_1017 = tpu.memref_slice %arg15[%dma_wait3A_1015, %dma_wait3A_1016] : memref<64x129xf32, #tpu.memory_space<vmem>> -> memref<8x128xf32, #tpu.memory_space<vmem>>
      tpu.wait_dma2 semaphore(%arg18 : memref<!tpu.dma_semaphore, #tpu.memory_space<semaphore_mem>>) src(%dma_wait3A_1017 : memref<8x128xf32, #tpu.memory_space<vmem>>) dst(%dma_wait3A_1014 : memref<8x128xf32, #tpu.memory_space<hbm>>)
      %dma_wait3A_1018 = arith.constant 3 : i32
      %dma_wait3A_1019 = arith.constant 24 : i32
      %dma_wait3A_1020 = arith.constant 0 : i32
      %dma_wait3A_1021 = tpu.memref_slice %arg15[%dma_wait3A_1019, %dma_wait3A_1020] : memref<64x129xf32, #tpu.memory_space<vmem>> -> memref<8x128xf32, #tpu.memory_space<vmem>>
      %dma_wait3A_1022 = arith.constant 0 : i32
      %dma_wait3A_1023 = arith.constant 0 : i32
      %dma_wait3A_1024 = tpu.memref_slice %arg4[%add3A_849, %dma_wait3A_1018, %add3A, %dma_wait3A_1022, %dma_wait3A_1023] : memref<50x8x32x8x128xf32, #tpu.memory_space<hbm>> -> memref<1x1x1x8x128xf32, #tpu.memory_space<hbm>>
      %dma_wait3A_1025 = tpu.memref_squeeze %dma_wait3A_1024 : memref<1x1x1x8x128xf32, #tpu.memory_space<hbm>> -> memref<8x128xf32, #tpu.memory_space<hbm>>
      %dma_wait3A_1026 = arith.constant 0 : i32
      %dma_wait3A_1027 = arith.constant 0 : i32
      %dma_wait3A_1028 = tpu.memref_slice %arg4[%add3A_849, %dma_wait3A_1018, %add3A, %dma_wait3A_1026, %dma_wait3A_1027] : memref<50x8x32x8x128xf32, #tpu.memory_space<hbm>> -> memref<1x1x1x8x128xf32, #tpu.memory_space<hbm>>
      %dma_wait3A_1029 = tpu.memref_squeeze %dma_wait3A_1028 : memref<1x1x1x8x128xf32, #tpu.memory_space<hbm>> -> memref<8x128xf32, #tpu.memory_space<hbm>>
      %dma_wait3A_1030 = arith.constant 24 : i32
      %dma_wait3A_1031 = arith.constant 0 : i32
      %dma_wait3A_1032 = tpu.memref_slice %arg15[%dma_wait3A_1030, %dma_wait3A_1031] : memref<64x129xf32, #tpu.memory_space<vmem>> -> memref<8x128xf32, #tpu.memory_space<vmem>>
      tpu.wait_dma2 semaphore(%arg18 : memref<!tpu.dma_semaphore, #tpu.memory_space<semaphore_mem>>) src(%dma_wait3A_1032 : memref<8x128xf32, #tpu.memory_space<vmem>>) dst(%dma_wait3A_1029 : memref<8x128xf32, #tpu.memory_space<hbm>>)
      %dma_wait3A_1033 = arith.constant 4 : i32
      %dma_wait3A_1034 = arith.constant 32 : i32
      %dma_wait3A_1035 = arith.constant 0 : i32
      %dma_wait3A_1036 = tpu.memref_slice %arg15[%dma_wait3A_1034, %dma_wait3A_1035] : memref<64x129xf32, #tpu.memory_space<vmem>> -> memref<8x128xf32, #tpu.memory_space<vmem>>
      %dma_wait3A_1037 = arith.constant 0 : i32
      %dma_wait3A_1038 = arith.constant 0 : i32
      %dma_wait3A_1039 = tpu.memref_slice %arg4[%add3A_849, %dma_wait3A_1033, %add3A, %dma_wait3A_1037, %dma_wait3A_1038] : memref<50x8x32x8x128xf32, #tpu.memory_space<hbm>> -> memref<1x1x1x8x128xf32, #tpu.memory_space<hbm>>
      %dma_wait3A_1040 = tpu.memref_squeeze %dma_wait3A_1039 : memref<1x1x1x8x128xf32, #tpu.memory_space<hbm>> -> memref<8x128xf32, #tpu.memory_space<hbm>>
      %dma_wait3A_1041 = arith.constant 0 : i32
      %dma_wait3A_1042 = arith.constant 0 : i32
      %dma_wait3A_1043 = tpu.memref_slice %arg4[%add3A_849, %dma_wait3A_1033, %add3A, %dma_wait3A_1041, %dma_wait3A_1042] : memref<50x8x32x8x128xf32, #tpu.memory_space<hbm>> -> memref<1x1x1x8x128xf32, #tpu.memory_space<hbm>>
      %dma_wait3A_1044 = tpu.memref_squeeze %dma_wait3A_1043 : memref<1x1x1x8x128xf32, #tpu.memory_space<hbm>> -> memref<8x128xf32, #tpu.memory_space<hbm>>
      %dma_wait3A_1045 = arith.constant 32 : i32
      %dma_wait3A_1046 = arith.constant 0 : i32
      %dma_wait3A_1047 = tpu.memref_slice %arg15[%dma_wait3A_1045, %dma_wait3A_1046] : memref<64x129xf32, #tpu.memory_space<vmem>> -> memref<8x128xf32, #tpu.memory_space<vmem>>
      tpu.wait_dma2 semaphore(%arg18 : memref<!tpu.dma_semaphore, #tpu.memory_space<semaphore_mem>>) src(%dma_wait3A_1047 : memref<8x128xf32, #tpu.memory_space<vmem>>) dst(%dma_wait3A_1044 : memref<8x128xf32, #tpu.memory_space<hbm>>)
      %dma_wait3A_1048 = arith.constant 5 : i32
      %dma_wait3A_1049 = arith.constant 40 : i32
      %dma_wait3A_1050 = arith.constant 0 : i32
      %dma_wait3A_1051 = tpu.memref_slice %arg15[%dma_wait3A_1049, %dma_wait3A_1050] : memref<64x129xf32, #tpu.memory_space<vmem>> -> memref<8x128xf32, #tpu.memory_space<vmem>>
      %dma_wait3A_1052 = arith.constant 0 : i32
      %dma_wait3A_1053 = arith.constant 0 : i32
      %dma_wait3A_1054 = tpu.memref_slice %arg4[%add3A_849, %dma_wait3A_1048, %add3A, %dma_wait3A_1052, %dma_wait3A_1053] : memref<50x8x32x8x128xf32, #tpu.memory_space<hbm>> -> memref<1x1x1x8x128xf32, #tpu.memory_space<hbm>>
      %dma_wait3A_1055 = tpu.memref_squeeze %dma_wait3A_1054 : memref<1x1x1x8x128xf32, #tpu.memory_space<hbm>> -> memref<8x128xf32, #tpu.memory_space<hbm>>
      %dma_wait3A_1056 = arith.constant 0 : i32
      %dma_wait3A_1057 = arith.constant 0 : i32
      %dma_wait3A_1058 = tpu.memref_slice %arg4[%add3A_849, %dma_wait3A_1048, %add3A, %dma_wait3A_1056, %dma_wait3A_1057] : memref<50x8x32x8x128xf32, #tpu.memory_space<hbm>> -> memref<1x1x1x8x128xf32, #tpu.memory_space<hbm>>
      %dma_wait3A_1059 = tpu.memref_squeeze %dma_wait3A_1058 : memref<1x1x1x8x128xf32, #tpu.memory_space<hbm>> -> memref<8x128xf32, #tpu.memory_space<hbm>>
      %dma_wait3A_1060 = arith.constant 40 : i32
      %dma_wait3A_1061 = arith.constant 0 : i32
      %dma_wait3A_1062 = tpu.memref_slice %arg15[%dma_wait3A_1060, %dma_wait3A_1061] : memref<64x129xf32, #tpu.memory_space<vmem>> -> memref<8x128xf32, #tpu.memory_space<vmem>>
      tpu.wait_dma2 semaphore(%arg18 : memref<!tpu.dma_semaphore, #tpu.memory_space<semaphore_mem>>) src(%dma_wait3A_1062 : memref<8x128xf32, #tpu.memory_space<vmem>>) dst(%dma_wait3A_1059 : memref<8x128xf32, #tpu.memory_space<hbm>>)
      %dma_wait3A_1063 = arith.constant 6 : i32
      %dma_wait3A_1064 = arith.constant 48 : i32
      %dma_wait3A_1065 = arith.constant 0 : i32
      %dma_wait3A_1066 = tpu.memref_slice %arg15[%dma_wait3A_1064, %dma_wait3A_1065] : memref<64x129xf32, #tpu.memory_space<vmem>> -> memref<8x128xf32, #tpu.memory_space<vmem>>
      %dma_wait3A_1067 = arith.constant 0 : i32
      %dma_wait3A_1068 = arith.constant 0 : i32
      %dma_wait3A_1069 = tpu.memref_slice %arg4[%add3A_849, %dma_wait3A_1063, %add3A, %dma_wait3A_1067, %dma_wait3A_1068] : memref<50x8x32x8x128xf32, #tpu.memory_space<hbm>> -> memref<1x1x1x8x128xf32, #tpu.memory_space<hbm>>
      %dma_wait3A_1070 = tpu.memref_squeeze %dma_wait3A_1069 : memref<1x1x1x8x128xf32, #tpu.memory_space<hbm>> -> memref<8x128xf32, #tpu.memory_space<hbm>>
      %dma_wait3A_1071 = arith.constant 0 : i32
      %dma_wait3A_1072 = arith.constant 0 : i32
      %dma_wait3A_1073 = tpu.memref_slice %arg4[%add3A_849, %dma_wait3A_1063, %add3A, %dma_wait3A_1071, %dma_wait3A_1072] : memref<50x8x32x8x128xf32, #tpu.memory_space<hbm>> -> memref<1x1x1x8x128xf32, #tpu.memory_space<hbm>>
      %dma_wait3A_1074 = tpu.memref_squeeze %dma_wait3A_1073 : memref<1x1x1x8x128xf32, #tpu.memory_space<hbm>> -> memref<8x128xf32, #tpu.memory_space<hbm>>
      %dma_wait3A_1075 = arith.constant 48 : i32
      %dma_wait3A_1076 = arith.constant 0 : i32
      %dma_wait3A_1077 = tpu.memref_slice %arg15[%dma_wait3A_1075, %dma_wait3A_1076] : memref<64x129xf32, #tpu.memory_space<vmem>> -> memref<8x128xf32, #tpu.memory_space<vmem>>
      tpu.wait_dma2 semaphore(%arg18 : memref<!tpu.dma_semaphore, #tpu.memory_space<semaphore_mem>>) src(%dma_wait3A_1077 : memref<8x128xf32, #tpu.memory_space<vmem>>) dst(%dma_wait3A_1074 : memref<8x128xf32, #tpu.memory_space<hbm>>)
      %dma_wait3A_1078 = arith.constant 7 : i32
      %dma_wait3A_1079 = arith.constant 56 : i32
      %dma_wait3A_1080 = arith.constant 0 : i32
      %dma_wait3A_1081 = tpu.memref_slice %arg15[%dma_wait3A_1079, %dma_wait3A_1080] : memref<64x129xf32, #tpu.memory_space<vmem>> -> memref<8x128xf32, #tpu.memory_space<vmem>>
      %dma_wait3A_1082 = arith.constant 0 : i32
      %dma_wait3A_1083 = arith.constant 0 : i32
      %dma_wait3A_1084 = tpu.memref_slice %arg4[%add3A_849, %dma_wait3A_1078, %add3A, %dma_wait3A_1082, %dma_wait3A_1083] : memref<50x8x32x8x128xf32, #tpu.memory_space<hbm>> -> memref<1x1x1x8x128xf32, #tpu.memory_space<hbm>>
      %dma_wait3A_1085 = tpu.memref_squeeze %dma_wait3A_1084 : memref<1x1x1x8x128xf32, #tpu.memory_space<hbm>> -> memref<8x128xf32, #tpu.memory_space<hbm>>
      %dma_wait3A_1086 = arith.constant 0 : i32
      %dma_wait3A_1087 = arith.constant 0 : i32
      %dma_wait3A_1088 = tpu.memref_slice %arg4[%add3A_849, %dma_wait3A_1078, %add3A, %dma_wait3A_1086, %dma_wait3A_1087] : memref<50x8x32x8x128xf32, #tpu.memory_space<hbm>> -> memref<1x1x1x8x128xf32, #tpu.memory_space<hbm>>
      %dma_wait3A_1089 = tpu.memref_squeeze %dma_wait3A_1088 : memref<1x1x1x8x128xf32, #tpu.memory_space<hbm>> -> memref<8x128xf32, #tpu.memory_space<hbm>>
      %dma_wait3A_1090 = arith.constant 56 : i32
      %dma_wait3A_1091 = arith.constant 0 : i32
      %dma_wait3A_1092 = tpu.memref_slice %arg15[%dma_wait3A_1090, %dma_wait3A_1091] : memref<64x129xf32, #tpu.memory_space<vmem>> -> memref<8x128xf32, #tpu.memory_space<vmem>>
      tpu.wait_dma2 semaphore(%arg18 : memref<!tpu.dma_semaphore, #tpu.memory_space<semaphore_mem>>) src(%dma_wait3A_1092 : memref<8x128xf32, #tpu.memory_space<vmem>>) dst(%dma_wait3A_1089 : memref<8x128xf32, #tpu.memory_space<hbm>>)
      %dma_wait3A_1093 = arith.constant 0 : i32
      %dma_wait3A_1094 = arith.constant 0 : i32
      %dma_wait3A_1095 = tpu.memref_slice %arg3[%dma_wait3A_1093, %dma_wait3A_1094] : memref<100000x64xf32, #tpu.memory_space<hbm>> -> memref<100000x64xf32, #tpu.memory_space<hbm>>
      tpu.wait_indirect_dma semaphore(%arg17 : memref<!tpu.dma_semaphore, #tpu.memory_space<semaphore_mem>>) src(%dma_wait3A_1095 : memref<100000x64xf32, #tpu.memory_space<hbm>>) dst(%arg14 : memref<128x64xf32, #tpu.memory_space<vmem>>)
      %mul3A_1096 = arith.constant 5 : i32
      %mul3A_1097 = arith.muli %scan3A_20, %mul3A_1096 : i32
      %add3A_1098 = arith.constant 4 : i32
      %add3A_1099 = arith.addi %mul3A_1097, %add3A_1098 : i32
      %parallel_loop3A_1100 = arith.constant 0 : i32
      %parallel_loop3A_1101 = arith.constant 128 : i32
      %parallel_loop3A_1102 = arith.constant 1 : i32
      scf.for %parallel_loop3A_1343 = %parallel_loop3A_1100 to %parallel_loop3A_1101 step %parallel_loop3A_1102  : i32 {
        %parallel_loop3A_1344 = vector.broadcast %parallel_loop3A_1343 : i32 to vector<16xi32>
        %parallel_loop3A_1345 = arith.index_cast %parallel_loop3A_1343 : i32 to index
        %parallel_loop3A_1346 = arith.constant 0 : index
        %parallel_loop3A_1347 = tpu.vector_load %arg14[%parallel_loop3A_1345, %parallel_loop3A_1346] {strides = array<i32>} : memref<128x64xf32, #tpu.memory_space<vmem>>, vector<16xf32>,
        tpu.vector_store_idx %arg15[%add3A_5, %parallel_loop3A_1344], %parallel_loop3A_1347 : memref<64x129xf32, #tpu.memory_space<vmem>>[vector<16xi32>, vector<16xi32>], vector<16xf32>,
        %parallel_loop3A_1348 = arith.index_cast %parallel_loop3A_1343 : i32 to index
        %parallel_loop3A_1349 = arith.constant 16 : index
        %parallel_loop3A_1350 = tpu.vector_load %arg14[%parallel_loop3A_1348, %parallel_loop3A_1349] {strides = array<i32>} : memref<128x64xf32, #tpu.memory_space<vmem>>, vector<16xf32>,
        tpu.vector_store_idx %arg15[%add3A_8, %parallel_loop3A_1344], %parallel_loop3A_1350 : memref<64x129xf32, #tpu.memory_space<vmem>>[vector<16xi32>, vector<16xi32>], vector<16xf32>,
        %parallel_loop3A_1351 = arith.index_cast %parallel_loop3A_1343 : i32 to index
        %parallel_loop3A_1352 = arith.constant 32 : index
        %parallel_loop3A_1353 = tpu.vector_load %arg14[%parallel_loop3A_1351, %parallel_loop3A_1352] {strides = array<i32>} : memref<128x64xf32, #tpu.memory_space<vmem>>, vector<16xf32>,
        tpu.vector_store_idx %arg15[%add3A_11, %parallel_loop3A_1344], %parallel_loop3A_1353 : memref<64x129xf32, #tpu.memory_space<vmem>>[vector<16xi32>, vector<16xi32>], vector<16xf32>,
        %parallel_loop3A_1354 = arith.index_cast %parallel_loop3A_1343 : i32 to index
        %parallel_loop3A_1355 = arith.constant 48 : index
        %parallel_loop3A_1356 = tpu.vector_load %arg14[%parallel_loop3A_1354, %parallel_loop3A_1355] {strides = array<i32>} : memref<128x64xf32, #tpu.memory_space<vmem>>, vector<16xf32>,
        tpu.vector_store_idx %arg15[%add3A_14, %parallel_loop3A_1344], %parallel_loop3A_1356 : memref<64x129xf32, #tpu.memory_space<vmem>>[vector<16xi32>, vector<16xi32>], vector<16xf32>,
      } {sc.loop_unroll_factor = 4 : i64, sc.parallel_access}
      %dma_start3A_1103 = arith.constant 0 : i32
      %dma_start3A_1104 = arith.constant 0 : i32
      %dma_start3A_1105 = arith.constant 0 : i32
      %dma_start3A_1106 = tpu.memref_slice %arg15[%dma_start3A_1104, %dma_start3A_1105] : memref<64x129xf32, #tpu.memory_space<vmem>> -> memref<8x128xf32, #tpu.memory_space<vmem>>
      %dma_start3A_1107 = arith.constant 0 : i32
      %dma_start3A_1108 = arith.constant 0 : i32
      %dma_start3A_1109 = tpu.memref_slice %arg4[%add3A_1099, %dma_start3A_1103, %add3A, %dma_start3A_1107, %dma_start3A_1108] : memref<50x8x32x8x128xf32, #tpu.memory_space<hbm>> -> memref<1x1x1x8x128xf32, #tpu.memory_space<hbm>>
      %dma_start3A_1110 = tpu.memref_squeeze %dma_start3A_1109 : memref<1x1x1x8x128xf32, #tpu.memory_space<hbm>> -> memref<8x128xf32, #tpu.memory_space<hbm>>
      %dma_start3A_1111 = arith.constant 0 : i32
      %dma_start3A_1112 = arith.constant 0 : i32
      %dma_start3A_1113 = tpu.memref_slice %arg4[%add3A_1099, %dma_start3A_1103, %add3A, %dma_start3A_1111, %dma_start3A_1112] : memref<50x8x32x8x128xf32, #tpu.memory_space<hbm>> -> memref<1x1x1x8x128xf32, #tpu.memory_space<hbm>>
      %dma_start3A_1114 = tpu.memref_squeeze %dma_start3A_1113 : memref<1x1x1x8x128xf32, #tpu.memory_space<hbm>> -> memref<8x128xf32, #tpu.memory_space<hbm>>
      %dma_start3A_1115 = arith.constant 0 : i32
      %dma_start3A_1116 = arith.constant 0 : i32
      %dma_start3A_1117 = tpu.memref_slice %arg15[%dma_start3A_1115, %dma_start3A_1116] : memref<64x129xf32, #tpu.memory_space<vmem>> -> memref<8x128xf32, #tpu.memory_space<vmem>>
      tpu.enqueue_dma source(%dma_start3A_1117 : memref<8x128xf32, #tpu.memory_space<vmem>>) target(%dma_start3A_1114 : memref<8x128xf32, #tpu.memory_space<hbm>>) target_semaphore(%arg18 : memref<!tpu.dma_semaphore, #tpu.memory_space<semaphore_mem>>)
      %dma_start3A_1118 = arith.constant 1 : i32
      %dma_start3A_1119 = arith.constant 8 : i32
      %dma_start3A_1120 = arith.constant 0 : i32
      %dma_start3A_1121 = tpu.memref_slice %arg15[%dma_start3A_1119, %dma_start3A_1120] : memref<64x129xf32, #tpu.memory_space<vmem>> -> memref<8x128xf32, #tpu.memory_space<vmem>>
      %dma_start3A_1122 = arith.constant 0 : i32
      %dma_start3A_1123 = arith.constant 0 : i32
      %dma_start3A_1124 = tpu.memref_slice %arg4[%add3A_1099, %dma_start3A_1118, %add3A, %dma_start3A_1122, %dma_start3A_1123] : memref<50x8x32x8x128xf32, #tpu.memory_space<hbm>> -> memref<1x1x1x8x128xf32, #tpu.memory_space<hbm>>
      %dma_start3A_1125 = tpu.memref_squeeze %dma_start3A_1124 : memref<1x1x1x8x128xf32, #tpu.memory_space<hbm>> -> memref<8x128xf32, #tpu.memory_space<hbm>>
      %dma_start3A_1126 = arith.constant 0 : i32
      %dma_start3A_1127 = arith.constant 0 : i32
      %dma_start3A_1128 = tpu.memref_slice %arg4[%add3A_1099, %dma_start3A_1118, %add3A, %dma_start3A_1126, %dma_start3A_1127] : memref<50x8x32x8x128xf32, #tpu.memory_space<hbm>> -> memref<1x1x1x8x128xf32, #tpu.memory_space<hbm>>
      %dma_start3A_1129 = tpu.memref_squeeze %dma_start3A_1128 : memref<1x1x1x8x128xf32, #tpu.memory_space<hbm>> -> memref<8x128xf32, #tpu.memory_space<hbm>>
      %dma_start3A_1130 = arith.constant 8 : i32
      %dma_start3A_1131 = arith.constant 0 : i32
      %dma_start3A_1132 = tpu.memref_slice %arg15[%dma_start3A_1130, %dma_start3A_1131] : memref<64x129xf32, #tpu.memory_space<vmem>> -> memref<8x128xf32, #tpu.memory_space<vmem>>
      tpu.enqueue_dma source(%dma_start3A_1132 : memref<8x128xf32, #tpu.memory_space<vmem>>) target(%dma_start3A_1129 : memref<8x128xf32, #tpu.memory_space<hbm>>) target_semaphore(%arg18 : memref<!tpu.dma_semaphore, #tpu.memory_space<semaphore_mem>>)
      %dma_start3A_1133 = arith.constant 2 : i32
      %dma_start3A_1134 = arith.constant 16 : i32
      %dma_start3A_1135 = arith.constant 0 : i32
      %dma_start3A_1136 = tpu.memref_slice %arg15[%dma_start3A_1134, %dma_start3A_1135] : memref<64x129xf32, #tpu.memory_space<vmem>> -> memref<8x128xf32, #tpu.memory_space<vmem>>
      %dma_start3A_1137 = arith.constant 0 : i32
      %dma_start3A_1138 = arith.constant 0 : i32
      %dma_start3A_1139 = tpu.memref_slice %arg4[%add3A_1099, %dma_start3A_1133, %add3A, %dma_start3A_1137, %dma_start3A_1138] : memref<50x8x32x8x128xf32, #tpu.memory_space<hbm>> -> memref<1x1x1x8x128xf32, #tpu.memory_space<hbm>>
      %dma_start3A_1140 = tpu.memref_squeeze %dma_start3A_1139 : memref<1x1x1x8x128xf32, #tpu.memory_space<hbm>> -> memref<8x128xf32, #tpu.memory_space<hbm>>
      %dma_start3A_1141 = arith.constant 0 : i32
      %dma_start3A_1142 = arith.constant 0 : i32
      %dma_start3A_1143 = tpu.memref_slice %arg4[%add3A_1099, %dma_start3A_1133, %add3A, %dma_start3A_1141, %dma_start3A_1142] : memref<50x8x32x8x128xf32, #tpu.memory_space<hbm>> -> memref<1x1x1x8x128xf32, #tpu.memory_space<hbm>>
      %dma_start3A_1144 = tpu.memref_squeeze %dma_start3A_1143 : memref<1x1x1x8x128xf32, #tpu.memory_space<hbm>> -> memref<8x128xf32, #tpu.memory_space<hbm>>
      %dma_start3A_1145 = arith.constant 16 : i32
      %dma_start3A_1146 = arith.constant 0 : i32
      %dma_start3A_1147 = tpu.memref_slice %arg15[%dma_start3A_1145, %dma_start3A_1146] : memref<64x129xf32, #tpu.memory_space<vmem>> -> memref<8x128xf32, #tpu.memory_space<vmem>>
      tpu.enqueue_dma source(%dma_start3A_1147 : memref<8x128xf32, #tpu.memory_space<vmem>>) target(%dma_start3A_1144 : memref<8x128xf32, #tpu.memory_space<hbm>>) target_semaphore(%arg18 : memref<!tpu.dma_semaphore, #tpu.memory_space<semaphore_mem>>)
      %dma_start3A_1148 = arith.constant 3 : i32
      %dma_start3A_1149 = arith.constant 24 : i32
      %dma_start3A_1150 = arith.constant 0 : i32
      %dma_start3A_1151 = tpu.memref_slice %arg15[%dma_start3A_1149, %dma_start3A_1150] : memref<64x129xf32, #tpu.memory_space<vmem>> -> memref<8x128xf32, #tpu.memory_space<vmem>>
      %dma_start3A_1152 = arith.constant 0 : i32
      %dma_start3A_1153 = arith.constant 0 : i32
      %dma_start3A_1154 = tpu.memref_slice %arg4[%add3A_1099, %dma_start3A_1148, %add3A, %dma_start3A_1152, %dma_start3A_1153] : memref<50x8x32x8x128xf32, #tpu.memory_space<hbm>> -> memref<1x1x1x8x128xf32, #tpu.memory_space<hbm>>
      %dma_start3A_1155 = tpu.memref_squeeze %dma_start3A_1154 : memref<1x1x1x8x128xf32, #tpu.memory_space<hbm>> -> memref<8x128xf32, #tpu.memory_space<hbm>>
      %dma_start3A_1156 = arith.constant 0 : i32
      %dma_start3A_1157 = arith.constant 0 : i32
      %dma_start3A_1158 = tpu.memref_slice %arg4[%add3A_1099, %dma_start3A_1148, %add3A, %dma_start3A_1156, %dma_start3A_1157] : memref<50x8x32x8x128xf32, #tpu.memory_space<hbm>> -> memref<1x1x1x8x128xf32, #tpu.memory_space<hbm>>
      %dma_start3A_1159 = tpu.memref_squeeze %dma_start3A_1158 : memref<1x1x1x8x128xf32, #tpu.memory_space<hbm>> -> memref<8x128xf32, #tpu.memory_space<hbm>>
      %dma_start3A_1160 = arith.constant 24 : i32
      %dma_start3A_1161 = arith.constant 0 : i32
      %dma_start3A_1162 = tpu.memref_slice %arg15[%dma_start3A_1160, %dma_start3A_1161] : memref<64x129xf32, #tpu.memory_space<vmem>> -> memref<8x128xf32, #tpu.memory_space<vmem>>
      tpu.enqueue_dma source(%dma_start3A_1162 : memref<8x128xf32, #tpu.memory_space<vmem>>) target(%dma_start3A_1159 : memref<8x128xf32, #tpu.memory_space<hbm>>) target_semaphore(%arg18 : memref<!tpu.dma_semaphore, #tpu.memory_space<semaphore_mem>>)
      %dma_start3A_1163 = arith.constant 4 : i32
      %dma_start3A_1164 = arith.constant 32 : i32
      %dma_start3A_1165 = arith.constant 0 : i32
      %dma_start3A_1166 = tpu.memref_slice %arg15[%dma_start3A_1164, %dma_start3A_1165] : memref<64x129xf32, #tpu.memory_space<vmem>> -> memref<8x128xf32, #tpu.memory_space<vmem>>
      %dma_start3A_1167 = arith.constant 0 : i32
      %dma_start3A_1168 = arith.constant 0 : i32
      %dma_start3A_1169 = tpu.memref_slice %arg4[%add3A_1099, %dma_start3A_1163, %add3A, %dma_start3A_1167, %dma_start3A_1168] : memref<50x8x32x8x128xf32, #tpu.memory_space<hbm>> -> memref<1x1x1x8x128xf32, #tpu.memory_space<hbm>>
      %dma_start3A_1170 = tpu.memref_squeeze %dma_start3A_1169 : memref<1x1x1x8x128xf32, #tpu.memory_space<hbm>> -> memref<8x128xf32, #tpu.memory_space<hbm>>
      %dma_start3A_1171 = arith.constant 0 : i32
      %dma_start3A_1172 = arith.constant 0 : i32
      %dma_start3A_1173 = tpu.memref_slice %arg4[%add3A_1099, %dma_start3A_1163, %add3A, %dma_start3A_1171, %dma_start3A_1172] : memref<50x8x32x8x128xf32, #tpu.memory_space<hbm>> -> memref<1x1x1x8x128xf32, #tpu.memory_space<hbm>>
      %dma_start3A_1174 = tpu.memref_squeeze %dma_start3A_1173 : memref<1x1x1x8x128xf32, #tpu.memory_space<hbm>> -> memref<8x128xf32, #tpu.memory_space<hbm>>
      %dma_start3A_1175 = arith.constant 32 : i32
      %dma_start3A_1176 = arith.constant 0 : i32
      %dma_start3A_1177 = tpu.memref_slice %arg15[%dma_start3A_1175, %dma_start3A_1176] : memref<64x129xf32, #tpu.memory_space<vmem>> -> memref<8x128xf32, #tpu.memory_space<vmem>>
      tpu.enqueue_dma source(%dma_start3A_1177 : memref<8x128xf32, #tpu.memory_space<vmem>>) target(%dma_start3A_1174 : memref<8x128xf32, #tpu.memory_space<hbm>>) target_semaphore(%arg18 : memref<!tpu.dma_semaphore, #tpu.memory_space<semaphore_mem>>)
      %dma_start3A_1178 = arith.constant 5 : i32
      %dma_start3A_1179 = arith.constant 40 : i32
      %dma_start3A_1180 = arith.constant 0 : i32
      %dma_start3A_1181 = tpu.memref_slice %arg15[%dma_start3A_1179, %dma_start3A_1180] : memref<64x129xf32, #tpu.memory_space<vmem>> -> memref<8x128xf32, #tpu.memory_space<vmem>>
      %dma_start3A_1182 = arith.constant 0 : i32
      %dma_start3A_1183 = arith.constant 0 : i32
      %dma_start3A_1184 = tpu.memref_slice %arg4[%add3A_1099, %dma_start3A_1178, %add3A, %dma_start3A_1182, %dma_start3A_1183] : memref<50x8x32x8x128xf32, #tpu.memory_space<hbm>> -> memref<1x1x1x8x128xf32, #tpu.memory_space<hbm>>
      %dma_start3A_1185 = tpu.memref_squeeze %dma_start3A_1184 : memref<1x1x1x8x128xf32, #tpu.memory_space<hbm>> -> memref<8x128xf32, #tpu.memory_space<hbm>>
      %dma_start3A_1186 = arith.constant 0 : i32
      %dma_start3A_1187 = arith.constant 0 : i32
      %dma_start3A_1188 = tpu.memref_slice %arg4[%add3A_1099, %dma_start3A_1178, %add3A, %dma_start3A_1186, %dma_start3A_1187] : memref<50x8x32x8x128xf32, #tpu.memory_space<hbm>> -> memref<1x1x1x8x128xf32, #tpu.memory_space<hbm>>
      %dma_start3A_1189 = tpu.memref_squeeze %dma_start3A_1188 : memref<1x1x1x8x128xf32, #tpu.memory_space<hbm>> -> memref<8x128xf32, #tpu.memory_space<hbm>>
      %dma_start3A_1190 = arith.constant 40 : i32
      %dma_start3A_1191 = arith.constant 0 : i32
      %dma_start3A_1192 = tpu.memref_slice %arg15[%dma_start3A_1190, %dma_start3A_1191] : memref<64x129xf32, #tpu.memory_space<vmem>> -> memref<8x128xf32, #tpu.memory_space<vmem>>
      tpu.enqueue_dma source(%dma_start3A_1192 : memref<8x128xf32, #tpu.memory_space<vmem>>) target(%dma_start3A_1189 : memref<8x128xf32, #tpu.memory_space<hbm>>) target_semaphore(%arg18 : memref<!tpu.dma_semaphore, #tpu.memory_space<semaphore_mem>>)
      %dma_start3A_1193 = arith.constant 6 : i32
      %dma_start3A_1194 = arith.constant 48 : i32
      %dma_start3A_1195 = arith.constant 0 : i32
      %dma_start3A_1196 = tpu.memref_slice %arg15[%dma_start3A_1194, %dma_start3A_1195] : memref<64x129xf32, #tpu.memory_space<vmem>> -> memref<8x128xf32, #tpu.memory_space<vmem>>
      %dma_start3A_1197 = arith.constant 0 : i32
      %dma_start3A_1198 = arith.constant 0 : i32
      %dma_start3A_1199 = tpu.memref_slice %arg4[%add3A_1099, %dma_start3A_1193, %add3A, %dma_start3A_1197, %dma_start3A_1198] : memref<50x8x32x8x128xf32, #tpu.memory_space<hbm>> -> memref<1x1x1x8x128xf32, #tpu.memory_space<hbm>>
      %dma_start3A_1200 = tpu.memref_squeeze %dma_start3A_1199 : memref<1x1x1x8x128xf32, #tpu.memory_space<hbm>> -> memref<8x128xf32, #tpu.memory_space<hbm>>
      %dma_start3A_1201 = arith.constant 0 : i32
      %dma_start3A_1202 = arith.constant 0 : i32
      %dma_start3A_1203 = tpu.memref_slice %arg4[%add3A_1099, %dma_start3A_1193, %add3A, %dma_start3A_1201, %dma_start3A_1202] : memref<50x8x32x8x128xf32, #tpu.memory_space<hbm>> -> memref<1x1x1x8x128xf32, #tpu.memory_space<hbm>>
      %dma_start3A_1204 = tpu.memref_squeeze %dma_start3A_1203 : memref<1x1x1x8x128xf32, #tpu.memory_space<hbm>> -> memref<8x128xf32, #tpu.memory_space<hbm>>
      %dma_start3A_1205 = arith.constant 48 : i32
      %dma_start3A_1206 = arith.constant 0 : i32
      %dma_start3A_1207 = tpu.memref_slice %arg15[%dma_start3A_1205, %dma_start3A_1206] : memref<64x129xf32, #tpu.memory_space<vmem>> -> memref<8x128xf32, #tpu.memory_space<vmem>>
      tpu.enqueue_dma source(%dma_start3A_1207 : memref<8x128xf32, #tpu.memory_space<vmem>>) target(%dma_start3A_1204 : memref<8x128xf32, #tpu.memory_space<hbm>>) target_semaphore(%arg18 : memref<!tpu.dma_semaphore, #tpu.memory_space<semaphore_mem>>)
      %dma_start3A_1208 = arith.constant 7 : i32
      %dma_start3A_1209 = arith.constant 56 : i32
      %dma_start3A_1210 = arith.constant 0 : i32
      %dma_start3A_1211 = tpu.memref_slice %arg15[%dma_start3A_1209, %dma_start3A_1210] : memref<64x129xf32, #tpu.memory_space<vmem>> -> memref<8x128xf32, #tpu.memory_space<vmem>>
      %dma_start3A_1212 = arith.constant 0 : i32
      %dma_start3A_1213 = arith.constant 0 : i32
      %dma_start3A_1214 = tpu.memref_slice %arg4[%add3A_1099, %dma_start3A_1208, %add3A, %dma_start3A_1212, %dma_start3A_1213] : memref<50x8x32x8x128xf32, #tpu.memory_space<hbm>> -> memref<1x1x1x8x128xf32, #tpu.memory_space<hbm>>
      %dma_start3A_1215 = tpu.memref_squeeze %dma_start3A_1214 : memref<1x1x1x8x128xf32, #tpu.memory_space<hbm>> -> memref<8x128xf32, #tpu.memory_space<hbm>>
      %dma_start3A_1216 = arith.constant 0 : i32
      %dma_start3A_1217 = arith.constant 0 : i32
      %dma_start3A_1218 = tpu.memref_slice %arg4[%add3A_1099, %dma_start3A_1208, %add3A, %dma_start3A_1216, %dma_start3A_1217] : memref<50x8x32x8x128xf32, #tpu.memory_space<hbm>> -> memref<1x1x1x8x128xf32, #tpu.memory_space<hbm>>
      %dma_start3A_1219 = tpu.memref_squeeze %dma_start3A_1218 : memref<1x1x1x8x128xf32, #tpu.memory_space<hbm>> -> memref<8x128xf32, #tpu.memory_space<hbm>>
      %dma_start3A_1220 = arith.constant 56 : i32
      %dma_start3A_1221 = arith.constant 0 : i32
      %dma_start3A_1222 = tpu.memref_slice %arg15[%dma_start3A_1220, %dma_start3A_1221] : memref<64x129xf32, #tpu.memory_space<vmem>> -> memref<8x128xf32, #tpu.memory_space<vmem>>
      tpu.enqueue_dma source(%dma_start3A_1222 : memref<8x128xf32, #tpu.memory_space<vmem>>) target(%dma_start3A_1219 : memref<8x128xf32, #tpu.memory_space<hbm>>) target_semaphore(%arg18 : memref<!tpu.dma_semaphore, #tpu.memory_space<semaphore_mem>>)
      %dma_wait3A_1223 = arith.constant 0 : i32
      %dma_wait3A_1224 = arith.constant 0 : i32
      %dma_wait3A_1225 = arith.constant 0 : i32
      %dma_wait3A_1226 = tpu.memref_slice %arg15[%dma_wait3A_1224, %dma_wait3A_1225] : memref<64x129xf32, #tpu.memory_space<vmem>> -> memref<8x128xf32, #tpu.memory_space<vmem>>
      %dma_wait3A_1227 = arith.constant 0 : i32
      %dma_wait3A_1228 = arith.constant 0 : i32
      %dma_wait3A_1229 = tpu.memref_slice %arg4[%add3A_1099, %dma_wait3A_1223, %add3A, %dma_wait3A_1227, %dma_wait3A_1228] : memref<50x8x32x8x128xf32, #tpu.memory_space<hbm>> -> memref<1x1x1x8x128xf32, #tpu.memory_space<hbm>>
      %dma_wait3A_1230 = tpu.memref_squeeze %dma_wait3A_1229 : memref<1x1x1x8x128xf32, #tpu.memory_space<hbm>> -> memref<8x128xf32, #tpu.memory_space<hbm>>
      %dma_wait3A_1231 = arith.constant 0 : i32
      %dma_wait3A_1232 = arith.constant 0 : i32
      %dma_wait3A_1233 = tpu.memref_slice %arg4[%add3A_1099, %dma_wait3A_1223, %add3A, %dma_wait3A_1231, %dma_wait3A_1232] : memref<50x8x32x8x128xf32, #tpu.memory_space<hbm>> -> memref<1x1x1x8x128xf32, #tpu.memory_space<hbm>>
      %dma_wait3A_1234 = tpu.memref_squeeze %dma_wait3A_1233 : memref<1x1x1x8x128xf32, #tpu.memory_space<hbm>> -> memref<8x128xf32, #tpu.memory_space<hbm>>
      %dma_wait3A_1235 = arith.constant 0 : i32
      %dma_wait3A_1236 = arith.constant 0 : i32
      %dma_wait3A_1237 = tpu.memref_slice %arg15[%dma_wait3A_1235, %dma_wait3A_1236] : memref<64x129xf32, #tpu.memory_space<vmem>> -> memref<8x128xf32, #tpu.memory_space<vmem>>
      tpu.wait_dma2 semaphore(%arg18 : memref<!tpu.dma_semaphore, #tpu.memory_space<semaphore_mem>>) src(%dma_wait3A_1237 : memref<8x128xf32, #tpu.memory_space<vmem>>) dst(%dma_wait3A_1234 : memref<8x128xf32, #tpu.memory_space<hbm>>)
      %dma_wait3A_1238 = arith.constant 1 : i32
      %dma_wait3A_1239 = arith.constant 8 : i32
      %dma_wait3A_1240 = arith.constant 0 : i32
      %dma_wait3A_1241 = tpu.memref_slice %arg15[%dma_wait3A_1239, %dma_wait3A_1240] : memref<64x129xf32, #tpu.memory_space<vmem>> -> memref<8x128xf32, #tpu.memory_space<vmem>>
      %dma_wait3A_1242 = arith.constant 0 : i32
      %dma_wait3A_1243 = arith.constant 0 : i32
      %dma_wait3A_1244 = tpu.memref_slice %arg4[%add3A_1099, %dma_wait3A_1238, %add3A, %dma_wait3A_1242, %dma_wait3A_1243] : memref<50x8x32x8x128xf32, #tpu.memory_space<hbm>> -> memref<1x1x1x8x128xf32, #tpu.memory_space<hbm>>
      %dma_wait3A_1245 = tpu.memref_squeeze %dma_wait3A_1244 : memref<1x1x1x8x128xf32, #tpu.memory_space<hbm>> -> memref<8x128xf32, #tpu.memory_space<hbm>>
      %dma_wait3A_1246 = arith.constant 0 : i32
      %dma_wait3A_1247 = arith.constant 0 : i32
      %dma_wait3A_1248 = tpu.memref_slice %arg4[%add3A_1099, %dma_wait3A_1238, %add3A, %dma_wait3A_1246, %dma_wait3A_1247] : memref<50x8x32x8x128xf32, #tpu.memory_space<hbm>> -> memref<1x1x1x8x128xf32, #tpu.memory_space<hbm>>
      %dma_wait3A_1249 = tpu.memref_squeeze %dma_wait3A_1248 : memref<1x1x1x8x128xf32, #tpu.memory_space<hbm>> -> memref<8x128xf32, #tpu.memory_space<hbm>>
      %dma_wait3A_1250 = arith.constant 8 : i32
      %dma_wait3A_1251 = arith.constant 0 : i32
      %dma_wait3A_1252 = tpu.memref_slice %arg15[%dma_wait3A_1250, %dma_wait3A_1251] : memref<64x129xf32, #tpu.memory_space<vmem>> -> memref<8x128xf32, #tpu.memory_space<vmem>>
      tpu.wait_dma2 semaphore(%arg18 : memref<!tpu.dma_semaphore, #tpu.memory_space<semaphore_mem>>) src(%dma_wait3A_1252 : memref<8x128xf32, #tpu.memory_space<vmem>>) dst(%dma_wait3A_1249 : memref<8x128xf32, #tpu.memory_space<hbm>>)
      %dma_wait3A_1253 = arith.constant 2 : i32
      %dma_wait3A_1254 = arith.constant 16 : i32
      %dma_wait3A_1255 = arith.constant 0 : i32
      %dma_wait3A_1256 = tpu.memref_slice %arg15[%dma_wait3A_1254, %dma_wait3A_1255] : memref<64x129xf32, #tpu.memory_space<vmem>> -> memref<8x128xf32, #tpu.memory_space<vmem>>
      %dma_wait3A_1257 = arith.constant 0 : i32
      %dma_wait3A_1258 = arith.constant 0 : i32
      %dma_wait3A_1259 = tpu.memref_slice %arg4[%add3A_1099, %dma_wait3A_1253, %add3A, %dma_wait3A_1257, %dma_wait3A_1258] : memref<50x8x32x8x128xf32, #tpu.memory_space<hbm>> -> memref<1x1x1x8x128xf32, #tpu.memory_space<hbm>>
      %dma_wait3A_1260 = tpu.memref_squeeze %dma_wait3A_1259 : memref<1x1x1x8x128xf32, #tpu.memory_space<hbm>> -> memref<8x128xf32, #tpu.memory_space<hbm>>
      %dma_wait3A_1261 = arith.constant 0 : i32
      %dma_wait3A_1262 = arith.constant 0 : i32
      %dma_wait3A_1263 = tpu.memref_slice %arg4[%add3A_1099, %dma_wait3A_1253, %add3A, %dma_wait3A_1261, %dma_wait3A_1262] : memref<50x8x32x8x128xf32, #tpu.memory_space<hbm>> -> memref<1x1x1x8x128xf32, #tpu.memory_space<hbm>>
      %dma_wait3A_1264 = tpu.memref_squeeze %dma_wait3A_1263 : memref<1x1x1x8x128xf32, #tpu.memory_space<hbm>> -> memref<8x128xf32, #tpu.memory_space<hbm>>
      %dma_wait3A_1265 = arith.constant 16 : i32
      %dma_wait3A_1266 = arith.constant 0 : i32
      %dma_wait3A_1267 = tpu.memref_slice %arg15[%dma_wait3A_1265, %dma_wait3A_1266] : memref<64x129xf32, #tpu.memory_space<vmem>> -> memref<8x128xf32, #tpu.memory_space<vmem>>
      tpu.wait_dma2 semaphore(%arg18 : memref<!tpu.dma_semaphore, #tpu.memory_space<semaphore_mem>>) src(%dma_wait3A_1267 : memref<8x128xf32, #tpu.memory_space<vmem>>) dst(%dma_wait3A_1264 : memref<8x128xf32, #tpu.memory_space<hbm>>)
      %dma_wait3A_1268 = arith.constant 3 : i32
      %dma_wait3A_1269 = arith.constant 24 : i32
      %dma_wait3A_1270 = arith.constant 0 : i32
      %dma_wait3A_1271 = tpu.memref_slice %arg15[%dma_wait3A_1269, %dma_wait3A_1270] : memref<64x129xf32, #tpu.memory_space<vmem>> -> memref<8x128xf32, #tpu.memory_space<vmem>>
      %dma_wait3A_1272 = arith.constant 0 : i32
      %dma_wait3A_1273 = arith.constant 0 : i32
      %dma_wait3A_1274 = tpu.memref_slice %arg4[%add3A_1099, %dma_wait3A_1268, %add3A, %dma_wait3A_1272, %dma_wait3A_1273] : memref<50x8x32x8x128xf32, #tpu.memory_space<hbm>> -> memref<1x1x1x8x128xf32, #tpu.memory_space<hbm>>
      %dma_wait3A_1275 = tpu.memref_squeeze %dma_wait3A_1274 : memref<1x1x1x8x128xf32, #tpu.memory_space<hbm>> -> memref<8x128xf32, #tpu.memory_space<hbm>>
      %dma_wait3A_1276 = arith.constant 0 : i32
      %dma_wait3A_1277 = arith.constant 0 : i32
      %dma_wait3A_1278 = tpu.memref_slice %arg4[%add3A_1099, %dma_wait3A_1268, %add3A, %dma_wait3A_1276, %dma_wait3A_1277] : memref<50x8x32x8x128xf32, #tpu.memory_space<hbm>> -> memref<1x1x1x8x128xf32, #tpu.memory_space<hbm>>
      %dma_wait3A_1279 = tpu.memref_squeeze %dma_wait3A_1278 : memref<1x1x1x8x128xf32, #tpu.memory_space<hbm>> -> memref<8x128xf32, #tpu.memory_space<hbm>>
      %dma_wait3A_1280 = arith.constant 24 : i32
      %dma_wait3A_1281 = arith.constant 0 : i32
      %dma_wait3A_1282 = tpu.memref_slice %arg15[%dma_wait3A_1280, %dma_wait3A_1281] : memref<64x129xf32, #tpu.memory_space<vmem>> -> memref<8x128xf32, #tpu.memory_space<vmem>>
      tpu.wait_dma2 semaphore(%arg18 : memref<!tpu.dma_semaphore, #tpu.memory_space<semaphore_mem>>) src(%dma_wait3A_1282 : memref<8x128xf32, #tpu.memory_space<vmem>>) dst(%dma_wait3A_1279 : memref<8x128xf32, #tpu.memory_space<hbm>>)
      %dma_wait3A_1283 = arith.constant 4 : i32
      %dma_wait3A_1284 = arith.constant 32 : i32
      %dma_wait3A_1285 = arith.constant 0 : i32
      %dma_wait3A_1286 = tpu.memref_slice %arg15[%dma_wait3A_1284, %dma_wait3A_1285] : memref<64x129xf32, #tpu.memory_space<vmem>> -> memref<8x128xf32, #tpu.memory_space<vmem>>
      %dma_wait3A_1287 = arith.constant 0 : i32
      %dma_wait3A_1288 = arith.constant 0 : i32
      %dma_wait3A_1289 = tpu.memref_slice %arg4[%add3A_1099, %dma_wait3A_1283, %add3A, %dma_wait3A_1287, %dma_wait3A_1288] : memref<50x8x32x8x128xf32, #tpu.memory_space<hbm>> -> memref<1x1x1x8x128xf32, #tpu.memory_space<hbm>>
      %dma_wait3A_1290 = tpu.memref_squeeze %dma_wait3A_1289 : memref<1x1x1x8x128xf32, #tpu.memory_space<hbm>> -> memref<8x128xf32, #tpu.memory_space<hbm>>
      %dma_wait3A_1291 = arith.constant 0 : i32
      %dma_wait3A_1292 = arith.constant 0 : i32
      %dma_wait3A_1293 = tpu.memref_slice %arg4[%add3A_1099, %dma_wait3A_1283, %add3A, %dma_wait3A_1291, %dma_wait3A_1292] : memref<50x8x32x8x128xf32, #tpu.memory_space<hbm>> -> memref<1x1x1x8x128xf32, #tpu.memory_space<hbm>>
      %dma_wait3A_1294 = tpu.memref_squeeze %dma_wait3A_1293 : memref<1x1x1x8x128xf32, #tpu.memory_space<hbm>> -> memref<8x128xf32, #tpu.memory_space<hbm>>
      %dma_wait3A_1295 = arith.constant 32 : i32
      %dma_wait3A_1296 = arith.constant 0 : i32
      %dma_wait3A_1297 = tpu.memref_slice %arg15[%dma_wait3A_1295, %dma_wait3A_1296] : memref<64x129xf32, #tpu.memory_space<vmem>> -> memref<8x128xf32, #tpu.memory_space<vmem>>
      tpu.wait_dma2 semaphore(%arg18 : memref<!tpu.dma_semaphore, #tpu.memory_space<semaphore_mem>>) src(%dma_wait3A_1297 : memref<8x128xf32, #tpu.memory_space<vmem>>) dst(%dma_wait3A_1294 : memref<8x128xf32, #tpu.memory_space<hbm>>)
      %dma_wait3A_1298 = arith.constant 5 : i32
      %dma_wait3A_1299 = arith.constant 40 : i32
      %dma_wait3A_1300 = arith.constant 0 : i32
      %dma_wait3A_1301 = tpu.memref_slice %arg15[%dma_wait3A_1299, %dma_wait3A_1300] : memref<64x129xf32, #tpu.memory_space<vmem>> -> memref<8x128xf32, #tpu.memory_space<vmem>>
      %dma_wait3A_1302 = arith.constant 0 : i32
      %dma_wait3A_1303 = arith.constant 0 : i32
      %dma_wait3A_1304 = tpu.memref_slice %arg4[%add3A_1099, %dma_wait3A_1298, %add3A, %dma_wait3A_1302, %dma_wait3A_1303] : memref<50x8x32x8x128xf32, #tpu.memory_space<hbm>> -> memref<1x1x1x8x128xf32, #tpu.memory_space<hbm>>
      %dma_wait3A_1305 = tpu.memref_squeeze %dma_wait3A_1304 : memref<1x1x1x8x128xf32, #tpu.memory_space<hbm>> -> memref<8x128xf32, #tpu.memory_space<hbm>>
      %dma_wait3A_1306 = arith.constant 0 : i32
      %dma_wait3A_1307 = arith.constant 0 : i32
      %dma_wait3A_1308 = tpu.memref_slice %arg4[%add3A_1099, %dma_wait3A_1298, %add3A, %dma_wait3A_1306, %dma_wait3A_1307] : memref<50x8x32x8x128xf32, #tpu.memory_space<hbm>> -> memref<1x1x1x8x128xf32, #tpu.memory_space<hbm>>
      %dma_wait3A_1309 = tpu.memref_squeeze %dma_wait3A_1308 : memref<1x1x1x8x128xf32, #tpu.memory_space<hbm>> -> memref<8x128xf32, #tpu.memory_space<hbm>>
      %dma_wait3A_1310 = arith.constant 40 : i32
      %dma_wait3A_1311 = arith.constant 0 : i32
      %dma_wait3A_1312 = tpu.memref_slice %arg15[%dma_wait3A_1310, %dma_wait3A_1311] : memref<64x129xf32, #tpu.memory_space<vmem>> -> memref<8x128xf32, #tpu.memory_space<vmem>>
      tpu.wait_dma2 semaphore(%arg18 : memref<!tpu.dma_semaphore, #tpu.memory_space<semaphore_mem>>) src(%dma_wait3A_1312 : memref<8x128xf32, #tpu.memory_space<vmem>>) dst(%dma_wait3A_1309 : memref<8x128xf32, #tpu.memory_space<hbm>>)
      %dma_wait3A_1313 = arith.constant 6 : i32
      %dma_wait3A_1314 = arith.constant 48 : i32
      %dma_wait3A_1315 = arith.constant 0 : i32
      %dma_wait3A_1316 = tpu.memref_slice %arg15[%dma_wait3A_1314, %dma_wait3A_1315] : memref<64x129xf32, #tpu.memory_space<vmem>> -> memref<8x128xf32, #tpu.memory_space<vmem>>
      %dma_wait3A_1317 = arith.constant 0 : i32
      %dma_wait3A_1318 = arith.constant 0 : i32
      %dma_wait3A_1319 = tpu.memref_slice %arg4[%add3A_1099, %dma_wait3A_1313, %add3A, %dma_wait3A_1317, %dma_wait3A_1318] : memref<50x8x32x8x128xf32, #tpu.memory_space<hbm>> -> memref<1x1x1x8x128xf32, #tpu.memory_space<hbm>>
      %dma_wait3A_1320 = tpu.memref_squeeze %dma_wait3A_1319 : memref<1x1x1x8x128xf32, #tpu.memory_space<hbm>> -> memref<8x128xf32, #tpu.memory_space<hbm>>
      %dma_wait3A_1321 = arith.constant 0 : i32
      %dma_wait3A_1322 = arith.constant 0 : i32
      %dma_wait3A_1323 = tpu.memref_slice %arg4[%add3A_1099, %dma_wait3A_1313, %add3A, %dma_wait3A_1321, %dma_wait3A_1322] : memref<50x8x32x8x128xf32, #tpu.memory_space<hbm>> -> memref<1x1x1x8x128xf32, #tpu.memory_space<hbm>>
      %dma_wait3A_1324 = tpu.memref_squeeze %dma_wait3A_1323 : memref<1x1x1x8x128xf32, #tpu.memory_space<hbm>> -> memref<8x128xf32, #tpu.memory_space<hbm>>
      %dma_wait3A_1325 = arith.constant 48 : i32
      %dma_wait3A_1326 = arith.constant 0 : i32
      %dma_wait3A_1327 = tpu.memref_slice %arg15[%dma_wait3A_1325, %dma_wait3A_1326] : memref<64x129xf32, #tpu.memory_space<vmem>> -> memref<8x128xf32, #tpu.memory_space<vmem>>
      tpu.wait_dma2 semaphore(%arg18 : memref<!tpu.dma_semaphore, #tpu.memory_space<semaphore_mem>>) src(%dma_wait3A_1327 : memref<8x128xf32, #tpu.memory_space<vmem>>) dst(%dma_wait3A_1324 : memref<8x128xf32, #tpu.memory_space<hbm>>)
      %dma_wait3A_1328 = arith.constant 7 : i32
      %dma_wait3A_1329 = arith.constant 56 : i32
      %dma_wait3A_1330 = arith.constant 0 : i32
      %dma_wait3A_1331 = tpu.memref_slice %arg15[%dma_wait3A_1329, %dma_wait3A_1330] : memref<64x129xf32, #tpu.memory_space<vmem>> -> memref<8x128xf32, #tpu.memory_space<vmem>>
      %dma_wait3A_1332 = arith.constant 0 : i32
      %dma_wait3A_1333 = arith.constant 0 : i32
      %dma_wait3A_1334 = tpu.memref_slice %arg4[%add3A_1099, %dma_wait3A_1328, %add3A, %dma_wait3A_1332, %dma_wait3A_1333] : memref<50x8x32x8x128xf32, #tpu.memory_space<hbm>> -> memref<1x1x1x8x128xf32, #tpu.memory_space<hbm>>
      %dma_wait3A_1335 = tpu.memref_squeeze %dma_wait3A_1334 : memref<1x1x1x8x128xf32, #tpu.memory_space<hbm>> -> memref<8x128xf32, #tpu.memory_space<hbm>>
      %dma_wait3A_1336 = arith.constant 0 : i32
      %dma_wait3A_1337 = arith.constant 0 : i32
      %dma_wait3A_1338 = tpu.memref_slice %arg4[%add3A_1099, %dma_wait3A_1328, %add3A, %dma_wait3A_1336, %dma_wait3A_1337] : memref<50x8x32x8x128xf32, #tpu.memory_space<hbm>> -> memref<1x1x1x8x128xf32, #tpu.memory_space<hbm>>
      %dma_wait3A_1339 = tpu.memref_squeeze %dma_wait3A_1338 : memref<1x1x1x8x128xf32, #tpu.memory_space<hbm>> -> memref<8x128xf32, #tpu.memory_space<hbm>>
      %dma_wait3A_1340 = arith.constant 56 : i32
      %dma_wait3A_1341 = arith.constant 0 : i32
      %dma_wait3A_1342 = tpu.memref_slice %arg15[%dma_wait3A_1340, %dma_wait3A_1341] : memref<64x129xf32, #tpu.memory_space<vmem>> -> memref<8x128xf32, #tpu.memory_space<vmem>>
      tpu.wait_dma2 semaphore(%arg18 : memref<!tpu.dma_semaphore, #tpu.memory_space<semaphore_mem>>) src(%dma_wait3A_1342 : memref<8x128xf32, #tpu.memory_space<vmem>>) dst(%dma_wait3A_1339 : memref<8x128xf32, #tpu.memory_space<hbm>>)
    }
    %scan3A_19 = arith.constant 10 : i32
    return
  }
}

</mosaic_0001>

<sc_bundles>
// kernel: kernel.3.cloned.1.call-start
scs
__scs_entry_jumppad:
0x0: {  	(pc) =	sbr.rel $0x88, $3  }
0x1: {  	(tag) =	ssettag $0x0;
	lr =	simm.s32 $0x1  }
0x2: {  	[smem:$0x3F9F] =	sst lr;
	_ =	strace $0xD0000000  }
0x3: {  	_ = 	snop  }
0x4: {  	_ = 	snop  }
0x5: {  	_ = 	snop  }
0x6: {  	_ = 	snop  }
0x7: {  	_ = 	snop  }
__scs_overlays_trampoline_lowered:
0x8: {  	[smem:$0x3FAE] =	sst s0  }
0x9: {  	[smem:$0x3FAF] =	sst s1  }
0xa: {  	[smem:$0x3FB0] =	sst s2  }
0xb: {  	[smem:$0x3FB1] =	sst s3  }
0xc: {  	[smem:$0x3FB2] =	sst s4  }
0xd: {  	[smem:$0x3FB3] =	sst s5  }
0xe: {  	[smem:$0x3FB4] =	sst s6  }
0xf: {  	[smem:$0x3FB5] =	sst s7  }
0x10: {  	[smem:$0x3FB6] =	sst s8  }
0x11: {  	[smem:$0x3FB7] =	sst s9;
	s0 =	simm.s32 @!p0 $0x0  }
0x12: {  	s1 =	sld [smem:$0x3F9D];
	s0 =	simm.s32 @p0 $0x1  }
0x13: {  	[smem:$0x3FB8] =	sst s0;
	s0 =	simm.s32 @!p1 $0x0  }
0x14: {  	s2 =	sld [smem:$0x3F9C];
	s0 =	simm.s32 @p1 $0x1  }
0x15: {  	[smem:$0x3FB9] =	sst s0;
	s0 =	simm.s32 @!p2 $0x0  }
0x16: {  	s3 =	sld [smem:$0x3FDB];
	s0 =	simm.s32 @p2 $0x1  }
0x17: {  	s4 =	simm.s32 $0x1BF5;
	[smem:$0x3FBB] =	sst s0  }
0x18: {  	s0 =	sld [smem:$0x3F9E];
	_ =	swait.ge [sflag:s4], $0x0  }
0x19: {  	s7 =	sld [smem:$0x3F9F]  }
0x1a: {  	s8 =	sadd.s32 $0xFFFFE003, lr  }
0x1b: {  	s9 =	sadd.s32 $0xFFFFFEF7, lr;
	s5 =	simm.s32 $0xFFFFFFFF;
	p2 =	slt.u32 s8, $0xFFFFF086  }
0x1c: {  	p1 =	slt.u32 s9, $0xF7A;
	s5 =	simm.s32 @!p2 $0x0  }
0x1d: {  	s5 =	simm.s32 @p1 $0x1;
	p0 =	seq.s32 s7, s2  }
0x1e: {  	s7 =	smul.u32 @!p0 $0xF7A, s2;
	p2 =	seq.s32 @!p0 s5, $0x0  }
0x1f: {  	s9 =	smul.u32 $0xF7A, s1;
	s8 =	simm.s32 @!p0 $0x1BF5;
	p2 =	por !p2, p0  }
0x20: {  	[sflag:s8] =	ssyncset.s32 @!p0 $0xFFFFF086;
	s6 =	sadd.s32 @!p0 s3, s7;
	s7 =	simm.s32 @!p0 $0x108  }
0x21: {  	s3 =	sadd.s32 s3, s9;
	s6 =	sadd.s32 @!p0 $0x88, s6;
	s7 =	simm.s32 @p2 $0x1082  }
0x22: {  	[simem:s7], [sflag:s8] =	dma.local @!p0 [hbm:s6], $0xF7A  }
0x23: {  	s9 =	sor.u32 $0xD0000000, s2;
	s6 =	simm.s32 $0x108;
	_ =	swait.ge @!p0 [sflag:s8], $0x0  }
0x24: {  	s3 =	sadd.s32 $0x88, s3;
	s6 =	simm.s32 @!p1 $0x1082;
	[sflag:s4] =	ssyncset.s32 $0xFFFFF086  }
0x25: {  	[simem:s6], [sflag:s4] =	dma.local [hbm:s3], $0xF7A  }
0x26: {  	[smem:$0x3F9F] =	sst s1;
	(tag) =	ssettag s2;
	_ =	strace s9  }
0x27: {  	s1 =	sld [smem:$0x3FAF]  }
0x28: {  	s2 =	sld [smem:$0x3FB0]  }
0x29: {  	s4 =	sld [smem:$0x3FB2]  }
0x2a: {  	p0 =	seq.s32 s5, $0x0;
	s5 =	sld [smem:$0x3FB3]  }
0x2b: {  	s6 =	sld [smem:$0x3FB4]  }
0x2c: {  	s7 =	sld [smem:$0x3FB5]  }
0x2d: {  	s3 =	simm.s32 $0x108;
	s8 =	sld [smem:$0x3FB6]  }
0x2e: {  	s3 =	simm.s32 @!p0 $0x1082;
	s9 =	sld [smem:$0x3FB7]  }
0x2f: {  	lr =	sadd.s32 s0, s3;
	s0 =	sld [smem:$0x3FAE]  }
0x30: {  	s3 =	sld [smem:$0x3FB1]  }
0x31: {  	[smem:$0x3FBA] =	sst s10  }
0x32: {  	s10 =	sld [smem:$0x3FB8];
	_ =	sdelay $0x3  }
0x33: {  	p0 =	seq.s32 s10, $0x1;
	s10 =	sld [smem:$0x3FBA];
	_ =	sdelay $0x3  }
0x34: {  	[smem:$0x3FBA] =	sst s10  }
0x35: {  	s10 =	sld [smem:$0x3FB9];
	_ =	sdelay $0x3  }
0x36: {  	p1 =	seq.s32 s10, $0x1;
	s10 =	sld [smem:$0x3FBA];
	_ =	sdelay $0x3  }
0x37: {  	[smem:$0x3FBA] =	sst s10  }
0x38: {  	s10 =	sld [smem:$0x3FBB]  }
0x39: {  	_ = 	snop;
	(pc) =	sbr.ind lr, $3  }
0x3a: {  	_ = 	snop  }
0x3b: {  	_ = 	snop  }
0x3c: {  	p2 =	seq.s32 s10, $0x1;
	s10 =	sld [smem:$0x3FBA]  }
0x3d: {  	_ =	shalt  }
0x3e: {  	_ =	shalt  }
0x3f: {  	_ =	shalt  }
0x40: {  	_ =	shalt  }
0x41: {  	_ =	shalt  }
0x42: {  	_ =	shalt  }
0x43: {  	_ =	shalt  }
0x44: {  	_ =	shalt  }
0x45: {  	_ =	shalt  }
0x46: {  	_ =	shalt  }
0x47: {  	_ =	shalt  }
0x48: {  	_ =	shalt  }
0x49: {  	_ =	shalt  }
0x4a: {  	_ =	shalt  }
0x4b: {  	_ =	shalt  }
0x4c: {  	_ =	shalt  }
0x4d: {  	_ =	shalt  }
0x4e: {  	_ =	shalt  }
0x4f: {  	_ =	shalt  }
0x50: {  	_ =	shalt  }
0x51: {  	_ =	shalt  }
0x52: {  	_ =	shalt  }
0x53: {  	_ =	shalt  }
0x54: {  	_ =	shalt  }
0x55: {  	_ =	shalt  }
0x56: {  	_ =	shalt  }
0x57: {  	_ =	shalt  }
0x58: {  	_ =	shalt  }
0x59: {  	_ =	shalt  }
0x5a: {  	_ =	shalt  }
0x5b: {  	_ =	shalt  }
0x5c: {  	_ =	shalt  }
0x5d: {  	_ =	shalt  }
0x5e: {  	_ =	shalt  }
0x5f: {  	_ =	shalt  }
0x60: {  	_ =	shalt  }
0x61: {  	_ =	shalt  }
0x62: {  	_ =	shalt  }
0x63: {  	_ =	shalt  }
0x64: {  	_ =	shalt  }
0x65: {  	_ =	shalt  }
0x66: {  	_ =	shalt  }
0x67: {  	_ =	shalt  }
0x68: {  	_ =	shalt  }
0x69: {  	_ =	shalt  }
0x6a: {  	_ =	shalt  }
0x6b: {  	_ =	shalt  }
0x6c: {  	_ =	shalt  }
0x6d: {  	_ =	shalt  }
0x6e: {  	_ =	shalt  }
0x6f: {  	_ =	shalt  }
0x70: {  	_ =	shalt  }
0x71: {  	_ =	shalt  }
0x72: {  	_ =	shalt  }
0x73: {  	_ =	shalt  }
0x74: {  	_ =	shalt  }
0x75: {  	_ =	shalt  }
0x76: {  	_ =	shalt  }
0x77: {  	_ =	shalt  }
0x78: {  	_ =	shalt  }
0x79: {  	_ =	shalt  }
0x7a: {  	_ =	shalt  }
0x7b: {  	_ =	shalt  }
0x7c: {  	_ =	shalt  }
0x7d: {  	_ =	shalt  }
0x7e: {  	_ =	shalt  }
0x7f: {  	_ =	shalt  }
0x80: {  	_ =	shalt  }
0x81: {  	_ =	shalt  }
0x82: {  	_ =	shalt  }
0x83: {  	_ =	shalt  }
0x84: {  	_ =	shalt  }
0x85: {  	_ =	shalt  }
0x86: {  	_ =	shalt  }
0x87: {  	_ =	shalt  }
.Lfunc_end0:
.L_simem_size_0:
called_computation_lowered:
.L_overlay_start_0:
0x88: {  	s2 =	sld [smem:$0x3FD9]  }
0x89: {  	s3 =	sld [smem:$0x3FFE];
	_ =	sdelay $0x1  }
0x8a: {  	s1 =	srdreg.scid  }
0x8b: {  	s0 =	sand.u32 $0x1, s1  }
0x8c: {  	s17 =	sshll.u32 s0, $0xA;
	s2 =	sadd.s32 s3, s2  }
0x8d: {  	s2 =	sadd.s32 s2, s17  }
0x8e: {  	[smem:$0x3FC6] =	sst s2  }
0x8f: {  	_ = 	snop  }
0x90: {  	s2 =	sld [smem:$0x3FD0];
	(tm) =	ssettm $0x1  }
0x91: {  	s18 =	sld [smem:$0x3FFB];
	_ =	sdelay $0x3  }
0x92: {  	_ =	strace s18  }
0x93: {  	s3 =	sld [smem:$0x3FFC];
	_ =	sdelay $0x3  }
0x94: {  	_ =	strace s3  }
0x95: {  	s3 =	sld [smem:$0x3FFD];
	_ =	sdelay $0x3  }
0x96: {  	_ =	strace s3  }
0x97: {  	_ =	strace $0x8FFFFFFF  }
0x98: {  	s19 =	sld [smem:$0x3FDB];
	_ =	sdelay $0x1  }
0x99: {  	s4 =	simm.s32 $_scs_section_size  }
0x9a: {  	s5 =	simm.s32 $_size__tile_overlayer_lowered;
	s6 =	simm.s32 $_tile_overlayer_lowered  }
0x9b: {  	s22 =	simm.s32 $0x1BFF;
	s21 =	sshll.u32 s6, $0x1;
	s3 =	sadd.s32 s4, s19  }
0x9c: {  	s7 =	simm.s32 $0x0;
	s20 =	sshll.u32 s5, $0x1;
	s5 =	sadd.s32 s21, s3  }
0x9d: {  	[timem:s7], [sflag:s22] =	dma.local [hbm:s5], s20  }
0x9e: {  	_ =	swait.ge [sflag:s22], s20  }
0x9f: {  	s4 =	ssub.s32 $0x0, s20;
	[sflag:s22] =	ssyncset.done $0x0  }
0xa0: {  	[sflag:s22] =	ssyncadd.s32 s4;
	_ =	sdelay $0x1  }
0xa1: {  	s23 =	simm.s32 $0x1B8B  }
0xa2: {  	_ =	swait.ge [sflag:s23], $0x1  }
0xa3: {  	[sflag:s23] =	ssyncset.done $0x0  }
0xa4: {  	s25 =	simm.s32 $0x1B8E;
	s24 =	sld [smem:$0x3FFE];
	[sflag:s23] =	ssyncadd.s32 $0xFFFFFFFF  }
0xa5: {  	s26 =	simm.s32 $execute0_lowered;
	[smem:$0x3FD2] =	sst s25  }
0xa6: {  	s5 =	sshll.u32 s26, $0x1;
	_ =	strace $0x80000046;
	[dreg:$0x1] =	wrdreg $0xFFFFFFFF  }
0xa7: {  	s28 =	simm.s32 $_size_execute0_lowered;
	s3 =	sadd.s32 s3, s5;
	[dreg:$0x0] =	wrdreg $0x0  }
0xa8: {  	s5 =	sshll.u32 s28, $0x1;
	[dreg:$0x2] =	wrdreg s3  }
0xa9: {  	[dreg:$0x3] =	wrdreg s5  }
0xaa: {  	[dreg:$0x4] =	wrdreg $0xC0  }
0xab: {  	_ =	task [dreg:s7], $0x5FFFF  }
0xac: {  	[dreg:$0x1] =	wrdreg $0xFFFFFFFF  }
0xad: {  	[dreg:$0x0] =	wrdreg $0x60  }
0xae: {  	[dreg:$0x2] =	wrdreg s24  }
0xaf: {  	[dreg:$0x3] =	wrdreg s2  }
0xb0: {  	[dreg:$0x4] =	wrdreg $0x9  }
0xb1: {  	_ =	task.clear_ibuf [dreg:s7], $0x5FFFF;
	_ =	strace $0x90000046  }
0xb2: {  	s29 =	simm.s32 $0x9;
	_ =	strace $0x80000048  }
0xb3: {  	_ =	swait.ge [sflag:s29], $0x1  }
0xb4: {  	[sflag:s29] =	ssyncadd.s32 $0xFFFFFFFF  }
0xb5: {  	_ =	strace $0x90000048  }
0xb6: {  	_ =	sfence  }
0xb7: {  	s30 =	sld [smem:$0x0];
	_ =	sdelay $0x2  }
0xb8: {  	s31 =	sshll.u32 s1, $0xD;
	s1 =	sshrl.u32 s1, $0x2  }
0xb9: {  	s3 =	sand.u32 $0x4000, s31;
	s1 =	sadd.s32 s1, s30  }
0xba: {  	s0 =	sor.u32 s3, s0;
	s1 =	sshll.u32 s1, $0x11  }
0xbb: {  	s0 =	sor.u32 s1, s0  }
0xbc: {  	s0 =	sadd.s32 $0x8F2B, s0  }
0xbd: {  	[sflag:s0] =	ssyncadd.remote.s32 $0x1  }
0xbe: {  	_ =	sfence.sel $0xFFFF  }
0xbf: {  	[dreg:$0x0] =	wrdreg $0xFFFFFFFF;
	(pc) =	sbr.abs _section_cstart, $3  }
0xc0: {  	[dreg:$0x1] =	wrdreg $0xFFFFFFFF  }
0xc1: {  	_ =	task.clear_ibuf [dreg:s7], $0x2FFFF;
	_ =	strace $0x9FFFFFFF  }
0xc2: {  	(tm) =	ssettm $0x7FFFFFFF  }
0xc3: {  	_ =	shalt  }
tec
execute0_lowered:
.L_overlay_start_1:
0x0: {  	(tag) =	ssettag $0x1  }
0x1: {  	s0 =	rddreg [dreg:$0x0]  }
0x2: {  	s25 =	rddreg [dreg:$0x1]  }
0x3: {  	s2 =	simm.s32 $0x0;
	s1 =	srdreg.scid;
	s5 =	stileid.u32  }
0x4: {  	s16 =	simm.s32 $0x80;
	s20 =	simm.s32 $0x1;
	s28 =	simm.s32 $0xA280  }
0x5: {  	s29 =	simm.s32 $0xA308;
	s30 =	simm.s32 $0xC370;
	s31 =	simm.s32 $0xC3F8  }
0x6: {  	[smem:$0x7FF] =	sst s2;
	s1 =	sand.u32 $0x1, s1;
	s4 =	sadd.s32 $0x400, s0  }
0x7: {  	s7 =	sshll.u32 s5, $0x1;
	s5 =	sadd.s32 $0x6800, s0;
	s8 =	sadd.s32 $0x1000, s25  }
0x8: {  	s9 =	sadd.s32 $0x2000, s25;
	s10 =	sadd.s32 $0x3000, s25;
	s11 =	sadd.s32 $0x4000, s25  }
0x9: {  	s12 =	sadd.s32 $0x5000, s25;
	s13 =	sadd.s32 $0x6000, s25;
	s3 =	ssub.s32 $0x2, s1  }
0xa: {  	v0 =	vlaneseq.u32;
	s14 =	sadd.s32 $0x7000, s25;
	s1 =	sor.u32 s1, s7;
	s6 =	sshrl.u32 s3, $0x1  }
0xb: {  	v0 =	vmul.u32 $0x88, v0;
	_ =	strace $0x80000047;
	s7 =	sshll.u32 s1, $0xA;
	s26 =	ssub.s32 s3, s6  }
0xc: {  	s6 =	sshll.u32 s1, $0x7;
	s3 =	simm.s32 $0x0;
	s0 =	smax.u32 s26, $0x1  }
0xd: {  	v1 =	vadd.s32 $0x880, v0;
	v2 =	vadd.s32 $0x1100, v0;
	v3 =	vadd.s32 $0x1980, v0;
	s26 =	simm.s32 $0x2;
	[dreg:$0x3] =	wrdreg s0;
	s0 =	simm.s32 $0x3  }
.LBB2_1:
0xe: {  	[dreg:$0x4] =	wrdreg s3;
	s3 =	simm.s32 $0x0  }
.LBB2_2:
0xf: {  	s15 =	smul.u32 $0x5000, s3  }
0x10: {  	s17 =	smul.u32 $0x5, s3  }
0x11: {  	s15 =	sor.u32 s6, s15  }
0x12: {  	s23 =	sadd.s32 $0x1, s17;
	s15 =	sshrl.u32 s15, $0x3  }
0x13: {  	s18 =	simm.s32 $0x0;
	s22 =	sshll.u32 s23, $0xC;
	s15 =	sadd.s32 s4, s15  }
0x14: {  	[tilespmem:s18], [sflag:$0x1] =	stream.linear.gather [hbm4b:s15+s18], $0x80, $0x38;
	[tilespmem:$0xC480] =	vst v63  }
0x15: {  	s15 =	sor.u32 s6, s22  }
0x16: {  	s22 =	sadd.s32 $0x2, s17;
	s15 =	sshrl.u32 s15, $0x3  }
0x17: {  	s24 =	sshll.u32 s22, $0xC;
	s15 =	sadd.s32 s4, s15  }
0x18: {  	[tilespmem:s16], [sflag:$0x1] =	stream.linear.gather [hbm4b:s15+s18], $0x80, $0x38;
	[tilespmem:$0xC480] =	vst v63  }
0x19: {  	s15 =	sor.u32 s6, s24  }
0x1a: {  	s1 =	smov.u32 s25;
	s21 =	sadd.s32 $0x3, s17;
	s15 =	sshrl.u32 s15, $0x3  }
0x1b: {  	s19 =	simm.s32 $0x100;
	s25 =	sshll.u32 s21, $0xC;
	s15 =	sadd.s32 s4, s15  }
0x1c: {  	[tilespmem:s19], [sflag:$0x1] =	stream.linear.gather [hbm4b:s15+s18], $0x80, $0x38;
	[tilespmem:$0xC480] =	vst v63  }
0x1d: {  	s15 =	sor.u32 s6, s25  }
0x1e: {  	s15 =	sshrl.u32 s15, $0x3  }
0x1f: {  	s24 =	simm.s32 $0x180;
	s15 =	sadd.s32 s4, s15  }
0x20: {  	[tilespmem:s24], [sflag:$0x1] =	stream.linear.gather [hbm4b:s15+s18], $0x80, $0x38;
	[tilespmem:$0xC480] =	vst v63  }
0x21: {  	s15 =	sadd.s32 $0x4, s17  }
0x22: {  	s17 =	sshll.u32 s15, $0xC  }
0x23: {  	s17 =	sor.u32 s6, s17  }
0x24: {  	s17 =	sshrl.u32 s17, $0x3  }
0x25: {  	s25 =	simm.s32 $0x200;
	s17 =	sadd.s32 s4, s17  }
0x26: {  	[tilespmem:s25], [sflag:$0x1] =	stream.linear.gather [hbm4b:s17+s18], $0x80, $0x38;
	[tilespmem:$0xC480] =	vst v63  }
0x27: {  	_ =	swait.ge [sflag:s20], $0x80  }
0x28: {  	[sflag:s20] =	ssyncset.done $0x0  }
0x29: {  	s17 =	simm.s32 $0x280;
	[sflag:s20] =	ssyncadd.s32 $0xFFFFFF80  }
0x2a: {  	[tilespmem:s17], [sflag:$0x2] =	stream.indirect.gather [hbm4b:s5+s16], $0x40, s18, s16, $0xb8;
	[tilespmem:$0xC480] =	vst v63  }
0x2b: {  	_ =	swait.ge [sflag:s20], $0x80  }
0x2c: {  	[sflag:s20] =	ssyncset.done $0x0  }
0x2d: {  	s17 =	simm.s32 $0x2280;
	[sflag:s20] =	ssyncadd.s32 $0xFFFFFF80  }
0x2e: {  	[tilespmem:s17], [sflag:$0x2] =	stream.indirect.gather [hbm4b:s5+s16], $0x40, s16, s16, $0xb8;
	[tilespmem:$0xC480] =	vst v63  }
0x2f: {  	_ =	swait.ge [sflag:s20], $0x80  }
0x30: {  	[sflag:s20] =	ssyncset.done $0x0  }
0x31: {  	s17 =	simm.s32 $0x4280;
	[sflag:s20] =	ssyncadd.s32 $0xFFFFFF80  }
0x32: {  	[tilespmem:s17], [sflag:$0x2] =	stream.indirect.gather [hbm4b:s5+s16], $0x40, s19, s16, $0xb8;
	[tilespmem:$0xC480] =	vst v63  }
0x33: {  	_ =	swait.ge [sflag:s20], $0x80  }
0x34: {  	[sflag:s20] =	ssyncset.done $0x0  }
0x35: {  	s19 =	simm.s32 $0x6280;
	[sflag:s20] =	ssyncadd.s32 $0xFFFFFF80  }
0x36: {  	[tilespmem:s19], [sflag:$0x2] =	stream.indirect.gather [hbm4b:s5+s16], $0x40, s24, s16, $0xb8;
	[tilespmem:$0xC480] =	vst v63  }
0x37: {  	_ =	swait.ge [sflag:s20], $0x80  }
0x38: {  	[sflag:s20] =	ssyncset.done $0x0  }
0x39: {  	s24 =	simm.s32 $0x8280;
	[sflag:s20] =	ssyncadd.s32 $0xFFFFFF80  }
0x3a: {  	[tilespmem:s24], [sflag:$0x2] =	stream.indirect.gather [hbm4b:s5+s16], $0x40, s25, s16, $0xb8;
	[tilespmem:$0xC480] =	vst v63  }
0x3b: {  	s19 =	simm.s32 $0x3;
	_ =	swait.ge [sflag:s26], $0x2000  }
0x3c: {  	v4 =	vmov s19;
	[sflag:s26] =	ssyncset.done $0x0  }
0x3d: {  	v5 =	vand.u32 $0x7F, v4;
	v4 =	vmov s18;
	s25 =	simm.s32 $0x300;
	s24 =	simm.s32 $0x1;
	[sflag:s26] =	ssyncadd.s32 $0xFFFFE000  }
0x3e: {  	v8 =	vadd.s32 v0, v5;
	v6 =	vand.u32 $0x7C, v4;
	v4 =	vmov s24;
	v7 =	vld [tilespmem:s25+$0x40]  }
0x3f: {  	v10 =	vadd.s32 v0, v6;
	v11 =	vand.u32 $0x7D, v4;
	v9 =	vld [tilespmem:s25+$0xFFFFFF80]  }
0x40: {  	s18 =	simm.s32 $0x2;
	v12 =	vadd.s32 v0, v11;
	v4 =	vld [tilespmem:s25+$0xFFFFFFC0]  }
0x41: {  	v13 =	vmov s18  }
0x42: {  	v13 =	vand.u32 $0x7E, v13  }
0x43: {  	v15 =	vadd.s32 v0, v13;
	v14 =	vld [tilespmem:s25+$0x0];
	[tilespmem:v8+s28+$0x0] =	vst.idx.msk $0xffff, v7  }
0x44: {  	v8 =	vadd.s32 v1, v5;
	[tilespmem:v10+s28+$0x0] =	vst.idx.msk $0xffff, v9;
	v7 =	vld [tilespmem:s25+$0x50]  }
0x45: {  	v10 =	vadd.s32 v1, v6;
	[tilespmem:v12+s28+$0x0] =	vst.idx.msk $0xffff, v4;
	v9 =	vld [tilespmem:s25+$0xFFFFFF90]  }
0x46: {  	v12 =	vadd.s32 v1, v11;
	v4 =	vld [tilespmem:s25+$0xFFFFFFD0];
	_ =	sdelay $0x1  }
0x47: {  	[tilespmem:v15+s28+$0x0] =	vst.idx.msk $0xffff, v14  }
0x48: {  	v16 =	vadd.s32 v1, v13;
	v15 =	vld [tilespmem:s25+$0x10];
	[tilespmem:v8+s28+$0x0] =	vst.idx.msk $0xffff, v7  }
0x49: {  	s19 =	simm.s32 $0x7;
	v14 =	vadd.s32 v2, v5;
	[tilespmem:v10+s28+$0x0] =	vst.idx.msk $0xffff, v9;
	v7 =	vld [tilespmem:s25+$0x60]  }
0x4a: {  	s24 =	simm.s32 $0x4;
	v10 =	vadd.s32 v2, v6;
	v8 =	vmov s19;
	[tilespmem:v12+s28+$0x0] =	vst.idx.msk $0xffff, v4;
	v9 =	vld [tilespmem:s25+$0xFFFFFFA0]  }
0x4b: {  	v17 =	vadd.s32 v2, v11;
	v4 =	vmov s24;
	s24 =	simm.s32 $0x400;
	v8 =	vand.u32 $0x7F, v8;
	v12 =	vld [tilespmem:s25+$0xFFFFFFE0]  }
0x4c: {  	v18 =	vld [tilespmem:s24+$0x40];
	v19 =	vadd.s32 v0, v8  }
0x4d: {  	s18 =	simm.s32 $0x5;
	[tilespmem:v16+s28+$0x0] =	vst.idx.msk $0xffff, v15  }
0x4e: {  	v22 =	vmov s18;
	v4 =	vand.u32 $0x7C, v4;
	[tilespmem:v14+s28+$0x0] =	vst.idx.msk $0xffff, v7  }
0x4f: {  	s19 =	simm.s32 $0x6;
	v20 =	vld [tilespmem:s24+$0xFFFFFF80];
	v21 =	vadd.s32 v0, v4;
	v7 =	vand.u32 $0x7D, v22;
	[tilespmem:v10+s28+$0x0] =	vst.idx.msk $0xffff, v9  }
0x50: {  	v14 =	vmov s19;
	v9 =	vld [tilespmem:s24+$0xFFFFFFC0];
	[tilespmem:v17+s28+$0x0] =	vst.idx.msk $0xffff, v12;
	v10 =	vadd.s32 v0, v7  }
0x51: {  	v16 =	vadd.s32 v3, v5;
	v12 =	vld [tilespmem:s25+$0x20];
	v5 =	vand.u32 $0x7E, v14;
	[tilespmem:v19+s28+$0x0] =	vst.idx.msk $0xffff, v18;
	v18 =	vadd.s32 v2, v13  }
0x52: {  	v14 =	vld [tilespmem:s24+$0x0];
	v63 =	vadd.s32 v0, v5  }
0x53: {  	v15 =	vld [tilespmem:s25+$0x70]  }
0x54: {  	[tilespmem:v21+s28+$0x0] =	vst.idx.msk $0xffff, v20;
	v20 =	vadd.s32 v1, v8;
	v19 =	vld [tilespmem:s24+$0x50]  }
0x55: {  	v23 =	vadd.s32 v1, v4;
	v21 =	vld [tilespmem:s24+$0xFFFFFF90];
	[tilespmem:v10+s28+$0x0] =	vst.idx.msk $0xffff, v9  }
0x56: {  	v25 =	vadd.s32 v3, v11;
	v24 =	vld [tilespmem:s25+$0xFFFFFFF0];
	[tilespmem:v18+s28+$0x0] =	vst.idx.msk $0xffff, v12  }
0x57: {  	v18 =	vadd.s32 v1, v7;
	v17 =	vld [tilespmem:s24+$0xFFFFFFD0];
	[tilespmem:v63+s28+$0x0] =	vst.idx.msk $0xffff, v14  }
0x58: {  	[tilespmem:v16+s28+$0x0] =	vst.idx.msk $0xffff, v15;
	v16 =	vadd.s32 v1, v5;
	v15 =	vld [tilespmem:s24+$0x10]  }
0x59: {  	[tilespmem:v20+s28+$0x0] =	vst.idx.msk $0xffff, v19;
	v11 =	vld [tilespmem:s25+$0x30];
	v14 =	vadd.s32 v3, v13  }
0x5a: {  	v12 =	vadd.s32 v2, v8;
	[tilespmem:v23+s28+$0x0] =	vst.idx.msk $0xffff, v21;
	v9 =	vld [tilespmem:s24+$0x60]  }
0x5b: {  	s17 =	simm.s32 $0x8;
	s18 =	simm.s32 $0xC;
	s19 =	simm.s32 $0xB;
	[tilespmem:v25+s28+$0x0] =	vst.idx.msk $0xffff, v24;
	v13 =	vadd.s32 v2, v4;
	v10 =	vld [tilespmem:s24+$0xFFFFFFA0]  }
.LBB2_3:
0x5c: {  	p0 =	slt.u32 s18, $0x7C;
	v19 =	vmov s19;
	[tilespmem:v18+s28+$0x0] =	vst.idx.msk $0xffff, v17;
	v17 =	vld [tilespmem:s25+$0xFFFFFFB0];
	v18 =	vadd.s32 v3, v6;
	v6 =	vmov v4;
	s25 =	smov.u32 s24  }
0x5d: {  	v4 =	vmov s17;
	v21 =	vadd.s32 v2, v7;
	s24 =	sadd.s32 $0x100, s24;
	v19 =	vand.u32 $0x7F, v19;
	v20 =	vld [tilespmem:s25+$0xFFFFFFE0];
	[tilespmem:v16+s28+$0x0] =	vst.idx.msk $0xffff, v15  }
0x5e: {  	s19 =	sadd.s32 $0x1, s17;
	v4 =	vand.u32 $0x7C, v4;
	v15 =	vld [tilespmem:s24+$0x40];
	v16 =	vadd.s32 v0, v19;
	[tilespmem:v14+s28+$0x0] =	vst.idx.msk $0xffff, v11  }
0x5f: {  	v22 =	vmov s19;
	s19 =	sadd.s32 $0x2, s17;
	s17 =	smov.u32 s18;
	v14 =	vadd.s32 v0, v4;
	v11 =	vld [tilespmem:s24+$0xFFFFFF80];
	[tilespmem:v12+s28+$0x0] =	vst.idx.msk $0xffff, v9  }
0x60: {  	v9 =	vand.u32 $0x7D, v22;
	v12 =	vmov s19;
	[tilespmem:v13+s28+$0x0] =	vst.idx.msk $0xffff, v10;
	v10 =	vld [tilespmem:s25+$0x70];
	v13 =	vadd.s32 v3, v8;
	v8 =	vmovc v19  }
0x61: {  	v22 =	vadd.s32 v0, v9;
	v12 =	vand.u32 $0x7E, v12;
	v19 =	vld [tilespmem:s24+$0xFFFFFFC0];
	[tilespmem:v18+s28+$0x0] =	vst.idx.msk $0xffff, v17  }
0x62: {  	v24 =	vadd.s32 v0, v12;
	v23 =	vld [tilespmem:s24+$0x0];
	[tilespmem:v21+s28+$0x0] =	vst.idx.msk $0xffff, v20  }
0x63: {  	v21 =	vadd.s32 v2, v5;
	[tilespmem:v16+s28+$0x0] =	vst.idx.msk $0xffff, v15;
	v20 =	vld [tilespmem:s25+$0x20]  }
0x64: {  	[tilespmem:v14+s28+$0x0] =	vst.idx.msk $0xffff, v11;
	v11 =	vld [tilespmem:s24+$0x50];
	v14 =	vadd.s32 v1, v8  }
0x65: {  	v26 =	vadd.s32 v1, v4;
	v25 =	vld [tilespmem:s24+$0xFFFFFF90];
	[tilespmem:v13+s28+$0x0] =	vst.idx.msk $0xffff, v10  }
0x66: {  	[tilespmem:v22+s28+$0x0] =	vst.idx.msk $0xffff, v19;
	v19 =	vld [tilespmem:s25+$0xFFFFFFF0];
	v22 =	vadd.s32 v3, v7;
	v7 =	vmov v9  }
.Ltmp0:
0x67: {  	v17 =	vld [tilespmem:s24+$0xFFFFFFD0];
	v18 =	vadd.s32 v1, v7;
	[tilespmem:v24+s28+$0x0] =	vst.idx.msk $0xffff, v23;
	(pc) =	sbr.rel @p0 .LBB2_3-.Ltmp0, $4  }
0x68: {  	v16 =	vadd.s32 v1, v12;
	v15 =	vld [tilespmem:s24+$0x10];
	[tilespmem:v21+s28+$0x0] =	vst.idx.msk $0xffff, v20  }
0x69: {  	[tilespmem:v14+s28+$0x0] =	vst.idx.msk $0xffff, v11;
	v11 =	vld [tilespmem:s25+$0x30];
	v14 =	vadd.s32 v3, v5;
	v5 =	vmov v12  }
0x6a: {  	v12 =	vadd.s32 v2, v8;
	[tilespmem:v26+s28+$0x0] =	vst.idx.msk $0xffff, v25;
	v9 =	vld [tilespmem:s24+$0x60]  }
0x6b: {  	s18 =	sadd.s32 $0x4, s18;
	s19 =	sadd.s32 $0x3, s17;
	v13 =	vadd.s32 v2, v4;
	v10 =	vld [tilespmem:s24+$0xFFFFFFA0];
	[tilespmem:v22+s28+$0x0] =	vst.idx.msk $0xffff, v19  }
0x6c: {  	_ =	sdelay $0x2  }
0x6d: {  	v19 =	vmov s19;
	s19 =	sadd.s32 $0x1, s17  }
0x6e: {  	[tilespmem:v18+s28+$0x0] =	vst.idx.msk $0xffff, v17;
	v17 =	vld [tilespmem:s25+$0xFFFFFFB0];
	v6 =	vadd.s32 v3, v6;
	s18 =	sadd.s32 $0x100, s24;
	s25 =	sadd.s32 $0x2, s17;
	v18 =	vand.u32 $0x7F, v19;
	v19 =	vmov s19  }
0x6f: {  	[tilespmem:v16+s28+$0x0] =	vst.idx.msk $0xffff, v15;
	v15 =	vld [tilespmem:s18+$0x40];
	v20 =	vmov s25;
	v16 =	vadd.s32 v0, v18;
	v19 =	vand.u32 $0x7D, v19  }
0x70: {  	v21 =	vmov s17;
	[tilespmem:v14+s28+$0x0] =	vst.idx.msk $0xffff, v11;
	v11 =	vld [tilespmem:s18+$0xFFFFFFC0];
	v20 =	vand.u32 $0x7E, v20;
	v14 =	vadd.s32 v0, v19  }
0x71: {  	v21 =	vand.u32 $0x7C, v21;
	[tilespmem:v12+s28+$0x0] =	vst.idx.msk $0xffff, v9;
	v9 =	vld [tilespmem:s18+$0x0];
	v12 =	vadd.s32 v0, v20  }
0x72: {  	v22 =	vld [tilespmem:s18+$0xFFFFFF80];
	[tilespmem:v13+s28+$0x0] =	vst.idx.msk $0xffff, v10;
	v10 =	vadd.s32 v0, v21  }
0x73: {  	v13 =	vld [tilespmem:s24+$0xFFFFFFE0];
	[tilespmem:v6+s28+$0x0] =	vst.idx.msk $0xffff, v17;
	v6 =	vadd.s32 v2, v7  }
0x74: {  	v8 =	vadd.s32 v3, v8;
	v17 =	vld [tilespmem:s24+$0x70];
	[tilespmem:v16+s28+$0x0] =	vst.idx.msk $0xffff, v15  }
0x75: {  	v16 =	vadd.s32 v1, v18;
	v15 =	vld [tilespmem:s18+$0x50];
	[tilespmem:v14+s28+$0x0] =	vst.idx.msk $0xffff, v11  }
0x76: {  	v14 =	vadd.s32 v1, v19;
	[tilespmem:v12+s28+$0x0] =	vst.idx.msk $0xffff, v9;
	v11 =	vld [tilespmem:s18+$0xFFFFFFD0]  }
0x77: {  	[tilespmem:v10+s28+$0x0] =	vst.idx.msk $0xffff, v22;
	v9 =	vld [tilespmem:s18+$0x10];
	v10 =	vadd.s32 v1, v20  }
0x78: {  	v12 =	vadd.s32 v1, v21;
	[tilespmem:v6+s28+$0x0] =	vst.idx.msk $0xffff, v13;
	v6 =	vld [tilespmem:s18+$0xFFFFFF90]  }
0x79: {  	v60 =	vadd.s32 v2, v5;
	v13 =	vld [tilespmem:s24+$0x20];
	[tilespmem:v8+s28+$0x0] =	vst.idx.msk $0xffff, v17  }
0x7a: {  	v7 =	vadd.s32 v3, v7;
	v8 =	vld [tilespmem:s24+$0xFFFFFFF0];
	[tilespmem:v16+s28+$0x0] =	vst.idx.msk $0xffff, v15  }
0x7b: {  	v16 =	vadd.s32 v2, v18;
	v15 =	vld [tilespmem:s18+$0x60];
	[tilespmem:v14+s28+$0x0] =	vst.idx.msk $0xffff, v11  }
0x7c: {  	v14 =	vadd.s32 v2, v19;
	[tilespmem:v10+s28+$0x0] =	vst.idx.msk $0xffff, v9;
	v11 =	vld [tilespmem:s18+$0xFFFFFFE0]  }
0x7d: {  	v9 =	vadd.s32 v2, v20;
	[tilespmem:v12+s28+$0x0] =	vst.idx.msk $0xffff, v6;
	v6 =	vld [tilespmem:s18+$0x20]  }
0x7e: {  	[tilespmem:v60+s28+$0x0] =	vst.idx.msk $0xffff, v13;
	v12 =	vadd.s32 v2, v21;
	v10 =	vld [tilespmem:s18+$0xFFFFFFA0]  }
0x7f: {  	v5 =	vadd.s32 v3, v5;
	v13 =	vld [tilespmem:s24+$0x30];
	[tilespmem:v7+s28+$0x0] =	vst.idx.msk $0xffff, v8  }
0x80: {  	v4 =	vadd.s32 v3, v4;
	v7 =	vld [tilespmem:s24+$0xFFFFFFB0];
	[tilespmem:v16+s28+$0x0] =	vst.idx.msk $0xffff, v15  }
0x81: {  	v15 =	vadd.s32 v3, v18;
	v8 =	vld [tilespmem:s18+$0x70];
	[tilespmem:v14+s28+$0x0] =	vst.idx.msk $0xffff, v11  }
0x82: {  	v14 =	vadd.s32 v3, v19;
	[tilespmem:v9+s28+$0x0] =	vst.idx.msk $0xffff, v6;
	v11 =	vld [tilespmem:s18+$0xFFFFFFF0]  }
0x83: {  	v9 =	vadd.s32 v3, v20;
	[tilespmem:v12+s28+$0x0] =	vst.idx.msk $0xffff, v10;
	v6 =	vld [tilespmem:s18+$0x30]  }
0x84: {  	[tilespmem:v5+s28+$0x0] =	vst.idx.msk $0xffff, v13;
	v10 =	vadd.s32 v3, v21;
	v5 =	vld [tilespmem:s18+$0xFFFFFFB0]  }
0x85: {  	[tilespmem:v4+s28+$0x0] =	vst.idx.msk $0xffff, v7;
	s18 =	smul.u32 $0x140000, s3  }
0x86: {  	[tilespmem:v15+s28+$0x0] =	vst.idx.msk $0xffff, v8  }
0x87: {  	s17 =	sor.u32 s7, s18;
	[tilespmem:v14+s28+$0x0] =	vst.idx.msk $0xffff, v11  }
0x88: {  	s25 =	sshrl.u32 s17, $0x3;
	[tilespmem:v9+s28+$0x0] =	vst.idx.msk $0xffff, v6  }
0x89: {  	s24 =	simm.s32 $0x0;
	s17 =	sadd.s32 s1, s25;
	[tilespmem:v10+s28+$0x0] =	vst.idx.msk $0xffff, v5  }
0x8a: {  	[hbm4b:s17+s24] =	stream.linear.scatter [tilespmem:s28], [sflag:$0x3], $0x80, $0x38;
	[tilespmem:$0xC480] =	vst v63  }
0x8b: {  	s19 =	sadd.s32 $0x10, s17  }
0x8c: {  	[hbm4b:s19+s24] =	stream.linear.scatter [tilespmem:s29], [sflag:$0x3], $0x80, $0x38;
	[tilespmem:$0xC480] =	vst v63  }
0x8d: {  	s19 =	sadd.s32 $0x20, s17;
	s29 =	simm.s32 $0xA390  }
0x8e: {  	[hbm4b:s19+s24] =	stream.linear.scatter [tilespmem:s29], [sflag:$0x3], $0x80, $0x38;
	[tilespmem:$0xC480] =	vst v63  }
0x8f: {  	s18 =	sadd.s32 $0x30, s17;
	s19 =	simm.s32 $0xA418  }
0x90: {  	[hbm4b:s18+s24] =	stream.linear.scatter [tilespmem:s19], [sflag:$0x3], $0x80, $0x38;
	[tilespmem:$0xC480] =	vst v63  }
0x91: {  	s18 =	sadd.s32 $0x40, s17;
	s19 =	simm.s32 $0xA4A0  }
0x92: {  	[hbm4b:s18+s24] =	stream.linear.scatter [tilespmem:s19], [sflag:$0x3], $0x80, $0x38;
	[tilespmem:$0xC480] =	vst v63  }
0x93: {  	s18 =	sadd.s32 $0x50, s17;
	s19 =	simm.s32 $0xA528  }
0x94: {  	[hbm4b:s18+s24] =	stream.linear.scatter [tilespmem:s19], [sflag:$0x3], $0x80, $0x38;
	[tilespmem:$0xC480] =	vst v63  }
0x95: {  	s18 =	sadd.s32 $0x60, s17;
	s19 =	simm.s32 $0xA5B0  }
0x96: {  	[hbm4b:s18+s24] =	stream.linear.scatter [tilespmem:s19], [sflag:$0x3], $0x80, $0x38;
	[tilespmem:$0xC480] =	vst v63  }
0x97: {  	s17 =	sadd.s32 $0x70, s17;
	s19 =	simm.s32 $0xA638  }
0x98: {  	[hbm4b:s17+s24] =	stream.linear.scatter [tilespmem:s19], [sflag:$0x3], $0x80, $0x38;
	[tilespmem:$0xC480] =	vst v63  }
0x99: {  	s17 =	sadd.s32 s25, s8;
	s19 =	simm.s32 $0xA6C0  }
0x9a: {  	[hbm4b:s17+s24] =	stream.linear.scatter [tilespmem:s19], [sflag:$0x3], $0x80, $0x38;
	[tilespmem:$0xC480] =	vst v63  }
0x9b: {  	s18 =	sadd.s32 $0x10, s17;
	s19 =	simm.s32 $0xA748  }
0x9c: {  	[hbm4b:s18+s24] =	stream.linear.scatter [tilespmem:s19], [sflag:$0x3], $0x80, $0x38;
	[tilespmem:$0xC480] =	vst v63  }
0x9d: {  	s18 =	sadd.s32 $0x20, s17;
	s19 =	simm.s32 $0xA7D0  }
0x9e: {  	[hbm4b:s18+s24] =	stream.linear.scatter [tilespmem:s19], [sflag:$0x3], $0x80, $0x38;
	[tilespmem:$0xC480] =	vst v63  }
0x9f: {  	s18 =	sadd.s32 $0x30, s17;
	s19 =	simm.s32 $0xA858  }
0xa0: {  	[hbm4b:s18+s24] =	stream.linear.scatter [tilespmem:s19], [sflag:$0x3], $0x80, $0x38;
	[tilespmem:$0xC480] =	vst v63  }
0xa1: {  	s18 =	sadd.s32 $0x40, s17;
	s19 =	simm.s32 $0xA8E0  }
0xa2: {  	[hbm4b:s18+s24] =	stream.linear.scatter [tilespmem:s19], [sflag:$0x3], $0x80, $0x38;
	[tilespmem:$0xC480] =	vst v63  }
0xa3: {  	s18 =	sadd.s32 $0x50, s17;
	s19 =	simm.s32 $0xA968  }
0xa4: {  	[hbm4b:s18+s24] =	stream.linear.scatter [tilespmem:s19], [sflag:$0x3], $0x80, $0x38;
	[tilespmem:$0xC480] =	vst v63  }
0xa5: {  	s18 =	sadd.s32 $0x60, s17;
	s19 =	simm.s32 $0xA9F0  }
0xa6: {  	[hbm4b:s18+s24] =	stream.linear.scatter [tilespmem:s19], [sflag:$0x3], $0x80, $0x38;
	[tilespmem:$0xC480] =	vst v63  }
0xa7: {  	s17 =	sadd.s32 $0x70, s17;
	s19 =	simm.s32 $0xAA78  }
0xa8: {  	[hbm4b:s17+s24] =	stream.linear.scatter [tilespmem:s19], [sflag:$0x3], $0x80, $0x38;
	[tilespmem:$0xC480] =	vst v63  }
0xa9: {  	s17 =	sadd.s32 s25, s9;
	s19 =	simm.s32 $0xAB00  }
0xaa: {  	[hbm4b:s17+s24] =	stream.linear.scatter [tilespmem:s19], [sflag:$0x3], $0x80, $0x38;
	[tilespmem:$0xC480] =	vst v63  }
0xab: {  	s18 =	sadd.s32 $0x10, s17;
	s19 =	simm.s32 $0xAB88  }
0xac: {  	[hbm4b:s18+s24] =	stream.linear.scatter [tilespmem:s19], [sflag:$0x3], $0x80, $0x38;
	[tilespmem:$0xC480] =	vst v63  }
0xad: {  	s18 =	sadd.s32 $0x20, s17;
	s19 =	simm.s32 $0xAC10  }
0xae: {  	[hbm4b:s18+s24] =	stream.linear.scatter [tilespmem:s19], [sflag:$0x3], $0x80, $0x38;
	[tilespmem:$0xC480] =	vst v63  }
0xaf: {  	s18 =	sadd.s32 $0x30, s17;
	s19 =	simm.s32 $0xAC98  }
0xb0: {  	[hbm4b:s18+s24] =	stream.linear.scatter [tilespmem:s19], [sflag:$0x3], $0x80, $0x38;
	[tilespmem:$0xC480] =	vst v63  }
0xb1: {  	s18 =	sadd.s32 $0x40, s17;
	s19 =	simm.s32 $0xAD20  }
0xb2: {  	[hbm4b:s18+s24] =	stream.linear.scatter [tilespmem:s19], [sflag:$0x3], $0x80, $0x38;
	[tilespmem:$0xC480] =	vst v63  }
0xb3: {  	s18 =	sadd.s32 $0x50, s17;
	s19 =	simm.s32 $0xADA8  }
0xb4: {  	[hbm4b:s18+s24] =	stream.linear.scatter [tilespmem:s19], [sflag:$0x3], $0x80, $0x38;
	[tilespmem:$0xC480] =	vst v63  }
0xb5: {  	s18 =	sadd.s32 $0x60, s17;
	s19 =	simm.s32 $0xAE30  }
0xb6: {  	[hbm4b:s18+s24] =	stream.linear.scatter [tilespmem:s19], [sflag:$0x3], $0x80, $0x38;
	[tilespmem:$0xC480] =	vst v63  }
0xb7: {  	s17 =	sadd.s32 $0x70, s17;
	s19 =	simm.s32 $0xAEB8  }
0xb8: {  	[hbm4b:s17+s24] =	stream.linear.scatter [tilespmem:s19], [sflag:$0x3], $0x80, $0x38;
	[tilespmem:$0xC480] =	vst v63  }
0xb9: {  	s17 =	sadd.s32 s25, s10;
	s19 =	simm.s32 $0xAF40  }
0xba: {  	[hbm4b:s17+s24] =	stream.linear.scatter [tilespmem:s19], [sflag:$0x3], $0x80, $0x38;
	[tilespmem:$0xC480] =	vst v63  }
0xbb: {  	s18 =	sadd.s32 $0x10, s17;
	s19 =	simm.s32 $0xAFC8  }
0xbc: {  	[hbm4b:s18+s24] =	stream.linear.scatter [tilespmem:s19], [sflag:$0x3], $0x80, $0x38;
	[tilespmem:$0xC480] =	vst v63  }
0xbd: {  	s18 =	sadd.s32 $0x20, s17;
	s19 =	simm.s32 $0xB050  }
0xbe: {  	[hbm4b:s18+s24] =	stream.linear.scatter [tilespmem:s19], [sflag:$0x3], $0x80, $0x38;
	[tilespmem:$0xC480] =	vst v63  }
0xbf: {  	s18 =	sadd.s32 $0x30, s17;
	s19 =	simm.s32 $0xB0D8  }
0xc0: {  	[hbm4b:s18+s24] =	stream.linear.scatter [tilespmem:s19], [sflag:$0x3], $0x80, $0x38;
	[tilespmem:$0xC480] =	vst v63  }
0xc1: {  	s18 =	sadd.s32 $0x40, s17;
	s19 =	simm.s32 $0xB160  }
0xc2: {  	[hbm4b:s18+s24] =	stream.linear.scatter [tilespmem:s19], [sflag:$0x3], $0x80, $0x38;
	[tilespmem:$0xC480] =	vst v63  }
0xc3: {  	s18 =	sadd.s32 $0x50, s17;
	s19 =	simm.s32 $0xB1E8  }
0xc4: {  	[hbm4b:s18+s24] =	stream.linear.scatter [tilespmem:s19], [sflag:$0x3], $0x80, $0x38;
	[tilespmem:$0xC480] =	vst v63  }
0xc5: {  	s18 =	sadd.s32 $0x60, s17;
	s19 =	simm.s32 $0xB270  }
0xc6: {  	[hbm4b:s18+s24] =	stream.linear.scatter [tilespmem:s19], [sflag:$0x3], $0x80, $0x38;
	[tilespmem:$0xC480] =	vst v63  }
0xc7: {  	s17 =	sadd.s32 $0x70, s17;
	s19 =	simm.s32 $0xB2F8  }
0xc8: {  	[hbm4b:s17+s24] =	stream.linear.scatter [tilespmem:s19], [sflag:$0x3], $0x80, $0x38;
	[tilespmem:$0xC480] =	vst v63  }
0xc9: {  	s17 =	sadd.s32 s25, s11;
	s19 =	simm.s32 $0xB380  }
0xca: {  	[hbm4b:s17+s24] =	stream.linear.scatter [tilespmem:s19], [sflag:$0x3], $0x80, $0x38;
	[tilespmem:$0xC480] =	vst v63  }
0xcb: {  	s18 =	sadd.s32 $0x10, s17;
	s19 =	simm.s32 $0xB408  }
0xcc: {  	[hbm4b:s18+s24] =	stream.linear.scatter [tilespmem:s19], [sflag:$0x3], $0x80, $0x38;
	[tilespmem:$0xC480] =	vst v63  }
0xcd: {  	s18 =	sadd.s32 $0x20, s17;
	s19 =	simm.s32 $0xB490  }
0xce: {  	[hbm4b:s18+s24] =	stream.linear.scatter [tilespmem:s19], [sflag:$0x3], $0x80, $0x38;
	[tilespmem:$0xC480] =	vst v63  }
0xcf: {  	s18 =	sadd.s32 $0x30, s17;
	s19 =	simm.s32 $0xB518  }
0xd0: {  	[hbm4b:s18+s24] =	stream.linear.scatter [tilespmem:s19], [sflag:$0x3], $0x80, $0x38;
	[tilespmem:$0xC480] =	vst v63  }
0xd1: {  	s18 =	sadd.s32 $0x40, s17;
	s19 =	simm.s32 $0xB5A0  }
0xd2: {  	[hbm4b:s18+s24] =	stream.linear.scatter [tilespmem:s19], [sflag:$0x3], $0x80, $0x38;
	[tilespmem:$0xC480] =	vst v63  }
0xd3: {  	s18 =	sadd.s32 $0x50, s17;
	s19 =	simm.s32 $0xB628  }
0xd4: {  	[hbm4b:s18+s24] =	stream.linear.scatter [tilespmem:s19], [sflag:$0x3], $0x80, $0x38;
	[tilespmem:$0xC480] =	vst v63  }
0xd5: {  	s18 =	sadd.s32 $0x60, s17;
	s19 =	simm.s32 $0xB6B0  }
0xd6: {  	[hbm4b:s18+s24] =	stream.linear.scatter [tilespmem:s19], [sflag:$0x3], $0x80, $0x38;
	[tilespmem:$0xC480] =	vst v63  }
0xd7: {  	s17 =	sadd.s32 $0x70, s17;
	s19 =	simm.s32 $0xB738  }
0xd8: {  	[hbm4b:s17+s24] =	stream.linear.scatter [tilespmem:s19], [sflag:$0x3], $0x80, $0x38;
	[tilespmem:$0xC480] =	vst v63  }
0xd9: {  	s17 =	sadd.s32 s25, s12;
	s19 =	simm.s32 $0xB7C0  }
0xda: {  	[hbm4b:s17+s24] =	stream.linear.scatter [tilespmem:s19], [sflag:$0x3], $0x80, $0x38;
	[tilespmem:$0xC480] =	vst v63  }
0xdb: {  	s18 =	sadd.s32 $0x10, s17;
	s19 =	simm.s32 $0xB848  }
0xdc: {  	[hbm4b:s18+s24] =	stream.linear.scatter [tilespmem:s19], [sflag:$0x3], $0x80, $0x38;
	[tilespmem:$0xC480] =	vst v63  }
0xdd: {  	s18 =	sadd.s32 $0x20, s17;
	s19 =	simm.s32 $0xB8D0  }
0xde: {  	[hbm4b:s18+s24] =	stream.linear.scatter [tilespmem:s19], [sflag:$0x3], $0x80, $0x38;
	[tilespmem:$0xC480] =	vst v63  }
0xdf: {  	s18 =	sadd.s32 $0x30, s17;
	s19 =	simm.s32 $0xB958  }
0xe0: {  	[hbm4b:s18+s24] =	stream.linear.scatter [tilespmem:s19], [sflag:$0x3], $0x80, $0x38;
	[tilespmem:$0xC480] =	vst v63  }
0xe1: {  	s18 =	sadd.s32 $0x40, s17;
	s19 =	simm.s32 $0xB9E0  }
0xe2: {  	[hbm4b:s18+s24] =	stream.linear.scatter [tilespmem:s19], [sflag:$0x3], $0x80, $0x38;
	[tilespmem:$0xC480] =	vst v63  }
0xe3: {  	s18 =	sadd.s32 $0x50, s17;
	s19 =	simm.s32 $0xBA68  }
0xe4: {  	[hbm4b:s18+s24] =	stream.linear.scatter [tilespmem:s19], [sflag:$0x3], $0x80, $0x38;
	[tilespmem:$0xC480] =	vst v63  }
0xe5: {  	s18 =	sadd.s32 $0x60, s17;
	s19 =	simm.s32 $0xBAF0  }
0xe6: {  	[hbm4b:s18+s24] =	stream.linear.scatter [tilespmem:s19], [sflag:$0x3], $0x80, $0x38;
	[tilespmem:$0xC480] =	vst v63  }
0xe7: {  	s17 =	sadd.s32 $0x70, s17;
	s19 =	simm.s32 $0xBB78  }
0xe8: {  	[hbm4b:s17+s24] =	stream.linear.scatter [tilespmem:s19], [sflag:$0x3], $0x80, $0x38;
	[tilespmem:$0xC480] =	vst v63  }
0xe9: {  	s17 =	sadd.s32 s25, s13;
	s19 =	simm.s32 $0xBC00  }
0xea: {  	[hbm4b:s17+s24] =	stream.linear.scatter [tilespmem:s19], [sflag:$0x3], $0x80, $0x38;
	[tilespmem:$0xC480] =	vst v63  }
0xeb: {  	s18 =	sadd.s32 $0x10, s17;
	s19 =	simm.s32 $0xBC88  }
0xec: {  	[hbm4b:s18+s24] =	stream.linear.scatter [tilespmem:s19], [sflag:$0x3], $0x80, $0x38;
	[tilespmem:$0xC480] =	vst v63  }
0xed: {  	s18 =	sadd.s32 $0x20, s17;
	s19 =	simm.s32 $0xBD10  }
0xee: {  	[hbm4b:s18+s24] =	stream.linear.scatter [tilespmem:s19], [sflag:$0x3], $0x80, $0x38;
	[tilespmem:$0xC480] =	vst v63  }
0xef: {  	s18 =	sadd.s32 $0x30, s17;
	s19 =	simm.s32 $0xBD98  }
0xf0: {  	[hbm4b:s18+s24] =	stream.linear.scatter [tilespmem:s19], [sflag:$0x3], $0x80, $0x38;
	[tilespmem:$0xC480] =	vst v63  }
0xf1: {  	s18 =	sadd.s32 $0x40, s17;
	s19 =	simm.s32 $0xBE20  }
0xf2: {  	[hbm4b:s18+s24] =	stream.linear.scatter [tilespmem:s19], [sflag:$0x3], $0x80, $0x38;
	[tilespmem:$0xC480] =	vst v63  }
0xf3: {  	s18 =	sadd.s32 $0x50, s17;
	s19 =	simm.s32 $0xBEA8  }
0xf4: {  	[hbm4b:s18+s24] =	stream.linear.scatter [tilespmem:s19], [sflag:$0x3], $0x80, $0x38;
	[tilespmem:$0xC480] =	vst v63  }
0xf5: {  	s18 =	sadd.s32 $0x60, s17;
	s19 =	simm.s32 $0xBF30  }
0xf6: {  	[hbm4b:s18+s24] =	stream.linear.scatter [tilespmem:s19], [sflag:$0x3], $0x80, $0x38;
	[tilespmem:$0xC480] =	vst v63  }
0xf7: {  	s17 =	sadd.s32 $0x70, s17;
	s19 =	simm.s32 $0xBFB8  }
0xf8: {  	[hbm4b:s17+s24] =	stream.linear.scatter [tilespmem:s19], [sflag:$0x3], $0x80, $0x38;
	[tilespmem:$0xC480] =	vst v63  }
0xf9: {  	s17 =	sadd.s32 s25, s14;
	s25 =	simm.s32 $0xC040  }
0xfa: {  	[hbm4b:s17+s24] =	stream.linear.scatter [tilespmem:s25], [sflag:$0x3], $0x80, $0x38;
	[tilespmem:$0xC480] =	vst v63  }
0xfb: {  	s19 =	sadd.s32 $0x10, s17;
	s25 =	simm.s32 $0xC0C8  }
0xfc: {  	[hbm4b:s19+s24] =	stream.linear.scatter [tilespmem:s25], [sflag:$0x3], $0x80, $0x38;
	[tilespmem:$0xC480] =	vst v63  }
0xfd: {  	s19 =	sadd.s32 $0x20, s17;
	s25 =	simm.s32 $0xC150  }
0xfe: {  	[hbm4b:s19+s24] =	stream.linear.scatter [tilespmem:s25], [sflag:$0x3], $0x80, $0x38;
	[tilespmem:$0xC480] =	vst v63  }
0xff: {  	s19 =	sadd.s32 $0x30, s17;
	s25 =	simm.s32 $0xC1D8  }
0x100: {  	[hbm4b:s19+s24] =	stream.linear.scatter [tilespmem:s25], [sflag:$0x3], $0x80, $0x38;
	[tilespmem:$0xC480] =	vst v63  }
0x101: {  	s19 =	sadd.s32 $0x40, s17;
	s25 =	simm.s32 $0xC260  }
0x102: {  	[hbm4b:s19+s24] =	stream.linear.scatter [tilespmem:s25], [sflag:$0x3], $0x80, $0x38;
	[tilespmem:$0xC480] =	vst v63  }
0x103: {  	s19 =	sadd.s32 $0x50, s17;
	s25 =	simm.s32 $0xC2E8  }
0x104: {  	[hbm4b:s19+s24] =	stream.linear.scatter [tilespmem:s25], [sflag:$0x3], $0x80, $0x38;
	[tilespmem:$0xC480] =	vst v63  }
0x105: {  	s25 =	sadd.s32 $0x60, s17  }
0x106: {  	[hbm4b:s25+s24] =	stream.linear.scatter [tilespmem:s30], [sflag:$0x3], $0x80, $0x38;
	[tilespmem:$0xC480] =	vst v63  }
0x107: {  	s17 =	sadd.s32 $0x70, s17  }
0x108: {  	[hbm4b:s17+s24] =	stream.linear.scatter [tilespmem:s31], [sflag:$0x3], $0x80, $0x38;
	[tilespmem:$0xC480] =	vst v63  }
0x109: {  	_ =	swait.ge [sflag:s0], $0x400  }
0x10a: {  	[sflag:s0] =	ssyncset.done $0x0  }
0x10b: {  	[sflag:s0] =	ssyncadd.s32 $0xFFFFFC00  }
0x10c: {  	_ =	swait.ge [sflag:s0], $0x400  }
0x10d: {  	[sflag:s0] =	ssyncset.done $0x0  }
0x10e: {  	[sflag:s0] =	ssyncadd.s32 $0xFFFFFC00  }
0x10f: {  	_ =	swait.ge [sflag:s0], $0x400  }
0x110: {  	[sflag:s0] =	ssyncset.done $0x0  }
0x111: {  	[sflag:s0] =	ssyncadd.s32 $0xFFFFFC00  }
0x112: {  	_ =	swait.ge [sflag:s0], $0x400  }
0x113: {  	[sflag:s0] =	ssyncset.done $0x0  }
0x114: {  	[sflag:s0] =	ssyncadd.s32 $0xFFFFFC00  }
0x115: {  	_ =	swait.ge [sflag:s0], $0x400  }
0x116: {  	[sflag:s0] =	ssyncset.done $0x0  }
0x117: {  	[sflag:s0] =	ssyncadd.s32 $0xFFFFFC00  }
0x118: {  	_ =	swait.ge [sflag:s0], $0x400  }
0x119: {  	[sflag:s0] =	ssyncset.done $0x0  }
0x11a: {  	[sflag:s0] =	ssyncadd.s32 $0xFFFFFC00  }
0x11b: {  	_ =	swait.ge [sflag:s0], $0x400  }
0x11c: {  	[sflag:s0] =	ssyncset.done $0x0  }
0x11d: {  	[sflag:s0] =	ssyncadd.s32 $0xFFFFFC00  }
0x11e: {  	_ =	swait.ge [sflag:s0], $0x400  }
0x11f: {  	[sflag:s0] =	ssyncset.done $0x0  }
0x120: {  	[sflag:s0] =	ssyncadd.s32 $0xFFFFFC00  }
0x121: {  	s19 =	simm.s32 $0x3;
	_ =	swait.ge [sflag:s26], $0x2000  }
0x122: {  	v4 =	vmov s19;
	[sflag:s26] =	ssyncset.done $0x0  }
0x123: {  	s25 =	simm.s32 $0x2300;
	v5 =	vand.u32 $0x7F, v4;
	v4 =	vmov s24;
	s24 =	simm.s32 $0x1;
	[sflag:s26] =	ssyncadd.s32 $0xFFFFE000  }
0x124: {  	v8 =	vadd.s32 v0, v5;
	v6 =	vand.u32 $0x7C, v4;
	v4 =	vmov s24;
	v7 =	vld [tilespmem:s25+$0x40]  }
0x125: {  	v10 =	vadd.s32 v0, v6;
	v11 =	vand.u32 $0x7D, v4;
	v9 =	vld [tilespmem:s25+$0xFFFFFF80]  }
0x126: {  	s18 =	simm.s32 $0x2;
	v12 =	vadd.s32 v0, v11;
	v4 =	vld [tilespmem:s25+$0xFFFFFFC0]  }
0x127: {  	v13 =	vmov s18  }
0x128: {  	v13 =	vand.u32 $0x7E, v13  }
0x129: {  	v15 =	vadd.s32 v0, v13;
	v14 =	vld [tilespmem:s25+$0x0];
	[tilespmem:v8+s28+$0x0] =	vst.idx.msk $0xffff, v7  }
0x12a: {  	v8 =	vadd.s32 v1, v5;
	[tilespmem:v10+s28+$0x0] =	vst.idx.msk $0xffff, v9;
	v7 =	vld [tilespmem:s25+$0x50]  }
0x12b: {  	v10 =	vadd.s32 v1, v6;
	[tilespmem:v12+s28+$0x0] =	vst.idx.msk $0xffff, v4;
	v9 =	vld [tilespmem:s25+$0xFFFFFF90]  }
0x12c: {  	v12 =	vadd.s32 v1, v11;
	v4 =	vld [tilespmem:s25+$0xFFFFFFD0];
	_ =	sdelay $0x1  }
0x12d: {  	[tilespmem:v15+s28+$0x0] =	vst.idx.msk $0xffff, v14  }
0x12e: {  	v16 =	vadd.s32 v1, v13;
	v15 =	vld [tilespmem:s25+$0x10];
	[tilespmem:v8+s28+$0x0] =	vst.idx.msk $0xffff, v7  }
0x12f: {  	s19 =	simm.s32 $0x7;
	v14 =	vadd.s32 v2, v5;
	[tilespmem:v10+s28+$0x0] =	vst.idx.msk $0xffff, v9;
	v7 =	vld [tilespmem:s25+$0x60]  }
0x130: {  	s24 =	simm.s32 $0x4;
	v10 =	vadd.s32 v2, v6;
	v8 =	vmov s19;
	[tilespmem:v12+s28+$0x0] =	vst.idx.msk $0xffff, v4;
	v9 =	vld [tilespmem:s25+$0xFFFFFFA0]  }
0x131: {  	v17 =	vadd.s32 v2, v11;
	v4 =	vmov s24;
	s24 =	simm.s32 $0x2400;
	v8 =	vand.u32 $0x7F, v8;
	v12 =	vld [tilespmem:s25+$0xFFFFFFE0]  }
0x132: {  	v18 =	vld [tilespmem:s24+$0x40];
	v19 =	vadd.s32 v0, v8  }
0x133: {  	s18 =	simm.s32 $0x5;
	[tilespmem:v16+s28+$0x0] =	vst.idx.msk $0xffff, v15  }
0x134: {  	v62 =	vmov s18;
	v4 =	vand.u32 $0x7C, v4;
	[tilespmem:v14+s28+$0x0] =	vst.idx.msk $0xffff, v7  }
0x135: {  	s19 =	simm.s32 $0x6;
	v20 =	vld [tilespmem:s24+$0xFFFFFF80];
	v61 =	vadd.s32 v0, v4;
	v7 =	vand.u32 $0x7D, v62;
	[tilespmem:v10+s28+$0x0] =	vst.idx.msk $0xffff, v9  }
0x136: {  	v14 =	vmov s19;
	v9 =	vld [tilespmem:s24+$0xFFFFFFC0];
	[tilespmem:v17+s28+$0x0] =	vst.idx.msk $0xffff, v12;
	v10 =	vadd.s32 v0, v7  }
0x137: {  	v16 =	vadd.s32 v3, v5;
	v12 =	vld [tilespmem:s25+$0x20];
	v5 =	vand.u32 $0x7E, v14;
	[tilespmem:v19+s28+$0x0] =	vst.idx.msk $0xffff, v18;
	v18 =	vadd.s32 v2, v13  }
0x138: {  	v14 =	vld [tilespmem:s24+$0x0];
	v63 =	vadd.s32 v0, v5  }
0x139: {  	v15 =	vld [tilespmem:s25+$0x70]  }
0x13a: {  	[tilespmem:v61+s28+$0x0] =	vst.idx.msk $0xffff, v20;
	v20 =	vadd.s32 v1, v8;
	v19 =	vld [tilespmem:s24+$0x50]  }
0x13b: {  	v23 =	vadd.s32 v1, v4;
	v21 =	vld [tilespmem:s24+$0xFFFFFF90];
	[tilespmem:v10+s28+$0x0] =	vst.idx.msk $0xffff, v9  }
0x13c: {  	v25 =	vadd.s32 v3, v11;
	v24 =	vld [tilespmem:s25+$0xFFFFFFF0];
	[tilespmem:v18+s28+$0x0] =	vst.idx.msk $0xffff, v12  }
0x13d: {  	v18 =	vadd.s32 v1, v7;
	v17 =	vld [tilespmem:s24+$0xFFFFFFD0];
	[tilespmem:v63+s28+$0x0] =	vst.idx.msk $0xffff, v14  }
0x13e: {  	[tilespmem:v16+s28+$0x0] =	vst.idx.msk $0xffff, v15;
	v16 =	vadd.s32 v1, v5;
	v15 =	vld [tilespmem:s24+$0x10]  }
0x13f: {  	[tilespmem:v20+s28+$0x0] =	vst.idx.msk $0xffff, v19;
	v11 =	vld [tilespmem:s25+$0x30];
	v14 =	vadd.s32 v3, v13  }
0x140: {  	v12 =	vadd.s32 v2, v8;
	[tilespmem:v23+s28+$0x0] =	vst.idx.msk $0xffff, v21;
	v9 =	vld [tilespmem:s24+$0x60]  }
0x141: {  	s18 =	simm.s32 $0xC;
	s17 =	simm.s32 $0x8;
	s19 =	simm.s32 $0xB;
	[tilespmem:v25+s28+$0x0] =	vst.idx.msk $0xffff, v24;
	v13 =	vadd.s32 v2, v4;
	v10 =	vld [tilespmem:s24+$0xFFFFFFA0]  }
.LBB2_5:
0x142: {  	p0 =	slt.u32 s18, $0x7C;
	v19 =	vmov s19;
	[tilespmem:v18+s28+$0x0] =	vst.idx.msk $0xffff, v17;
	v17 =	vld [tilespmem:s25+$0xFFFFFFB0];
	v18 =	vadd.s32 v3, v6;
	v6 =	vmov v4;
	s25 =	smov.u32 s24  }
0x143: {  	v4 =	vmov s17;
	v21 =	vadd.s32 v2, v7;
	s24 =	sadd.s32 $0x100, s24;
	v19 =	vand.u32 $0x7F, v19;
	v20 =	vld [tilespmem:s25+$0xFFFFFFE0];
	[tilespmem:v16+s28+$0x0] =	vst.idx.msk $0xffff, v15  }
0x144: {  	s19 =	sadd.s32 $0x1, s17;
	v4 =	vand.u32 $0x7C, v4;
	v15 =	vld [tilespmem:s24+$0x40];
	v16 =	vadd.s32 v0, v19;
	[tilespmem:v14+s28+$0x0] =	vst.idx.msk $0xffff, v11  }
0x145: {  	v22 =	vmov s19;
	s19 =	sadd.s32 $0x2, s17;
	s17 =	smov.u32 s18;
	v14 =	vadd.s32 v0, v4;
	v11 =	vld [tilespmem:s24+$0xFFFFFF80];
	[tilespmem:v12+s28+$0x0] =	vst.idx.msk $0xffff, v9  }
0x146: {  	v9 =	vand.u32 $0x7D, v22;
	v12 =	vmov s19;
	[tilespmem:v13+s28+$0x0] =	vst.idx.msk $0xffff, v10;
	v10 =	vld [tilespmem:s25+$0x70];
	v13 =	vadd.s32 v3, v8;
	v8 =	vmovc v19  }
0x147: {  	v22 =	vadd.s32 v0, v9;
	v12 =	vand.u32 $0x7E, v12;
	v19 =	vld [tilespmem:s24+$0xFFFFFFC0];
	[tilespmem:v18+s28+$0x0] =	vst.idx.msk $0xffff, v17  }
0x148: {  	v24 =	vadd.s32 v0, v12;
	v23 =	vld [tilespmem:s24+$0x0];
	[tilespmem:v21+s28+$0x0] =	vst.idx.msk $0xffff, v20  }
0x149: {  	v21 =	vadd.s32 v2, v5;
	[tilespmem:v16+s28+$0x0] =	vst.idx.msk $0xffff, v15;
	v20 =	vld [tilespmem:s25+$0x20]  }
0x14a: {  	[tilespmem:v14+s28+$0x0] =	vst.idx.msk $0xffff, v11;
	v11 =	vld [tilespmem:s24+$0x50];
	v14 =	vadd.s32 v1, v8  }
0x14b: {  	v26 =	vadd.s32 v1, v4;
	v25 =	vld [tilespmem:s24+$0xFFFFFF90];
	[tilespmem:v13+s28+$0x0] =	vst.idx.msk $0xffff, v10  }
0x14c: {  	[tilespmem:v22+s28+$0x0] =	vst.idx.msk $0xffff, v19;
	v19 =	vld [tilespmem:s25+$0xFFFFFFF0];
	v22 =	vadd.s32 v3, v7;
	v7 =	vmov v9  }
.Ltmp1:
0x14d: {  	v17 =	vld [tilespmem:s24+$0xFFFFFFD0];
	v18 =	vadd.s32 v1, v7;
	[tilespmem:v24+s28+$0x0] =	vst.idx.msk $0xffff, v23;
	(pc) =	sbr.rel @p0 .LBB2_5-.Ltmp1, $4  }
0x14e: {  	v16 =	vadd.s32 v1, v12;
	v15 =	vld [tilespmem:s24+$0x10];
	[tilespmem:v21+s28+$0x0] =	vst.idx.msk $0xffff, v20  }
0x14f: {  	[tilespmem:v14+s28+$0x0] =	vst.idx.msk $0xffff, v11;
	v11 =	vld [tilespmem:s25+$0x30];
	v14 =	vadd.s32 v3, v5;
	v5 =	vmov v12  }
0x150: {  	v12 =	vadd.s32 v2, v8;
	[tilespmem:v26+s28+$0x0] =	vst.idx.msk $0xffff, v25;
	v9 =	vld [tilespmem:s24+$0x60]  }
0x151: {  	s18 =	sadd.s32 $0x4, s18;
	s19 =	sadd.s32 $0x3, s17;
	v13 =	vadd.s32 v2, v4;
	v10 =	vld [tilespmem:s24+$0xFFFFFFA0];
	[tilespmem:v22+s28+$0x0] =	vst.idx.msk $0xffff, v19  }
0x152: {  	_ =	sdelay $0x2  }
0x153: {  	v19 =	vmov s19;
	s19 =	sadd.s32 $0x1, s17  }
0x154: {  	[tilespmem:v18+s28+$0x0] =	vst.idx.msk $0xffff, v17;
	v17 =	vld [tilespmem:s25+$0xFFFFFFB0];
	v6 =	vadd.s32 v3, v6;
	s18 =	sadd.s32 $0x100, s24;
	s25 =	sadd.s32 $0x2, s17;
	v18 =	vand.u32 $0x7F, v19;
	v19 =	vmov s19  }
0x155: {  	[tilespmem:v16+s28+$0x0] =	vst.idx.msk $0xffff, v15;
	v15 =	vld [tilespmem:s18+$0x40];
	v20 =	vmov s25;
	v16 =	vadd.s32 v0, v18;
	v19 =	vand.u32 $0x7D, v19  }
0x156: {  	v21 =	vmov s17;
	[tilespmem:v14+s28+$0x0] =	vst.idx.msk $0xffff, v11;
	v11 =	vld [tilespmem:s18+$0xFFFFFFC0];
	v20 =	vand.u32 $0x7E, v20;
	v14 =	vadd.s32 v0, v19  }
0x157: {  	v21 =	vand.u32 $0x7C, v21;
	[tilespmem:v12+s28+$0x0] =	vst.idx.msk $0xffff, v9;
	v9 =	vld [tilespmem:s18+$0x0];
	v12 =	vadd.s32 v0, v20  }
0x158: {  	v22 =	vld [tilespmem:s18+$0xFFFFFF80];
	[tilespmem:v13+s28+$0x0] =	vst.idx.msk $0xffff, v10;
	v10 =	vadd.s32 v0, v21  }
0x159: {  	v13 =	vld [tilespmem:s24+$0xFFFFFFE0];
	[tilespmem:v6+s28+$0x0] =	vst.idx.msk $0xffff, v17;
	v6 =	vadd.s32 v2, v7  }
0x15a: {  	v8 =	vadd.s32 v3, v8;
	v17 =	vld [tilespmem:s24+$0x70];
	[tilespmem:v16+s28+$0x0] =	vst.idx.msk $0xffff, v15  }
0x15b: {  	v16 =	vadd.s32 v1, v18;
	v15 =	vld [tilespmem:s18+$0x50];
	[tilespmem:v14+s28+$0x0] =	vst.idx.msk $0xffff, v11  }
0x15c: {  	v14 =	vadd.s32 v1, v19;
	[tilespmem:v12+s28+$0x0] =	vst.idx.msk $0xffff, v9;
	v11 =	vld [tilespmem:s18+$0xFFFFFFD0]  }
0x15d: {  	[tilespmem:v10+s28+$0x0] =	vst.idx.msk $0xffff, v22;
	v9 =	vld [tilespmem:s18+$0x10];
	v10 =	vadd.s32 v1, v20  }
0x15e: {  	v12 =	vadd.s32 v1, v21;
	[tilespmem:v6+s28+$0x0] =	vst.idx.msk $0xffff, v13;
	v6 =	vld [tilespmem:s18+$0xFFFFFF90]  }
0x15f: {  	v60 =	vadd.s32 v2, v5;
	v13 =	vld [tilespmem:s24+$0x20];
	[tilespmem:v8+s28+$0x0] =	vst.idx.msk $0xffff, v17  }
0x160: {  	v7 =	vadd.s32 v3, v7;
	v8 =	vld [tilespmem:s24+$0xFFFFFFF0];
	[tilespmem:v16+s28+$0x0] =	vst.idx.msk $0xffff, v15  }
0x161: {  	v16 =	vadd.s32 v2, v18;
	v15 =	vld [tilespmem:s18+$0x60];
	[tilespmem:v14+s28+$0x0] =	vst.idx.msk $0xffff, v11  }
0x162: {  	v14 =	vadd.s32 v2, v19;
	[tilespmem:v10+s28+$0x0] =	vst.idx.msk $0xffff, v9;
	v11 =	vld [tilespmem:s18+$0xFFFFFFE0]  }
0x163: {  	v9 =	vadd.s32 v2, v20;
	[tilespmem:v12+s28+$0x0] =	vst.idx.msk $0xffff, v6;
	v6 =	vld [tilespmem:s18+$0x20]  }
0x164: {  	[tilespmem:v60+s28+$0x0] =	vst.idx.msk $0xffff, v13;
	v12 =	vadd.s32 v2, v21;
	v10 =	vld [tilespmem:s18+$0xFFFFFFA0]  }
0x165: {  	v5 =	vadd.s32 v3, v5;
	v13 =	vld [tilespmem:s24+$0x30];
	[tilespmem:v7+s28+$0x0] =	vst.idx.msk $0xffff, v8  }
0x166: {  	v4 =	vadd.s32 v3, v4;
	v7 =	vld [tilespmem:s24+$0xFFFFFFB0];
	[tilespmem:v16+s28+$0x0] =	vst.idx.msk $0xffff, v15  }
0x167: {  	v15 =	vadd.s32 v3, v18;
	v8 =	vld [tilespmem:s18+$0x70];
	[tilespmem:v14+s28+$0x0] =	vst.idx.msk $0xffff, v11  }
0x168: {  	v14 =	vadd.s32 v3, v19;
	[tilespmem:v9+s28+$0x0] =	vst.idx.msk $0xffff, v6;
	v11 =	vld [tilespmem:s18+$0xFFFFFFF0]  }
0x169: {  	v9 =	vadd.s32 v3, v20;
	[tilespmem:v12+s28+$0x0] =	vst.idx.msk $0xffff, v10;
	v6 =	vld [tilespmem:s18+$0x30]  }
0x16a: {  	[tilespmem:v5+s28+$0x0] =	vst.idx.msk $0xffff, v13;
	v10 =	vadd.s32 v3, v21;
	v5 =	vld [tilespmem:s18+$0xFFFFFFB0]  }
0x16b: {  	[tilespmem:v4+s28+$0x0] =	vst.idx.msk $0xffff, v7  }
0x16c: {  	s18 =	sshll.u32 s23, $0x12;
	[tilespmem:v15+s28+$0x0] =	vst.idx.msk $0xffff, v8  }
0x16d: {  	s17 =	sor.u32 s7, s18;
	[tilespmem:v14+s28+$0x0] =	vst.idx.msk $0xffff, v11  }
0x16e: {  	s24 =	sshrl.u32 s17, $0x3;
	[tilespmem:v9+s28+$0x0] =	vst.idx.msk $0xffff, v6  }
0x16f: {  	s23 =	simm.s32 $0x0;
	s17 =	sadd.s32 s1, s24;
	[tilespmem:v10+s28+$0x0] =	vst.idx.msk $0xffff, v5  }
0x170: {  	[hbm4b:s17+s23] =	stream.linear.scatter [tilespmem:s28], [sflag:$0x3], $0x80, $0x38;
	[tilespmem:$0xC480] =	vst v63  }
0x171: {  	s25 =	smov.u32 s1;
	s1 =	simm.s32 $0xA308;
	s19 =	sadd.s32 $0x10, s17  }
0x172: {  	[hbm4b:s19+s23] =	stream.linear.scatter [tilespmem:s1], [sflag:$0x3], $0x80, $0x38;
	[tilespmem:$0xC480] =	vst v63  }
0x173: {  	s19 =	sadd.s32 $0x20, s17  }
0x174: {  	[hbm4b:s19+s23] =	stream.linear.scatter [tilespmem:s29], [sflag:$0x3], $0x80, $0x38;
	[tilespmem:$0xC480] =	vst v63  }
0x175: {  	s18 =	sadd.s32 $0x30, s17;
	s19 =	simm.s32 $0xA418  }
0x176: {  	[hbm4b:s18+s23] =	stream.linear.scatter [tilespmem:s19], [sflag:$0x3], $0x80, $0x38;
	[tilespmem:$0xC480] =	vst v63  }
0x177: {  	s18 =	sadd.s32 $0x40, s17;
	s19 =	simm.s32 $0xA4A0  }
0x178: {  	[hbm4b:s18+s23] =	stream.linear.scatter [tilespmem:s19], [sflag:$0x3], $0x80, $0x38;
	[tilespmem:$0xC480] =	vst v63  }
0x179: {  	s18 =	sadd.s32 $0x50, s17;
	s19 =	simm.s32 $0xA528  }
0x17a: {  	[hbm4b:s18+s23] =	stream.linear.scatter [tilespmem:s19], [sflag:$0x3], $0x80, $0x38;
	[tilespmem:$0xC480] =	vst v63  }
0x17b: {  	s18 =	sadd.s32 $0x60, s17;
	s19 =	simm.s32 $0xA5B0  }
0x17c: {  	[hbm4b:s18+s23] =	stream.linear.scatter [tilespmem:s19], [sflag:$0x3], $0x80, $0x38;
	[tilespmem:$0xC480] =	vst v63  }
0x17d: {  	s17 =	sadd.s32 $0x70, s17;
	s19 =	simm.s32 $0xA638  }
0x17e: {  	[hbm4b:s17+s23] =	stream.linear.scatter [tilespmem:s19], [sflag:$0x3], $0x80, $0x38;
	[tilespmem:$0xC480] =	vst v63  }
0x17f: {  	s17 =	sadd.s32 s24, s8;
	s19 =	simm.s32 $0xA6C0  }
0x180: {  	[hbm4b:s17+s23] =	stream.linear.scatter [tilespmem:s19], [sflag:$0x3], $0x80, $0x38;
	[tilespmem:$0xC480] =	vst v63  }
0x181: {  	s18 =	sadd.s32 $0x10, s17;
	s19 =	simm.s32 $0xA748  }
0x182: {  	[hbm4b:s18+s23] =	stream.linear.scatter [tilespmem:s19], [sflag:$0x3], $0x80, $0x38;
	[tilespmem:$0xC480] =	vst v63  }
0x183: {  	s18 =	sadd.s32 $0x20, s17;
	s19 =	simm.s32 $0xA7D0  }
0x184: {  	[hbm4b:s18+s23] =	stream.linear.scatter [tilespmem:s19], [sflag:$0x3], $0x80, $0x38;
	[tilespmem:$0xC480] =	vst v63  }
0x185: {  	s18 =	sadd.s32 $0x30, s17;
	s19 =	simm.s32 $0xA858  }
0x186: {  	[hbm4b:s18+s23] =	stream.linear.scatter [tilespmem:s19], [sflag:$0x3], $0x80, $0x38;
	[tilespmem:$0xC480] =	vst v63  }
0x187: {  	s18 =	sadd.s32 $0x40, s17;
	s19 =	simm.s32 $0xA8E0  }
0x188: {  	[hbm4b:s18+s23] =	stream.linear.scatter [tilespmem:s19], [sflag:$0x3], $0x80, $0x38;
	[tilespmem:$0xC480] =	vst v63  }
0x189: {  	s18 =	sadd.s32 $0x50, s17;
	s19 =	simm.s32 $0xA968  }
0x18a: {  	[hbm4b:s18+s23] =	stream.linear.scatter [tilespmem:s19], [sflag:$0x3], $0x80, $0x38;
	[tilespmem:$0xC480] =	vst v63  }
0x18b: {  	s18 =	sadd.s32 $0x60, s17;
	s19 =	simm.s32 $0xA9F0  }
0x18c: {  	[hbm4b:s18+s23] =	stream.linear.scatter [tilespmem:s19], [sflag:$0x3], $0x80, $0x38;
	[tilespmem:$0xC480] =	vst v63  }
0x18d: {  	s17 =	sadd.s32 $0x70, s17;
	s19 =	simm.s32 $0xAA78  }
0x18e: {  	[hbm4b:s17+s23] =	stream.linear.scatter [tilespmem:s19], [sflag:$0x3], $0x80, $0x38;
	[tilespmem:$0xC480] =	vst v63  }
0x18f: {  	s17 =	sadd.s32 s24, s9;
	s19 =	simm.s32 $0xAB00  }
0x190: {  	[hbm4b:s17+s23] =	stream.linear.scatter [tilespmem:s19], [sflag:$0x3], $0x80, $0x38;
	[tilespmem:$0xC480] =	vst v63  }
0x191: {  	s18 =	sadd.s32 $0x10, s17;
	s19 =	simm.s32 $0xAB88  }
0x192: {  	[hbm4b:s18+s23] =	stream.linear.scatter [tilespmem:s19], [sflag:$0x3], $0x80, $0x38;
	[tilespmem:$0xC480] =	vst v63  }
0x193: {  	s18 =	sadd.s32 $0x20, s17;
	s19 =	simm.s32 $0xAC10  }
0x194: {  	[hbm4b:s18+s23] =	stream.linear.scatter [tilespmem:s19], [sflag:$0x3], $0x80, $0x38;
	[tilespmem:$0xC480] =	vst v63  }
0x195: {  	s18 =	sadd.s32 $0x30, s17;
	s19 =	simm.s32 $0xAC98  }
0x196: {  	[hbm4b:s18+s23] =	stream.linear.scatter [tilespmem:s19], [sflag:$0x3], $0x80, $0x38;
	[tilespmem:$0xC480] =	vst v63  }
0x197: {  	s18 =	sadd.s32 $0x40, s17;
	s19 =	simm.s32 $0xAD20  }
0x198: {  	[hbm4b:s18+s23] =	stream.linear.scatter [tilespmem:s19], [sflag:$0x3], $0x80, $0x38;
	[tilespmem:$0xC480] =	vst v63  }
0x199: {  	s18 =	sadd.s32 $0x50, s17;
	s19 =	simm.s32 $0xADA8  }
0x19a: {  	[hbm4b:s18+s23] =	stream.linear.scatter [tilespmem:s19], [sflag:$0x3], $0x80, $0x38;
	[tilespmem:$0xC480] =	vst v63  }
0x19b: {  	s18 =	sadd.s32 $0x60, s17;
	s19 =	simm.s32 $0xAE30  }
0x19c: {  	[hbm4b:s18+s23] =	stream.linear.scatter [tilespmem:s19], [sflag:$0x3], $0x80, $0x38;
	[tilespmem:$0xC480] =	vst v63  }
0x19d: {  	s17 =	sadd.s32 $0x70, s17;
	s19 =	simm.s32 $0xAEB8  }
0x19e: {  	[hbm4b:s17+s23] =	stream.linear.scatter [tilespmem:s19], [sflag:$0x3], $0x80, $0x38;
	[tilespmem:$0xC480] =	vst v63  }
0x19f: {  	s17 =	sadd.s32 s24, s10;
	s19 =	simm.s32 $0xAF40  }
0x1a0: {  	[hbm4b:s17+s23] =	stream.linear.scatter [tilespmem:s19], [sflag:$0x3], $0x80, $0x38;
	[tilespmem:$0xC480] =	vst v63  }
0x1a1: {  	s18 =	sadd.s32 $0x10, s17;
	s19 =	simm.s32 $0xAFC8  }
0x1a2: {  	[hbm4b:s18+s23] =	stream.linear.scatter [tilespmem:s19], [sflag:$0x3], $0x80, $0x38;
	[tilespmem:$0xC480] =	vst v63  }
0x1a3: {  	s18 =	sadd.s32 $0x20, s17;
	s19 =	simm.s32 $0xB050  }
0x1a4: {  	[hbm4b:s18+s23] =	stream.linear.scatter [tilespmem:s19], [sflag:$0x3], $0x80, $0x38;
	[tilespmem:$0xC480] =	vst v63  }
0x1a5: {  	s18 =	sadd.s32 $0x30, s17;
	s19 =	simm.s32 $0xB0D8  }
0x1a6: {  	[hbm4b:s18+s23] =	stream.linear.scatter [tilespmem:s19], [sflag:$0x3], $0x80, $0x38;
	[tilespmem:$0xC480] =	vst v63  }
0x1a7: {  	s18 =	sadd.s32 $0x40, s17;
	s19 =	simm.s32 $0xB160  }
0x1a8: {  	[hbm4b:s18+s23] =	stream.linear.scatter [tilespmem:s19], [sflag:$0x3], $0x80, $0x38;
	[tilespmem:$0xC480] =	vst v63  }
0x1a9: {  	s18 =	sadd.s32 $0x50, s17;
	s19 =	simm.s32 $0xB1E8  }
0x1aa: {  	[hbm4b:s18+s23] =	stream.linear.scatter [tilespmem:s19], [sflag:$0x3], $0x80, $0x38;
	[tilespmem:$0xC480] =	vst v63  }
0x1ab: {  	s18 =	sadd.s32 $0x60, s17;
	s19 =	simm.s32 $0xB270  }
0x1ac: {  	[hbm4b:s18+s23] =	stream.linear.scatter [tilespmem:s19], [sflag:$0x3], $0x80, $0x38;
	[tilespmem:$0xC480] =	vst v63  }
0x1ad: {  	s17 =	sadd.s32 $0x70, s17;
	s19 =	simm.s32 $0xB2F8  }
0x1ae: {  	[hbm4b:s17+s23] =	stream.linear.scatter [tilespmem:s19], [sflag:$0x3], $0x80, $0x38;
	[tilespmem:$0xC480] =	vst v63  }
0x1af: {  	s17 =	sadd.s32 s24, s11;
	s19 =	simm.s32 $0xB380  }
0x1b0: {  	[hbm4b:s17+s23] =	stream.linear.scatter [tilespmem:s19], [sflag:$0x3], $0x80, $0x38;
	[tilespmem:$0xC480] =	vst v63  }
0x1b1: {  	s18 =	sadd.s32 $0x10, s17;
	s19 =	simm.s32 $0xB408  }
0x1b2: {  	[hbm4b:s18+s23] =	stream.linear.scatter [tilespmem:s19], [sflag:$0x3], $0x80, $0x38;
	[tilespmem:$0xC480] =	vst v63  }
0x1b3: {  	s18 =	sadd.s32 $0x20, s17;
	s19 =	simm.s32 $0xB490  }
0x1b4: {  	[hbm4b:s18+s23] =	stream.linear.scatter [tilespmem:s19], [sflag:$0x3], $0x80, $0x38;
	[tilespmem:$0xC480] =	vst v63  }
0x1b5: {  	s18 =	sadd.s32 $0x30, s17;
	s19 =	simm.s32 $0xB518  }
0x1b6: {  	[hbm4b:s18+s23] =	stream.linear.scatter [tilespmem:s19], [sflag:$0x3], $0x80, $0x38;
	[tilespmem:$0xC480] =	vst v63  }
0x1b7: {  	s18 =	sadd.s32 $0x40, s17;
	s19 =	simm.s32 $0xB5A0  }
0x1b8: {  	[hbm4b:s18+s23] =	stream.linear.scatter [tilespmem:s19], [sflag:$0x3], $0x80, $0x38;
	[tilespmem:$0xC480] =	vst v63  }
0x1b9: {  	s18 =	sadd.s32 $0x50, s17;
	s19 =	simm.s32 $0xB628  }
0x1ba: {  	[hbm4b:s18+s23] =	stream.linear.scatter [tilespmem:s19], [sflag:$0x3], $0x80, $0x38;
	[tilespmem:$0xC480] =	vst v63  }
0x1bb: {  	s18 =	sadd.s32 $0x60, s17;
	s19 =	simm.s32 $0xB6B0  }
0x1bc: {  	[hbm4b:s18+s23] =	stream.linear.scatter [tilespmem:s19], [sflag:$0x3], $0x80, $0x38;
	[tilespmem:$0xC480] =	vst v63  }
0x1bd: {  	s17 =	sadd.s32 $0x70, s17;
	s19 =	simm.s32 $0xB738  }
0x1be: {  	[hbm4b:s17+s23] =	stream.linear.scatter [tilespmem:s19], [sflag:$0x3], $0x80, $0x38;
	[tilespmem:$0xC480] =	vst v63  }
0x1bf: {  	s17 =	sadd.s32 s24, s12;
	s19 =	simm.s32 $0xB7C0  }
0x1c0: {  	[hbm4b:s17+s23] =	stream.linear.scatter [tilespmem:s19], [sflag:$0x3], $0x80, $0x38;
	[tilespmem:$0xC480] =	vst v63  }
0x1c1: {  	s18 =	sadd.s32 $0x10, s17;
	s19 =	simm.s32 $0xB848  }
0x1c2: {  	[hbm4b:s18+s23] =	stream.linear.scatter [tilespmem:s19], [sflag:$0x3], $0x80, $0x38;
	[tilespmem:$0xC480] =	vst v63  }
0x1c3: {  	s18 =	sadd.s32 $0x20, s17;
	s19 =	simm.s32 $0xB8D0  }
0x1c4: {  	[hbm4b:s18+s23] =	stream.linear.scatter [tilespmem:s19], [sflag:$0x3], $0x80, $0x38;
	[tilespmem:$0xC480] =	vst v63  }
0x1c5: {  	s18 =	sadd.s32 $0x30, s17;
	s19 =	simm.s32 $0xB958  }
0x1c6: {  	[hbm4b:s18+s23] =	stream.linear.scatter [tilespmem:s19], [sflag:$0x3], $0x80, $0x38;
	[tilespmem:$0xC480] =	vst v63  }
0x1c7: {  	s18 =	sadd.s32 $0x40, s17;
	s19 =	simm.s32 $0xB9E0  }
0x1c8: {  	[hbm4b:s18+s23] =	stream.linear.scatter [tilespmem:s19], [sflag:$0x3], $0x80, $0x38;
	[tilespmem:$0xC480] =	vst v63  }
0x1c9: {  	s18 =	sadd.s32 $0x50, s17;
	s19 =	simm.s32 $0xBA68  }
0x1ca: {  	[hbm4b:s18+s23] =	stream.linear.scatter [tilespmem:s19], [sflag:$0x3], $0x80, $0x38;
	[tilespmem:$0xC480] =	vst v63  }
0x1cb: {  	s18 =	sadd.s32 $0x60, s17;
	s19 =	simm.s32 $0xBAF0  }
0x1cc: {  	[hbm4b:s18+s23] =	stream.linear.scatter [tilespmem:s19], [sflag:$0x3], $0x80, $0x38;
	[tilespmem:$0xC480] =	vst v63  }
0x1cd: {  	s17 =	sadd.s32 $0x70, s17;
	s19 =	simm.s32 $0xBB78  }
0x1ce: {  	[hbm4b:s17+s23] =	stream.linear.scatter [tilespmem:s19], [sflag:$0x3], $0x80, $0x38;
	[tilespmem:$0xC480] =	vst v63  }
0x1cf: {  	s17 =	sadd.s32 s24, s13;
	s19 =	simm.s32 $0xBC00  }
0x1d0: {  	[hbm4b:s17+s23] =	stream.linear.scatter [tilespmem:s19], [sflag:$0x3], $0x80, $0x38;
	[tilespmem:$0xC480] =	vst v63  }
0x1d1: {  	s18 =	sadd.s32 $0x10, s17;
	s19 =	simm.s32 $0xBC88  }
0x1d2: {  	[hbm4b:s18+s23] =	stream.linear.scatter [tilespmem:s19], [sflag:$0x3], $0x80, $0x38;
	[tilespmem:$0xC480] =	vst v63  }
0x1d3: {  	s18 =	sadd.s32 $0x20, s17;
	s19 =	simm.s32 $0xBD10  }
0x1d4: {  	[hbm4b:s18+s23] =	stream.linear.scatter [tilespmem:s19], [sflag:$0x3], $0x80, $0x38;
	[tilespmem:$0xC480] =	vst v63  }
0x1d5: {  	s18 =	sadd.s32 $0x30, s17;
	s19 =	simm.s32 $0xBD98  }
0x1d6: {  	[hbm4b:s18+s23] =	stream.linear.scatter [tilespmem:s19], [sflag:$0x3], $0x80, $0x38;
	[tilespmem:$0xC480] =	vst v63  }
0x1d7: {  	s18 =	sadd.s32 $0x40, s17;
	s19 =	simm.s32 $0xBE20  }
0x1d8: {  	[hbm4b:s18+s23] =	stream.linear.scatter [tilespmem:s19], [sflag:$0x3], $0x80, $0x38;
	[tilespmem:$0xC480] =	vst v63  }
0x1d9: {  	s18 =	sadd.s32 $0x50, s17;
	s19 =	simm.s32 $0xBEA8  }
0x1da: {  	[hbm4b:s18+s23] =	stream.linear.scatter [tilespmem:s19], [sflag:$0x3], $0x80, $0x38;
	[tilespmem:$0xC480] =	vst v63  }
0x1db: {  	s18 =	sadd.s32 $0x60, s17;
	s19 =	simm.s32 $0xBF30  }
0x1dc: {  	[hbm4b:s18+s23] =	stream.linear.scatter [tilespmem:s19], [sflag:$0x3], $0x80, $0x38;
	[tilespmem:$0xC480] =	vst v63  }
0x1dd: {  	s17 =	sadd.s32 $0x70, s17;
	s19 =	simm.s32 $0xBFB8  }
0x1de: {  	[hbm4b:s17+s23] =	stream.linear.scatter [tilespmem:s19], [sflag:$0x3], $0x80, $0x38;
	[tilespmem:$0xC480] =	vst v63  }
0x1df: {  	s17 =	sadd.s32 s24, s14;
	s24 =	simm.s32 $0xC040  }
0x1e0: {  	[hbm4b:s17+s23] =	stream.linear.scatter [tilespmem:s24], [sflag:$0x3], $0x80, $0x38;
	[tilespmem:$0xC480] =	vst v63  }
0x1e1: {  	s19 =	sadd.s32 $0x10, s17;
	s24 =	simm.s32 $0xC0C8  }
0x1e2: {  	[hbm4b:s19+s23] =	stream.linear.scatter [tilespmem:s24], [sflag:$0x3], $0x80, $0x38;
	[tilespmem:$0xC480] =	vst v63  }
0x1e3: {  	s19 =	sadd.s32 $0x20, s17;
	s24 =	simm.s32 $0xC150  }
0x1e4: {  	[hbm4b:s19+s23] =	stream.linear.scatter [tilespmem:s24], [sflag:$0x3], $0x80, $0x38;
	[tilespmem:$0xC480] =	vst v63  }
0x1e5: {  	s19 =	sadd.s32 $0x30, s17;
	s24 =	simm.s32 $0xC1D8  }
0x1e6: {  	[hbm4b:s19+s23] =	stream.linear.scatter [tilespmem:s24], [sflag:$0x3], $0x80, $0x38;
	[tilespmem:$0xC480] =	vst v63  }
0x1e7: {  	s19 =	sadd.s32 $0x40, s17;
	s24 =	simm.s32 $0xC260  }
0x1e8: {  	[hbm4b:s19+s23] =	stream.linear.scatter [tilespmem:s24], [sflag:$0x3], $0x80, $0x38;
	[tilespmem:$0xC480] =	vst v63  }
0x1e9: {  	s19 =	sadd.s32 $0x50, s17;
	s24 =	simm.s32 $0xC2E8  }
0x1ea: {  	[hbm4b:s19+s23] =	stream.linear.scatter [tilespmem:s24], [sflag:$0x3], $0x80, $0x38;
	[tilespmem:$0xC480] =	vst v63  }
0x1eb: {  	s24 =	sadd.s32 $0x60, s17  }
0x1ec: {  	[hbm4b:s24+s23] =	stream.linear.scatter [tilespmem:s30], [sflag:$0x3], $0x80, $0x38;
	[tilespmem:$0xC480] =	vst v63  }
0x1ed: {  	s17 =	sadd.s32 $0x70, s17  }
0x1ee: {  	[hbm4b:s17+s23] =	stream.linear.scatter [tilespmem:s31], [sflag:$0x3], $0x80, $0x38;
	[tilespmem:$0xC480] =	vst v63  }
0x1ef: {  	_ =	swait.ge [sflag:s0], $0x400  }
0x1f0: {  	[sflag:s0] =	ssyncset.done $0x0  }
0x1f1: {  	[sflag:s0] =	ssyncadd.s32 $0xFFFFFC00  }
0x1f2: {  	_ =	swait.ge [sflag:s0], $0x400  }
0x1f3: {  	[sflag:s0] =	ssyncset.done $0x0  }
0x1f4: {  	[sflag:s0] =	ssyncadd.s32 $0xFFFFFC00  }
0x1f5: {  	_ =	swait.ge [sflag:s0], $0x400  }
0x1f6: {  	[sflag:s0] =	ssyncset.done $0x0  }
0x1f7: {  	[sflag:s0] =	ssyncadd.s32 $0xFFFFFC00  }
0x1f8: {  	_ =	swait.ge [sflag:s0], $0x400  }
0x1f9: {  	[sflag:s0] =	ssyncset.done $0x0  }
0x1fa: {  	[sflag:s0] =	ssyncadd.s32 $0xFFFFFC00  }
0x1fb: {  	_ =	swait.ge [sflag:s0], $0x400  }
0x1fc: {  	[sflag:s0] =	ssyncset.done $0x0  }
0x1fd: {  	[sflag:s0] =	ssyncadd.s32 $0xFFFFFC00  }
0x1fe: {  	_ =	swait.ge [sflag:s0], $0x400  }
0x1ff: {  	[sflag:s0] =	ssyncset.done $0x0  }
0x200: {  	[sflag:s0] =	ssyncadd.s32 $0xFFFFFC00  }
0x201: {  	_ =	swait.ge [sflag:s0], $0x400  }
0x202: {  	[sflag:s0] =	ssyncset.done $0x0  }
0x203: {  	[sflag:s0] =	ssyncadd.s32 $0xFFFFFC00  }
0x204: {  	_ =	swait.ge [sflag:s0], $0x400  }
0x205: {  	[sflag:s0] =	ssyncset.done $0x0  }
0x206: {  	[sflag:s0] =	ssyncadd.s32 $0xFFFFFC00  }
0x207: {  	s19 =	simm.s32 $0x3;
	_ =	swait.ge [sflag:s26], $0x2000  }
0x208: {  	v4 =	vmov s19;
	[sflag:s26] =	ssyncset.done $0x0  }
0x209: {  	s24 =	simm.s32 $0x4300;
	v5 =	vand.u32 $0x7F, v4;
	v4 =	vmov s23;
	s23 =	simm.s32 $0x1;
	[sflag:s26] =	ssyncadd.s32 $0xFFFFE000  }
0x20a: {  	v8 =	vadd.s32 v0, v5;
	v6 =	vand.u32 $0x7C, v4;
	v4 =	vmov s23;
	v7 =	vld [tilespmem:s24+$0x40]  }
0x20b: {  	v10 =	vadd.s32 v0, v6;
	v11 =	vand.u32 $0x7D, v4;
	v9 =	vld [tilespmem:s24+$0xFFFFFF80]  }
0x20c: {  	s18 =	simm.s32 $0x2;
	v12 =	vadd.s32 v0, v11;
	v4 =	vld [tilespmem:s24+$0xFFFFFFC0]  }
0x20d: {  	v13 =	vmov s18  }
0x20e: {  	v13 =	vand.u32 $0x7E, v13  }
0x20f: {  	v15 =	vadd.s32 v0, v13;
	v14 =	vld [tilespmem:s24+$0x0];
	[tilespmem:v8+s28+$0x0] =	vst.idx.msk $0xffff, v7  }
0x210: {  	v8 =	vadd.s32 v1, v5;
	[tilespmem:v10+s28+$0x0] =	vst.idx.msk $0xffff, v9;
	v7 =	vld [tilespmem:s24+$0x50]  }
0x211: {  	v10 =	vadd.s32 v1, v6;
	[tilespmem:v12+s28+$0x0] =	vst.idx.msk $0xffff, v4;
	v9 =	vld [tilespmem:s24+$0xFFFFFF90]  }
0x212: {  	v12 =	vadd.s32 v1, v11;
	v4 =	vld [tilespmem:s24+$0xFFFFFFD0];
	_ =	sdelay $0x1  }
0x213: {  	[tilespmem:v15+s28+$0x0] =	vst.idx.msk $0xffff, v14  }
0x214: {  	v16 =	vadd.s32 v1, v13;
	v15 =	vld [tilespmem:s24+$0x10];
	[tilespmem:v8+s28+$0x0] =	vst.idx.msk $0xffff, v7  }
0x215: {  	s19 =	simm.s32 $0x7;
	v14 =	vadd.s32 v2, v5;
	[tilespmem:v10+s28+$0x0] =	vst.idx.msk $0xffff, v9;
	v7 =	vld [tilespmem:s24+$0x60]  }
0x216: {  	s23 =	simm.s32 $0x4;
	v10 =	vadd.s32 v2, v6;
	v8 =	vmov s19;
	[tilespmem:v12+s28+$0x0] =	vst.idx.msk $0xffff, v4;
	v9 =	vld [tilespmem:s24+$0xFFFFFFA0]  }
0x217: {  	v17 =	vadd.s32 v2, v11;
	v4 =	vmov s23;
	s23 =	simm.s32 $0x4400;
	v8 =	vand.u32 $0x7F, v8;
	v12 =	vld [tilespmem:s24+$0xFFFFFFE0]  }
0x218: {  	v18 =	vld [tilespmem:s23+$0x40];
	v19 =	vadd.s32 v0, v8  }
0x219: {  	s18 =	simm.s32 $0x5;
	[tilespmem:v16+s28+$0x0] =	vst.idx.msk $0xffff, v15  }
0x21a: {  	v62 =	vmov s18;
	v4 =	vand.u32 $0x7C, v4;
	[tilespmem:v14+s28+$0x0] =	vst.idx.msk $0xffff, v7  }
0x21b: {  	s19 =	simm.s32 $0x6;
	v20 =	vld [tilespmem:s23+$0xFFFFFF80];
	v61 =	vadd.s32 v0, v4;
	v7 =	vand.u32 $0x7D, v62;
	[tilespmem:v10+s28+$0x0] =	vst.idx.msk $0xffff, v9  }
0x21c: {  	v14 =	vmov s19;
	v9 =	vld [tilespmem:s23+$0xFFFFFFC0];
	[tilespmem:v17+s28+$0x0] =	vst.idx.msk $0xffff, v12;
	v10 =	vadd.s32 v0, v7  }
0x21d: {  	v16 =	vadd.s32 v3, v5;
	v12 =	vld [tilespmem:s24+$0x20];
	v5 =	vand.u32 $0x7E, v14;
	[tilespmem:v19+s28+$0x0] =	vst.idx.msk $0xffff, v18;
	v18 =	vadd.s32 v2, v13  }
0x21e: {  	v14 =	vld [tilespmem:s23+$0x0];
	v63 =	vadd.s32 v0, v5  }
0x21f: {  	v15 =	vld [tilespmem:s24+$0x70]  }
0x220: {  	[tilespmem:v61+s28+$0x0] =	vst.idx.msk $0xffff, v20;
	v20 =	vadd.s32 v1, v8;
	v19 =	vld [tilespmem:s23+$0x50]  }
0x221: {  	v23 =	vadd.s32 v1, v4;
	v21 =	vld [tilespmem:s23+$0xFFFFFF90];
	[tilespmem:v10+s28+$0x0] =	vst.idx.msk $0xffff, v9  }
0x222: {  	v25 =	vadd.s32 v3, v11;
	v24 =	vld [tilespmem:s24+$0xFFFFFFF0];
	[tilespmem:v18+s28+$0x0] =	vst.idx.msk $0xffff, v12  }
0x223: {  	v18 =	vadd.s32 v1, v7;
	v17 =	vld [tilespmem:s23+$0xFFFFFFD0];
	[tilespmem:v63+s28+$0x0] =	vst.idx.msk $0xffff, v14  }
0x224: {  	[tilespmem:v16+s28+$0x0] =	vst.idx.msk $0xffff, v15;
	v16 =	vadd.s32 v1, v5;
	v15 =	vld [tilespmem:s23+$0x10]  }
0x225: {  	[tilespmem:v20+s28+$0x0] =	vst.idx.msk $0xffff, v19;
	v11 =	vld [tilespmem:s24+$0x30];
	v14 =	vadd.s32 v3, v13  }
0x226: {  	v12 =	vadd.s32 v2, v8;
	[tilespmem:v23+s28+$0x0] =	vst.idx.msk $0xffff, v21;
	v9 =	vld [tilespmem:s23+$0x60]  }
0x227: {  	s18 =	simm.s32 $0xC;
	s17 =	simm.s32 $0x8;
	s19 =	simm.s32 $0xB;
	[tilespmem:v25+s28+$0x0] =	vst.idx.msk $0xffff, v24;
	v13 =	vadd.s32 v2, v4;
	v10 =	vld [tilespmem:s23+$0xFFFFFFA0]  }
.LBB2_7:
0x228: {  	p0 =	slt.u32 s18, $0x7C;
	v19 =	vmov s19;
	[tilespmem:v18+s28+$0x0] =	vst.idx.msk $0xffff, v17;
	v17 =	vld [tilespmem:s24+$0xFFFFFFB0];
	v18 =	vadd.s32 v3, v6;
	v6 =	vmov v4;
	s24 =	smov.u32 s23  }
0x229: {  	v4 =	vmov s17;
	v21 =	vadd.s32 v2, v7;
	s23 =	sadd.s32 $0x100, s23;
	v19 =	vand.u32 $0x7F, v19;
	v20 =	vld [tilespmem:s24+$0xFFFFFFE0];
	[tilespmem:v16+s28+$0x0] =	vst.idx.msk $0xffff, v15  }
0x22a: {  	s19 =	sadd.s32 $0x1, s17;
	v4 =	vand.u32 $0x7C, v4;
	v15 =	vld [tilespmem:s23+$0x40];
	v16 =	vadd.s32 v0, v19;
	[tilespmem:v14+s28+$0x0] =	vst.idx.msk $0xffff, v11  }
0x22b: {  	v22 =	vmov s19;
	s19 =	sadd.s32 $0x2, s17;
	s17 =	smov.u32 s18;
	v14 =	vadd.s32 v0, v4;
	v11 =	vld [tilespmem:s23+$0xFFFFFF80];
	[tilespmem:v12+s28+$0x0] =	vst.idx.msk $0xffff, v9  }
0x22c: {  	v9 =	vand.u32 $0x7D, v22;
	v12 =	vmov s19;
	[tilespmem:v13+s28+$0x0] =	vst.idx.msk $0xffff, v10;
	v10 =	vld [tilespmem:s24+$0x70];
	v13 =	vadd.s32 v3, v8;
	v8 =	vmovc v19  }
0x22d: {  	v22 =	vadd.s32 v0, v9;
	v12 =	vand.u32 $0x7E, v12;
	v19 =	vld [tilespmem:s23+$0xFFFFFFC0];
	[tilespmem:v18+s28+$0x0] =	vst.idx.msk $0xffff, v17  }
0x22e: {  	v24 =	vadd.s32 v0, v12;
	v23 =	vld [tilespmem:s23+$0x0];
	[tilespmem:v21+s28+$0x0] =	vst.idx.msk $0xffff, v20  }
0x22f: {  	v21 =	vadd.s32 v2, v5;
	[tilespmem:v16+s28+$0x0] =	vst.idx.msk $0xffff, v15;
	v20 =	vld [tilespmem:s24+$0x20]  }
0x230: {  	[tilespmem:v14+s28+$0x0] =	vst.idx.msk $0xffff, v11;
	v11 =	vld [tilespmem:s23+$0x50];
	v14 =	vadd.s32 v1, v8  }
0x231: {  	v26 =	vadd.s32 v1, v4;
	v25 =	vld [tilespmem:s23+$0xFFFFFF90];
	[tilespmem:v13+s28+$0x0] =	vst.idx.msk $0xffff, v10  }
0x232: {  	[tilespmem:v22+s28+$0x0] =	vst.idx.msk $0xffff, v19;
	v19 =	vld [tilespmem:s24+$0xFFFFFFF0];
	v22 =	vadd.s32 v3, v7;
	v7 =	vmov v9  }
.Ltmp2:
0x233: {  	v17 =	vld [tilespmem:s23+$0xFFFFFFD0];
	v18 =	vadd.s32 v1, v7;
	[tilespmem:v24+s28+$0x0] =	vst.idx.msk $0xffff, v23;
	(pc) =	sbr.rel @p0 .LBB2_7-.Ltmp2, $4  }
0x234: {  	v16 =	vadd.s32 v1, v12;
	v15 =	vld [tilespmem:s23+$0x10];
	[tilespmem:v21+s28+$0x0] =	vst.idx.msk $0xffff, v20  }
0x235: {  	[tilespmem:v14+s28+$0x0] =	vst.idx.msk $0xffff, v11;
	v11 =	vld [tilespmem:s24+$0x30];
	v14 =	vadd.s32 v3, v5;
	v5 =	vmov v12  }
0x236: {  	v12 =	vadd.s32 v2, v8;
	[tilespmem:v26+s28+$0x0] =	vst.idx.msk $0xffff, v25;
	v9 =	vld [tilespmem:s23+$0x60]  }
0x237: {  	s18 =	sadd.s32 $0x4, s18;
	s19 =	sadd.s32 $0x3, s17;
	v13 =	vadd.s32 v2, v4;
	v10 =	vld [tilespmem:s23+$0xFFFFFFA0];
	[tilespmem:v22+s28+$0x0] =	vst.idx.msk $0xffff, v19  }
0x238: {  	_ =	sdelay $0x2  }
0x239: {  	v19 =	vmov s19;
	s19 =	sadd.s32 $0x1, s17  }
0x23a: {  	[tilespmem:v18+s28+$0x0] =	vst.idx.msk $0xffff, v17;
	v17 =	vld [tilespmem:s24+$0xFFFFFFB0];
	v6 =	vadd.s32 v3, v6;
	s18 =	sadd.s32 $0x100, s23;
	s24 =	sadd.s32 $0x2, s17;
	v18 =	vand.u32 $0x7F, v19;
	v19 =	vmov s19  }
0x23b: {  	[tilespmem:v16+s28+$0x0] =	vst.idx.msk $0xffff, v15;
	v15 =	vld [tilespmem:s18+$0x40];
	v20 =	vmov s24;
	v16 =	vadd.s32 v0, v18;
	v19 =	vand.u32 $0x7D, v19  }
0x23c: {  	v21 =	vmov s17;
	[tilespmem:v14+s28+$0x0] =	vst.idx.msk $0xffff, v11;
	v11 =	vld [tilespmem:s18+$0xFFFFFFC0];
	v20 =	vand.u32 $0x7E, v20;
	v14 =	vadd.s32 v0, v19  }
0x23d: {  	v21 =	vand.u32 $0x7C, v21;
	[tilespmem:v12+s28+$0x0] =	vst.idx.msk $0xffff, v9;
	v9 =	vld [tilespmem:s18+$0x0];
	v12 =	vadd.s32 v0, v20  }
0x23e: {  	v22 =	vld [tilespmem:s18+$0xFFFFFF80];
	[tilespmem:v13+s28+$0x0] =	vst.idx.msk $0xffff, v10;
	v10 =	vadd.s32 v0, v21  }
0x23f: {  	v13 =	vld [tilespmem:s23+$0xFFFFFFE0];
	[tilespmem:v6+s28+$0x0] =	vst.idx.msk $0xffff, v17;
	v6 =	vadd.s32 v2, v7  }
0x240: {  	v8 =	vadd.s32 v3, v8;
	v17 =	vld [tilespmem:s23+$0x70];
	[tilespmem:v16+s28+$0x0] =	vst.idx.msk $0xffff, v15  }
0x241: {  	v16 =	vadd.s32 v1, v18;
	v15 =	vld [tilespmem:s18+$0x50];
	[tilespmem:v14+s28+$0x0] =	vst.idx.msk $0xffff, v11  }
0x242: {  	v14 =	vadd.s32 v1, v19;
	[tilespmem:v12+s28+$0x0] =	vst.idx.msk $0xffff, v9;
	v11 =	vld [tilespmem:s18+$0xFFFFFFD0]  }
0x243: {  	[tilespmem:v10+s28+$0x0] =	vst.idx.msk $0xffff, v22;
	v9 =	vld [tilespmem:s18+$0x10];
	v10 =	vadd.s32 v1, v20  }
0x244: {  	v12 =	vadd.s32 v1, v21;
	[tilespmem:v6+s28+$0x0] =	vst.idx.msk $0xffff, v13;
	v6 =	vld [tilespmem:s18+$0xFFFFFF90]  }
0x245: {  	v60 =	vadd.s32 v2, v5;
	v13 =	vld [tilespmem:s23+$0x20];
	[tilespmem:v8+s28+$0x0] =	vst.idx.msk $0xffff, v17  }
0x246: {  	v7 =	vadd.s32 v3, v7;
	v8 =	vld [tilespmem:s23+$0xFFFFFFF0];
	[tilespmem:v16+s28+$0x0] =	vst.idx.msk $0xffff, v15  }
0x247: {  	v16 =	vadd.s32 v2, v18;
	v15 =	vld [tilespmem:s18+$0x60];
	[tilespmem:v14+s28+$0x0] =	vst.idx.msk $0xffff, v11  }
0x248: {  	v14 =	vadd.s32 v2, v19;
	[tilespmem:v10+s28+$0x0] =	vst.idx.msk $0xffff, v9;
	v11 =	vld [tilespmem:s18+$0xFFFFFFE0]  }
0x249: {  	v9 =	vadd.s32 v2, v20;
	[tilespmem:v12+s28+$0x0] =	vst.idx.msk $0xffff, v6;
	v6 =	vld [tilespmem:s18+$0x20]  }
0x24a: {  	[tilespmem:v60+s28+$0x0] =	vst.idx.msk $0xffff, v13;
	v12 =	vadd.s32 v2, v21;
	v10 =	vld [tilespmem:s18+$0xFFFFFFA0]  }
0x24b: {  	v5 =	vadd.s32 v3, v5;
	v13 =	vld [tilespmem:s23+$0x30];
	[tilespmem:v7+s28+$0x0] =	vst.idx.msk $0xffff, v8  }
0x24c: {  	v4 =	vadd.s32 v3, v4;
	v7 =	vld [tilespmem:s23+$0xFFFFFFB0];
	[tilespmem:v16+s28+$0x0] =	vst.idx.msk $0xffff, v15  }
0x24d: {  	v15 =	vadd.s32 v3, v18;
	v8 =	vld [tilespmem:s18+$0x70];
	[tilespmem:v14+s28+$0x0] =	vst.idx.msk $0xffff, v11  }
0x24e: {  	v14 =	vadd.s32 v3, v19;
	[tilespmem:v9+s28+$0x0] =	vst.idx.msk $0xffff, v6;
	v11 =	vld [tilespmem:s18+$0xFFFFFFF0]  }
0x24f: {  	v9 =	vadd.s32 v3, v20;
	[tilespmem:v12+s28+$0x0] =	vst.idx.msk $0xffff, v10;
	v6 =	vld [tilespmem:s18+$0x30]  }
0x250: {  	[tilespmem:v5+s28+$0x0] =	vst.idx.msk $0xffff, v13;
	v10 =	vadd.s32 v3, v21;
	v5 =	vld [tilespmem:s18+$0xFFFFFFB0]  }
0x251: {  	[tilespmem:v4+s28+$0x0] =	vst.idx.msk $0xffff, v7  }
0x252: {  	s18 =	sshll.u32 s22, $0x12;
	[tilespmem:v15+s28+$0x0] =	vst.idx.msk $0xffff, v8  }
0x253: {  	s17 =	sor.u32 s7, s18;
	[tilespmem:v14+s28+$0x0] =	vst.idx.msk $0xffff, v11  }
0x254: {  	s23 =	sshrl.u32 s17, $0x3;
	[tilespmem:v9+s28+$0x0] =	vst.idx.msk $0xffff, v6  }
0x255: {  	s22 =	simm.s32 $0x0;
	s17 =	sadd.s32 s25, s23;
	[tilespmem:v10+s28+$0x0] =	vst.idx.msk $0xffff, v5  }
0x256: {  	[hbm4b:s17+s22] =	stream.linear.scatter [tilespmem:s28], [sflag:$0x3], $0x80, $0x38;
	[tilespmem:$0xC480] =	vst v63  }
0x257: {  	s19 =	sadd.s32 $0x10, s17  }
0x258: {  	[hbm4b:s19+s22] =	stream.linear.scatter [tilespmem:s1], [sflag:$0x3], $0x80, $0x38;
	[tilespmem:$0xC480] =	vst v63  }
0x259: {  	s24 =	sadd.s32 $0x20, s17  }
0x25a: {  	[hbm4b:s24+s22] =	stream.linear.scatter [tilespmem:s29], [sflag:$0x3], $0x80, $0x38;
	[tilespmem:$0xC480] =	vst v63  }
0x25b: {  	s19 =	sadd.s32 $0x30, s17;
	s24 =	simm.s32 $0xA418  }
0x25c: {  	[hbm4b:s19+s22] =	stream.linear.scatter [tilespmem:s24], [sflag:$0x3], $0x80, $0x38;
	[tilespmem:$0xC480] =	vst v63  }
0x25d: {  	s19 =	sadd.s32 $0x40, s17;
	s24 =	simm.s32 $0xA4A0  }
0x25e: {  	[hbm4b:s19+s22] =	stream.linear.scatter [tilespmem:s24], [sflag:$0x3], $0x80, $0x38;
	[tilespmem:$0xC480] =	vst v63  }
0x25f: {  	s19 =	sadd.s32 $0x50, s17;
	s24 =	simm.s32 $0xA528  }
0x260: {  	[hbm4b:s19+s22] =	stream.linear.scatter [tilespmem:s24], [sflag:$0x3], $0x80, $0x38;
	[tilespmem:$0xC480] =	vst v63  }
0x261: {  	s19 =	sadd.s32 $0x60, s17;
	s24 =	simm.s32 $0xA5B0  }
0x262: {  	[hbm4b:s19+s22] =	stream.linear.scatter [tilespmem:s24], [sflag:$0x3], $0x80, $0x38;
	[tilespmem:$0xC480] =	vst v63  }
0x263: {  	s17 =	sadd.s32 $0x70, s17;
	s19 =	simm.s32 $0xA638  }
0x264: {  	[hbm4b:s17+s22] =	stream.linear.scatter [tilespmem:s19], [sflag:$0x3], $0x80, $0x38;
	[tilespmem:$0xC480] =	vst v63  }
0x265: {  	s24 =	simm.s32 $0xA6C0;
	s17 =	sadd.s32 s23, s8  }
0x266: {  	[hbm4b:s17+s22] =	stream.linear.scatter [tilespmem:s24], [sflag:$0x3], $0x80, $0x38;
	[tilespmem:$0xC480] =	vst v63  }
0x267: {  	s19 =	sadd.s32 $0x10, s17;
	s24 =	simm.s32 $0xA748  }
0x268: {  	[hbm4b:s19+s22] =	stream.linear.scatter [tilespmem:s24], [sflag:$0x3], $0x80, $0x38;
	[tilespmem:$0xC480] =	vst v63  }
0x269: {  	s19 =	sadd.s32 $0x20, s17;
	s24 =	simm.s32 $0xA7D0  }
0x26a: {  	[hbm4b:s19+s22] =	stream.linear.scatter [tilespmem:s24], [sflag:$0x3], $0x80, $0x38;
	[tilespmem:$0xC480] =	vst v63  }
0x26b: {  	s19 =	sadd.s32 $0x30, s17;
	s24 =	simm.s32 $0xA858  }
0x26c: {  	[hbm4b:s19+s22] =	stream.linear.scatter [tilespmem:s24], [sflag:$0x3], $0x80, $0x38;
	[tilespmem:$0xC480] =	vst v63  }
0x26d: {  	s19 =	sadd.s32 $0x40, s17;
	s24 =	simm.s32 $0xA8E0  }
0x26e: {  	[hbm4b:s19+s22] =	stream.linear.scatter [tilespmem:s24], [sflag:$0x3], $0x80, $0x38;
	[tilespmem:$0xC480] =	vst v63  }
0x26f: {  	s19 =	sadd.s32 $0x50, s17;
	s24 =	simm.s32 $0xA968  }
0x270: {  	[hbm4b:s19+s22] =	stream.linear.scatter [tilespmem:s24], [sflag:$0x3], $0x80, $0x38;
	[tilespmem:$0xC480] =	vst v63  }
0x271: {  	s19 =	sadd.s32 $0x60, s17;
	s24 =	simm.s32 $0xA9F0  }
0x272: {  	[hbm4b:s19+s22] =	stream.linear.scatter [tilespmem:s24], [sflag:$0x3], $0x80, $0x38;
	[tilespmem:$0xC480] =	vst v63  }
0x273: {  	s17 =	sadd.s32 $0x70, s17;
	s19 =	simm.s32 $0xAA78  }
0x274: {  	[hbm4b:s17+s22] =	stream.linear.scatter [tilespmem:s19], [sflag:$0x3], $0x80, $0x38;
	[tilespmem:$0xC480] =	vst v63  }
0x275: {  	s24 =	simm.s32 $0xAB00;
	s17 =	sadd.s32 s23, s9  }
0x276: {  	[hbm4b:s17+s22] =	stream.linear.scatter [tilespmem:s24], [sflag:$0x3], $0x80, $0x38;
	[tilespmem:$0xC480] =	vst v63  }
0x277: {  	s19 =	sadd.s32 $0x10, s17;
	s24 =	simm.s32 $0xAB88  }
0x278: {  	[hbm4b:s19+s22] =	stream.linear.scatter [tilespmem:s24], [sflag:$0x3], $0x80, $0x38;
	[tilespmem:$0xC480] =	vst v63  }
0x279: {  	s19 =	sadd.s32 $0x20, s17;
	s24 =	simm.s32 $0xAC10  }
0x27a: {  	[hbm4b:s19+s22] =	stream.linear.scatter [tilespmem:s24], [sflag:$0x3], $0x80, $0x38;
	[tilespmem:$0xC480] =	vst v63  }
0x27b: {  	s19 =	sadd.s32 $0x30, s17;
	s24 =	simm.s32 $0xAC98  }
0x27c: {  	[hbm4b:s19+s22] =	stream.linear.scatter [tilespmem:s24], [sflag:$0x3], $0x80, $0x38;
	[tilespmem:$0xC480] =	vst v63  }
0x27d: {  	s19 =	sadd.s32 $0x40, s17;
	s24 =	simm.s32 $0xAD20  }
0x27e: {  	[hbm4b:s19+s22] =	stream.linear.scatter [tilespmem:s24], [sflag:$0x3], $0x80, $0x38;
	[tilespmem:$0xC480] =	vst v63  }
0x27f: {  	s19 =	sadd.s32 $0x50, s17;
	s24 =	simm.s32 $0xADA8  }
0x280: {  	[hbm4b:s19+s22] =	stream.linear.scatter [tilespmem:s24], [sflag:$0x3], $0x80, $0x38;
	[tilespmem:$0xC480] =	vst v63  }
0x281: {  	s19 =	sadd.s32 $0x60, s17;
	s24 =	simm.s32 $0xAE30  }
0x282: {  	[hbm4b:s19+s22] =	stream.linear.scatter [tilespmem:s24], [sflag:$0x3], $0x80, $0x38;
	[tilespmem:$0xC480] =	vst v63  }
0x283: {  	s17 =	sadd.s32 $0x70, s17;
	s19 =	simm.s32 $0xAEB8  }
0x284: {  	[hbm4b:s17+s22] =	stream.linear.scatter [tilespmem:s19], [sflag:$0x3], $0x80, $0x38;
	[tilespmem:$0xC480] =	vst v63  }
0x285: {  	s24 =	simm.s32 $0xAF40;
	s17 =	sadd.s32 s23, s10  }
0x286: {  	[hbm4b:s17+s22] =	stream.linear.scatter [tilespmem:s24], [sflag:$0x3], $0x80, $0x38;
	[tilespmem:$0xC480] =	vst v63  }
0x287: {  	s19 =	sadd.s32 $0x10, s17;
	s24 =	simm.s32 $0xAFC8  }
0x288: {  	[hbm4b:s19+s22] =	stream.linear.scatter [tilespmem:s24], [sflag:$0x3], $0x80, $0x38;
	[tilespmem:$0xC480] =	vst v63  }
0x289: {  	s19 =	sadd.s32 $0x20, s17;
	s24 =	simm.s32 $0xB050  }
0x28a: {  	[hbm4b:s19+s22] =	stream.linear.scatter [tilespmem:s24], [sflag:$0x3], $0x80, $0x38;
	[tilespmem:$0xC480] =	vst v63  }
0x28b: {  	s19 =	sadd.s32 $0x30, s17;
	s24 =	simm.s32 $0xB0D8  }
0x28c: {  	[hbm4b:s19+s22] =	stream.linear.scatter [tilespmem:s24], [sflag:$0x3], $0x80, $0x38;
	[tilespmem:$0xC480] =	vst v63  }
0x28d: {  	s19 =	sadd.s32 $0x40, s17;
	s24 =	simm.s32 $0xB160  }
0x28e: {  	[hbm4b:s19+s22] =	stream.linear.scatter [tilespmem:s24], [sflag:$0x3], $0x80, $0x38;
	[tilespmem:$0xC480] =	vst v63  }
0x28f: {  	s19 =	sadd.s32 $0x50, s17;
	s24 =	simm.s32 $0xB1E8  }
0x290: {  	[hbm4b:s19+s22] =	stream.linear.scatter [tilespmem:s24], [sflag:$0x3], $0x80, $0x38;
	[tilespmem:$0xC480] =	vst v63  }
0x291: {  	s19 =	sadd.s32 $0x60, s17;
	s24 =	simm.s32 $0xB270  }
0x292: {  	[hbm4b:s19+s22] =	stream.linear.scatter [tilespmem:s24], [sflag:$0x3], $0x80, $0x38;
	[tilespmem:$0xC480] =	vst v63  }
0x293: {  	s17 =	sadd.s32 $0x70, s17;
	s19 =	simm.s32 $0xB2F8  }
0x294: {  	[hbm4b:s17+s22] =	stream.linear.scatter [tilespmem:s19], [sflag:$0x3], $0x80, $0x38;
	[tilespmem:$0xC480] =	vst v63  }
0x295: {  	s24 =	simm.s32 $0xB380;
	s17 =	sadd.s32 s23, s11  }
0x296: {  	[hbm4b:s17+s22] =	stream.linear.scatter [tilespmem:s24], [sflag:$0x3], $0x80, $0x38;
	[tilespmem:$0xC480] =	vst v63  }
0x297: {  	s19 =	sadd.s32 $0x10, s17;
	s24 =	simm.s32 $0xB408  }
0x298: {  	[hbm4b:s19+s22] =	stream.linear.scatter [tilespmem:s24], [sflag:$0x3], $0x80, $0x38;
	[tilespmem:$0xC480] =	vst v63  }
0x299: {  	s19 =	sadd.s32 $0x20, s17;
	s24 =	simm.s32 $0xB490  }
0x29a: {  	[hbm4b:s19+s22] =	stream.linear.scatter [tilespmem:s24], [sflag:$0x3], $0x80, $0x38;
	[tilespmem:$0xC480] =	vst v63  }
0x29b: {  	s19 =	sadd.s32 $0x30, s17;
	s24 =	simm.s32 $0xB518  }
0x29c: {  	[hbm4b:s19+s22] =	stream.linear.scatter [tilespmem:s24], [sflag:$0x3], $0x80, $0x38;
	[tilespmem:$0xC480] =	vst v63  }
0x29d: {  	s19 =	sadd.s32 $0x40, s17;
	s24 =	simm.s32 $0xB5A0  }
0x29e: {  	[hbm4b:s19+s22] =	stream.linear.scatter [tilespmem:s24], [sflag:$0x3], $0x80, $0x38;
	[tilespmem:$0xC480] =	vst v63  }
0x29f: {  	s19 =	sadd.s32 $0x50, s17;
	s24 =	simm.s32 $0xB628  }
0x2a0: {  	[hbm4b:s19+s22] =	stream.linear.scatter [tilespmem:s24], [sflag:$0x3], $0x80, $0x38;
	[tilespmem:$0xC480] =	vst v63  }
0x2a1: {  	s19 =	sadd.s32 $0x60, s17;
	s24 =	simm.s32 $0xB6B0  }
0x2a2: {  	[hbm4b:s19+s22] =	stream.linear.scatter [tilespmem:s24], [sflag:$0x3], $0x80, $0x38;
	[tilespmem:$0xC480] =	vst v63  }
0x2a3: {  	s17 =	sadd.s32 $0x70, s17;
	s19 =	simm.s32 $0xB738  }
0x2a4: {  	[hbm4b:s17+s22] =	stream.linear.scatter [tilespmem:s19], [sflag:$0x3], $0x80, $0x38;
	[tilespmem:$0xC480] =	vst v63  }
0x2a5: {  	s24 =	simm.s32 $0xB7C0;
	s17 =	sadd.s32 s23, s12  }
0x2a6: {  	[hbm4b:s17+s22] =	stream.linear.scatter [tilespmem:s24], [sflag:$0x3], $0x80, $0x38;
	[tilespmem:$0xC480] =	vst v63  }
0x2a7: {  	s19 =	sadd.s32 $0x10, s17;
	s24 =	simm.s32 $0xB848  }
0x2a8: {  	[hbm4b:s19+s22] =	stream.linear.scatter [tilespmem:s24], [sflag:$0x3], $0x80, $0x38;
	[tilespmem:$0xC480] =	vst v63  }
0x2a9: {  	s19 =	sadd.s32 $0x20, s17;
	s24 =	simm.s32 $0xB8D0  }
0x2aa: {  	[hbm4b:s19+s22] =	stream.linear.scatter [tilespmem:s24], [sflag:$0x3], $0x80, $0x38;
	[tilespmem:$0xC480] =	vst v63  }
0x2ab: {  	s19 =	sadd.s32 $0x30, s17;
	s24 =	simm.s32 $0xB958  }
0x2ac: {  	[hbm4b:s19+s22] =	stream.linear.scatter [tilespmem:s24], [sflag:$0x3], $0x80, $0x38;
	[tilespmem:$0xC480] =	vst v63  }
0x2ad: {  	s19 =	sadd.s32 $0x40, s17;
	s24 =	simm.s32 $0xB9E0  }
0x2ae: {  	[hbm4b:s19+s22] =	stream.linear.scatter [tilespmem:s24], [sflag:$0x3], $0x80, $0x38;
	[tilespmem:$0xC480] =	vst v63  }
0x2af: {  	s19 =	sadd.s32 $0x50, s17;
	s24 =	simm.s32 $0xBA68  }
0x2b0: {  	[hbm4b:s19+s22] =	stream.linear.scatter [tilespmem:s24], [sflag:$0x3], $0x80, $0x38;
	[tilespmem:$0xC480] =	vst v63  }
0x2b1: {  	s19 =	sadd.s32 $0x60, s17;
	s24 =	simm.s32 $0xBAF0  }
0x2b2: {  	[hbm4b:s19+s22] =	stream.linear.scatter [tilespmem:s24], [sflag:$0x3], $0x80, $0x38;
	[tilespmem:$0xC480] =	vst v63  }
0x2b3: {  	s17 =	sadd.s32 $0x70, s17;
	s19 =	simm.s32 $0xBB78  }
0x2b4: {  	[hbm4b:s17+s22] =	stream.linear.scatter [tilespmem:s19], [sflag:$0x3], $0x80, $0x38;
	[tilespmem:$0xC480] =	vst v63  }
0x2b5: {  	s24 =	simm.s32 $0xBC00;
	s17 =	sadd.s32 s23, s13  }
0x2b6: {  	[hbm4b:s17+s22] =	stream.linear.scatter [tilespmem:s24], [sflag:$0x3], $0x80, $0x38;
	[tilespmem:$0xC480] =	vst v63  }
0x2b7: {  	s19 =	sadd.s32 $0x10, s17;
	s24 =	simm.s32 $0xBC88  }
0x2b8: {  	[hbm4b:s19+s22] =	stream.linear.scatter [tilespmem:s24], [sflag:$0x3], $0x80, $0x38;
	[tilespmem:$0xC480] =	vst v63  }
0x2b9: {  	s19 =	sadd.s32 $0x20, s17;
	s24 =	simm.s32 $0xBD10  }
0x2ba: {  	[hbm4b:s19+s22] =	stream.linear.scatter [tilespmem:s24], [sflag:$0x3], $0x80, $0x38;
	[tilespmem:$0xC480] =	vst v63  }
0x2bb: {  	s19 =	sadd.s32 $0x30, s17;
	s24 =	simm.s32 $0xBD98  }
0x2bc: {  	[hbm4b:s19+s22] =	stream.linear.scatter [tilespmem:s24], [sflag:$0x3], $0x80, $0x38;
	[tilespmem:$0xC480] =	vst v63  }
0x2bd: {  	s19 =	sadd.s32 $0x40, s17;
	s24 =	simm.s32 $0xBE20  }
0x2be: {  	[hbm4b:s19+s22] =	stream.linear.scatter [tilespmem:s24], [sflag:$0x3], $0x80, $0x38;
	[tilespmem:$0xC480] =	vst v63  }
0x2bf: {  	s19 =	sadd.s32 $0x50, s17;
	s24 =	simm.s32 $0xBEA8  }
0x2c0: {  	[hbm4b:s19+s22] =	stream.linear.scatter [tilespmem:s24], [sflag:$0x3], $0x80, $0x38;
	[tilespmem:$0xC480] =	vst v63  }
0x2c1: {  	s19 =	sadd.s32 $0x60, s17;
	s24 =	simm.s32 $0xBF30  }
0x2c2: {  	[hbm4b:s19+s22] =	stream.linear.scatter [tilespmem:s24], [sflag:$0x3], $0x80, $0x38;
	[tilespmem:$0xC480] =	vst v63  }
0x2c3: {  	s17 =	sadd.s32 $0x70, s17;
	s24 =	simm.s32 $0xBFB8  }
0x2c4: {  	[hbm4b:s17+s22] =	stream.linear.scatter [tilespmem:s24], [sflag:$0x3], $0x80, $0x38;
	[tilespmem:$0xC480] =	vst v63  }
0x2c5: {  	s19 =	simm.s32 $0xC040;
	s17 =	sadd.s32 s23, s14  }
0x2c6: {  	[hbm4b:s17+s22] =	stream.linear.scatter [tilespmem:s19], [sflag:$0x3], $0x80, $0x38;
	[tilespmem:$0xC480] =	vst v63  }
0x2c7: {  	s24 =	simm.s32 $0xC0C8;
	s23 =	sadd.s32 $0x10, s17  }
0x2c8: {  	[hbm4b:s23+s22] =	stream.linear.scatter [tilespmem:s24], [sflag:$0x3], $0x80, $0x38;
	[tilespmem:$0xC480] =	vst v63  }
0x2c9: {  	s23 =	sadd.s32 $0x20, s17;
	s24 =	simm.s32 $0xC150  }
0x2ca: {  	[hbm4b:s23+s22] =	stream.linear.scatter [tilespmem:s24], [sflag:$0x3], $0x80, $0x38;
	[tilespmem:$0xC480] =	vst v63  }
0x2cb: {  	s23 =	sadd.s32 $0x30, s17;
	s24 =	simm.s32 $0xC1D8  }
0x2cc: {  	[hbm4b:s23+s22] =	stream.linear.scatter [tilespmem:s24], [sflag:$0x3], $0x80, $0x38;
	[tilespmem:$0xC480] =	vst v63  }
0x2cd: {  	s23 =	sadd.s32 $0x40, s17;
	s24 =	simm.s32 $0xC260  }
0x2ce: {  	[hbm4b:s23+s22] =	stream.linear.scatter [tilespmem:s24], [sflag:$0x3], $0x80, $0x38;
	[tilespmem:$0xC480] =	vst v63  }
0x2cf: {  	s23 =	sadd.s32 $0x50, s17;
	s24 =	simm.s32 $0xC2E8  }
0x2d0: {  	[hbm4b:s23+s22] =	stream.linear.scatter [tilespmem:s24], [sflag:$0x3], $0x80, $0x38;
	[tilespmem:$0xC480] =	vst v63  }
0x2d1: {  	s23 =	sadd.s32 $0x60, s17  }
0x2d2: {  	[hbm4b:s23+s22] =	stream.linear.scatter [tilespmem:s30], [sflag:$0x3], $0x80, $0x38;
	[tilespmem:$0xC480] =	vst v63  }
0x2d3: {  	s17 =	sadd.s32 $0x70, s17  }
0x2d4: {  	[hbm4b:s17+s22] =	stream.linear.scatter [tilespmem:s31], [sflag:$0x3], $0x80, $0x38;
	[tilespmem:$0xC480] =	vst v63  }
0x2d5: {  	_ =	swait.ge [sflag:s0], $0x400  }
0x2d6: {  	[sflag:s0] =	ssyncset.done $0x0  }
0x2d7: {  	[sflag:s0] =	ssyncadd.s32 $0xFFFFFC00  }
0x2d8: {  	_ =	swait.ge [sflag:s0], $0x400  }
0x2d9: {  	[sflag:s0] =	ssyncset.done $0x0  }
0x2da: {  	[sflag:s0] =	ssyncadd.s32 $0xFFFFFC00  }
0x2db: {  	_ =	swait.ge [sflag:s0], $0x400  }
0x2dc: {  	[sflag:s0] =	ssyncset.done $0x0  }
0x2dd: {  	[sflag:s0] =	ssyncadd.s32 $0xFFFFFC00  }
0x2de: {  	_ =	swait.ge [sflag:s0], $0x400  }
0x2df: {  	[sflag:s0] =	ssyncset.done $0x0  }
0x2e0: {  	[sflag:s0] =	ssyncadd.s32 $0xFFFFFC00  }
0x2e1: {  	_ =	swait.ge [sflag:s0], $0x400  }
0x2e2: {  	[sflag:s0] =	ssyncset.done $0x0  }
0x2e3: {  	[sflag:s0] =	ssyncadd.s32 $0xFFFFFC00  }
0x2e4: {  	_ =	swait.ge [sflag:s0], $0x400  }
0x2e5: {  	[sflag:s0] =	ssyncset.done $0x0  }
0x2e6: {  	[sflag:s0] =	ssyncadd.s32 $0xFFFFFC00  }
0x2e7: {  	_ =	swait.ge [sflag:s0], $0x400  }
0x2e8: {  	[sflag:s0] =	ssyncset.done $0x0  }
0x2e9: {  	[sflag:s0] =	ssyncadd.s32 $0xFFFFFC00  }
0x2ea: {  	_ =	swait.ge [sflag:s0], $0x400  }
0x2eb: {  	[sflag:s0] =	ssyncset.done $0x0  }
0x2ec: {  	[sflag:s0] =	ssyncadd.s32 $0xFFFFFC00  }
0x2ed: {  	s24 =	simm.s32 $0x3;
	_ =	swait.ge [sflag:s26], $0x2000  }
0x2ee: {  	v4 =	vmov s24;
	[sflag:s26] =	ssyncset.done $0x0  }
0x2ef: {  	s18 =	simm.s32 $0x1;
	s23 =	simm.s32 $0x6300;
	v5 =	vand.u32 $0x7F, v4;
	v4 =	vmov s22;
	[sflag:s26] =	ssyncadd.s32 $0xFFFFE000  }
0x2f0: {  	v8 =	vadd.s32 v0, v5;
	v6 =	vand.u32 $0x7C, v4;
	v4 =	vmov s18;
	v7 =	vld [tilespmem:s23+$0x40]  }
0x2f1: {  	v10 =	vadd.s32 v0, v6;
	v11 =	vand.u32 $0x7D, v4;
	v9 =	vld [tilespmem:s23+$0xFFFFFF80]  }
0x2f2: {  	s19 =	simm.s32 $0x2;
	v12 =	vadd.s32 v0, v11;
	v4 =	vld [tilespmem:s23+$0xFFFFFFC0]  }
0x2f3: {  	v13 =	vmov s19  }
0x2f4: {  	v13 =	vand.u32 $0x7E, v13  }
0x2f5: {  	v15 =	vadd.s32 v0, v13;
	v14 =	vld [tilespmem:s23+$0x0];
	[tilespmem:v8+s28+$0x0] =	vst.idx.msk $0xffff, v7  }
0x2f6: {  	v8 =	vadd.s32 v1, v5;
	[tilespmem:v10+s28+$0x0] =	vst.idx.msk $0xffff, v9;
	v7 =	vld [tilespmem:s23+$0x50]  }
0x2f7: {  	v10 =	vadd.s32 v1, v6;
	[tilespmem:v12+s28+$0x0] =	vst.idx.msk $0xffff, v4;
	v9 =	vld [tilespmem:s23+$0xFFFFFF90]  }
0x2f8: {  	v12 =	vadd.s32 v1, v11;
	v4 =	vld [tilespmem:s23+$0xFFFFFFD0];
	_ =	sdelay $0x1  }
0x2f9: {  	[tilespmem:v15+s28+$0x0] =	vst.idx.msk $0xffff, v14  }
0x2fa: {  	v16 =	vadd.s32 v1, v13;
	v15 =	vld [tilespmem:s23+$0x10];
	[tilespmem:v8+s28+$0x0] =	vst.idx.msk $0xffff, v7  }
0x2fb: {  	s22 =	simm.s32 $0x7;
	v14 =	vadd.s32 v2, v5;
	[tilespmem:v10+s28+$0x0] =	vst.idx.msk $0xffff, v9;
	v7 =	vld [tilespmem:s23+$0x60]  }
0x2fc: {  	v10 =	vadd.s32 v2, v6;
	v8 =	vmov s22;
	[tilespmem:v12+s28+$0x0] =	vst.idx.msk $0xffff, v4;
	v9 =	vld [tilespmem:s23+$0xFFFFFFA0]  }
0x2fd: {  	v17 =	vadd.s32 v2, v11;
	s22 =	simm.s32 $0x6400;
	v8 =	vand.u32 $0x7F, v8;
	v12 =	vld [tilespmem:s23+$0xFFFFFFE0]  }
0x2fe: {  	s24 =	simm.s32 $0x4;
	v18 =	vld [tilespmem:s22+$0x40];
	v19 =	vadd.s32 v0, v8  }
0x2ff: {  	s19 =	simm.s32 $0x5;
	v4 =	vmov s24;
	[tilespmem:v16+s28+$0x0] =	vst.idx.msk $0xffff, v15  }
0x300: {  	v62 =	vmov s19;
	v4 =	vand.u32 $0x7C, v4;
	[tilespmem:v14+s28+$0x0] =	vst.idx.msk $0xffff, v7  }
0x301: {  	s24 =	simm.s32 $0x6;
	v20 =	vld [tilespmem:s22+$0xFFFFFF80];
	v61 =	vadd.s32 v0, v4;
	v7 =	vand.u32 $0x7D, v62;
	[tilespmem:v10+s28+$0x0] =	vst.idx.msk $0xffff, v9  }
0x302: {  	v14 =	vmov s24;
	v9 =	vld [tilespmem:s22+$0xFFFFFFC0];
	[tilespmem:v17+s28+$0x0] =	vst.idx.msk $0xffff, v12;
	v10 =	vadd.s32 v0, v7  }
0x303: {  	v16 =	vadd.s32 v3, v5;
	v12 =	vld [tilespmem:s23+$0x20];
	v5 =	vand.u32 $0x7E, v14;
	[tilespmem:v19+s28+$0x0] =	vst.idx.msk $0xffff, v18;
	v18 =	vadd.s32 v2, v13  }
0x304: {  	v14 =	vld [tilespmem:s22+$0x0];
	v63 =	vadd.s32 v0, v5  }
0x305: {  	v15 =	vld [tilespmem:s23+$0x70]  }
0x306: {  	[tilespmem:v61+s28+$0x0] =	vst.idx.msk $0xffff, v20;
	v20 =	vadd.s32 v1, v8;
	v19 =	vld [tilespmem:s22+$0x50]  }
0x307: {  	v23 =	vadd.s32 v1, v4;
	v21 =	vld [tilespmem:s22+$0xFFFFFF90];
	[tilespmem:v10+s28+$0x0] =	vst.idx.msk $0xffff, v9  }
0x308: {  	v25 =	vadd.s32 v3, v11;
	v24 =	vld [tilespmem:s23+$0xFFFFFFF0];
	[tilespmem:v18+s28+$0x0] =	vst.idx.msk $0xffff, v12  }
0x309: {  	v18 =	vadd.s32 v1, v7;
	v17 =	vld [tilespmem:s22+$0xFFFFFFD0];
	[tilespmem:v63+s28+$0x0] =	vst.idx.msk $0xffff, v14  }
0x30a: {  	[tilespmem:v16+s28+$0x0] =	vst.idx.msk $0xffff, v15;
	v16 =	vadd.s32 v1, v5;
	v15 =	vld [tilespmem:s22+$0x10]  }
0x30b: {  	[tilespmem:v20+s28+$0x0] =	vst.idx.msk $0xffff, v19;
	v11 =	vld [tilespmem:s23+$0x30];
	v14 =	vadd.s32 v3, v13  }
0x30c: {  	v12 =	vadd.s32 v2, v8;
	[tilespmem:v23+s28+$0x0] =	vst.idx.msk $0xffff, v21;
	v9 =	vld [tilespmem:s22+$0x60]  }
0x30d: {  	s19 =	simm.s32 $0xB;
	s18 =	simm.s32 $0xC;
	s17 =	simm.s32 $0x8;
	[tilespmem:v25+s28+$0x0] =	vst.idx.msk $0xffff, v24;
	v13 =	vadd.s32 v2, v4;
	v10 =	vld [tilespmem:s22+$0xFFFFFFA0]  }
.LBB2_9:
0x30e: {  	p0 =	slt.u32 s18, $0x7C;
	v19 =	vmov s19;
	[tilespmem:v18+s28+$0x0] =	vst.idx.msk $0xffff, v17;
	v17 =	vld [tilespmem:s23+$0xFFFFFFB0];
	v18 =	vadd.s32 v3, v6;
	v6 =	vmov v4;
	s23 =	smov.u32 s22  }
0x30f: {  	v4 =	vmov s17;
	v21 =	vadd.s32 v2, v7;
	s22 =	sadd.s32 $0x100, s22;
	v19 =	vand.u32 $0x7F, v19;
	v20 =	vld [tilespmem:s23+$0xFFFFFFE0];
	[tilespmem:v16+s28+$0x0] =	vst.idx.msk $0xffff, v15  }
0x310: {  	s19 =	sadd.s32 $0x1, s17;
	v4 =	vand.u32 $0x7C, v4;
	v15 =	vld [tilespmem:s22+$0x40];
	v16 =	vadd.s32 v0, v19;
	[tilespmem:v14+s28+$0x0] =	vst.idx.msk $0xffff, v11  }
0x311: {  	v22 =	vmov s19;
	s19 =	sadd.s32 $0x2, s17;
	s17 =	smov.u32 s18;
	v14 =	vadd.s32 v0, v4;
	v11 =	vld [tilespmem:s22+$0xFFFFFF80];
	[tilespmem:v12+s28+$0x0] =	vst.idx.msk $0xffff, v9  }
0x312: {  	v9 =	vand.u32 $0x7D, v22;
	v12 =	vmov s19;
	[tilespmem:v13+s28+$0x0] =	vst.idx.msk $0xffff, v10;
	v10 =	vld [tilespmem:s23+$0x70];
	v13 =	vadd.s32 v3, v8;
	v8 =	vmovc v19  }
0x313: {  	v22 =	vadd.s32 v0, v9;
	v12 =	vand.u32 $0x7E, v12;
	v19 =	vld [tilespmem:s22+$0xFFFFFFC0];
	[tilespmem:v18+s28+$0x0] =	vst.idx.msk $0xffff, v17  }
0x314: {  	v24 =	vadd.s32 v0, v12;
	v23 =	vld [tilespmem:s22+$0x0];
	[tilespmem:v21+s28+$0x0] =	vst.idx.msk $0xffff, v20  }
0x315: {  	v21 =	vadd.s32 v2, v5;
	[tilespmem:v16+s28+$0x0] =	vst.idx.msk $0xffff, v15;
	v20 =	vld [tilespmem:s23+$0x20]  }
0x316: {  	[tilespmem:v14+s28+$0x0] =	vst.idx.msk $0xffff, v11;
	v11 =	vld [tilespmem:s22+$0x50];
	v14 =	vadd.s32 v1, v8  }
0x317: {  	v26 =	vadd.s32 v1, v4;
	v25 =	vld [tilespmem:s22+$0xFFFFFF90];
	[tilespmem:v13+s28+$0x0] =	vst.idx.msk $0xffff, v10  }
0x318: {  	[tilespmem:v22+s28+$0x0] =	vst.idx.msk $0xffff, v19;
	v19 =	vld [tilespmem:s23+$0xFFFFFFF0];
	v22 =	vadd.s32 v3, v7;
	v7 =	vmov v9  }
.Ltmp3:
0x319: {  	v17 =	vld [tilespmem:s22+$0xFFFFFFD0];
	v18 =	vadd.s32 v1, v7;
	[tilespmem:v24+s28+$0x0] =	vst.idx.msk $0xffff, v23;
	(pc) =	sbr.rel @p0 .LBB2_9-.Ltmp3, $4  }
0x31a: {  	v16 =	vadd.s32 v1, v12;
	v15 =	vld [tilespmem:s22+$0x10];
	[tilespmem:v21+s28+$0x0] =	vst.idx.msk $0xffff, v20  }
0x31b: {  	[tilespmem:v14+s28+$0x0] =	vst.idx.msk $0xffff, v11;
	v11 =	vld [tilespmem:s23+$0x30];
	v14 =	vadd.s32 v3, v5;
	v5 =	vmov v12  }
0x31c: {  	v12 =	vadd.s32 v2, v8;
	[tilespmem:v26+s28+$0x0] =	vst.idx.msk $0xffff, v25;
	v9 =	vld [tilespmem:s22+$0x60]  }
0x31d: {  	s18 =	sadd.s32 $0x4, s18;
	s19 =	sadd.s32 $0x3, s17;
	v13 =	vadd.s32 v2, v4;
	v10 =	vld [tilespmem:s22+$0xFFFFFFA0];
	[tilespmem:v22+s28+$0x0] =	vst.idx.msk $0xffff, v19  }
0x31e: {  	_ =	sdelay $0x2  }
0x31f: {  	v19 =	vmov s19;
	s24 =	sadd.s32 $0x1, s17  }
0x320: {  	[tilespmem:v18+s28+$0x0] =	vst.idx.msk $0xffff, v17;
	v17 =	vld [tilespmem:s23+$0xFFFFFFB0];
	v6 =	vadd.s32 v3, v6;
	s18 =	sadd.s32 $0x100, s22;
	v18 =	vand.u32 $0x7F, v19;
	v19 =	vmov s24;
	s24 =	sadd.s32 $0x2, s17  }
0x321: {  	[tilespmem:v16+s28+$0x0] =	vst.idx.msk $0xffff, v15;
	v15 =	vld [tilespmem:s18+$0x40];
	v16 =	vadd.s32 v0, v18;
	v19 =	vand.u32 $0x7D, v19;
	v20 =	vmov s24  }
0x322: {  	v21 =	vmov s17;
	[tilespmem:v14+s28+$0x0] =	vst.idx.msk $0xffff, v11;
	v11 =	vld [tilespmem:s18+$0xFFFFFFC0];
	v14 =	vadd.s32 v0, v19;
	v20 =	vand.u32 $0x7E, v20  }
0x323: {  	v21 =	vand.u32 $0x7C, v21;
	[tilespmem:v12+s28+$0x0] =	vst.idx.msk $0xffff, v9;
	v9 =	vld [tilespmem:s18+$0x0];
	v12 =	vadd.s32 v0, v20  }
0x324: {  	v22 =	vld [tilespmem:s18+$0xFFFFFF80];
	[tilespmem:v13+s28+$0x0] =	vst.idx.msk $0xffff, v10;
	v10 =	vadd.s32 v0, v21  }
0x325: {  	v13 =	vld [tilespmem:s22+$0xFFFFFFE0];
	[tilespmem:v6+s28+$0x0] =	vst.idx.msk $0xffff, v17;
	v6 =	vadd.s32 v2, v7  }
0x326: {  	v8 =	vadd.s32 v3, v8;
	v17 =	vld [tilespmem:s22+$0x70];
	[tilespmem:v16+s28+$0x0] =	vst.idx.msk $0xffff, v15  }
0x327: {  	v16 =	vadd.s32 v1, v18;
	v15 =	vld [tilespmem:s18+$0x50];
	[tilespmem:v14+s28+$0x0] =	vst.idx.msk $0xffff, v11  }
0x328: {  	v14 =	vadd.s32 v1, v19;
	v11 =	vld [tilespmem:s18+$0xFFFFFFD0];
	[tilespmem:v12+s28+$0x0] =	vst.idx.msk $0xffff, v9  }
0x329: {  	[tilespmem:v10+s28+$0x0] =	vst.idx.msk $0xffff, v22;
	v10 =	vadd.s32 v1, v20;
	v9 =	vld [tilespmem:s18+$0x10]  }
0x32a: {  	v12 =	vadd.s32 v1, v21;
	[tilespmem:v6+s28+$0x0] =	vst.idx.msk $0xffff, v13;
	v6 =	vld [tilespmem:s18+$0xFFFFFF90]  }
0x32b: {  	v60 =	vadd.s32 v2, v5;
	v13 =	vld [tilespmem:s22+$0x20];
	[tilespmem:v8+s28+$0x0] =	vst.idx.msk $0xffff, v17  }
0x32c: {  	v7 =	vadd.s32 v3, v7;
	v8 =	vld [tilespmem:s22+$0xFFFFFFF0];
	[tilespmem:v16+s28+$0x0] =	vst.idx.msk $0xffff, v15  }
0x32d: {  	v16 =	vadd.s32 v2, v18;
	v15 =	vld [tilespmem:s18+$0x60];
	[tilespmem:v14+s28+$0x0] =	vst.idx.msk $0xffff, v11  }
0x32e: {  	v14 =	vadd.s32 v2, v19;
	v11 =	vld [tilespmem:s18+$0xFFFFFFE0];
	[tilespmem:v10+s28+$0x0] =	vst.idx.msk $0xffff, v9  }
0x32f: {  	[tilespmem:v12+s28+$0x0] =	vst.idx.msk $0xffff, v6;
	v9 =	vadd.s32 v2, v20;
	v6 =	vld [tilespmem:s18+$0x20]  }
0x330: {  	[tilespmem:v60+s28+$0x0] =	vst.idx.msk $0xffff, v13;
	v12 =	vadd.s32 v2, v21;
	v10 =	vld [tilespmem:s18+$0xFFFFFFA0]  }
0x331: {  	v5 =	vadd.s32 v3, v5;
	v13 =	vld [tilespmem:s22+$0x30];
	[tilespmem:v7+s28+$0x0] =	vst.idx.msk $0xffff, v8  }
0x332: {  	v4 =	vadd.s32 v3, v4;
	v7 =	vld [tilespmem:s22+$0xFFFFFFB0];
	[tilespmem:v16+s28+$0x0] =	vst.idx.msk $0xffff, v15  }
0x333: {  	v15 =	vadd.s32 v3, v18;
	v8 =	vld [tilespmem:s18+$0x70];
	[tilespmem:v14+s28+$0x0] =	vst.idx.msk $0xffff, v11  }
0x334: {  	v14 =	vadd.s32 v3, v19;
	v11 =	vld [tilespmem:s18+$0xFFFFFFF0];
	[tilespmem:v9+s28+$0x0] =	vst.idx.msk $0xffff, v6  }
0x335: {  	[tilespmem:v12+s28+$0x0] =	vst.idx.msk $0xffff, v10;
	v9 =	vadd.s32 v3, v20;
	v6 =	vld [tilespmem:s18+$0x30]  }
0x336: {  	[tilespmem:v5+s28+$0x0] =	vst.idx.msk $0xffff, v13;
	v10 =	vadd.s32 v3, v21;
	v5 =	vld [tilespmem:s18+$0xFFFFFFB0]  }
0x337: {  	[tilespmem:v4+s28+$0x0] =	vst.idx.msk $0xffff, v7  }
0x338: {  	s23 =	sshll.u32 s21, $0x12;
	[tilespmem:v15+s28+$0x0] =	vst.idx.msk $0xffff, v8  }
0x339: {  	s17 =	sor.u32 s7, s23;
	[tilespmem:v14+s28+$0x0] =	vst.idx.msk $0xffff, v11  }
0x33a: {  	s22 =	sshrl.u32 s17, $0x3;
	[tilespmem:v9+s28+$0x0] =	vst.idx.msk $0xffff, v6  }
0x33b: {  	s21 =	simm.s32 $0x0;
	s17 =	sadd.s32 s25, s22;
	[tilespmem:v10+s28+$0x0] =	vst.idx.msk $0xffff, v5  }
0x33c: {  	[hbm4b:s17+s21] =	stream.linear.scatter [tilespmem:s28], [sflag:$0x3], $0x80, $0x38;
	[tilespmem:$0xC480] =	vst v63  }
0x33d: {  	s24 =	sadd.s32 $0x10, s17  }
0x33e: {  	[hbm4b:s24+s21] =	stream.linear.scatter [tilespmem:s1], [sflag:$0x3], $0x80, $0x38;
	[tilespmem:$0xC480] =	vst v63  }
0x33f: {  	s19 =	sadd.s32 $0x20, s17  }
0x340: {  	[hbm4b:s19+s21] =	stream.linear.scatter [tilespmem:s29], [sflag:$0x3], $0x80, $0x38;
	[tilespmem:$0xC480] =	vst v63  }
0x341: {  	s24 =	sadd.s32 $0x30, s17;
	s29 =	simm.s32 $0xA418  }
0x342: {  	[hbm4b:s24+s21] =	stream.linear.scatter [tilespmem:s29], [sflag:$0x3], $0x80, $0x38;
	[tilespmem:$0xC480] =	vst v63  }
0x343: {  	s24 =	sadd.s32 $0x40, s17;
	s29 =	simm.s32 $0xA4A0  }
0x344: {  	[hbm4b:s24+s21] =	stream.linear.scatter [tilespmem:s29], [sflag:$0x3], $0x80, $0x38;
	[tilespmem:$0xC480] =	vst v63  }
0x345: {  	s24 =	sadd.s32 $0x50, s17;
	s29 =	simm.s32 $0xA528  }
0x346: {  	[hbm4b:s24+s21] =	stream.linear.scatter [tilespmem:s29], [sflag:$0x3], $0x80, $0x38;
	[tilespmem:$0xC480] =	vst v63  }
0x347: {  	s19 =	sadd.s32 $0x60, s17;
	s24 =	simm.s32 $0xA5B0  }
0x348: {  	[hbm4b:s19+s21] =	stream.linear.scatter [tilespmem:s24], [sflag:$0x3], $0x80, $0x38;
	[tilespmem:$0xC480] =	vst v63  }
0x349: {  	s17 =	sadd.s32 $0x70, s17;
	s29 =	simm.s32 $0xA638  }
0x34a: {  	[hbm4b:s17+s21] =	stream.linear.scatter [tilespmem:s29], [sflag:$0x3], $0x80, $0x38;
	[tilespmem:$0xC480] =	vst v63  }
0x34b: {  	s19 =	simm.s32 $0xA6C0;
	s17 =	sadd.s32 s22, s8  }
0x34c: {  	[hbm4b:s17+s21] =	stream.linear.scatter [tilespmem:s19], [sflag:$0x3], $0x80, $0x38;
	[tilespmem:$0xC480] =	vst v63  }
0x34d: {  	s29 =	simm.s32 $0xA748;
	s24 =	sadd.s32 $0x10, s17  }
0x34e: {  	[hbm4b:s24+s21] =	stream.linear.scatter [tilespmem:s29], [sflag:$0x3], $0x80, $0x38;
	[tilespmem:$0xC480] =	vst v63  }
0x34f: {  	s24 =	sadd.s32 $0x20, s17;
	s29 =	simm.s32 $0xA7D0  }
0x350: {  	[hbm4b:s24+s21] =	stream.linear.scatter [tilespmem:s29], [sflag:$0x3], $0x80, $0x38;
	[tilespmem:$0xC480] =	vst v63  }
0x351: {  	s24 =	sadd.s32 $0x30, s17;
	s29 =	simm.s32 $0xA858  }
0x352: {  	[hbm4b:s24+s21] =	stream.linear.scatter [tilespmem:s29], [sflag:$0x3], $0x80, $0x38;
	[tilespmem:$0xC480] =	vst v63  }
0x353: {  	s24 =	sadd.s32 $0x40, s17;
	s29 =	simm.s32 $0xA8E0  }
0x354: {  	[hbm4b:s24+s21] =	stream.linear.scatter [tilespmem:s29], [sflag:$0x3], $0x80, $0x38;
	[tilespmem:$0xC480] =	vst v63  }
0x355: {  	s24 =	sadd.s32 $0x50, s17;
	s29 =	simm.s32 $0xA968  }
0x356: {  	[hbm4b:s24+s21] =	stream.linear.scatter [tilespmem:s29], [sflag:$0x3], $0x80, $0x38;
	[tilespmem:$0xC480] =	vst v63  }
0x357: {  	s19 =	sadd.s32 $0x60, s17;
	s24 =	simm.s32 $0xA9F0  }
0x358: {  	[hbm4b:s19+s21] =	stream.linear.scatter [tilespmem:s24], [sflag:$0x3], $0x80, $0x38;
	[tilespmem:$0xC480] =	vst v63  }
0x359: {  	s17 =	sadd.s32 $0x70, s17;
	s29 =	simm.s32 $0xAA78  }
0x35a: {  	[hbm4b:s17+s21] =	stream.linear.scatter [tilespmem:s29], [sflag:$0x3], $0x80, $0x38;
	[tilespmem:$0xC480] =	vst v63  }
0x35b: {  	s19 =	simm.s32 $0xAB00;
	s17 =	sadd.s32 s22, s9  }
0x35c: {  	[hbm4b:s17+s21] =	stream.linear.scatter [tilespmem:s19], [sflag:$0x3], $0x80, $0x38;
	[tilespmem:$0xC480] =	vst v63  }
0x35d: {  	s29 =	simm.s32 $0xAB88;
	s24 =	sadd.s32 $0x10, s17  }
0x35e: {  	[hbm4b:s24+s21] =	stream.linear.scatter [tilespmem:s29], [sflag:$0x3], $0x80, $0x38;
	[tilespmem:$0xC480] =	vst v63  }
0x35f: {  	s24 =	sadd.s32 $0x20, s17;
	s29 =	simm.s32 $0xAC10  }
0x360: {  	[hbm4b:s24+s21] =	stream.linear.scatter [tilespmem:s29], [sflag:$0x3], $0x80, $0x38;
	[tilespmem:$0xC480] =	vst v63  }
0x361: {  	s24 =	sadd.s32 $0x30, s17;
	s29 =	simm.s32 $0xAC98  }
0x362: {  	[hbm4b:s24+s21] =	stream.linear.scatter [tilespmem:s29], [sflag:$0x3], $0x80, $0x38;
	[tilespmem:$0xC480] =	vst v63  }
0x363: {  	s24 =	sadd.s32 $0x40, s17;
	s29 =	simm.s32 $0xAD20  }
0x364: {  	[hbm4b:s24+s21] =	stream.linear.scatter [tilespmem:s29], [sflag:$0x3], $0x80, $0x38;
	[tilespmem:$0xC480] =	vst v63  }
0x365: {  	s24 =	sadd.s32 $0x50, s17;
	s29 =	simm.s32 $0xADA8  }
0x366: {  	[hbm4b:s24+s21] =	stream.linear.scatter [tilespmem:s29], [sflag:$0x3], $0x80, $0x38;
	[tilespmem:$0xC480] =	vst v63  }
0x367: {  	s19 =	sadd.s32 $0x60, s17;
	s24 =	simm.s32 $0xAE30  }
0x368: {  	[hbm4b:s19+s21] =	stream.linear.scatter [tilespmem:s24], [sflag:$0x3], $0x80, $0x38;
	[tilespmem:$0xC480] =	vst v63  }
0x369: {  	s17 =	sadd.s32 $0x70, s17;
	s29 =	simm.s32 $0xAEB8  }
0x36a: {  	[hbm4b:s17+s21] =	stream.linear.scatter [tilespmem:s29], [sflag:$0x3], $0x80, $0x38;
	[tilespmem:$0xC480] =	vst v63  }
0x36b: {  	s19 =	simm.s32 $0xAF40;
	s17 =	sadd.s32 s22, s10  }
0x36c: {  	[hbm4b:s17+s21] =	stream.linear.scatter [tilespmem:s19], [sflag:$0x3], $0x80, $0x38;
	[tilespmem:$0xC480] =	vst v63  }
0x36d: {  	s29 =	simm.s32 $0xAFC8;
	s24 =	sadd.s32 $0x10, s17  }
0x36e: {  	[hbm4b:s24+s21] =	stream.linear.scatter [tilespmem:s29], [sflag:$0x3], $0x80, $0x38;
	[tilespmem:$0xC480] =	vst v63  }
0x36f: {  	s24 =	sadd.s32 $0x20, s17;
	s29 =	simm.s32 $0xB050  }
0x370: {  	[hbm4b:s24+s21] =	stream.linear.scatter [tilespmem:s29], [sflag:$0x3], $0x80, $0x38;
	[tilespmem:$0xC480] =	vst v63  }
0x371: {  	s24 =	sadd.s32 $0x30, s17;
	s29 =	simm.s32 $0xB0D8  }
0x372: {  	[hbm4b:s24+s21] =	stream.linear.scatter [tilespmem:s29], [sflag:$0x3], $0x80, $0x38;
	[tilespmem:$0xC480] =	vst v63  }
0x373: {  	s24 =	sadd.s32 $0x40, s17;
	s29 =	simm.s32 $0xB160  }
0x374: {  	[hbm4b:s24+s21] =	stream.linear.scatter [tilespmem:s29], [sflag:$0x3], $0x80, $0x38;
	[tilespmem:$0xC480] =	vst v63  }
0x375: {  	s24 =	sadd.s32 $0x50, s17;
	s29 =	simm.s32 $0xB1E8  }
0x376: {  	[hbm4b:s24+s21] =	stream.linear.scatter [tilespmem:s29], [sflag:$0x3], $0x80, $0x38;
	[tilespmem:$0xC480] =	vst v63  }
0x377: {  	s19 =	sadd.s32 $0x60, s17;
	s24 =	simm.s32 $0xB270  }
0x378: {  	[hbm4b:s19+s21] =	stream.linear.scatter [tilespmem:s24], [sflag:$0x3], $0x80, $0x38;
	[tilespmem:$0xC480] =	vst v63  }
0x379: {  	s17 =	sadd.s32 $0x70, s17;
	s29 =	simm.s32 $0xB2F8  }
0x37a: {  	[hbm4b:s17+s21] =	stream.linear.scatter [tilespmem:s29], [sflag:$0x3], $0x80, $0x38;
	[tilespmem:$0xC480] =	vst v63  }
0x37b: {  	s19 =	simm.s32 $0xB380;
	s17 =	sadd.s32 s22, s11  }
0x37c: {  	[hbm4b:s17+s21] =	stream.linear.scatter [tilespmem:s19], [sflag:$0x3], $0x80, $0x38;
	[tilespmem:$0xC480] =	vst v63  }
0x37d: {  	s29 =	simm.s32 $0xB408;
	s24 =	sadd.s32 $0x10, s17  }
0x37e: {  	[hbm4b:s24+s21] =	stream.linear.scatter [tilespmem:s29], [sflag:$0x3], $0x80, $0x38;
	[tilespmem:$0xC480] =	vst v63  }
0x37f: {  	s24 =	sadd.s32 $0x20, s17;
	s29 =	simm.s32 $0xB490  }
0x380: {  	[hbm4b:s24+s21] =	stream.linear.scatter [tilespmem:s29], [sflag:$0x3], $0x80, $0x38;
	[tilespmem:$0xC480] =	vst v63  }
0x381: {  	s24 =	sadd.s32 $0x30, s17;
	s29 =	simm.s32 $0xB518  }
0x382: {  	[hbm4b:s24+s21] =	stream.linear.scatter [tilespmem:s29], [sflag:$0x3], $0x80, $0x38;
	[tilespmem:$0xC480] =	vst v63  }
0x383: {  	s24 =	sadd.s32 $0x40, s17;
	s29 =	simm.s32 $0xB5A0  }
0x384: {  	[hbm4b:s24+s21] =	stream.linear.scatter [tilespmem:s29], [sflag:$0x3], $0x80, $0x38;
	[tilespmem:$0xC480] =	vst v63  }
0x385: {  	s24 =	sadd.s32 $0x50, s17;
	s29 =	simm.s32 $0xB628  }
0x386: {  	[hbm4b:s24+s21] =	stream.linear.scatter [tilespmem:s29], [sflag:$0x3], $0x80, $0x38;
	[tilespmem:$0xC480] =	vst v63  }
0x387: {  	s19 =	sadd.s32 $0x60, s17;
	s24 =	simm.s32 $0xB6B0  }
0x388: {  	[hbm4b:s19+s21] =	stream.linear.scatter [tilespmem:s24], [sflag:$0x3], $0x80, $0x38;
	[tilespmem:$0xC480] =	vst v63  }
0x389: {  	s17 =	sadd.s32 $0x70, s17;
	s29 =	simm.s32 $0xB738  }
0x38a: {  	[hbm4b:s17+s21] =	stream.linear.scatter [tilespmem:s29], [sflag:$0x3], $0x80, $0x38;
	[tilespmem:$0xC480] =	vst v63  }
0x38b: {  	s19 =	simm.s32 $0xB7C0;
	s17 =	sadd.s32 s22, s12  }
0x38c: {  	[hbm4b:s17+s21] =	stream.linear.scatter [tilespmem:s19], [sflag:$0x3], $0x80, $0x38;
	[tilespmem:$0xC480] =	vst v63  }
0x38d: {  	s29 =	simm.s32 $0xB848;
	s24 =	sadd.s32 $0x10, s17  }
0x38e: {  	[hbm4b:s24+s21] =	stream.linear.scatter [tilespmem:s29], [sflag:$0x3], $0x80, $0x38;
	[tilespmem:$0xC480] =	vst v63  }
0x38f: {  	s24 =	sadd.s32 $0x20, s17;
	s29 =	simm.s32 $0xB8D0  }
0x390: {  	[hbm4b:s24+s21] =	stream.linear.scatter [tilespmem:s29], [sflag:$0x3], $0x80, $0x38;
	[tilespmem:$0xC480] =	vst v63  }
0x391: {  	s24 =	sadd.s32 $0x30, s17;
	s29 =	simm.s32 $0xB958  }
0x392: {  	[hbm4b:s24+s21] =	stream.linear.scatter [tilespmem:s29], [sflag:$0x3], $0x80, $0x38;
	[tilespmem:$0xC480] =	vst v63  }
0x393: {  	s24 =	sadd.s32 $0x40, s17;
	s29 =	simm.s32 $0xB9E0  }
0x394: {  	[hbm4b:s24+s21] =	stream.linear.scatter [tilespmem:s29], [sflag:$0x3], $0x80, $0x38;
	[tilespmem:$0xC480] =	vst v63  }
0x395: {  	s24 =	sadd.s32 $0x50, s17;
	s29 =	simm.s32 $0xBA68  }
0x396: {  	[hbm4b:s24+s21] =	stream.linear.scatter [tilespmem:s29], [sflag:$0x3], $0x80, $0x38;
	[tilespmem:$0xC480] =	vst v63  }
0x397: {  	s19 =	sadd.s32 $0x60, s17;
	s24 =	simm.s32 $0xBAF0  }
0x398: {  	[hbm4b:s19+s21] =	stream.linear.scatter [tilespmem:s24], [sflag:$0x3], $0x80, $0x38;
	[tilespmem:$0xC480] =	vst v63  }
0x399: {  	s17 =	sadd.s32 $0x70, s17;
	s29 =	simm.s32 $0xBB78  }
0x39a: {  	[hbm4b:s17+s21] =	stream.linear.scatter [tilespmem:s29], [sflag:$0x3], $0x80, $0x38;
	[tilespmem:$0xC480] =	vst v63  }
0x39b: {  	s19 =	simm.s32 $0xBC00;
	s17 =	sadd.s32 s22, s13  }
0x39c: {  	[hbm4b:s17+s21] =	stream.linear.scatter [tilespmem:s19], [sflag:$0x3], $0x80, $0x38;
	[tilespmem:$0xC480] =	vst v63  }
0x39d: {  	s29 =	simm.s32 $0xBC88;
	s24 =	sadd.s32 $0x10, s17  }
0x39e: {  	[hbm4b:s24+s21] =	stream.linear.scatter [tilespmem:s29], [sflag:$0x3], $0x80, $0x38;
	[tilespmem:$0xC480] =	vst v63  }
0x39f: {  	s24 =	sadd.s32 $0x20, s17;
	s29 =	simm.s32 $0xBD10  }
0x3a0: {  	[hbm4b:s24+s21] =	stream.linear.scatter [tilespmem:s29], [sflag:$0x3], $0x80, $0x38;
	[tilespmem:$0xC480] =	vst v63  }
0x3a1: {  	s24 =	sadd.s32 $0x30, s17;
	s29 =	simm.s32 $0xBD98  }
0x3a2: {  	[hbm4b:s24+s21] =	stream.linear.scatter [tilespmem:s29], [sflag:$0x3], $0x80, $0x38;
	[tilespmem:$0xC480] =	vst v63  }
0x3a3: {  	s24 =	sadd.s32 $0x40, s17;
	s29 =	simm.s32 $0xBE20  }
0x3a4: {  	[hbm4b:s24+s21] =	stream.linear.scatter [tilespmem:s29], [sflag:$0x3], $0x80, $0x38;
	[tilespmem:$0xC480] =	vst v63  }
0x3a5: {  	s24 =	sadd.s32 $0x50, s17;
	s29 =	simm.s32 $0xBEA8  }
0x3a6: {  	[hbm4b:s24+s21] =	stream.linear.scatter [tilespmem:s29], [sflag:$0x3], $0x80, $0x38;
	[tilespmem:$0xC480] =	vst v63  }
0x3a7: {  	s24 =	sadd.s32 $0x60, s17;
	s29 =	simm.s32 $0xBF30  }
0x3a8: {  	[hbm4b:s24+s21] =	stream.linear.scatter [tilespmem:s29], [sflag:$0x3], $0x80, $0x38;
	[tilespmem:$0xC480] =	vst v63  }
0x3a9: {  	s19 =	simm.s32 $0xBFB8;
	s17 =	sadd.s32 $0x70, s17  }
0x3aa: {  	[hbm4b:s17+s21] =	stream.linear.scatter [tilespmem:s19], [sflag:$0x3], $0x80, $0x38;
	[tilespmem:$0xC480] =	vst v63  }
0x3ab: {  	s17 =	sadd.s32 s22, s14;
	s22 =	simm.s32 $0xC040  }
0x3ac: {  	[hbm4b:s17+s21] =	stream.linear.scatter [tilespmem:s22], [sflag:$0x3], $0x80, $0x38;
	[tilespmem:$0xC480] =	vst v63  }
0x3ad: {  	s29 =	simm.s32 $0xC0C8;
	s24 =	sadd.s32 $0x10, s17  }
0x3ae: {  	[hbm4b:s24+s21] =	stream.linear.scatter [tilespmem:s29], [sflag:$0x3], $0x80, $0x38;
	[tilespmem:$0xC480] =	vst v63  }
0x3af: {  	s19 =	sadd.s32 $0x20, s17;
	s22 =	simm.s32 $0xC150  }
0x3b0: {  	[hbm4b:s19+s21] =	stream.linear.scatter [tilespmem:s22], [sflag:$0x3], $0x80, $0x38;
	[tilespmem:$0xC480] =	vst v63  }
0x3b1: {  	s24 =	sadd.s32 $0x30, s17;
	s29 =	simm.s32 $0xC1D8  }
0x3b2: {  	[hbm4b:s24+s21] =	stream.linear.scatter [tilespmem:s29], [sflag:$0x3], $0x80, $0x38;
	[tilespmem:$0xC480] =	vst v63  }
0x3b3: {  	s19 =	sadd.s32 $0x40, s17;
	s22 =	simm.s32 $0xC260  }
0x3b4: {  	[hbm4b:s19+s21] =	stream.linear.scatter [tilespmem:s22], [sflag:$0x3], $0x80, $0x38;
	[tilespmem:$0xC480] =	vst v63  }
0x3b5: {  	s24 =	sadd.s32 $0x50, s17;
	s29 =	simm.s32 $0xC2E8  }
0x3b6: {  	[hbm4b:s24+s21] =	stream.linear.scatter [tilespmem:s29], [sflag:$0x3], $0x80, $0x38;
	[tilespmem:$0xC480] =	vst v63  }
0x3b7: {  	s22 =	sadd.s32 $0x60, s17  }
0x3b8: {  	[hbm4b:s22+s21] =	stream.linear.scatter [tilespmem:s30], [sflag:$0x3], $0x80, $0x38;
	[tilespmem:$0xC480] =	vst v63  }
0x3b9: {  	s17 =	sadd.s32 $0x70, s17  }
0x3ba: {  	[hbm4b:s17+s21] =	stream.linear.scatter [tilespmem:s31], [sflag:$0x3], $0x80, $0x38;
	[tilespmem:$0xC480] =	vst v63  }
0x3bb: {  	_ =	swait.ge [sflag:s0], $0x400  }
0x3bc: {  	[sflag:s0] =	ssyncset.done $0x0  }
0x3bd: {  	[sflag:s0] =	ssyncadd.s32 $0xFFFFFC00  }
0x3be: {  	_ =	swait.ge [sflag:s0], $0x400  }
0x3bf: {  	[sflag:s0] =	ssyncset.done $0x0  }
0x3c0: {  	[sflag:s0] =	ssyncadd.s32 $0xFFFFFC00  }
0x3c1: {  	_ =	swait.ge [sflag:s0], $0x400  }
0x3c2: {  	[sflag:s0] =	ssyncset.done $0x0  }
0x3c3: {  	[sflag:s0] =	ssyncadd.s32 $0xFFFFFC00  }
0x3c4: {  	_ =	swait.ge [sflag:s0], $0x400  }
0x3c5: {  	[sflag:s0] =	ssyncset.done $0x0  }
0x3c6: {  	[sflag:s0] =	ssyncadd.s32 $0xFFFFFC00  }
0x3c7: {  	_ =	swait.ge [sflag:s0], $0x400  }
0x3c8: {  	[sflag:s0] =	ssyncset.done $0x0  }
0x3c9: {  	[sflag:s0] =	ssyncadd.s32 $0xFFFFFC00  }
0x3ca: {  	_ =	swait.ge [sflag:s0], $0x400  }
0x3cb: {  	[sflag:s0] =	ssyncset.done $0x0  }
0x3cc: {  	[sflag:s0] =	ssyncadd.s32 $0xFFFFFC00  }
0x3cd: {  	_ =	swait.ge [sflag:s0], $0x400  }
0x3ce: {  	[sflag:s0] =	ssyncset.done $0x0  }
0x3cf: {  	[sflag:s0] =	ssyncadd.s32 $0xFFFFFC00  }
0x3d0: {  	_ =	swait.ge [sflag:s0], $0x400  }
0x3d1: {  	[sflag:s0] =	ssyncset.done $0x0  }
0x3d2: {  	[sflag:s0] =	ssyncadd.s32 $0xFFFFFC00  }
0x3d3: {  	s24 =	simm.s32 $0x3;
	_ =	swait.ge [sflag:s26], $0x2000  }
0x3d4: {  	v4 =	vmov s24;
	[sflag:s26] =	ssyncset.done $0x0  }
0x3d5: {  	s29 =	simm.s32 $0x1;
	s22 =	simm.s32 $0x8300;
	v5 =	vand.u32 $0x7F, v4;
	v4 =	vmov s21;
	[sflag:s26] =	ssyncadd.s32 $0xFFFFE000  }
0x3d6: {  	v8 =	vadd.s32 v0, v5;
	v6 =	vand.u32 $0x7C, v4;
	v4 =	vmov s29;
	v7 =	vld [tilespmem:s22+$0x40]  }
0x3d7: {  	v10 =	vadd.s32 v0, v6;
	v11 =	vand.u32 $0x7D, v4;
	v9 =	vld [tilespmem:s22+$0xFFFFFF80]  }
0x3d8: {  	s18 =	simm.s32 $0x2;
	v12 =	vadd.s32 v0, v11;
	v4 =	vld [tilespmem:s22+$0xFFFFFFC0]  }
0x3d9: {  	v13 =	vmov s18  }
0x3da: {  	v13 =	vand.u32 $0x7E, v13  }
0x3db: {  	v15 =	vadd.s32 v0, v13;
	v14 =	vld [tilespmem:s22+$0x0];
	[tilespmem:v8+s28+$0x0] =	vst.idx.msk $0xffff, v7  }
0x3dc: {  	v8 =	vadd.s32 v1, v5;
	[tilespmem:v10+s28+$0x0] =	vst.idx.msk $0xffff, v9;
	v7 =	vld [tilespmem:s22+$0x50]  }
0x3dd: {  	v10 =	vadd.s32 v1, v6;
	[tilespmem:v12+s28+$0x0] =	vst.idx.msk $0xffff, v4;
	v9 =	vld [tilespmem:s22+$0xFFFFFF90]  }
0x3de: {  	v12 =	vadd.s32 v1, v11;
	v4 =	vld [tilespmem:s22+$0xFFFFFFD0];
	_ =	sdelay $0x1  }
0x3df: {  	[tilespmem:v15+s28+$0x0] =	vst.idx.msk $0xffff, v14  }
0x3e0: {  	v16 =	vadd.s32 v1, v13;
	v15 =	vld [tilespmem:s22+$0x10];
	[tilespmem:v8+s28+$0x0] =	vst.idx.msk $0xffff, v7  }
0x3e1: {  	s19 =	simm.s32 $0x7;
	v14 =	vadd.s32 v2, v5;
	[tilespmem:v10+s28+$0x0] =	vst.idx.msk $0xffff, v9;
	v7 =	vld [tilespmem:s22+$0x60]  }
0x3e2: {  	s21 =	simm.s32 $0x4;
	v10 =	vadd.s32 v2, v6;
	v8 =	vmov s19;
	[tilespmem:v12+s28+$0x0] =	vst.idx.msk $0xffff, v4;
	v9 =	vld [tilespmem:s22+$0xFFFFFFA0]  }
0x3e3: {  	v17 =	vadd.s32 v2, v11;
	v4 =	vmov s21;
	s21 =	simm.s32 $0x8400;
	v8 =	vand.u32 $0x7F, v8;
	v12 =	vld [tilespmem:s22+$0xFFFFFFE0]  }
0x3e4: {  	v18 =	vld [tilespmem:s21+$0x40];
	v19 =	vadd.s32 v0, v8  }
0x3e5: {  	s24 =	simm.s32 $0x5;
	[tilespmem:v16+s28+$0x0] =	vst.idx.msk $0xffff, v15  }
0x3e6: {  	v62 =	vmov s24;
	v4 =	vand.u32 $0x7C, v4;
	[tilespmem:v14+s28+$0x0] =	vst.idx.msk $0xffff, v7  }
0x3e7: {  	s29 =	simm.s32 $0x6;
	v20 =	vld [tilespmem:s21+$0xFFFFFF80];
	v61 =	vadd.s32 v0, v4;
	v7 =	vand.u32 $0x7D, v62;
	[tilespmem:v10+s28+$0x0] =	vst.idx.msk $0xffff, v9  }
0x3e8: {  	v14 =	vmov s29;
	v9 =	vld [tilespmem:s21+$0xFFFFFFC0];
	[tilespmem:v17+s28+$0x0] =	vst.idx.msk $0xffff, v12;
	v10 =	vadd.s32 v0, v7  }
0x3e9: {  	v16 =	vadd.s32 v3, v5;
	v12 =	vld [tilespmem:s22+$0x20];
	v5 =	vand.u32 $0x7E, v14;
	[tilespmem:v19+s28+$0x0] =	vst.idx.msk $0xffff, v18;
	v18 =	vadd.s32 v2, v13  }
0x3ea: {  	v14 =	vld [tilespmem:s21+$0x0];
	v63 =	vadd.s32 v0, v5  }
0x3eb: {  	v15 =	vld [tilespmem:s22+$0x70]  }
0x3ec: {  	[tilespmem:v61+s28+$0x0] =	vst.idx.msk $0xffff, v20;
	v20 =	vadd.s32 v1, v8;
	v19 =	vld [tilespmem:s21+$0x50]  }
0x3ed: {  	v23 =	vadd.s32 v1, v4;
	v21 =	vld [tilespmem:s21+$0xFFFFFF90];
	[tilespmem:v10+s28+$0x0] =	vst.idx.msk $0xffff, v9  }
0x3ee: {  	v25 =	vadd.s32 v3, v11;
	v24 =	vld [tilespmem:s22+$0xFFFFFFF0];
	[tilespmem:v18+s28+$0x0] =	vst.idx.msk $0xffff, v12  }
0x3ef: {  	v18 =	vadd.s32 v1, v7;
	v17 =	vld [tilespmem:s21+$0xFFFFFFD0];
	[tilespmem:v63+s28+$0x0] =	vst.idx.msk $0xffff, v14  }
0x3f0: {  	[tilespmem:v16+s28+$0x0] =	vst.idx.msk $0xffff, v15;
	v16 =	vadd.s32 v1, v5;
	v14 =	vld [tilespmem:s21+$0x10]  }
0x3f1: {  	v15 =	vadd.s32 v3, v13;
	[tilespmem:v20+s28+$0x0] =	vst.idx.msk $0xffff, v19;
	v11 =	vld [tilespmem:s22+$0x30]  }
0x3f2: {  	s23 =	simm.s32 $0xA390;
	v12 =	vadd.s32 v2, v8;
	[tilespmem:v23+s28+$0x0] =	vst.idx.msk $0xffff, v21;
	v9 =	vld [tilespmem:s21+$0x60]  }
0x3f3: {  	s18 =	simm.s32 $0xC;
	s17 =	simm.s32 $0x8;
	s19 =	simm.s32 $0xB;
	v13 =	vadd.s32 v2, v4;
	[tilespmem:v25+s28+$0x0] =	vst.idx.msk $0xffff, v24;
	v10 =	vld [tilespmem:s21+$0xFFFFFFA0]  }
.LBB2_11:
0x3f4: {  	p0 =	slt.u32 s18, $0x7C;
	v19 =	vmov s19;
	[tilespmem:v18+s28+$0x0] =	vst.idx.msk $0xffff, v17;
	v17 =	vld [tilespmem:s22+$0xFFFFFFB0];
	v18 =	vadd.s32 v3, v6;
	v6 =	vmov v4;
	s22 =	smov.u32 s21  }
0x3f5: {  	v4 =	vmov s17;
	v21 =	vadd.s32 v2, v7;
	s21 =	sadd.s32 $0x100, s21;
	v19 =	vand.u32 $0x7F, v19;
	v20 =	vld [tilespmem:s22+$0xFFFFFFE0];
	[tilespmem:v16+s28+$0x0] =	vst.idx.msk $0xffff, v14  }
0x3f6: {  	s19 =	sadd.s32 $0x1, s17;
	v4 =	vand.u32 $0x7C, v4;
	v14 =	vld [tilespmem:s21+$0x40];
	v16 =	vadd.s32 v0, v19;
	[tilespmem:v15+s28+$0x0] =	vst.idx.msk $0xffff, v11  }
0x3f7: {  	v22 =	vmov s19;
	s19 =	sadd.s32 $0x2, s17;
	s17 =	smov.u32 s18;
	v15 =	vadd.s32 v0, v4;
	v11 =	vld [tilespmem:s21+$0xFFFFFF80];
	[tilespmem:v12+s28+$0x0] =	vst.idx.msk $0xffff, v9  }
0x3f8: {  	v9 =	vand.u32 $0x7D, v22;
	v12 =	vmov s19;
	[tilespmem:v13+s28+$0x0] =	vst.idx.msk $0xffff, v10;
	v10 =	vld [tilespmem:s22+$0x70];
	v13 =	vadd.s32 v3, v8;
	v8 =	vmovc v19  }
0x3f9: {  	v22 =	vadd.s32 v0, v9;
	v12 =	vand.u32 $0x7E, v12;
	v19 =	vld [tilespmem:s21+$0xFFFFFFC0];
	[tilespmem:v18+s28+$0x0] =	vst.idx.msk $0xffff, v17  }
0x3fa: {  	v24 =	vadd.s32 v0, v12;
	v23 =	vld [tilespmem:s21+$0x0];
	[tilespmem:v21+s28+$0x0] =	vst.idx.msk $0xffff, v20  }
0x3fb: {  	v21 =	vadd.s32 v2, v5;
	[tilespmem:v16+s28+$0x0] =	vst.idx.msk $0xffff, v14;
	v20 =	vld [tilespmem:s22+$0x20]  }
0x3fc: {  	[tilespmem:v15+s28+$0x0] =	vst.idx.msk $0xffff, v11;
	v11 =	vld [tilespmem:s21+$0x50];
	v15 =	vadd.s32 v1, v8  }
0x3fd: {  	v26 =	vadd.s32 v1, v4;
	v25 =	vld [tilespmem:s21+$0xFFFFFF90];
	[tilespmem:v13+s28+$0x0] =	vst.idx.msk $0xffff, v10  }
0x3fe: {  	[tilespmem:v22+s28+$0x0] =	vst.idx.msk $0xffff, v19;
	v19 =	vld [tilespmem:s22+$0xFFFFFFF0];
	v22 =	vadd.s32 v3, v7;
	v7 =	vmov v9  }
.Ltmp4:
0x3ff: {  	v17 =	vld [tilespmem:s21+$0xFFFFFFD0];
	v18 =	vadd.s32 v1, v7;
	[tilespmem:v24+s28+$0x0] =	vst.idx.msk $0xffff, v23;
	(pc) =	sbr.rel @p0 .LBB2_11-.Ltmp4, $4  }
0x400: {  	v16 =	vadd.s32 v1, v12;
	v14 =	vld [tilespmem:s21+$0x10];
	[tilespmem:v21+s28+$0x0] =	vst.idx.msk $0xffff, v20  }
0x401: {  	[tilespmem:v15+s28+$0x0] =	vst.idx.msk $0xffff, v11;
	v11 =	vld [tilespmem:s22+$0x30];
	v15 =	vadd.s32 v3, v5;
	v5 =	vmov v12  }
0x402: {  	v12 =	vadd.s32 v2, v8;
	[tilespmem:v26+s28+$0x0] =	vst.idx.msk $0xffff, v25;
	v9 =	vld [tilespmem:s21+$0x60]  }
0x403: {  	s18 =	sadd.s32 $0x4, s18;
	s19 =	sadd.s32 $0x3, s17;
	v13 =	vadd.s32 v2, v4;
	v10 =	vld [tilespmem:s21+$0xFFFFFFA0];
	[tilespmem:v22+s28+$0x0] =	vst.idx.msk $0xffff, v19  }
0x404: {  	_ =	sdelay $0x2  }
0x405: {  	v19 =	vmov s19  }
0x406: {  	s24 =	sadd.s32 $0x1, s17;
	[tilespmem:v18+s28+$0x0] =	vst.idx.msk $0xffff, v17;
	v30 =	vld [tilespmem:s22+$0xFFFFFFB0];
	v6 =	vadd.s32 v3, v6;
	s18 =	sadd.s32 $0x100, s21;
	v21 =	vmov s17;
	v31 =	vand.u32 $0x7F, v19  }
0x407: {  	v32 =	vmov s24;
	s24 =	sadd.s32 $0x2, s17;
	[tilespmem:v16+s28+$0x0] =	vst.idx.msk $0xffff, v14;
	v33 =	vld [tilespmem:s18+$0x40];
	v21 =	vand.u32 $0x7C, v21;
	v34 =	vadd.s32 v0, v31  }
0x408: {  	v22 =	vld [tilespmem:s18+$0xFFFFFF80];
	v20 =	vmov s24;
	v19 =	vand.u32 $0x7D, v32;
	[tilespmem:v15+s28+$0x0] =	vst.idx.msk $0xffff, v11;
	v39 =	vadd.s32 v0, v21  }
0x409: {  	v35 =	vld [tilespmem:s18+$0xFFFFFFC0];
	v36 =	vadd.s32 v0, v19;
	v20 =	vand.u32 $0x7E, v20;
	[tilespmem:v12+s28+$0x0] =	vst.idx.msk $0xffff, v9  }
0x40a: {  	v37 =	vld [tilespmem:s18+$0x0];
	v38 =	vadd.s32 v0, v20;
	[tilespmem:v13+s28+$0x0] =	vst.idx.msk $0xffff, v10  }
0x40b: {  	v41 =	vadd.s32 v2, v7;
	v40 =	vld [tilespmem:s21+$0xFFFFFFE0];
	[tilespmem:v6+s28+$0x0] =	vst.idx.msk $0xffff, v30  }
0x40c: {  	v49 =	vadd.s32 v2, v5;
	v48 =	vld [tilespmem:s21+$0x20];
	[tilespmem:v34+s28+$0x0] =	vst.idx.msk $0xffff, v33  }
0x40d: {  	v43 =	vadd.s32 v1, v31;
	[tilespmem:v39+s28+$0x0] =	vst.idx.msk $0xffff, v22;
	v14 =	vld [tilespmem:s18+$0x50]  }
0x40e: {  	v47 =	vadd.s32 v1, v21;
	[tilespmem:v36+s28+$0x0] =	vst.idx.msk $0xffff, v35;
	v46 =	vld [tilespmem:s18+$0xFFFFFF90]  }
0x40f: {  	v44 =	vadd.s32 v1, v19;
	v11 =	vld [tilespmem:s18+$0xFFFFFFD0];
	[tilespmem:v38+s28+$0x0] =	vst.idx.msk $0xffff, v37  }
0x410: {  	v45 =	vadd.s32 v1, v20;
	[tilespmem:v41+s28+$0x0] =	vst.idx.msk $0xffff, v40;
	v9 =	vld [tilespmem:s18+$0x10]  }
0x411: {  	v8 =	vadd.s32 v3, v8;
	v42 =	vld [tilespmem:s21+$0x70];
	[tilespmem:v49+s28+$0x0] =	vst.idx.msk $0xffff, v48  }
0x412: {  	v5 =	vadd.s32 v3, v5;
	v13 =	vld [tilespmem:s21+$0x30];
	[tilespmem:v43+s28+$0x0] =	vst.idx.msk $0xffff, v14  }
0x413: {  	v52 =	vadd.s32 v2, v31;
	[tilespmem:v47+s28+$0x0] =	vst.idx.msk $0xffff, v46;
	v14 =	vld [tilespmem:s18+$0x60]  }
0x414: {  	v57 =	vadd.s32 v2, v21;
	[tilespmem:v44+s28+$0x0] =	vst.idx.msk $0xffff, v11;
	v56 =	vld [tilespmem:s18+$0xFFFFFFA0]  }
0x415: {  	v53 =	vadd.s32 v2, v19;
	v11 =	vld [tilespmem:s18+$0xFFFFFFE0];
	[tilespmem:v45+s28+$0x0] =	vst.idx.msk $0xffff, v9  }
0x416: {  	v55 =	vadd.s32 v2, v20;
	[tilespmem:v8+s28+$0x0] =	vst.idx.msk $0xffff, v42;
	v54 =	vld [tilespmem:s18+$0x20]  }
0x417: {  	v4 =	vadd.s32 v3, v4;
	v58 =	vld [tilespmem:s21+$0xFFFFFFB0];
	[tilespmem:v5+s28+$0x0] =	vst.idx.msk $0xffff, v13  }
0x418: {  	v51 =	vadd.s32 v3, v7;
	v50 =	vld [tilespmem:s21+$0xFFFFFFF0];
	[tilespmem:v52+s28+$0x0] =	vst.idx.msk $0xffff, v14  }
0x419: {  	v60 =	vadd.s32 v3, v31;
	[tilespmem:v57+s28+$0x0] =	vst.idx.msk $0xffff, v56;
	v59 =	vld [tilespmem:s18+$0x70]  }
0x41a: {  	v63 =	vadd.s32 v3, v21;
	[tilespmem:v53+s28+$0x0] =	vst.idx.msk $0xffff, v11;
	v5 =	vld [tilespmem:s18+$0xFFFFFFB0]  }
0x41b: {  	v61 =	vadd.s32 v3, v19;
	v11 =	vld [tilespmem:s18+$0xFFFFFFF0];
	[tilespmem:v55+s28+$0x0] =	vst.idx.msk $0xffff, v54  }
0x41c: {  	v62 =	vadd.s32 v3, v20;
	[tilespmem:v4+s28+$0x0] =	vst.idx.msk $0xffff, v58;
	v6 =	vld [tilespmem:s18+$0x30]  }
0x41d: {  	[tilespmem:v51+s28+$0x0] =	vst.idx.msk $0xffff, v50  }
0x41e: {  	s15 =	sshll.u32 s15, $0x12;
	[tilespmem:v60+s28+$0x0] =	vst.idx.msk $0xffff, v59  }
0x41f: {  	s15 =	sor.u32 s7, s15;
	[tilespmem:v63+s28+$0x0] =	vst.idx.msk $0xffff, v5  }
0x420: {  	s15 =	sshrl.u32 s15, $0x3;
	[tilespmem:v61+s28+$0x0] =	vst.idx.msk $0xffff, v11  }
0x421: {  	s17 =	sadd.s32 s25, s15;
	[tilespmem:v62+s28+$0x0] =	vst.idx.msk $0xffff, v6  }
0x422: {  	[hbm4b:s17+s2] =	stream.linear.scatter [tilespmem:s28], [sflag:$0x3], $0x80, $0x38;
	[tilespmem:$0xC480] =	vst v63  }
0x423: {  	s21 =	sadd.s32 $0x10, s17  }
0x424: {  	[hbm4b:s21+s2] =	stream.linear.scatter [tilespmem:s1], [sflag:$0x3], $0x80, $0x38;
	[tilespmem:$0xC480] =	vst v63  }
0x425: {  	s22 =	sadd.s32 $0x20, s17  }
0x426: {  	[hbm4b:s22+s2] =	stream.linear.scatter [tilespmem:s23], [sflag:$0x3], $0x80, $0x38;
	[tilespmem:$0xC480] =	vst v63  }
0x427: {  	s24 =	simm.s32 $0xA418;
	s23 =	sadd.s32 $0x30, s17  }
0x428: {  	[hbm4b:s23+s2] =	stream.linear.scatter [tilespmem:s24], [sflag:$0x3], $0x80, $0x38;
	[tilespmem:$0xC480] =	vst v63  }
0x429: {  	s19 =	simm.s32 $0xA4A0;
	s1 =	sadd.s32 $0x40, s17  }
0x42a: {  	[hbm4b:s1+s2] =	stream.linear.scatter [tilespmem:s19], [sflag:$0x3], $0x80, $0x38;
	[tilespmem:$0xC480] =	vst v63  }
0x42b: {  	s21 =	sadd.s32 $0x50, s17;
	s22 =	simm.s32 $0xA528  }
0x42c: {  	[hbm4b:s21+s2] =	stream.linear.scatter [tilespmem:s22], [sflag:$0x3], $0x80, $0x38;
	[tilespmem:$0xC480] =	vst v63  }
0x42d: {  	s23 =	sadd.s32 $0x60, s17;
	s24 =	simm.s32 $0xA5B0  }
0x42e: {  	[hbm4b:s23+s2] =	stream.linear.scatter [tilespmem:s24], [sflag:$0x3], $0x80, $0x38;
	[tilespmem:$0xC480] =	vst v63  }
0x42f: {  	s18 =	simm.s32 $0xA638;
	s17 =	sadd.s32 $0x70, s17  }
0x430: {  	[hbm4b:s17+s2] =	stream.linear.scatter [tilespmem:s18], [sflag:$0x3], $0x80, $0x38;
	[tilespmem:$0xC480] =	vst v63  }
0x431: {  	s19 =	simm.s32 $0xA6C0;
	s17 =	sadd.s32 s15, s8  }
0x432: {  	[hbm4b:s17+s2] =	stream.linear.scatter [tilespmem:s19], [sflag:$0x3], $0x80, $0x38;
	[tilespmem:$0xC480] =	vst v63  }
0x433: {  	s22 =	simm.s32 $0xA748;
	s21 =	sadd.s32 $0x10, s17  }
0x434: {  	[hbm4b:s21+s2] =	stream.linear.scatter [tilespmem:s22], [sflag:$0x3], $0x80, $0x38;
	[tilespmem:$0xC480] =	vst v63  }
0x435: {  	s24 =	simm.s32 $0xA7D0;
	s23 =	sadd.s32 $0x20, s17  }
0x436: {  	[hbm4b:s23+s2] =	stream.linear.scatter [tilespmem:s24], [sflag:$0x3], $0x80, $0x38;
	[tilespmem:$0xC480] =	vst v63  }
0x437: {  	s1 =	sadd.s32 $0x30, s17;
	s19 =	simm.s32 $0xA858  }
0x438: {  	[hbm4b:s1+s2] =	stream.linear.scatter [tilespmem:s19], [sflag:$0x3], $0x80, $0x38;
	[tilespmem:$0xC480] =	vst v63  }
0x439: {  	s21 =	sadd.s32 $0x40, s17;
	s22 =	simm.s32 $0xA8E0  }
0x43a: {  	[hbm4b:s21+s2] =	stream.linear.scatter [tilespmem:s22], [sflag:$0x3], $0x80, $0x38;
	[tilespmem:$0xC480] =	vst v63  }
0x43b: {  	s23 =	sadd.s32 $0x50, s17;
	s24 =	simm.s32 $0xA968  }
0x43c: {  	[hbm4b:s23+s2] =	stream.linear.scatter [tilespmem:s24], [sflag:$0x3], $0x80, $0x38;
	[tilespmem:$0xC480] =	vst v63  }
0x43d: {  	s1 =	sadd.s32 $0x60, s17;
	s19 =	simm.s32 $0xA9F0  }
0x43e: {  	[hbm4b:s1+s2] =	stream.linear.scatter [tilespmem:s19], [sflag:$0x3], $0x80, $0x38;
	[tilespmem:$0xC480] =	vst v63  }
0x43f: {  	s17 =	sadd.s32 $0x70, s17;
	s21 =	simm.s32 $0xAA78  }
0x440: {  	[hbm4b:s17+s2] =	stream.linear.scatter [tilespmem:s21], [sflag:$0x3], $0x80, $0x38;
	[tilespmem:$0xC480] =	vst v63  }
0x441: {  	s22 =	simm.s32 $0xAB00;
	s17 =	sadd.s32 s15, s9  }
0x442: {  	[hbm4b:s17+s2] =	stream.linear.scatter [tilespmem:s22], [sflag:$0x3], $0x80, $0x38;
	[tilespmem:$0xC480] =	vst v63  }
0x443: {  	s24 =	simm.s32 $0xAB88;
	s23 =	sadd.s32 $0x10, s17  }
0x444: {  	[hbm4b:s23+s2] =	stream.linear.scatter [tilespmem:s24], [sflag:$0x3], $0x80, $0x38;
	[tilespmem:$0xC480] =	vst v63  }
0x445: {  	s19 =	simm.s32 $0xAC10;
	s1 =	sadd.s32 $0x20, s17  }
0x446: {  	[hbm4b:s1+s2] =	stream.linear.scatter [tilespmem:s19], [sflag:$0x3], $0x80, $0x38;
	[tilespmem:$0xC480] =	vst v63  }
0x447: {  	s21 =	sadd.s32 $0x30, s17;
	s22 =	simm.s32 $0xAC98  }
0x448: {  	[hbm4b:s21+s2] =	stream.linear.scatter [tilespmem:s22], [sflag:$0x3], $0x80, $0x38;
	[tilespmem:$0xC480] =	vst v63  }
0x449: {  	s23 =	sadd.s32 $0x40, s17;
	s24 =	simm.s32 $0xAD20  }
0x44a: {  	[hbm4b:s23+s2] =	stream.linear.scatter [tilespmem:s24], [sflag:$0x3], $0x80, $0x38;
	[tilespmem:$0xC480] =	vst v63  }
0x44b: {  	s1 =	sadd.s32 $0x50, s17;
	s19 =	simm.s32 $0xADA8  }
0x44c: {  	[hbm4b:s1+s2] =	stream.linear.scatter [tilespmem:s19], [sflag:$0x3], $0x80, $0x38;
	[tilespmem:$0xC480] =	vst v63  }
0x44d: {  	s21 =	sadd.s32 $0x60, s17;
	s22 =	simm.s32 $0xAE30  }
0x44e: {  	[hbm4b:s21+s2] =	stream.linear.scatter [tilespmem:s22], [sflag:$0x3], $0x80, $0x38;
	[tilespmem:$0xC480] =	vst v63  }
0x44f: {  	s17 =	sadd.s32 $0x70, s17;
	s23 =	simm.s32 $0xAEB8  }
0x450: {  	[hbm4b:s17+s2] =	stream.linear.scatter [tilespmem:s23], [sflag:$0x3], $0x80, $0x38;
	[tilespmem:$0xC480] =	vst v63  }
0x451: {  	s24 =	simm.s32 $0xAF40;
	s17 =	sadd.s32 s15, s10  }
0x452: {  	[hbm4b:s17+s2] =	stream.linear.scatter [tilespmem:s24], [sflag:$0x3], $0x80, $0x38;
	[tilespmem:$0xC480] =	vst v63  }
0x453: {  	s19 =	simm.s32 $0xAFC8;
	s1 =	sadd.s32 $0x10, s17  }
0x454: {  	[hbm4b:s1+s2] =	stream.linear.scatter [tilespmem:s19], [sflag:$0x3], $0x80, $0x38;
	[tilespmem:$0xC480] =	vst v63  }
0x455: {  	s22 =	simm.s32 $0xB050;
	s21 =	sadd.s32 $0x20, s17  }
0x456: {  	[hbm4b:s21+s2] =	stream.linear.scatter [tilespmem:s22], [sflag:$0x3], $0x80, $0x38;
	[tilespmem:$0xC480] =	vst v63  }
0x457: {  	s23 =	sadd.s32 $0x30, s17;
	s24 =	simm.s32 $0xB0D8  }
0x458: {  	[hbm4b:s23+s2] =	stream.linear.scatter [tilespmem:s24], [sflag:$0x3], $0x80, $0x38;
	[tilespmem:$0xC480] =	vst v63  }
0x459: {  	s1 =	sadd.s32 $0x40, s17;
	s19 =	simm.s32 $0xB160  }
0x45a: {  	[hbm4b:s1+s2] =	stream.linear.scatter [tilespmem:s19], [sflag:$0x3], $0x80, $0x38;
	[tilespmem:$0xC480] =	vst v63  }
0x45b: {  	s21 =	sadd.s32 $0x50, s17;
	s22 =	simm.s32 $0xB1E8  }
0x45c: {  	[hbm4b:s21+s2] =	stream.linear.scatter [tilespmem:s22], [sflag:$0x3], $0x80, $0x38;
	[tilespmem:$0xC480] =	vst v63  }
0x45d: {  	s23 =	sadd.s32 $0x60, s17;
	s24 =	simm.s32 $0xB270  }
0x45e: {  	[hbm4b:s23+s2] =	stream.linear.scatter [tilespmem:s24], [sflag:$0x3], $0x80, $0x38;
	[tilespmem:$0xC480] =	vst v63  }
0x45f: {  	s18 =	simm.s32 $0xB2F8;
	s17 =	sadd.s32 $0x70, s17  }
0x460: {  	[hbm4b:s17+s2] =	stream.linear.scatter [tilespmem:s18], [sflag:$0x3], $0x80, $0x38;
	[tilespmem:$0xC480] =	vst v63  }
0x461: {  	s19 =	simm.s32 $0xB380;
	s17 =	sadd.s32 s15, s11  }
0x462: {  	[hbm4b:s17+s2] =	stream.linear.scatter [tilespmem:s19], [sflag:$0x3], $0x80, $0x38;
	[tilespmem:$0xC480] =	vst v63  }
0x463: {  	s22 =	simm.s32 $0xB408;
	s21 =	sadd.s32 $0x10, s17  }
0x464: {  	[hbm4b:s21+s2] =	stream.linear.scatter [tilespmem:s22], [sflag:$0x3], $0x80, $0x38;
	[tilespmem:$0xC480] =	vst v63  }
0x465: {  	s24 =	simm.s32 $0xB490;
	s23 =	sadd.s32 $0x20, s17  }
0x466: {  	[hbm4b:s23+s2] =	stream.linear.scatter [tilespmem:s24], [sflag:$0x3], $0x80, $0x38;
	[tilespmem:$0xC480] =	vst v63  }
0x467: {  	s1 =	sadd.s32 $0x30, s17;
	s19 =	simm.s32 $0xB518  }
0x468: {  	[hbm4b:s1+s2] =	stream.linear.scatter [tilespmem:s19], [sflag:$0x3], $0x80, $0x38;
	[tilespmem:$0xC480] =	vst v63  }
0x469: {  	s21 =	sadd.s32 $0x40, s17;
	s22 =	simm.s32 $0xB5A0  }
0x46a: {  	[hbm4b:s21+s2] =	stream.linear.scatter [tilespmem:s22], [sflag:$0x3], $0x80, $0x38;
	[tilespmem:$0xC480] =	vst v63  }
0x46b: {  	s23 =	sadd.s32 $0x50, s17;
	s24 =	simm.s32 $0xB628  }
0x46c: {  	[hbm4b:s23+s2] =	stream.linear.scatter [tilespmem:s24], [sflag:$0x3], $0x80, $0x38;
	[tilespmem:$0xC480] =	vst v63  }
0x46d: {  	s1 =	sadd.s32 $0x60, s17;
	s19 =	simm.s32 $0xB6B0  }
0x46e: {  	[hbm4b:s1+s2] =	stream.linear.scatter [tilespmem:s19], [sflag:$0x3], $0x80, $0x38;
	[tilespmem:$0xC480] =	vst v63  }
0x46f: {  	s17 =	sadd.s32 $0x70, s17;
	s21 =	simm.s32 $0xB738  }
0x470: {  	[hbm4b:s17+s2] =	stream.linear.scatter [tilespmem:s21], [sflag:$0x3], $0x80, $0x38;
	[tilespmem:$0xC480] =	vst v63  }
0x471: {  	s22 =	simm.s32 $0xB7C0;
	s17 =	sadd.s32 s15, s12  }
0x472: {  	[hbm4b:s17+s2] =	stream.linear.scatter [tilespmem:s22], [sflag:$0x3], $0x80, $0x38;
	[tilespmem:$0xC480] =	vst v63  }
0x473: {  	s24 =	simm.s32 $0xB848;
	s23 =	sadd.s32 $0x10, s17  }
0x474: {  	[hbm4b:s23+s2] =	stream.linear.scatter [tilespmem:s24], [sflag:$0x3], $0x80, $0x38;
	[tilespmem:$0xC480] =	vst v63  }
0x475: {  	s19 =	simm.s32 $0xB8D0;
	s1 =	sadd.s32 $0x20, s17  }
0x476: {  	[hbm4b:s1+s2] =	stream.linear.scatter [tilespmem:s19], [sflag:$0x3], $0x80, $0x38;
	[tilespmem:$0xC480] =	vst v63  }
0x477: {  	s21 =	sadd.s32 $0x30, s17;
	s22 =	simm.s32 $0xB958  }
0x478: {  	[hbm4b:s21+s2] =	stream.linear.scatter [tilespmem:s22], [sflag:$0x3], $0x80, $0x38;
	[tilespmem:$0xC480] =	vst v63  }
0x479: {  	s23 =	sadd.s32 $0x40, s17;
	s24 =	simm.s32 $0xB9E0  }
0x47a: {  	[hbm4b:s23+s2] =	stream.linear.scatter [tilespmem:s24], [sflag:$0x3], $0x80, $0x38;
	[tilespmem:$0xC480] =	vst v63  }
0x47b: {  	s1 =	sadd.s32 $0x50, s17;
	s19 =	simm.s32 $0xBA68  }
0x47c: {  	[hbm4b:s1+s2] =	stream.linear.scatter [tilespmem:s19], [sflag:$0x3], $0x80, $0x38;
	[tilespmem:$0xC480] =	vst v63  }
0x47d: {  	s21 =	sadd.s32 $0x60, s17;
	s22 =	simm.s32 $0xBAF0  }
0x47e: {  	[hbm4b:s21+s2] =	stream.linear.scatter [tilespmem:s22], [sflag:$0x3], $0x80, $0x38;
	[tilespmem:$0xC480] =	vst v63  }
0x47f: {  	s17 =	sadd.s32 $0x70, s17;
	s23 =	simm.s32 $0xBB78  }
0x480: {  	[hbm4b:s17+s2] =	stream.linear.scatter [tilespmem:s23], [sflag:$0x3], $0x80, $0x38;
	[tilespmem:$0xC480] =	vst v63  }
0x481: {  	s24 =	simm.s32 $0xBC00;
	s17 =	sadd.s32 s15, s13  }
0x482: {  	[hbm4b:s17+s2] =	stream.linear.scatter [tilespmem:s24], [sflag:$0x3], $0x80, $0x38;
	[tilespmem:$0xC480] =	vst v63  }
0x483: {  	s19 =	simm.s32 $0xBC88;
	s1 =	sadd.s32 $0x10, s17  }
0x484: {  	[hbm4b:s1+s2] =	stream.linear.scatter [tilespmem:s19], [sflag:$0x3], $0x80, $0x38;
	[tilespmem:$0xC480] =	vst v63  }
0x485: {  	s22 =	simm.s32 $0xBD10;
	s21 =	sadd.s32 $0x20, s17  }
0x486: {  	[hbm4b:s21+s2] =	stream.linear.scatter [tilespmem:s22], [sflag:$0x3], $0x80, $0x38;
	[tilespmem:$0xC480] =	vst v63  }
0x487: {  	s23 =	sadd.s32 $0x30, s17;
	s24 =	simm.s32 $0xBD98  }
0x488: {  	[hbm4b:s23+s2] =	stream.linear.scatter [tilespmem:s24], [sflag:$0x3], $0x80, $0x38;
	[tilespmem:$0xC480] =	vst v63  }
0x489: {  	s1 =	sadd.s32 $0x40, s17;
	s19 =	simm.s32 $0xBE20  }
0x48a: {  	[hbm4b:s1+s2] =	stream.linear.scatter [tilespmem:s19], [sflag:$0x3], $0x80, $0x38;
	[tilespmem:$0xC480] =	vst v63  }
0x48b: {  	s21 =	sadd.s32 $0x50, s17;
	s22 =	simm.s32 $0xBEA8  }
0x48c: {  	[hbm4b:s21+s2] =	stream.linear.scatter [tilespmem:s22], [sflag:$0x3], $0x80, $0x38;
	[tilespmem:$0xC480] =	vst v63  }
0x48d: {  	s23 =	sadd.s32 $0x60, s17;
	s24 =	simm.s32 $0xBF30  }
0x48e: {  	[hbm4b:s23+s2] =	stream.linear.scatter [tilespmem:s24], [sflag:$0x3], $0x80, $0x38;
	[tilespmem:$0xC480] =	vst v63  }
0x48f: {  	s18 =	simm.s32 $0xBFB8;
	s17 =	sadd.s32 $0x70, s17  }
0x490: {  	[hbm4b:s17+s2] =	stream.linear.scatter [tilespmem:s18], [sflag:$0x3], $0x80, $0x38;
	[tilespmem:$0xC480] =	vst v63  }
0x491: {  	s15 =	sadd.s32 s15, s14;
	s19 =	simm.s32 $0xC040  }
0x492: {  	[hbm4b:s15+s2] =	stream.linear.scatter [tilespmem:s19], [sflag:$0x3], $0x80, $0x38;
	[tilespmem:$0xC480] =	vst v63  }
0x493: {  	s21 =	sadd.s32 $0x10, s15;
	s22 =	simm.s32 $0xC0C8  }
0x494: {  	[hbm4b:s21+s2] =	stream.linear.scatter [tilespmem:s22], [sflag:$0x3], $0x80, $0x38;
	[tilespmem:$0xC480] =	vst v63  }
0x495: {  	s23 =	sadd.s32 $0x20, s15;
	s24 =	simm.s32 $0xC150  }
0x496: {  	[hbm4b:s23+s2] =	stream.linear.scatter [tilespmem:s24], [sflag:$0x3], $0x80, $0x38;
	[tilespmem:$0xC480] =	vst v63  }
0x497: {  	s1 =	sadd.s32 $0x30, s15;
	s18 =	simm.s32 $0xC1D8  }
0x498: {  	[hbm4b:s1+s2] =	stream.linear.scatter [tilespmem:s18], [sflag:$0x3], $0x80, $0x38;
	[tilespmem:$0xC480] =	vst v63  }
0x499: {  	s19 =	sadd.s32 $0x40, s15;
	s21 =	simm.s32 $0xC260  }
0x49a: {  	[hbm4b:s19+s2] =	stream.linear.scatter [tilespmem:s21], [sflag:$0x3], $0x80, $0x38;
	[tilespmem:$0xC480] =	vst v63  }
0x49b: {  	s22 =	sadd.s32 $0x50, s15;
	s23 =	simm.s32 $0xC2E8  }
0x49c: {  	[hbm4b:s22+s2] =	stream.linear.scatter [tilespmem:s23], [sflag:$0x3], $0x80, $0x38;
	[tilespmem:$0xC480] =	vst v63  }
0x49d: {  	s24 =	sadd.s32 $0x60, s15  }
0x49e: {  	[hbm4b:s24+s2] =	stream.linear.scatter [tilespmem:s30], [sflag:$0x3], $0x80, $0x38;
	[tilespmem:$0xC480] =	vst v63  }
0x49f: {  	s15 =	sadd.s32 $0x70, s15  }
0x4a0: {  	[hbm4b:s15+s2] =	stream.linear.scatter [tilespmem:s31], [sflag:$0x3], $0x80, $0x38;
	[tilespmem:$0xC480] =	vst v63  }
0x4a1: {  	_ =	swait.ge [sflag:s0], $0x400  }
0x4a2: {  	[sflag:s0] =	ssyncset.done $0x0  }
0x4a3: {  	[sflag:s0] =	ssyncadd.s32 $0xFFFFFC00  }
0x4a4: {  	_ =	swait.ge [sflag:s0], $0x400  }
0x4a5: {  	[sflag:s0] =	ssyncset.done $0x0  }
0x4a6: {  	[sflag:s0] =	ssyncadd.s32 $0xFFFFFC00  }
0x4a7: {  	_ =	swait.ge [sflag:s0], $0x400  }
0x4a8: {  	[sflag:s0] =	ssyncset.done $0x0  }
0x4a9: {  	[sflag:s0] =	ssyncadd.s32 $0xFFFFFC00  }
0x4aa: {  	_ =	swait.ge [sflag:s0], $0x400  }
0x4ab: {  	[sflag:s0] =	ssyncset.done $0x0  }
0x4ac: {  	[sflag:s0] =	ssyncadd.s32 $0xFFFFFC00  }
0x4ad: {  	_ =	swait.ge [sflag:s0], $0x400  }
0x4ae: {  	[sflag:s0] =	ssyncset.done $0x0  }
0x4af: {  	[sflag:s0] =	ssyncadd.s32 $0xFFFFFC00  }
0x4b0: {  	_ =	swait.ge [sflag:s0], $0x400  }
0x4b1: {  	[sflag:s0] =	ssyncset.done $0x0  }
0x4b2: {  	s3 =	sadd.s32 $0x1, s3;
	[sflag:s0] =	ssyncadd.s32 $0xFFFFFC00  }
0x4b3: {  	p0 =	sne.s32 s3, $0xA;
	_ =	swait.ge [sflag:s0], $0x400  }
.Ltmp5:
0x4b4: {  	[sflag:s0] =	ssyncset.done $0x0;
	(pc) =	sbr.rel @p0 .LBB2_2-.Ltmp5, $4  }
0x4b5: {  	[sflag:s0] =	ssyncadd.s32 $0xFFFFFC00  }
0x4b6: {  	_ =	swait.ge [sflag:s0], $0x400  }
0x4b7: {  	[sflag:s0] =	ssyncset.done $0x0  }
0x4b8: {  	s29 =	simm.s32 $0xA308;
	[sflag:s0] =	ssyncadd.s32 $0xFFFFFC00  }
0x4b9: {  	s3 =	rddreg [dreg:$0x4]  }
0x4ba: {  	s1 =	rddreg [dreg:$0x3];
	s3 =	sadd.s32 $0x1, s3  }
0x4bb: {  	p0 =	sne.s32 s3, s1  }
.Ltmp6:
0x4bc: {  	_ = 	snop;
	(pc) =	sbr.rel @p0 .LBB2_1-.Ltmp6, $1  }
0x4bd: {  	_ =	sdelay $0x3  }
0x4be: {  	_ =	sfence.sel $0x180000  }
0x4bf: {  	[bflag:$0x0] =	sbarrier.arrive $0xFFFF  }
0x4c0: {  	_ =	strace $0x90000047  }
0x4c1: {  	s0 =	stileid.u32;
	[bflag:$0x2] =	sbarrier.arrive $0xFFFF  }
0x4c2: {  	p0 =	sne.s32 s0, $0x0;
	s0 =	rddreg [dreg:$0x2]  }
0x4c3: {  	s0 =	sadd.s32 @!p0 $0x100000, s0  }
0x4c4: {  	[sflag:s0] =	ssyncadd.tile.s32 @!p0 $0x1;
	_ =	shalt  }
.Lfunc_end2:
_tile_overlayer_lowered:
.L_overlay_start_2:
0x4c5: {  	(tag) =	ssettag $0x2  }
0x4c6: {  	s0 =	rddreg [dreg:$0x0];
	s2 =	stileid.u32  }
0x4c7: {  	s1 =	rddreg [dreg:$0x1];
	p0 =	sne.s32 s2, $0x0  }
0x4c8: {  	s3 =	rddreg [dreg:$0x2];
	[bflag:$0x3] =	sbarrier.arrive $0xFFFF;
	s2 =	simm.s32 @!p0 $0x1C04  }
0x4c9: {  	[timem:s3], [sflag:s2] =	dma.local @!p0 [hbm:s0], s1  }
0x4ca: {  	s0 =	simm.s32 @!p0 $0x4  }
0x4cb: {  	_ =	swait.ge @!p0 [sflag:s0], s1  }
0x4cc: {  	s1 =	ssub.s32 @!p0 $0x0, s1;
	[sflag:s0] =	ssyncset.done @!p0 $0x0  }
0x4cd: {  	[sflag:s0] =	ssyncadd.s32 @!p0 s1  }
0x4ce: {  	[bflag:$0x3] =	sbarrier.arrive $0xFFFF  }
0x4cf: {  	_ =	shalt  }

</sc_bundles>
